<compile_context>
chip_gen: v7x
topology: tpu7x:2x2x1
jax: 0.10.2.dev20260603
libtpu: 0.0.44.dev20260713+nightly
codegen_flags: <defaults>
</compile_context>

<pallas_src>
import functools

import numpy as np

import jax
import jax.numpy as jnp
from jax import lax
from jax.experimental import pallas as pl
from jax.experimental.pallas import tpu as pltpu
from jax.experimental.pallas import tpu_sc as plsc

N = 10000
NP = 10112
E = 320000
B = 128
NSUB = 16
EPAD = ((E + NSUB * B - 1) // (NSUB * B)) * NSUB * B
NBLK = EPAD // (NSUB * B)
RPT = NP // 16
BR = 2528
F32 = jnp.float32



def _tc1_body(x_ref, w_ref, a_ref, pm_ref, hlo_ref, hhi_ref, sd_ref):
    h = jnp.dot(x_ref[...], w_ref[...], preferred_element_type=F32)
    hs = jnp.dot(h, pm_ref[...], preferred_element_type=F32)
    hlo_ref[...] = hs[:, :64].astype(jnp.bfloat16)
    hhi_ref[...] = hs[:, 64:].astype(jnp.bfloat16)
    sd_ref[...] = jnp.dot(h, a_ref[...], preferred_element_type=F32)


def _combine(num_ref, den_ref, hlo_ref, hhi_ref, sd_ref, b_ref,
             q_ref, p_ref, p16_ref, pmt_ref):
    z = jnp.dot(sd_ref[...], q_ref[...], preferred_element_type=F32)
    es = jnp.exp(jnp.maximum(z, 0.2 * z))
    esx = jnp.dot(es, p_ref[...], preferred_element_type=F32)
    denx = jnp.dot(den_ref[...], p16_ref[...],
                   preferred_element_type=F32) + esx
    hs = jnp.concatenate([hlo_ref[...], hhi_ref[...]], axis=1).astype(F32)
    hp = jnp.dot(hs, pmt_ref[...], preferred_element_type=F32)
    num = jnp.concatenate([num_ref[0], num_ref[1]], axis=1) + esx * hp
    return num / (denx + 1e-16) + b_ref[...]


def _tc2_body(num_ref, den_ref, hlo_ref, hhi_ref, sd_ref, b_ref, w_ref,
              a_ref, q_ref, p_ref, p16_ref, pmt_ref, pm_ref,
              h2lo_ref, h2hi_ref, sd2_ref):
    h1 = jnp.maximum(_combine(num_ref, den_ref, hlo_ref, hhi_ref, sd_ref,
                              b_ref, q_ref, p_ref, p16_ref, pmt_ref), 0.0)
    h2p = jnp.dot(h1, w_ref[...], preferred_element_type=F32)
    h2s = jnp.dot(h2p, pm_ref[...], preferred_element_type=F32)
    h2lo_ref[...] = h2s[:, :64].astype(jnp.bfloat16)
    h2hi_ref[...] = h2s[:, 64:].astype(jnp.bfloat16)
    sd2_ref[...] = jnp.dot(h2p, a_ref[...], preferred_element_type=F32)


def _tc3_body(num_ref, den_ref, hlo_ref, hhi_ref, sd_ref, b_ref,
              q_ref, p_ref, p16_ref, pmt_ref, out_ref):
    out_ref[...] = _combine(num_ref, den_ref, hlo_ref, hhi_ref, sd_ref,
                            b_ref, q_ref, p_ref, p16_ref, pmt_ref)


def _half_spec():
    return pl.BlockSpec((BR, 64), lambda i: (i, 0))


_BF16 = jnp.bfloat16


def _sd_spec():
    return pl.BlockSpec((BR, 16), lambda i: (i, 0))


def _const_spec(shape):
    return pl.BlockSpec(shape, lambda i: tuple(0 for _ in shape))


_tc1 = pl.pallas_call(
    _tc1_body,
    grid=(NP // BR,),
    in_specs=[pl.BlockSpec((BR, 128), lambda i: (i, 0)),
              _const_spec((128, 128)), _const_spec((128, 16)),
              _const_spec((128, 128))],
    out_specs=[_half_spec(), _half_spec(), _sd_spec()],
    out_shape=[jax.ShapeDtypeStruct((NP, 64), _BF16),
               jax.ShapeDtypeStruct((NP, 64), _BF16),
               jax.ShapeDtypeStruct((NP, 16), F32)],
)

_combine_specs = [pl.BlockSpec((2, BR, 64), lambda i: (0, i, 0)),
                  _sd_spec(),
                  _half_spec(), _half_spec(), _sd_spec(),
                  _const_spec((1, 128))]
_qpp_specs = [_const_spec((16, 8)), _const_spec((8, 128)),
              _const_spec((16, 128))]

_tc2 = pl.pallas_call(
    _tc2_body,
    grid=(NP // BR,),
    in_specs=_combine_specs + [_const_spec((128, 128)),
                               _const_spec((128, 16))] + _qpp_specs
             + [_const_spec((128, 128)), _const_spec((128, 128))],
    out_specs=[_half_spec(), _half_spec(), _sd_spec()],
    out_shape=[jax.ShapeDtypeStruct((NP, 64), _BF16),
               jax.ShapeDtypeStruct((NP, 64), _BF16),
               jax.ShapeDtypeStruct((NP, 16), F32)],
)

BR3 = 2000
_combine_specs3 = [pl.BlockSpec((2, BR3, 64), lambda i: (0, i, 0)),
                   pl.BlockSpec((BR3, 16), lambda i: (i, 0)),
                   pl.BlockSpec((BR3, 64), lambda i: (i, 0)),
                   pl.BlockSpec((BR3, 64), lambda i: (i, 0)),
                   pl.BlockSpec((BR3, 16), lambda i: (i, 0)),
                   _const_spec((1, 128))]

_tc3 = pl.pallas_call(
    _tc3_body,
    grid=(N // BR3,),
    in_specs=_combine_specs3 + _qpp_specs + [_const_spec((128, 128))],
    out_specs=pl.BlockSpec((BR3, 128), lambda i: (i, 0)),
    out_shape=jax.ShapeDtypeStruct((N, 128), F32),
)



_GATHER_DNUMS = lax.GatherDimensionNumbers(
    offset_dims=(), collapsed_slice_dims=(0,), start_index_map=(0,))


def _vgather(v, idx):
    return lax.gather(v, idx[:, None], _GATHER_DNUMS, slice_sizes=(1,),
                      mode=lax.GatherScatterMode.PROMISE_IN_BOUNDS)


def _sc_body(sd_hbm, h_hbm, esrc_hbm, edst_hbm, znum_hbm, zden_hbm,
             num_out, den_out,
             idx_s, idx_d, idx_h, sd_s, sd_d, h_rows, e16, msg,
             num_sp, den_sp, sem_i, sem_g, sem_s, sem_e):
    cid = lax.axis_index("c")
    sid = lax.axis_index("s")

    pltpu.sync_copy(znum_hbm, num_sp.at[pl.ds(sid * RPT, RPT)])
    pltpu.sync_copy(zden_hbm, den_sp.at[pl.ds(sid * RPT, RPT)])
    plsc.subcore_barrier()

    colr = (lax.iota(jnp.int32, 16) & 7) + 8
    e0 = sid * NBLK * B
    hoff = cid * NP

    def idx_copies(blk, p8):
        base = e0 + blk * B
        return (pltpu.make_async_copy(esrc_hbm.at[pl.ds(base, B)],
                                      idx_s.at[p8], sem_i.at[p8]),
                pltpu.make_async_copy(edst_hbm.at[pl.ds(base, B)],
                                      idx_d.at[p8], sem_i.at[p8]))

    def gather_copies(p8, p4):
        return (pltpu.make_async_copy(sd_hbm.at[idx_s.at[p8]],
                                      sd_s.at[p4], sem_g.at[p4]),
                pltpu.make_async_copy(sd_hbm.at[idx_d.at[p8]],
                                      sd_d.at[p4], sem_g.at[p4]),
                pltpu.make_async_copy(h_hbm.at[idx_h.at[p8]],
                                      h_rows.at[p4], sem_g.at[p4]))

    def msg_copy(p8, p2):
        return (pltpu.make_async_copy(msg.at[p2], num_sp.at[idx_d.at[p8]],
                                      sem_s.at[p2]),)

    def den_copy(p8, p2):
        return (pltpu.make_async_copy(e16.at[p2], den_sp.at[idx_d.at[p8]],
                                      sem_e.at[p2]),)

    def start(copies, add=False):
        for c in copies:
            c.start(add=add)

    def wait(copies):
        for c in copies:
            c.wait()

    def prep_gathers(blk, p8):
        wait(idx_copies(blk, p8))
        for j in range(B // 16):
            v = idx_s[p8, pl.ds(j * 16, 16)]
            idx_h[p8, pl.ds(j * 16, 16)] = v + hoff
        start(gather_copies(p8, lax.rem(blk, 4)))

    for blk in range(4):
        start(idx_copies(blk, blk))
    for blk in range(3):
        prep_gathers(blk, blk)

    def block_body(blk, carry):
        p2 = lax.rem(blk, 2)
        p4 = lax.rem(blk, 4)
        p8 = lax.rem(blk, 8)

        @pl.when(blk >= 2)
        def _():
            wait(msg_copy(lax.rem(blk + 6, 8), p2))

            @pl.when(cid == 0)
            def _():
                wait(den_copy(lax.rem(blk + 6, 8), p2))

        @pl.when(blk + 4 < NBLK)
        def _():
            start(idx_copies(blk + 4, lax.rem(blk + 4, 8)))

        wait(gather_copies(p8, p4))

        @pl.when(blk + 3 < NBLK)
        def _():
            prep_gathers(blk + 3, lax.rem(blk + 3, 8))

        hbase = cid * 4

        @plsc.parallel_loop(0, B, unroll=16)
        def _(b):
            vs = sd_s[p4, b, :]
            vd = sd_d[p4, b, :]
            vdr = _vgather(vd, colr)
            e = vs + vdr
            ex = jnp.exp(jnp.maximum(e, 0.2 * e))
            e16[p2, b, :] = ex
            for pair in range(2):
                w = h_rows[p4, b, pl.ds(pair * 16, 16)]
                va = lax.bitcast_convert_type(w << 16, F32)
                vb = lax.bitcast_convert_type(
                    w & jnp.int32(-65536), F32)
                g = hbase + pair * 2
                msg[p2, b, pl.ds(pair * 32, 16)] = (
                    va * _vgather(ex, jnp.full((16,), g, jnp.int32)))
                msg[p2, b, pl.ds(pair * 32 + 16, 16)] = (
                    vb * _vgather(ex, jnp.full((16,), g + 1, jnp.int32)))

        start(msg_copy(p8, p2), add=True)

        @pl.when(cid == 0)
        def _():
            start(den_copy(p8, p2), add=True)
        return carry

    lax.fori_loop(0, NBLK, block_body, 0)
    for tail in (NBLK - 2, NBLK - 1):
        wait(msg_copy(tail % 8, tail % 2))

        @pl.when(cid == 0)
        def _():
            wait(den_copy(tail % 4, tail % 2))
    plsc.subcore_barrier()

    pltpu.sync_copy(num_sp.at[pl.ds(sid * RPT, RPT)],
                    num_out.at[cid, pl.ds(sid * RPT, RPT), :])

    @pl.when(cid == 0)
    def _():
        pltpu.sync_copy(den_sp.at[pl.ds(sid * RPT, RPT)],
                        den_out.at[pl.ds(sid * RPT, RPT)])


_sc_edge = functools.partial(
    pl.kernel,
    mesh=plsc.VectorSubcoreMesh(core_axis_name="c", subcore_axis_name="s"),
    compiler_params=pltpu.CompilerParams(use_tc_tiling_on_sc=False),
    out_type=[jax.ShapeDtypeStruct((2, NP, 64), F32),
              jax.ShapeDtypeStruct((NP, 16), F32)],
    scratch_types=[
        pltpu.VMEM((8, B), jnp.int32),
        pltpu.VMEM((8, B), jnp.int32),
        pltpu.VMEM((8, B), jnp.int32),
        pltpu.VMEM((4, B, 16), F32),
        pltpu.VMEM((4, B, 16), F32),
        pltpu.VMEM((4, B, 32), jnp.int32),
        pltpu.VMEM((2, B, 16), F32),
        pltpu.VMEM((2, B, 64), F32),
        pltpu.VMEM_SHARED((NP, 64), F32),
        pltpu.VMEM_SHARED((NP, 16), F32),
        pltpu.SemaphoreType.DMA((8,)),
        pltpu.SemaphoreType.DMA((4,)),
        pltpu.SemaphoreType.DMA((2,)),
        pltpu.SemaphoreType.DMA((2,)),
    ],
)(_sc_body)



_EYE8 = np.eye(8, dtype=np.float32)
_Q = np.concatenate([_EYE8, _EYE8], axis=0)
_P = np.repeat(_EYE8, 16, axis=1)
_P16 = np.concatenate([_P, np.zeros((8, 128), np.float32)], axis=0)
_j = np.arange(128)
_w = _j % 64
_perm = (_j // 64) * 64 + ((_w // 32) * 2 + (_w % 2)) * 16 + (_w % 32) // 2
_PM = np.zeros((128, 128), np.float32)
_PM[_perm, _j] = 1.0
_PMT = _PM.T.copy()
_ZNUM = np.zeros((RPT, 64), np.float32)
_ZDEN = np.zeros((RPT, 16), np.float32)


def _pack_rows(lo, hi):
    cat = jnp.concatenate([lo, hi], axis=0)
    return jax.lax.bitcast_convert_type(
        cat.reshape(2 * NP, 32, 2), jnp.int32)


def _expander(a):
    eye = jnp.eye(8, dtype=a.dtype)
    return (a[:, :, None] * eye[:, None, :]).reshape(128, 8)


def kernel(x, edge_index, W1, a_src1, a_dst1, b1, W2, a_src2, a_dst2, b2):
    ei = edge_index.astype(jnp.int32)
    pad = EPAD - E
    esrc = jnp.concatenate([ei[0], jnp.zeros((pad,), jnp.int32)])
    edst = jnp.concatenate([ei[1], jnp.full((pad,), N, jnp.int32)])
    x_pad = jnp.pad(x, ((0, NP - N), (0, 0)))

    A1 = jnp.concatenate([_expander(a_src1), _expander(a_dst1)], axis=1)
    A2 = jnp.concatenate([_expander(a_src2), _expander(a_dst2)], axis=1)
    Q = _Q
    P = _P
    P16 = _P16
    PM = _PM
    PMT = _PMT
    znum = _ZNUM
    zden = _ZDEN
    b1r = b1.reshape(1, 128)
    b2r = b2.reshape(1, 128)

    h1lo, h1hi, sd1 = _tc1(x_pad, W1, A1, PM)
    h1cat = _pack_rows(h1lo, h1hi)
    num1, den1 = _sc_edge(sd1, h1cat, esrc, edst, znum, zden)
    h2lo, h2hi, sd2 = _tc2(num1, den1, h1lo, h1hi, sd1, b1r, W2, A2,
                           Q, P, P16, PMT, PM)
    h2cat = _pack_rows(h2lo, h2hi)
    num2, den2 = _sc_edge(sd2, h2cat, esrc, edst, znum, zden)
    out = _tc3(num2, den2, h2lo, h2hi, sd2, b2r, Q, P, P16, PMT)
    return out

# --- scband reference (transcript-rebuilt; emitter-appended) ---
"""Pipeline reference for scband-dy-sat-44220983280298 (READ-ONLY COPY).

The authoritative reference and input builder live on the scoring server;
editing this copy changes nothing except your own understanding.
"""

import jax, jax.numpy as jnp
import numpy as np

N_NODES = 10000
N_EDGES = 320000
D_IN = 128
HIDDEN = 128
OUT = 128
HEADS = 8


def setup_inputs(seed: int = 0) -> dict:
    key = jax.random.key(seed)
    ks = jax.random.split(key, 12)
    x = jax.random.normal(ks[0], (N_NODES, D_IN), dtype=jnp.float32)
    edge_index = jax.random.randint(ks[1], (2, N_EDGES), 0, N_NODES, dtype=jnp.int64)
    h1 = HIDDEN // HEADS  # 16
    h2 = OUT // HEADS     # 16
    s1 = 1.0 / np.sqrt(D_IN)
    s2 = 1.0 / np.sqrt(HIDDEN)
    W1 = jax.random.normal(ks[2], (D_IN, HEADS * h1), dtype=jnp.float32) * s1
    a_src1 = jax.random.normal(ks[3], (HEADS, h1), dtype=jnp.float32) * s1
    a_dst1 = jax.random.normal(ks[4], (HEADS, h1), dtype=jnp.float32) * s1
    b1 = jnp.zeros((HEADS * h1,), dtype=jnp.float32)
    W2 = jax.random.normal(ks[5], (HIDDEN, HEADS * h2), dtype=jnp.float32) * s2
    a_src2 = jax.random.normal(ks[6], (HEADS, h2), dtype=jnp.float32) * s2
    a_dst2 = jax.random.normal(ks[7], (HEADS, h2), dtype=jnp.float32) * s2
    b2 = jnp.zeros((HEADS * h2,), dtype=jnp.float32)
    return {"x": x, "edge_index": edge_index,
            "W1": W1, "a_src1": a_src1, "a_dst1": a_dst1, "b1": b1,
            "W2": W2, "a_src2": a_src2, "a_dst2": a_dst2, "b2": b2}


def _gat_layer(x, src, dst, W, a_src, a_dst, b, heads, out_ch, n_nodes):
    h = (x @ W).reshape(n_nodes, heads, out_ch)
    alpha_src = (h * a_src[None, :, :]).sum(-1)  # [N, H]
    alpha_dst = (h * a_dst[None, :, :]).sum(-1)  # [N, H]
    e = alpha_src[src] + alpha_dst[dst]          # [E, H] (gather)
    e = jax.nn.leaky_relu(e, negative_slope=0.2)
    # softmax over incoming edges of each dst node
    e_max = jax.ops.segment_max(e, dst, num_segments=n_nodes)
    e_exp = jnp.exp(e - e_max[dst])
    denom = jax.ops.segment_sum(e_exp, dst, num_segments=n_nodes)
    alpha = e_exp / (denom[dst] + 1e-16)         # [E, H]
    msg = h[src] * alpha[:, :, None]             # [E, H, C] (gather)
    out = jax.ops.segment_sum(msg, dst, num_segments=n_nodes)  # scatter-add
    return out.reshape(n_nodes, heads * out_ch) + b[None, :]


def reference(x, edge_index, W1, a_src1, a_dst1, b1, W2, a_src2, a_dst2, b2):
    n_nodes = x.shape[0]
    # add self-loops (PyG GATConv default add_self_loops=True)
    loop = jnp.arange(n_nodes, dtype=edge_index.dtype)
    src = jnp.concatenate([edge_index[0], loop])
    dst = jnp.concatenate([edge_index[1], loop])
    h1 = _gat_layer(x, src, dst, W1, a_src1, a_dst1, b1, HEADS, HIDDEN // HEADS, n_nodes)
    h1 = jax.nn.relu(h1)
    # dropout p=0.5 is identity in eval mode
    out = _gat_layer(h1, src, dst, W2, a_src2, a_dst2, b2, HEADS, OUT // HEADS, n_nodes)
    return out

if __name__ == "__main__":
    import jax
    _d = setup_inputs()
    print(jax.jit(kernel)(*tuple(_d.values())))

</pallas_src>

<mosaic_0001>
#map = affine_map<(d0, d1) -> (0, 0)>
#map1 = affine_map<(d0, d1) -> (0)>
#map2 = affine_map<(d0, d1) -> (0, 0, 0)>
module attributes {stable_mosaic.version = 14 : i64} {
  func.func @_sc_body(%arg0: i32, %arg1: i32, %arg2: memref<10112x16xf32, #tpu.memory_space<hbm>>, %arg3: memref<20224x32xi32, #tpu.memory_space<hbm>>, %arg4: memref<321536xi32, #tpu.memory_space<hbm>>, %arg5: memref<321536xi32, #tpu.memory_space<hbm>>, %arg6: memref<632x64xf32, #tpu.memory_space<hbm>>, %arg7: memref<632x16xf32, #tpu.memory_space<hbm>>, %arg8: memref<2x10112x64xf32, #tpu.memory_space<hbm>>, %arg9: memref<10112x16xf32, #tpu.memory_space<hbm>>, %arg10: memref<8x128xi32, #tpu.memory_space<vmem>>, %arg11: memref<8x128xi32, #tpu.memory_space<vmem>>, %arg12: memref<8x128xi32, #tpu.memory_space<vmem>>, %arg13: memref<4x128x16xf32, #tpu.memory_space<vmem>>, %arg14: memref<4x128x16xf32, #tpu.memory_space<vmem>>, %arg15: memref<4x128x32xi32, #tpu.memory_space<vmem>>, %arg16: memref<2x128x16xf32, #tpu.memory_space<vmem>>, %arg17: memref<2x128x64xf32, #tpu.memory_space<vmem>>, %arg18: memref<10112x64xf32, #tpu.memory_space<vmem_shared>>, %arg19: memref<10112x16xf32, #tpu.memory_space<vmem_shared>>, %arg20: memref<8x!tpu.dma_semaphore, #tpu.memory_space<semaphore_mem>>, %arg21: memref<4x!tpu.dma_semaphore, #tpu.memory_space<semaphore_mem>>, %arg22: memref<2x!tpu.dma_semaphore, #tpu.memory_space<semaphore_mem>>, %arg23: memref<2x!tpu.dma_semaphore, #tpu.memory_space<semaphore_mem>>) attributes {dimension_semantics = [#tpu.dimension_semantics<core_parallel>, #tpu.dimension_semantics<subcore_parallel>], iteration_bounds = array<i64: 2, 16>, scalar_prefetch = 0 : i64, scratch_operands = 14 : i64, tpu.core_type = #tpu.core_type<sc_vector_subcore>, window_params = [{transform_indices = #map}, {transform_indices = #map}, {transform_indices = #map1}, {transform_indices = #map1}, {transform_indices = #map}, {transform_indices = #map}, {transform_indices = #map2}, {transform_indices = #map}]} {
    %mul3A = arith.constant 632 : i32
    %mul3A_0 = arith.muli %arg1, %mul3A : i32
    "tpu.region"() ({
      %run_scoped3A = tpu.sem_alloc : memref<!tpu.dma_semaphore, #tpu.memory_space<semaphore_mem>>
      %dma_start3A_680 = arith.constant 0 : i32
      %dma_start3A_681 = tpu.memref_slice %arg18[%mul3A_0, %dma_start3A_680] : memref<10112x64xf32, #tpu.memory_space<vmem_shared>> -> memref<632x64xf32, #tpu.memory_space<vmem_shared>>
      tpu.enqueue_dma source(%arg6 : memref<632x64xf32, #tpu.memory_space<hbm>>) target(%dma_start3A_681 : memref<632x64xf32, #tpu.memory_space<vmem_shared>>) target_semaphore(%run_scoped3A : memref<!tpu.dma_semaphore, #tpu.memory_space<semaphore_mem>>)
      %dma_wait3A_682 = arith.constant 0 : i32
      %dma_wait3A_683 = tpu.memref_slice %arg18[%mul3A_0, %dma_wait3A_682] : memref<10112x64xf32, #tpu.memory_space<vmem_shared>> -> memref<632x64xf32, #tpu.memory_space<vmem_shared>>
      tpu.wait_dma2 semaphore(%run_scoped3A : memref<!tpu.dma_semaphore, #tpu.memory_space<semaphore_mem>>) src(%arg6 : memref<632x64xf32, #tpu.memory_space<hbm>>) dst(%dma_wait3A_683 : memref<632x64xf32, #tpu.memory_space<vmem_shared>>)
      tpu.yield
    }) : () -> ()
    %mul3A_1 = arith.constant 632 : i32
    %mul3A_2 = arith.muli %arg1, %mul3A_1 : i32
    "tpu.region"() ({
      %run_scoped3A = tpu.sem_alloc : memref<!tpu.dma_semaphore, #tpu.memory_space<semaphore_mem>>
      %dma_start3A_680 = arith.constant 0 : i32
      %dma_start3A_681 = tpu.memref_slice %arg19[%mul3A_2, %dma_start3A_680] : memref<10112x16xf32, #tpu.memory_space<vmem_shared>> -> memref<632x16xf32, #tpu.memory_space<vmem_shared>>
      tpu.enqueue_dma source(%arg7 : memref<632x16xf32, #tpu.memory_space<hbm>>) target(%dma_start3A_681 : memref<632x16xf32, #tpu.memory_space<vmem_shared>>) target_semaphore(%run_scoped3A : memref<!tpu.dma_semaphore, #tpu.memory_space<semaphore_mem>>)
      %dma_wait3A_682 = arith.constant 0 : i32
      %dma_wait3A_683 = tpu.memref_slice %arg19[%mul3A_2, %dma_wait3A_682] : memref<10112x16xf32, #tpu.memory_space<vmem_shared>> -> memref<632x16xf32, #tpu.memory_space<vmem_shared>>
      tpu.wait_dma2 semaphore(%run_scoped3A : memref<!tpu.dma_semaphore, #tpu.memory_space<semaphore_mem>>) src(%arg7 : memref<632x16xf32, #tpu.memory_space<hbm>>) dst(%dma_wait3A_683 : memref<632x16xf32, #tpu.memory_space<vmem_shared>>)
      tpu.yield
    }) : () -> ()
    %barrier3A = arith.constant 0 : index
    tpu.barrier barrier_id(%barrier3A)
    %iota3A = tpu.iota {dimensions = array<i32: 0>} : vector<16xi32>
    %and3A = arith.constant 7 : i32
    %and3A_3 = vector.broadcast %and3A : i32 to vector<16xi32>
    %and3A_4 = arith.andi %iota3A, %and3A_3 : vector<16xi32>
    %add3A = arith.constant 8 : i32
    %add3A_5 = vector.broadcast %add3A : i32 to vector<16xi32>
    %add3A_6 = arith.addi %and3A_4, %add3A_5 : vector<16xi32>
    %mul3A_7 = arith.constant 157 : i32
    %mul3A_8 = arith.muli %arg1, %mul3A_7 : i32
    %mul3A_9 = arith.constant 128 : i32
    %mul3A_10 = arith.muli %mul3A_8, %mul3A_9 : i32
    %mul3A_11 = arith.constant 10112 : i32
    %mul3A_12 = arith.muli %arg0, %mul3A_11 : i32
    %add3A_13 = arith.constant 0 : i32
    %add3A_14 = arith.addi %mul3A_10, %add3A_13 : i32
    %dma_start3A = arith.constant 0 : i32
    %dma_start3A_15 = arith.constant 0 : i32
    %dma_start3A_16 = arith.constant 0 : i32
    %dma_start3A_17 = tpu.memref_slice %arg10[%dma_start3A, %dma_start3A_16] : memref<8x128xi32, #tpu.memory_space<vmem>> -> memref<1x128xi32, #tpu.memory_space<vmem>>
    %dma_start3A_18 = tpu.memref_squeeze %dma_start3A_17 : memref<1x128xi32, #tpu.memory_space<vmem>> -> memref<128xi32, #tpu.memory_space<vmem>>
    %dma_start3A_19 = tpu.memref_slice %arg4[%add3A_14] : memref<321536xi32, #tpu.memory_space<hbm>> -> memref<128xi32, #tpu.memory_space<hbm>>
    %dma_start3A_20 = tpu.memref_slice %arg20[%dma_start3A_15] : memref<8x!tpu.dma_semaphore, #tpu.memory_space<semaphore_mem>> -> memref<1x!tpu.dma_semaphore, #tpu.memory_space<semaphore_mem>>
    %dma_start3A_21 = tpu.memref_squeeze %dma_start3A_20 : memref<1x!tpu.dma_semaphore, #tpu.memory_space<semaphore_mem>> -> memref<!tpu.dma_semaphore, #tpu.memory_space<semaphore_mem>>
    %dma_start3A_22 = arith.constant 0 : i32
    %dma_start3A_23 = tpu.memref_slice %arg10[%dma_start3A, %dma_start3A_22] : memref<8x128xi32, #tpu.memory_space<vmem>> -> memref<1x128xi32, #tpu.memory_space<vmem>>
    %dma_start3A_24 = tpu.memref_squeeze %dma_start3A_23 : memref<1x128xi32, #tpu.memory_space<vmem>> -> memref<128xi32, #tpu.memory_space<vmem>>
    %dma_start3A_25 = tpu.memref_slice %arg4[%add3A_14] : memref<321536xi32, #tpu.memory_space<hbm>> -> memref<128xi32, #tpu.memory_space<hbm>>
    tpu.enqueue_dma source(%dma_start3A_25 : memref<128xi32, #tpu.memory_space<hbm>>) target(%dma_start3A_24 : memref<128xi32, #tpu.memory_space<vmem>>) target_semaphore(%dma_start3A_21 : memref<!tpu.dma_semaphore, #tpu.memory_space<semaphore_mem>>)
    %dma_start3A_26 = arith.constant 0 : i32
    %dma_start3A_27 = arith.constant 0 : i32
    %dma_start3A_28 = arith.constant 0 : i32
    %dma_start3A_29 = tpu.memref_slice %arg11[%dma_start3A_26, %dma_start3A_28] : memref<8x128xi32, #tpu.memory_space<vmem>> -> memref<1x128xi32, #tpu.memory_space<vmem>>
    %dma_start3A_30 = tpu.memref_squeeze %dma_start3A_29 : memref<1x128xi32, #tpu.memory_space<vmem>> -> memref<128xi32, #tpu.memory_space<vmem>>
    %dma_start3A_31 = tpu.memref_slice %arg5[%add3A_14] : memref<321536xi32, #tpu.memory_space<hbm>> -> memref<128xi32, #tpu.memory_space<hbm>>
    %dma_start3A_32 = tpu.memref_slice %arg20[%dma_start3A_27] : memref<8x!tpu.dma_semaphore, #tpu.memory_space<semaphore_mem>> -> memref<1x!tpu.dma_semaphore, #tpu.memory_space<semaphore_mem>>
    %dma_start3A_33 = tpu.memref_squeeze %dma_start3A_32 : memref<1x!tpu.dma_semaphore, #tpu.memory_space<semaphore_mem>> -> memref<!tpu.dma_semaphore, #tpu.memory_space<semaphore_mem>>
    %dma_start3A_34 = arith.constant 0 : i32
    %dma_start3A_35 = tpu.memref_slice %arg11[%dma_start3A_26, %dma_start3A_34] : memref<8x128xi32, #tpu.memory_space<vmem>> -> memref<1x128xi32, #tpu.memory_space<vmem>>
    %dma_start3A_36 = tpu.memref_squeeze %dma_start3A_35 : memref<1x128xi32, #tpu.memory_space<vmem>> -> memref<128xi32, #tpu.memory_space<vmem>>
    %dma_start3A_37 = tpu.memref_slice %arg5[%add3A_14] : memref<321536xi32, #tpu.memory_space<hbm>> -> memref<128xi32, #tpu.memory_space<hbm>>
    tpu.enqueue_dma source(%dma_start3A_37 : memref<128xi32, #tpu.memory_space<hbm>>) target(%dma_start3A_36 : memref<128xi32, #tpu.memory_space<vmem>>) target_semaphore(%dma_start3A_33 : memref<!tpu.dma_semaphore, #tpu.memory_space<semaphore_mem>>)
    %add3A_38 = arith.constant 128 : i32
    %add3A_39 = arith.addi %mul3A_10, %add3A_38 : i32
    %dma_start3A_40 = arith.constant 1 : i32
    %dma_start3A_41 = arith.constant 1 : i32
    %dma_start3A_42 = arith.constant 0 : i32
    %dma_start3A_43 = tpu.memref_slice %arg10[%dma_start3A_40, %dma_start3A_42] : memref<8x128xi32, #tpu.memory_space<vmem>> -> memref<1x128xi32, #tpu.memory_space<vmem>>
    %dma_start3A_44 = tpu.memref_squeeze %dma_start3A_43 : memref<1x128xi32, #tpu.memory_space<vmem>> -> memref<128xi32, #tpu.memory_space<vmem>>
    %dma_start3A_45 = tpu.memref_slice %arg4[%add3A_39] : memref<321536xi32, #tpu.memory_space<hbm>> -> memref<128xi32, #tpu.memory_space<hbm>>
    %dma_start3A_46 = tpu.memref_slice %arg20[%dma_start3A_41] : memref<8x!tpu.dma_semaphore, #tpu.memory_space<semaphore_mem>> -> memref<1x!tpu.dma_semaphore, #tpu.memory_space<semaphore_mem>>
    %dma_start3A_47 = tpu.memref_squeeze %dma_start3A_46 : memref<1x!tpu.dma_semaphore, #tpu.memory_space<semaphore_mem>> -> memref<!tpu.dma_semaphore, #tpu.memory_space<semaphore_mem>>
    %dma_start3A_48 = arith.constant 0 : i32
    %dma_start3A_49 = tpu.memref_slice %arg10[%dma_start3A_40, %dma_start3A_48] : memref<8x128xi32, #tpu.memory_space<vmem>> -> memref<1x128xi32, #tpu.memory_space<vmem>>
    %dma_start3A_50 = tpu.memref_squeeze %dma_start3A_49 : memref<1x128xi32, #tpu.memory_space<vmem>> -> memref<128xi32, #tpu.memory_space<vmem>>
    %dma_start3A_51 = tpu.memref_slice %arg4[%add3A_39] : memref<321536xi32, #tpu.memory_space<hbm>> -> memref<128xi32, #tpu.memory_space<hbm>>
    tpu.enqueue_dma source(%dma_start3A_51 : memref<128xi32, #tpu.memory_space<hbm>>) target(%dma_start3A_50 : memref<128xi32, #tpu.memory_space<vmem>>) target_semaphore(%dma_start3A_47 : memref<!tpu.dma_semaphore, #tpu.memory_space<semaphore_mem>>)
    %dma_start3A_52 = arith.constant 1 : i32
    %dma_start3A_53 = arith.constant 1 : i32
    %dma_start3A_54 = arith.constant 0 : i32
    %dma_start3A_55 = tpu.memref_slice %arg11[%dma_start3A_52, %dma_start3A_54] : memref<8x128xi32, #tpu.memory_space<vmem>> -> memref<1x128xi32, #tpu.memory_space<vmem>>
    %dma_start3A_56 = tpu.memref_squeeze %dma_start3A_55 : memref<1x128xi32, #tpu.memory_space<vmem>> -> memref<128xi32, #tpu.memory_space<vmem>>
    %dma_start3A_57 = tpu.memref_slice %arg5[%add3A_39] : memref<321536xi32, #tpu.memory_space<hbm>> -> memref<128xi32, #tpu.memory_space<hbm>>
    %dma_start3A_58 = tpu.memref_slice %arg20[%dma_start3A_53] : memref<8x!tpu.dma_semaphore, #tpu.memory_space<semaphore_mem>> -> memref<1x!tpu.dma_semaphore, #tpu.memory_space<semaphore_mem>>
    %dma_start3A_59 = tpu.memref_squeeze %dma_start3A_58 : memref<1x!tpu.dma_semaphore, #tpu.memory_space<semaphore_mem>> -> memref<!tpu.dma_semaphore, #tpu.memory_space<semaphore_mem>>
    %dma_start3A_60 = arith.constant 0 : i32
    %dma_start3A_61 = tpu.memref_slice %arg11[%dma_start3A_52, %dma_start3A_60] : memref<8x128xi32, #tpu.memory_space<vmem>> -> memref<1x128xi32, #tpu.memory_space<vmem>>
    %dma_start3A_62 = tpu.memref_squeeze %dma_start3A_61 : memref<1x128xi32, #tpu.memory_space<vmem>> -> memref<128xi32, #tpu.memory_space<vmem>>
    %dma_start3A_63 = tpu.memref_slice %arg5[%add3A_39] : memref<321536xi32, #tpu.memory_space<hbm>> -> memref<128xi32, #tpu.memory_space<hbm>>
    tpu.enqueue_dma source(%dma_start3A_63 : memref<128xi32, #tpu.memory_space<hbm>>) target(%dma_start3A_62 : memref<128xi32, #tpu.memory_space<vmem>>) target_semaphore(%dma_start3A_59 : memref<!tpu.dma_semaphore, #tpu.memory_space<semaphore_mem>>)
    %add3A_64 = arith.constant 256 : i32
    %add3A_65 = arith.addi %mul3A_10, %add3A_64 : i32
    %dma_start3A_66 = arith.constant 2 : i32
    %dma_start3A_67 = arith.constant 2 : i32
    %dma_start3A_68 = arith.constant 0 : i32
    %dma_start3A_69 = tpu.memref_slice %arg10[%dma_start3A_66, %dma_start3A_68] : memref<8x128xi32, #tpu.memory_space<vmem>> -> memref<1x128xi32, #tpu.memory_space<vmem>>
    %dma_start3A_70 = tpu.memref_squeeze %dma_start3A_69 : memref<1x128xi32, #tpu.memory_space<vmem>> -> memref<128xi32, #tpu.memory_space<vmem>>
    %dma_start3A_71 = tpu.memref_slice %arg4[%add3A_65] : memref<321536xi32, #tpu.memory_space<hbm>> -> memref<128xi32, #tpu.memory_space<hbm>>
    %dma_start3A_72 = tpu.memref_slice %arg20[%dma_start3A_67] : memref<8x!tpu.dma_semaphore, #tpu.memory_space<semaphore_mem>> -> memref<1x!tpu.dma_semaphore, #tpu.memory_space<semaphore_mem>>
    %dma_start3A_73 = tpu.memref_squeeze %dma_start3A_72 : memref<1x!tpu.dma_semaphore, #tpu.memory_space<semaphore_mem>> -> memref<!tpu.dma_semaphore, #tpu.memory_space<semaphore_mem>>
    %dma_start3A_74 = arith.constant 0 : i32
    %dma_start3A_75 = tpu.memref_slice %arg10[%dma_start3A_66, %dma_start3A_74] : memref<8x128xi32, #tpu.memory_space<vmem>> -> memref<1x128xi32, #tpu.memory_space<vmem>>
    %dma_start3A_76 = tpu.memref_squeeze %dma_start3A_75 : memref<1x128xi32, #tpu.memory_space<vmem>> -> memref<128xi32, #tpu.memory_space<vmem>>
    %dma_start3A_77 = tpu.memref_slice %arg4[%add3A_65] : memref<321536xi32, #tpu.memory_space<hbm>> -> memref<128xi32, #tpu.memory_space<hbm>>
    tpu.enqueue_dma source(%dma_start3A_77 : memref<128xi32, #tpu.memory_space<hbm>>) target(%dma_start3A_76 : memref<128xi32, #tpu.memory_space<vmem>>) target_semaphore(%dma_start3A_73 : memref<!tpu.dma_semaphore, #tpu.memory_space<semaphore_mem>>)
    %dma_start3A_78 = arith.constant 2 : i32
    %dma_start3A_79 = arith.constant 2 : i32
    %dma_start3A_80 = arith.constant 0 : i32
    %dma_start3A_81 = tpu.memref_slice %arg11[%dma_start3A_78, %dma_start3A_80] : memref<8x128xi32, #tpu.memory_space<vmem>> -> memref<1x128xi32, #tpu.memory_space<vmem>>
    %dma_start3A_82 = tpu.memref_squeeze %dma_start3A_81 : memref<1x128xi32, #tpu.memory_space<vmem>> -> memref<128xi32, #tpu.memory_space<vmem>>
    %dma_start3A_83 = tpu.memref_slice %arg5[%add3A_65] : memref<321536xi32, #tpu.memory_space<hbm>> -> memref<128xi32, #tpu.memory_space<hbm>>
    %dma_start3A_84 = tpu.memref_slice %arg20[%dma_start3A_79] : memref<8x!tpu.dma_semaphore, #tpu.memory_space<semaphore_mem>> -> memref<1x!tpu.dma_semaphore, #tpu.memory_space<semaphore_mem>>
    %dma_start3A_85 = tpu.memref_squeeze %dma_start3A_84 : memref<1x!tpu.dma_semaphore, #tpu.memory_space<semaphore_mem>> -> memref<!tpu.dma_semaphore, #tpu.memory_space<semaphore_mem>>
    %dma_start3A_86 = arith.constant 0 : i32
    %dma_start3A_87 = tpu.memref_slice %arg11[%dma_start3A_78, %dma_start3A_86] : memref<8x128xi32, #tpu.memory_space<vmem>> -> memref<1x128xi32, #tpu.memory_space<vmem>>
    %dma_start3A_88 = tpu.memref_squeeze %dma_start3A_87 : memref<1x128xi32, #tpu.memory_space<vmem>> -> memref<128xi32, #tpu.memory_space<vmem>>
    %dma_start3A_89 = tpu.memref_slice %arg5[%add3A_65] : memref<321536xi32, #tpu.memory_space<hbm>> -> memref<128xi32, #tpu.memory_space<hbm>>
    tpu.enqueue_dma source(%dma_start3A_89 : memref<128xi32, #tpu.memory_space<hbm>>) target(%dma_start3A_88 : memref<128xi32, #tpu.memory_space<vmem>>) target_semaphore(%dma_start3A_85 : memref<!tpu.dma_semaphore, #tpu.memory_space<semaphore_mem>>)
    %add3A_90 = arith.constant 384 : i32
    %add3A_91 = arith.addi %mul3A_10, %add3A_90 : i32
    %dma_start3A_92 = arith.constant 3 : i32
    %dma_start3A_93 = arith.constant 3 : i32
    %dma_start3A_94 = arith.constant 0 : i32
    %dma_start3A_95 = tpu.memref_slice %arg10[%dma_start3A_92, %dma_start3A_94] : memref<8x128xi32, #tpu.memory_space<vmem>> -> memref<1x128xi32, #tpu.memory_space<vmem>>
    %dma_start3A_96 = tpu.memref_squeeze %dma_start3A_95 : memref<1x128xi32, #tpu.memory_space<vmem>> -> memref<128xi32, #tpu.memory_space<vmem>>
    %dma_start3A_97 = tpu.memref_slice %arg4[%add3A_91] : memref<321536xi32, #tpu.memory_space<hbm>> -> memref<128xi32, #tpu.memory_space<hbm>>
    %dma_start3A_98 = tpu.memref_slice %arg20[%dma_start3A_93] : memref<8x!tpu.dma_semaphore, #tpu.memory_space<semaphore_mem>> -> memref<1x!tpu.dma_semaphore, #tpu.memory_space<semaphore_mem>>
    %dma_start3A_99 = tpu.memref_squeeze %dma_start3A_98 : memref<1x!tpu.dma_semaphore, #tpu.memory_space<semaphore_mem>> -> memref<!tpu.dma_semaphore, #tpu.memory_space<semaphore_mem>>
    %dma_start3A_100 = arith.constant 0 : i32
    %dma_start3A_101 = tpu.memref_slice %arg10[%dma_start3A_92, %dma_start3A_100] : memref<8x128xi32, #tpu.memory_space<vmem>> -> memref<1x128xi32, #tpu.memory_space<vmem>>
    %dma_start3A_102 = tpu.memref_squeeze %dma_start3A_101 : memref<1x128xi32, #tpu.memory_space<vmem>> -> memref<128xi32, #tpu.memory_space<vmem>>
    %dma_start3A_103 = tpu.memref_slice %arg4[%add3A_91] : memref<321536xi32, #tpu.memory_space<hbm>> -> memref<128xi32, #tpu.memory_space<hbm>>
    tpu.enqueue_dma source(%dma_start3A_103 : memref<128xi32, #tpu.memory_space<hbm>>) target(%dma_start3A_102 : memref<128xi32, #tpu.memory_space<vmem>>) target_semaphore(%dma_start3A_99 : memref<!tpu.dma_semaphore, #tpu.memory_space<semaphore_mem>>)
    %dma_start3A_104 = arith.constant 3 : i32
    %dma_start3A_105 = arith.constant 3 : i32
    %dma_start3A_106 = arith.constant 0 : i32
    %dma_start3A_107 = tpu.memref_slice %arg11[%dma_start3A_104, %dma_start3A_106] : memref<8x128xi32, #tpu.memory_space<vmem>> -> memref<1x128xi32, #tpu.memory_space<vmem>>
    %dma_start3A_108 = tpu.memref_squeeze %dma_start3A_107 : memref<1x128xi32, #tpu.memory_space<vmem>> -> memref<128xi32, #tpu.memory_space<vmem>>
    %dma_start3A_109 = tpu.memref_slice %arg5[%add3A_91] : memref<321536xi32, #tpu.memory_space<hbm>> -> memref<128xi32, #tpu.memory_space<hbm>>
    %dma_start3A_110 = tpu.memref_slice %arg20[%dma_start3A_105] : memref<8x!tpu.dma_semaphore, #tpu.memory_space<semaphore_mem>> -> memref<1x!tpu.dma_semaphore, #tpu.memory_space<semaphore_mem>>
    %dma_start3A_111 = tpu.memref_squeeze %dma_start3A_110 : memref<1x!tpu.dma_semaphore, #tpu.memory_space<semaphore_mem>> -> memref<!tpu.dma_semaphore, #tpu.memory_space<semaphore_mem>>
    %dma_start3A_112 = arith.constant 0 : i32
    %dma_start3A_113 = tpu.memref_slice %arg11[%dma_start3A_104, %dma_start3A_112] : memref<8x128xi32, #tpu.memory_space<vmem>> -> memref<1x128xi32, #tpu.memory_space<vmem>>
    %dma_start3A_114 = tpu.memref_squeeze %dma_start3A_113 : memref<1x128xi32, #tpu.memory_space<vmem>> -> memref<128xi32, #tpu.memory_space<vmem>>
    %dma_start3A_115 = tpu.memref_slice %arg5[%add3A_91] : memref<321536xi32, #tpu.memory_space<hbm>> -> memref<128xi32, #tpu.memory_space<hbm>>
    tpu.enqueue_dma source(%dma_start3A_115 : memref<128xi32, #tpu.memory_space<hbm>>) target(%dma_start3A_114 : memref<128xi32, #tpu.memory_space<vmem>>) target_semaphore(%dma_start3A_111 : memref<!tpu.dma_semaphore, #tpu.memory_space<semaphore_mem>>)
    %add3A_116 = arith.constant 0 : i32
    %add3A_117 = arith.addi %mul3A_10, %add3A_116 : i32
    %dma_wait3A = arith.constant 0 : i32
    %dma_wait3A_118 = arith.constant 0 : i32
    %dma_wait3A_119 = arith.constant 0 : i32
    %dma_wait3A_120 = tpu.memref_slice %arg10[%dma_wait3A, %dma_wait3A_119] : memref<8x128xi32, #tpu.memory_space<vmem>> -> memref<1x128xi32, #tpu.memory_space<vmem>>
    %dma_wait3A_121 = tpu.memref_squeeze %dma_wait3A_120 : memref<1x128xi32, #tpu.memory_space<vmem>> -> memref<128xi32, #tpu.memory_space<vmem>>
    %dma_wait3A_122 = tpu.memref_slice %arg4[%add3A_117] : memref<321536xi32, #tpu.memory_space<hbm>> -> memref<128xi32, #tpu.memory_space<hbm>>
    %dma_wait3A_123 = tpu.memref_slice %arg20[%dma_wait3A_118] : memref<8x!tpu.dma_semaphore, #tpu.memory_space<semaphore_mem>> -> memref<1x!tpu.dma_semaphore, #tpu.memory_space<semaphore_mem>>
    %dma_wait3A_124 = tpu.memref_squeeze %dma_wait3A_123 : memref<1x!tpu.dma_semaphore, #tpu.memory_space<semaphore_mem>> -> memref<!tpu.dma_semaphore, #tpu.memory_space<semaphore_mem>>
    %dma_wait3A_125 = arith.constant 0 : i32
    %dma_wait3A_126 = tpu.memref_slice %arg10[%dma_wait3A, %dma_wait3A_125] : memref<8x128xi32, #tpu.memory_space<vmem>> -> memref<1x128xi32, #tpu.memory_space<vmem>>
    %dma_wait3A_127 = tpu.memref_squeeze %dma_wait3A_126 : memref<1x128xi32, #tpu.memory_space<vmem>> -> memref<128xi32, #tpu.memory_space<vmem>>
    %dma_wait3A_128 = tpu.memref_slice %arg4[%add3A_117] : memref<321536xi32, #tpu.memory_space<hbm>> -> memref<128xi32, #tpu.memory_space<hbm>>
    tpu.wait_dma2 semaphore(%dma_wait3A_124 : memref<!tpu.dma_semaphore, #tpu.memory_space<semaphore_mem>>) src(%dma_wait3A_128 : memref<128xi32, #tpu.memory_space<hbm>>) dst(%dma_wait3A_127 : memref<128xi32, #tpu.memory_space<vmem>>)
    %dma_wait3A_129 = arith.constant 0 : i32
    %dma_wait3A_130 = arith.constant 0 : i32
    %dma_wait3A_131 = arith.constant 0 : i32
    %dma_wait3A_132 = tpu.memref_slice %arg11[%dma_wait3A_129, %dma_wait3A_131] : memref<8x128xi32, #tpu.memory_space<vmem>> -> memref<1x128xi32, #tpu.memory_space<vmem>>
    %dma_wait3A_133 = tpu.memref_squeeze %dma_wait3A_132 : memref<1x128xi32, #tpu.memory_space<vmem>> -> memref<128xi32, #tpu.memory_space<vmem>>
    %dma_wait3A_134 = tpu.memref_slice %arg5[%add3A_117] : memref<321536xi32, #tpu.memory_space<hbm>> -> memref<128xi32, #tpu.memory_space<hbm>>
    %dma_wait3A_135 = tpu.memref_slice %arg20[%dma_wait3A_130] : memref<8x!tpu.dma_semaphore, #tpu.memory_space<semaphore_mem>> -> memref<1x!tpu.dma_semaphore, #tpu.memory_space<semaphore_mem>>
    %dma_wait3A_136 = tpu.memref_squeeze %dma_wait3A_135 : memref<1x!tpu.dma_semaphore, #tpu.memory_space<semaphore_mem>> -> memref<!tpu.dma_semaphore, #tpu.memory_space<semaphore_mem>>
    %dma_wait3A_137 = arith.constant 0 : i32
    %dma_wait3A_138 = tpu.memref_slice %arg11[%dma_wait3A_129, %dma_wait3A_137] : memref<8x128xi32, #tpu.memory_space<vmem>> -> memref<1x128xi32, #tpu.memory_space<vmem>>
    %dma_wait3A_139 = tpu.memref_squeeze %dma_wait3A_138 : memref<1x128xi32, #tpu.memory_space<vmem>> -> memref<128xi32, #tpu.memory_space<vmem>>
    %dma_wait3A_140 = tpu.memref_slice %arg5[%add3A_117] : memref<321536xi32, #tpu.memory_space<hbm>> -> memref<128xi32, #tpu.memory_space<hbm>>
    tpu.wait_dma2 semaphore(%dma_wait3A_136 : memref<!tpu.dma_semaphore, #tpu.memory_space<semaphore_mem>>) src(%dma_wait3A_140 : memref<128xi32, #tpu.memory_space<hbm>>) dst(%dma_wait3A_139 : memref<128xi32, #tpu.memory_space<vmem>>)
    %get3A = arith.constant 0 : i32
    %get3A_141 = arith.index_cast %get3A : i32 to index
    %get3A_142 = arith.constant 0 : index
    %get3A_143 = tpu.vector_load %arg10[%get3A_141, %get3A_142] {strides = array<i32>} : memref<8x128xi32, #tpu.memory_space<vmem>>, vector<1x16xi32>,
    %get3A_144 = vector.shape_cast %get3A_143 : vector<1x16xi32> to vector<16xi32>
    %add3A_145 = vector.broadcast %mul3A_12 : i32 to vector<16xi32>
    %add3A_146 = arith.addi %get3A_144, %add3A_145 : vector<16xi32>
    %swap3A = arith.constant 0 : i32
    %swap3A_147 = arith.index_cast %swap3A : i32 to index
    %swap3A_148 = arith.constant 0 : index
    %swap3A_149 = tpu.vector_load %arg12[%swap3A_147, %swap3A_148] {strides = array<i32>} : memref<8x128xi32, #tpu.memory_space<vmem>>, vector<1x16xi32>,
    %swap3A_150 = vector.shape_cast %swap3A_149 : vector<1x16xi32> to vector<16xi32>
    %swap3A_151 = vector.shape_cast %add3A_146 : vector<16xi32> to vector<1x16xi32>
    tpu.vector_store %arg12[%swap3A_147, %swap3A_148], %swap3A_151 {strides = array<i32>} : memref<8x128xi32, #tpu.memory_space<vmem>>, vector<1x16xi32>,
    %get3A_152 = arith.constant 0 : i32
    %get3A_153 = arith.index_cast %get3A_152 : i32 to index
    %get3A_154 = arith.constant 16 : index
    %get3A_155 = tpu.vector_load %arg10[%get3A_153, %get3A_154] {strides = array<i32>} : memref<8x128xi32, #tpu.memory_space<vmem>>, vector<1x16xi32>,
    %get3A_156 = vector.shape_cast %get3A_155 : vector<1x16xi32> to vector<16xi32>
    %add3A_157 = vector.broadcast %mul3A_12 : i32 to vector<16xi32>
    %add3A_158 = arith.addi %get3A_156, %add3A_157 : vector<16xi32>
    %swap3A_159 = arith.constant 0 : i32
    %swap3A_160 = arith.index_cast %swap3A_159 : i32 to index
    %swap3A_161 = arith.constant 16 : index
    %swap3A_162 = tpu.vector_load %arg12[%swap3A_160, %swap3A_161] {strides = array<i32>} : memref<8x128xi32, #tpu.memory_space<vmem>>, vector<1x16xi32>,
    %swap3A_163 = vector.shape_cast %swap3A_162 : vector<1x16xi32> to vector<16xi32>
    %swap3A_164 = vector.shape_cast %add3A_158 : vector<16xi32> to vector<1x16xi32>
    tpu.vector_store %arg12[%swap3A_160, %swap3A_161], %swap3A_164 {strides = array<i32>} : memref<8x128xi32, #tpu.memory_space<vmem>>, vector<1x16xi32>,
    %get3A_165 = arith.constant 0 : i32
    %get3A_166 = arith.index_cast %get3A_165 : i32 to index
    %get3A_167 = arith.constant 32 : index
    %get3A_168 = tpu.vector_load %arg10[%get3A_166, %get3A_167] {strides = array<i32>} : memref<8x128xi32, #tpu.memory_space<vmem>>, vector<1x16xi32>,
    %get3A_169 = vector.shape_cast %get3A_168 : vector<1x16xi32> to vector<16xi32>
    %add3A_170 = vector.broadcast %mul3A_12 : i32 to vector<16xi32>
    %add3A_171 = arith.addi %get3A_169, %add3A_170 : vector<16xi32>
    %swap3A_172 = arith.constant 0 : i32
    %swap3A_173 = arith.index_cast %swap3A_172 : i32 to index
    %swap3A_174 = arith.constant 32 : index
    %swap3A_175 = tpu.vector_load %arg12[%swap3A_173, %swap3A_174] {strides = array<i32>} : memref<8x128xi32, #tpu.memory_space<vmem>>, vector<1x16xi32>,
    %swap3A_176 = vector.shape_cast %swap3A_175 : vector<1x16xi32> to vector<16xi32>
    %swap3A_177 = vector.shape_cast %add3A_171 : vector<16xi32> to vector<1x16xi32>
    tpu.vector_store %arg12[%swap3A_173, %swap3A_174], %swap3A_177 {strides = array<i32>} : memref<8x128xi32, #tpu.memory_space<vmem>>, vector<1x16xi32>,
    %get3A_178 = arith.constant 0 : i32
    %get3A_179 = arith.index_cast %get3A_178 : i32 to index
    %get3A_180 = arith.constant 48 : index
    %get3A_181 = tpu.vector_load %arg10[%get3A_179, %get3A_180] {strides = array<i32>} : memref<8x128xi32, #tpu.memory_space<vmem>>, vector<1x16xi32>,
    %get3A_182 = vector.shape_cast %get3A_181 : vector<1x16xi32> to vector<16xi32>
    %add3A_183 = vector.broadcast %mul3A_12 : i32 to vector<16xi32>
    %add3A_184 = arith.addi %get3A_182, %add3A_183 : vector<16xi32>
    %swap3A_185 = arith.constant 0 : i32
    %swap3A_186 = arith.index_cast %swap3A_185 : i32 to index
    %swap3A_187 = arith.constant 48 : index
    %swap3A_188 = tpu.vector_load %arg12[%swap3A_186, %swap3A_187] {strides = array<i32>} : memref<8x128xi32, #tpu.memory_space<vmem>>, vector<1x16xi32>,
    %swap3A_189 = vector.shape_cast %swap3A_188 : vector<1x16xi32> to vector<16xi32>
    %swap3A_190 = vector.shape_cast %add3A_184 : vector<16xi32> to vector<1x16xi32>
    tpu.vector_store %arg12[%swap3A_186, %swap3A_187], %swap3A_190 {strides = array<i32>} : memref<8x128xi32, #tpu.memory_space<vmem>>, vector<1x16xi32>,
    %get3A_191 = arith.constant 0 : i32
    %get3A_192 = arith.index_cast %get3A_191 : i32 to index
    %get3A_193 = arith.constant 64 : index
    %get3A_194 = tpu.vector_load %arg10[%get3A_192, %get3A_193] {strides = array<i32>} : memref<8x128xi32, #tpu.memory_space<vmem>>, vector<1x16xi32>,
    %get3A_195 = vector.shape_cast %get3A_194 : vector<1x16xi32> to vector<16xi32>
    %add3A_196 = vector.broadcast %mul3A_12 : i32 to vector<16xi32>
    %add3A_197 = arith.addi %get3A_195, %add3A_196 : vector<16xi32>
    %swap3A_198 = arith.constant 0 : i32
    %swap3A_199 = arith.index_cast %swap3A_198 : i32 to index
    %swap3A_200 = arith.constant 64 : index
    %swap3A_201 = tpu.vector_load %arg12[%swap3A_199, %swap3A_200] {strides = array<i32>} : memref<8x128xi32, #tpu.memory_space<vmem>>, vector<1x16xi32>,
    %swap3A_202 = vector.shape_cast %swap3A_201 : vector<1x16xi32> to vector<16xi32>
    %swap3A_203 = vector.shape_cast %add3A_197 : vector<16xi32> to vector<1x16xi32>
    tpu.vector_store %arg12[%swap3A_199, %swap3A_200], %swap3A_203 {strides = array<i32>} : memref<8x128xi32, #tpu.memory_space<vmem>>, vector<1x16xi32>,
    %get3A_204 = arith.constant 0 : i32
    %get3A_205 = arith.index_cast %get3A_204 : i32 to index
    %get3A_206 = arith.constant 80 : index
    %get3A_207 = tpu.vector_load %arg10[%get3A_205, %get3A_206] {strides = array<i32>} : memref<8x128xi32, #tpu.memory_space<vmem>>, vector<1x16xi32>,
    %get3A_208 = vector.shape_cast %get3A_207 : vector<1x16xi32> to vector<16xi32>
    %add3A_209 = vector.broadcast %mul3A_12 : i32 to vector<16xi32>
    %add3A_210 = arith.addi %get3A_208, %add3A_209 : vector<16xi32>
    %swap3A_211 = arith.constant 0 : i32
    %swap3A_212 = arith.index_cast %swap3A_211 : i32 to index
    %swap3A_213 = arith.constant 80 : index
    %swap3A_214 = tpu.vector_load %arg12[%swap3A_212, %swap3A_213] {strides = array<i32>} : memref<8x128xi32, #tpu.memory_space<vmem>>, vector<1x16xi32>,
    %swap3A_215 = vector.shape_cast %swap3A_214 : vector<1x16xi32> to vector<16xi32>
    %swap3A_216 = vector.shape_cast %add3A_210 : vector<16xi32> to vector<1x16xi32>
    tpu.vector_store %arg12[%swap3A_212, %swap3A_213], %swap3A_216 {strides = array<i32>} : memref<8x128xi32, #tpu.memory_space<vmem>>, vector<1x16xi32>,
    %get3A_217 = arith.constant 0 : i32
    %get3A_218 = arith.index_cast %get3A_217 : i32 to index
    %get3A_219 = arith.constant 96 : index
    %get3A_220 = tpu.vector_load %arg10[%get3A_218, %get3A_219] {strides = array<i32>} : memref<8x128xi32, #tpu.memory_space<vmem>>, vector<1x16xi32>,
    %get3A_221 = vector.shape_cast %get3A_220 : vector<1x16xi32> to vector<16xi32>
    %add3A_222 = vector.broadcast %mul3A_12 : i32 to vector<16xi32>
    %add3A_223 = arith.addi %get3A_221, %add3A_222 : vector<16xi32>
    %swap3A_224 = arith.constant 0 : i32
    %swap3A_225 = arith.index_cast %swap3A_224 : i32 to index
    %swap3A_226 = arith.constant 96 : index
    %swap3A_227 = tpu.vector_load %arg12[%swap3A_225, %swap3A_226] {strides = array<i32>} : memref<8x128xi32, #tpu.memory_space<vmem>>, vector<1x16xi32>,
    %swap3A_228 = vector.shape_cast %swap3A_227 : vector<1x16xi32> to vector<16xi32>
    %swap3A_229 = vector.shape_cast %add3A_223 : vector<16xi32> to vector<1x16xi32>
    tpu.vector_store %arg12[%swap3A_225, %swap3A_226], %swap3A_229 {strides = array<i32>} : memref<8x128xi32, #tpu.memory_space<vmem>>, vector<1x16xi32>,
    %get3A_230 = arith.constant 0 : i32
    %get3A_231 = arith.index_cast %get3A_230 : i32 to index
    %get3A_232 = arith.constant 112 : index
    %get3A_233 = tpu.vector_load %arg10[%get3A_231, %get3A_232] {strides = array<i32>} : memref<8x128xi32, #tpu.memory_space<vmem>>, vector<1x16xi32>,
    %get3A_234 = vector.shape_cast %get3A_233 : vector<1x16xi32> to vector<16xi32>
    %add3A_235 = vector.broadcast %mul3A_12 : i32 to vector<16xi32>
    %add3A_236 = arith.addi %get3A_234, %add3A_235 : vector<16xi32>
    %swap3A_237 = arith.constant 0 : i32
    %swap3A_238 = arith.index_cast %swap3A_237 : i32 to index
    %swap3A_239 = arith.constant 112 : index
    %swap3A_240 = tpu.vector_load %arg12[%swap3A_238, %swap3A_239] {strides = array<i32>} : memref<8x128xi32, #tpu.memory_space<vmem>>, vector<1x16xi32>,
    %swap3A_241 = vector.shape_cast %swap3A_240 : vector<1x16xi32> to vector<16xi32>
    %swap3A_242 = vector.shape_cast %add3A_236 : vector<16xi32> to vector<1x16xi32>
    tpu.vector_store %arg12[%swap3A_238, %swap3A_239], %swap3A_242 {strides = array<i32>} : memref<8x128xi32, #tpu.memory_space<vmem>>, vector<1x16xi32>,
    %rem3A = arith.constant 0 : i32
    %rem3A_243 = arith.constant 4 : i32
    %rem3A_244 = arith.remsi %rem3A, %rem3A_243 : i32
    %dma_start3A_245 = arith.constant 0 : i32
    %dma_start3A_246 = arith.constant 0 : i32
    %dma_start3A_247 = arith.constant 0 : i32
    %dma_start3A_248 = tpu.memref_slice %arg13[%rem3A_244, %dma_start3A_246, %dma_start3A_247] : memref<4x128x16xf32, #tpu.memory_space<vmem>> -> memref<1x128x16xf32, #tpu.memory_space<vmem>>
    %dma_start3A_249 = tpu.memref_squeeze %dma_start3A_248 : memref<1x128x16xf32, #tpu.memory_space<vmem>> -> memref<128x16xf32, #tpu.memory_space<vmem>>
    %dma_start3A_250 = arith.constant 0 : i32
    %dma_start3A_251 = tpu.memref_slice %arg10[%dma_start3A_245, %dma_start3A_250] : memref<8x128xi32, #tpu.memory_space<vmem>> -> memref<1x128xi32, #tpu.memory_space<vmem>>
    %dma_start3A_252 = tpu.memref_squeeze %dma_start3A_251 : memref<1x128xi32, #tpu.memory_space<vmem>> -> memref<128xi32, #tpu.memory_space<vmem>>
    %dma_start3A_253 = arith.constant 0 : i32
    %dma_start3A_254 = arith.constant 0 : i32
    %dma_start3A_255 = tpu.memref_slice %arg2[%dma_start3A_253, %dma_start3A_254] : memref<10112x16xf32, #tpu.memory_space<hbm>> -> memref<10112x16xf32, #tpu.memory_space<hbm>>
    %dma_start3A_256 = tpu.memref_slice %arg21[%rem3A_244] : memref<4x!tpu.dma_semaphore, #tpu.memory_space<semaphore_mem>> -> memref<1x!tpu.dma_semaphore, #tpu.memory_space<semaphore_mem>>
    %dma_start3A_257 = tpu.memref_squeeze %dma_start3A_256 : memref<1x!tpu.dma_semaphore, #tpu.memory_space<semaphore_mem>> -> memref<!tpu.dma_semaphore, #tpu.memory_space<semaphore_mem>>
    tpu.enqueue_indirect_dma source(%dma_start3A_255 : memref<10112x16xf32, #tpu.memory_space<hbm>>) target(%dma_start3A_249 : memref<128x16xf32, #tpu.memory_space<vmem>>) offsets(%dma_start3A_252 : memref<128xi32, #tpu.memory_space<vmem>>) semaphore(%dma_start3A_257 : memref<!tpu.dma_semaphore, #tpu.memory_space<semaphore_mem>>)
    %dma_start3A_258 = arith.constant 0 : i32
    %dma_start3A_259 = arith.constant 0 : i32
    %dma_start3A_260 = arith.constant 0 : i32
    %dma_start3A_261 = tpu.memref_slice %arg14[%rem3A_244, %dma_start3A_259, %dma_start3A_260] : memref<4x128x16xf32, #tpu.memory_space<vmem>> -> memref<1x128x16xf32, #tpu.memory_space<vmem>>
    %dma_start3A_262 = tpu.memref_squeeze %dma_start3A_261 : memref<1x128x16xf32, #tpu.memory_space<vmem>> -> memref<128x16xf32, #tpu.memory_space<vmem>>
    %dma_start3A_263 = arith.constant 0 : i32
    %dma_start3A_264 = tpu.memref_slice %arg11[%dma_start3A_258, %dma_start3A_263] : memref<8x128xi32, #tpu.memory_space<vmem>> -> memref<1x128xi32, #tpu.memory_space<vmem>>
    %dma_start3A_265 = tpu.memref_squeeze %dma_start3A_264 : memref<1x128xi32, #tpu.memory_space<vmem>> -> memref<128xi32, #tpu.memory_space<vmem>>
    %dma_start3A_266 = arith.constant 0 : i32
    %dma_start3A_267 = arith.constant 0 : i32
    %dma_start3A_268 = tpu.memref_slice %arg2[%dma_start3A_266, %dma_start3A_267] : memref<10112x16xf32, #tpu.memory_space<hbm>> -> memref<10112x16xf32, #tpu.memory_space<hbm>>
    %dma_start3A_269 = tpu.memref_slice %arg21[%rem3A_244] : memref<4x!tpu.dma_semaphore, #tpu.memory_space<semaphore_mem>> -> memref<1x!tpu.dma_semaphore, #tpu.memory_space<semaphore_mem>>
    %dma_start3A_270 = tpu.memref_squeeze %dma_start3A_269 : memref<1x!tpu.dma_semaphore, #tpu.memory_space<semaphore_mem>> -> memref<!tpu.dma_semaphore, #tpu.memory_space<semaphore_mem>>
    tpu.enqueue_indirect_dma source(%dma_start3A_268 : memref<10112x16xf32, #tpu.memory_space<hbm>>) target(%dma_start3A_262 : memref<128x16xf32, #tpu.memory_space<vmem>>) offsets(%dma_start3A_265 : memref<128xi32, #tpu.memory_space<vmem>>) semaphore(%dma_start3A_270 : memref<!tpu.dma_semaphore, #tpu.memory_space<semaphore_mem>>)
    %dma_start3A_271 = arith.constant 0 : i32
    %dma_start3A_272 = arith.constant 0 : i32
    %dma_start3A_273 = arith.constant 0 : i32
    %dma_start3A_274 = tpu.memref_slice %arg15[%rem3A_244, %dma_start3A_272, %dma_start3A_273] : memref<4x128x32xi32, #tpu.memory_space<vmem>> -> memref<1x128x32xi32, #tpu.memory_space<vmem>>
    %dma_start3A_275 = tpu.memref_squeeze %dma_start3A_274 : memref<1x128x32xi32, #tpu.memory_space<vmem>> -> memref<128x32xi32, #tpu.memory_space<vmem>>
    %dma_start3A_276 = arith.constant 0 : i32
    %dma_start3A_277 = tpu.memref_slice %arg12[%dma_start3A_271, %dma_start3A_276] : memref<8x128xi32, #tpu.memory_space<vmem>> -> memref<1x128xi32, #tpu.memory_space<vmem>>
    %dma_start3A_278 = tpu.memref_squeeze %dma_start3A_277 : memref<1x128xi32, #tpu.memory_space<vmem>> -> memref<128xi32, #tpu.memory_space<vmem>>
    %dma_start3A_279 = arith.constant 0 : i32
    %dma_start3A_280 = arith.constant 0 : i32
    %dma_start3A_281 = tpu.memref_slice %arg3[%dma_start3A_279, %dma_start3A_280] : memref<20224x32xi32, #tpu.memory_space<hbm>> -> memref<20224x32xi32, #tpu.memory_space<hbm>>
    %dma_start3A_282 = tpu.memref_slice %arg21[%rem3A_244] : memref<4x!tpu.dma_semaphore, #tpu.memory_space<semaphore_mem>> -> memref<1x!tpu.dma_semaphore, #tpu.memory_space<semaphore_mem>>
    %dma_start3A_283 = tpu.memref_squeeze %dma_start3A_282 : memref<1x!tpu.dma_semaphore, #tpu.memory_space<semaphore_mem>> -> memref<!tpu.dma_semaphore, #tpu.memory_space<semaphore_mem>>
    tpu.enqueue_indirect_dma source(%dma_start3A_281 : memref<20224x32xi32, #tpu.memory_space<hbm>>) target(%dma_start3A_275 : memref<128x32xi32, #tpu.memory_space<vmem>>) offsets(%dma_start3A_278 : memref<128xi32, #tpu.memory_space<vmem>>) semaphore(%dma_start3A_283 : memref<!tpu.dma_semaphore, #tpu.memory_space<semaphore_mem>>)
    %add3A_284 = arith.constant 128 : i32
    %add3A_285 = arith.addi %mul3A_10, %add3A_284 : i32
    %dma_wait3A_286 = arith.constant 1 : i32
    %dma_wait3A_287 = arith.constant 1 : i32
    %dma_wait3A_288 = arith.constant 0 : i32
    %dma_wait3A_289 = tpu.memref_slice %arg10[%dma_wait3A_286, %dma_wait3A_288] : memref<8x128xi32, #tpu.memory_space<vmem>> -> memref<1x128xi32, #tpu.memory_space<vmem>>
    %dma_wait3A_290 = tpu.memref_squeeze %dma_wait3A_289 : memref<1x128xi32, #tpu.memory_space<vmem>> -> memref<128xi32, #tpu.memory_space<vmem>>
    %dma_wait3A_291 = tpu.memref_slice %arg4[%add3A_285] : memref<321536xi32, #tpu.memory_space<hbm>> -> memref<128xi32, #tpu.memory_space<hbm>>
    %dma_wait3A_292 = tpu.memref_slice %arg20[%dma_wait3A_287] : memref<8x!tpu.dma_semaphore, #tpu.memory_space<semaphore_mem>> -> memref<1x!tpu.dma_semaphore, #tpu.memory_space<semaphore_mem>>
    %dma_wait3A_293 = tpu.memref_squeeze %dma_wait3A_292 : memref<1x!tpu.dma_semaphore, #tpu.memory_space<semaphore_mem>> -> memref<!tpu.dma_semaphore, #tpu.memory_space<semaphore_mem>>
    %dma_wait3A_294 = arith.constant 0 : i32
    %dma_wait3A_295 = tpu.memref_slice %arg10[%dma_wait3A_286, %dma_wait3A_294] : memref<8x128xi32, #tpu.memory_space<vmem>> -> memref<1x128xi32, #tpu.memory_space<vmem>>
    %dma_wait3A_296 = tpu.memref_squeeze %dma_wait3A_295 : memref<1x128xi32, #tpu.memory_space<vmem>> -> memref<128xi32, #tpu.memory_space<vmem>>
    %dma_wait3A_297 = tpu.memref_slice %arg4[%add3A_285] : memref<321536xi32, #tpu.memory_space<hbm>> -> memref<128xi32, #tpu.memory_space<hbm>>
    tpu.wait_dma2 semaphore(%dma_wait3A_293 : memref<!tpu.dma_semaphore, #tpu.memory_space<semaphore_mem>>) src(%dma_wait3A_297 : memref<128xi32, #tpu.memory_space<hbm>>) dst(%dma_wait3A_296 : memref<128xi32, #tpu.memory_space<vmem>>)
    %dma_wait3A_298 = arith.constant 1 : i32
    %dma_wait3A_299 = arith.constant 1 : i32
    %dma_wait3A_300 = arith.constant 0 : i32
    %dma_wait3A_301 = tpu.memref_slice %arg11[%dma_wait3A_298, %dma_wait3A_300] : memref<8x128xi32, #tpu.memory_space<vmem>> -> memref<1x128xi32, #tpu.memory_space<vmem>>
    %dma_wait3A_302 = tpu.memref_squeeze %dma_wait3A_301 : memref<1x128xi32, #tpu.memory_space<vmem>> -> memref<128xi32, #tpu.memory_space<vmem>>
    %dma_wait3A_303 = tpu.memref_slice %arg5[%add3A_285] : memref<321536xi32, #tpu.memory_space<hbm>> -> memref<128xi32, #tpu.memory_space<hbm>>
    %dma_wait3A_304 = tpu.memref_slice %arg20[%dma_wait3A_299] : memref<8x!tpu.dma_semaphore, #tpu.memory_space<semaphore_mem>> -> memref<1x!tpu.dma_semaphore, #tpu.memory_space<semaphore_mem>>
    %dma_wait3A_305 = tpu.memref_squeeze %dma_wait3A_304 : memref<1x!tpu.dma_semaphore, #tpu.memory_space<semaphore_mem>> -> memref<!tpu.dma_semaphore, #tpu.memory_space<semaphore_mem>>
    %dma_wait3A_306 = arith.constant 0 : i32
    %dma_wait3A_307 = tpu.memref_slice %arg11[%dma_wait3A_298, %dma_wait3A_306] : memref<8x128xi32, #tpu.memory_space<vmem>> -> memref<1x128xi32, #tpu.memory_space<vmem>>
    %dma_wait3A_308 = tpu.memref_squeeze %dma_wait3A_307 : memref<1x128xi32, #tpu.memory_space<vmem>> -> memref<128xi32, #tpu.memory_space<vmem>>
    %dma_wait3A_309 = tpu.memref_slice %arg5[%add3A_285] : memref<321536xi32, #tpu.memory_space<hbm>> -> memref<128xi32, #tpu.memory_space<hbm>>
    tpu.wait_dma2 semaphore(%dma_wait3A_305 : memref<!tpu.dma_semaphore, #tpu.memory_space<semaphore_mem>>) src(%dma_wait3A_309 : memref<128xi32, #tpu.memory_space<hbm>>) dst(%dma_wait3A_308 : memref<128xi32, #tpu.memory_space<vmem>>)
    %get3A_310 = arith.constant 1 : i32
    %get3A_311 = arith.index_cast %get3A_310 : i32 to index
    %get3A_312 = arith.constant 0 : index
    %get3A_313 = tpu.vector_load %arg10[%get3A_311, %get3A_312] {strides = array<i32>} : memref<8x128xi32, #tpu.memory_space<vmem>>, vector<1x16xi32>,
    %get3A_314 = vector.shape_cast %get3A_313 : vector<1x16xi32> to vector<16xi32>
    %add3A_315 = vector.broadcast %mul3A_12 : i32 to vector<16xi32>
    %add3A_316 = arith.addi %get3A_314, %add3A_315 : vector<16xi32>
    %swap3A_317 = arith.constant 1 : i32
    %swap3A_318 = arith.index_cast %swap3A_317 : i32 to index
    %swap3A_319 = arith.constant 0 : index
    %swap3A_320 = tpu.vector_load %arg12[%swap3A_318, %swap3A_319] {strides = array<i32>} : memref<8x128xi32, #tpu.memory_space<vmem>>, vector<1x16xi32>,
    %swap3A_321 = vector.shape_cast %swap3A_320 : vector<1x16xi32> to vector<16xi32>
    %swap3A_322 = vector.shape_cast %add3A_316 : vector<16xi32> to vector<1x16xi32>
    tpu.vector_store %arg12[%swap3A_318, %swap3A_319], %swap3A_322 {strides = array<i32>} : memref<8x128xi32, #tpu.memory_space<vmem>>, vector<1x16xi32>,
    %get3A_323 = arith.constant 1 : i32
    %get3A_324 = arith.index_cast %get3A_323 : i32 to index
    %get3A_325 = arith.constant 16 : index
    %get3A_326 = tpu.vector_load %arg10[%get3A_324, %get3A_325] {strides = array<i32>} : memref<8x128xi32, #tpu.memory_space<vmem>>, vector<1x16xi32>,
    %get3A_327 = vector.shape_cast %get3A_326 : vector<1x16xi32> to vector<16xi32>
    %add3A_328 = vector.broadcast %mul3A_12 : i32 to vector<16xi32>
    %add3A_329 = arith.addi %get3A_327, %add3A_328 : vector<16xi32>
    %swap3A_330 = arith.constant 1 : i32
    %swap3A_331 = arith.index_cast %swap3A_330 : i32 to index
    %swap3A_332 = arith.constant 16 : index
    %swap3A_333 = tpu.vector_load %arg12[%swap3A_331, %swap3A_332] {strides = array<i32>} : memref<8x128xi32, #tpu.memory_space<vmem>>, vector<1x16xi32>,
    %swap3A_334 = vector.shape_cast %swap3A_333 : vector<1x16xi32> to vector<16xi32>
    %swap3A_335 = vector.shape_cast %add3A_329 : vector<16xi32> to vector<1x16xi32>
    tpu.vector_store %arg12[%swap3A_331, %swap3A_332], %swap3A_335 {strides = array<i32>} : memref<8x128xi32, #tpu.memory_space<vmem>>, vector<1x16xi32>,
    %get3A_336 = arith.constant 1 : i32
    %get3A_337 = arith.index_cast %get3A_336 : i32 to index
    %get3A_338 = arith.constant 32 : index
    %get3A_339 = tpu.vector_load %arg10[%get3A_337, %get3A_338] {strides = array<i32>} : memref<8x128xi32, #tpu.memory_space<vmem>>, vector<1x16xi32>,
    %get3A_340 = vector.shape_cast %get3A_339 : vector<1x16xi32> to vector<16xi32>
    %add3A_341 = vector.broadcast %mul3A_12 : i32 to vector<16xi32>
    %add3A_342 = arith.addi %get3A_340, %add3A_341 : vector<16xi32>
    %swap3A_343 = arith.constant 1 : i32
    %swap3A_344 = arith.index_cast %swap3A_343 : i32 to index
    %swap3A_345 = arith.constant 32 : index
    %swap3A_346 = tpu.vector_load %arg12[%swap3A_344, %swap3A_345] {strides = array<i32>} : memref<8x128xi32, #tpu.memory_space<vmem>>, vector<1x16xi32>,
    %swap3A_347 = vector.shape_cast %swap3A_346 : vector<1x16xi32> to vector<16xi32>
    %swap3A_348 = vector.shape_cast %add3A_342 : vector<16xi32> to vector<1x16xi32>
    tpu.vector_store %arg12[%swap3A_344, %swap3A_345], %swap3A_348 {strides = array<i32>} : memref<8x128xi32, #tpu.memory_space<vmem>>, vector<1x16xi32>,
    %get3A_349 = arith.constant 1 : i32
    %get3A_350 = arith.index_cast %get3A_349 : i32 to index
    %get3A_351 = arith.constant 48 : index
    %get3A_352 = tpu.vector_load %arg10[%get3A_350, %get3A_351] {strides = array<i32>} : memref<8x128xi32, #tpu.memory_space<vmem>>, vector<1x16xi32>,
    %get3A_353 = vector.shape_cast %get3A_352 : vector<1x16xi32> to vector<16xi32>
    %add3A_354 = vector.broadcast %mul3A_12 : i32 to vector<16xi32>
    %add3A_355 = arith.addi %get3A_353, %add3A_354 : vector<16xi32>
    %swap3A_356 = arith.constant 1 : i32
    %swap3A_357 = arith.index_cast %swap3A_356 : i32 to index
    %swap3A_358 = arith.constant 48 : index
    %swap3A_359 = tpu.vector_load %arg12[%swap3A_357, %swap3A_358] {strides = array<i32>} : memref<8x128xi32, #tpu.memory_space<vmem>>, vector<1x16xi32>,
    %swap3A_360 = vector.shape_cast %swap3A_359 : vector<1x16xi32> to vector<16xi32>
    %swap3A_361 = vector.shape_cast %add3A_355 : vector<16xi32> to vector<1x16xi32>
    tpu.vector_store %arg12[%swap3A_357, %swap3A_358], %swap3A_361 {strides = array<i32>} : memref<8x128xi32, #tpu.memory_space<vmem>>, vector<1x16xi32>,
    %get3A_362 = arith.constant 1 : i32
    %get3A_363 = arith.index_cast %get3A_362 : i32 to index
    %get3A_364 = arith.constant 64 : index
    %get3A_365 = tpu.vector_load %arg10[%get3A_363, %get3A_364] {strides = array<i32>} : memref<8x128xi32, #tpu.memory_space<vmem>>, vector<1x16xi32>,
    %get3A_366 = vector.shape_cast %get3A_365 : vector<1x16xi32> to vector<16xi32>
    %add3A_367 = vector.broadcast %mul3A_12 : i32 to vector<16xi32>
    %add3A_368 = arith.addi %get3A_366, %add3A_367 : vector<16xi32>
    %swap3A_369 = arith.constant 1 : i32
    %swap3A_370 = arith.index_cast %swap3A_369 : i32 to index
    %swap3A_371 = arith.constant 64 : index
    %swap3A_372 = tpu.vector_load %arg12[%swap3A_370, %swap3A_371] {strides = array<i32>} : memref<8x128xi32, #tpu.memory_space<vmem>>, vector<1x16xi32>,
    %swap3A_373 = vector.shape_cast %swap3A_372 : vector<1x16xi32> to vector<16xi32>
    %swap3A_374 = vector.shape_cast %add3A_368 : vector<16xi32> to vector<1x16xi32>
    tpu.vector_store %arg12[%swap3A_370, %swap3A_371], %swap3A_374 {strides = array<i32>} : memref<8x128xi32, #tpu.memory_space<vmem>>, vector<1x16xi32>,
    %get3A_375 = arith.constant 1 : i32
    %get3A_376 = arith.index_cast %get3A_375 : i32 to index
    %get3A_377 = arith.constant 80 : index
    %get3A_378 = tpu.vector_load %arg10[%get3A_376, %get3A_377] {strides = array<i32>} : memref<8x128xi32, #tpu.memory_space<vmem>>, vector<1x16xi32>,
    %get3A_379 = vector.shape_cast %get3A_378 : vector<1x16xi32> to vector<16xi32>
    %add3A_380 = vector.broadcast %mul3A_12 : i32 to vector<16xi32>
    %add3A_381 = arith.addi %get3A_379, %add3A_380 : vector<16xi32>
    %swap3A_382 = arith.constant 1 : i32
    %swap3A_383 = arith.index_cast %swap3A_382 : i32 to index
    %swap3A_384 = arith.constant 80 : index
    %swap3A_385 = tpu.vector_load %arg12[%swap3A_383, %swap3A_384] {strides = array<i32>} : memref<8x128xi32, #tpu.memory_space<vmem>>, vector<1x16xi32>,
    %swap3A_386 = vector.shape_cast %swap3A_385 : vector<1x16xi32> to vector<16xi32>
    %swap3A_387 = vector.shape_cast %add3A_381 : vector<16xi32> to vector<1x16xi32>
    tpu.vector_store %arg12[%swap3A_383, %swap3A_384], %swap3A_387 {strides = array<i32>} : memref<8x128xi32, #tpu.memory_space<vmem>>, vector<1x16xi32>,
    %get3A_388 = arith.constant 1 : i32
    %get3A_389 = arith.index_cast %get3A_388 : i32 to index
    %get3A_390 = arith.constant 96 : index
    %get3A_391 = tpu.vector_load %arg10[%get3A_389, %get3A_390] {strides = array<i32>} : memref<8x128xi32, #tpu.memory_space<vmem>>, vector<1x16xi32>,
    %get3A_392 = vector.shape_cast %get3A_391 : vector<1x16xi32> to vector<16xi32>
    %add3A_393 = vector.broadcast %mul3A_12 : i32 to vector<16xi32>
    %add3A_394 = arith.addi %get3A_392, %add3A_393 : vector<16xi32>
    %swap3A_395 = arith.constant 1 : i32
    %swap3A_396 = arith.index_cast %swap3A_395 : i32 to index
    %swap3A_397 = arith.constant 96 : index
    %swap3A_398 = tpu.vector_load %arg12[%swap3A_396, %swap3A_397] {strides = array<i32>} : memref<8x128xi32, #tpu.memory_space<vmem>>, vector<1x16xi32>,
    %swap3A_399 = vector.shape_cast %swap3A_398 : vector<1x16xi32> to vector<16xi32>
    %swap3A_400 = vector.shape_cast %add3A_394 : vector<16xi32> to vector<1x16xi32>
    tpu.vector_store %arg12[%swap3A_396, %swap3A_397], %swap3A_400 {strides = array<i32>} : memref<8x128xi32, #tpu.memory_space<vmem>>, vector<1x16xi32>,
    %get3A_401 = arith.constant 1 : i32
    %get3A_402 = arith.index_cast %get3A_401 : i32 to index
    %get3A_403 = arith.constant 112 : index
    %get3A_404 = tpu.vector_load %arg10[%get3A_402, %get3A_403] {strides = array<i32>} : memref<8x128xi32, #tpu.memory_space<vmem>>, vector<1x16xi32>,
    %get3A_405 = vector.shape_cast %get3A_404 : vector<1x16xi32> to vector<16xi32>
    %add3A_406 = vector.broadcast %mul3A_12 : i32 to vector<16xi32>
    %add3A_407 = arith.addi %get3A_405, %add3A_406 : vector<16xi32>
    %swap3A_408 = arith.constant 1 : i32
    %swap3A_409 = arith.index_cast %swap3A_408 : i32 to index
    %swap3A_410 = arith.constant 112 : index
    %swap3A_411 = tpu.vector_load %arg12[%swap3A_409, %swap3A_410] {strides = array<i32>} : memref<8x128xi32, #tpu.memory_space<vmem>>, vector<1x16xi32>,
    %swap3A_412 = vector.shape_cast %swap3A_411 : vector<1x16xi32> to vector<16xi32>
    %swap3A_413 = vector.shape_cast %add3A_407 : vector<16xi32> to vector<1x16xi32>
    tpu.vector_store %arg12[%swap3A_409, %swap3A_410], %swap3A_413 {strides = array<i32>} : memref<8x128xi32, #tpu.memory_space<vmem>>, vector<1x16xi32>,
    %rem3A_414 = arith.constant 1 : i32
    %rem3A_415 = arith.constant 4 : i32
    %rem3A_416 = arith.remsi %rem3A_414, %rem3A_415 : i32
    %dma_start3A_417 = arith.constant 1 : i32
    %dma_start3A_418 = arith.constant 0 : i32
    %dma_start3A_419 = arith.constant 0 : i32
    %dma_start3A_420 = tpu.memref_slice %arg13[%rem3A_416, %dma_start3A_418, %dma_start3A_419] : memref<4x128x16xf32, #tpu.memory_space<vmem>> -> memref<1x128x16xf32, #tpu.memory_space<vmem>>
    %dma_start3A_421 = tpu.memref_squeeze %dma_start3A_420 : memref<1x128x16xf32, #tpu.memory_space<vmem>> -> memref<128x16xf32, #tpu.memory_space<vmem>>
    %dma_start3A_422 = arith.constant 0 : i32
    %dma_start3A_423 = tpu.memref_slice %arg10[%dma_start3A_417, %dma_start3A_422] : memref<8x128xi32, #tpu.memory_space<vmem>> -> memref<1x128xi32, #tpu.memory_space<vmem>>
    %dma_start3A_424 = tpu.memref_squeeze %dma_start3A_423 : memref<1x128xi32, #tpu.memory_space<vmem>> -> memref<128xi32, #tpu.memory_space<vmem>>
    %dma_start3A_425 = arith.constant 0 : i32
    %dma_start3A_426 = arith.constant 0 : i32
    %dma_start3A_427 = tpu.memref_slice %arg2[%dma_start3A_425, %dma_start3A_426] : memref<10112x16xf32, #tpu.memory_space<hbm>> -> memref<10112x16xf32, #tpu.memory_space<hbm>>
    %dma_start3A_428 = tpu.memref_slice %arg21[%rem3A_416] : memref<4x!tpu.dma_semaphore, #tpu.memory_space<semaphore_mem>> -> memref<1x!tpu.dma_semaphore, #tpu.memory_space<semaphore_mem>>
    %dma_start3A_429 = tpu.memref_squeeze %dma_start3A_428 : memref<1x!tpu.dma_semaphore, #tpu.memory_space<semaphore_mem>> -> memref<!tpu.dma_semaphore, #tpu.memory_space<semaphore_mem>>
    tpu.enqueue_indirect_dma source(%dma_start3A_427 : memref<10112x16xf32, #tpu.memory_space<hbm>>) target(%dma_start3A_421 : memref<128x16xf32, #tpu.memory_space<vmem>>) offsets(%dma_start3A_424 : memref<128xi32, #tpu.memory_space<vmem>>) semaphore(%dma_start3A_429 : memref<!tpu.dma_semaphore, #tpu.memory_space<semaphore_mem>>)
    %dma_start3A_430 = arith.constant 1 : i32
    %dma_start3A_431 = arith.constant 0 : i32
    %dma_start3A_432 = arith.constant 0 : i32
    %dma_start3A_433 = tpu.memref_slice %arg14[%rem3A_416, %dma_start3A_431, %dma_start3A_432] : memref<4x128x16xf32, #tpu.memory_space<vmem>> -> memref<1x128x16xf32, #tpu.memory_space<vmem>>
    %dma_start3A_434 = tpu.memref_squeeze %dma_start3A_433 : memref<1x128x16xf32, #tpu.memory_space<vmem>> -> memref<128x16xf32, #tpu.memory_space<vmem>>
    %dma_start3A_435 = arith.constant 0 : i32
    %dma_start3A_436 = tpu.memref_slice %arg11[%dma_start3A_430, %dma_start3A_435] : memref<8x128xi32, #tpu.memory_space<vmem>> -> memref<1x128xi32, #tpu.memory_space<vmem>>
    %dma_start3A_437 = tpu.memref_squeeze %dma_start3A_436 : memref<1x128xi32, #tpu.memory_space<vmem>> -> memref<128xi32, #tpu.memory_space<vmem>>
    %dma_start3A_438 = arith.constant 0 : i32
    %dma_start3A_439 = arith.constant 0 : i32
    %dma_start3A_440 = tpu.memref_slice %arg2[%dma_start3A_438, %dma_start3A_439] : memref<10112x16xf32, #tpu.memory_space<hbm>> -> memref<10112x16xf32, #tpu.memory_space<hbm>>
    %dma_start3A_441 = tpu.memref_slice %arg21[%rem3A_416] : memref<4x!tpu.dma_semaphore, #tpu.memory_space<semaphore_mem>> -> memref<1x!tpu.dma_semaphore, #tpu.memory_space<semaphore_mem>>
    %dma_start3A_442 = tpu.memref_squeeze %dma_start3A_441 : memref<1x!tpu.dma_semaphore, #tpu.memory_space<semaphore_mem>> -> memref<!tpu.dma_semaphore, #tpu.memory_space<semaphore_mem>>
    tpu.enqueue_indirect_dma source(%dma_start3A_440 : memref<10112x16xf32, #tpu.memory_space<hbm>>) target(%dma_start3A_434 : memref<128x16xf32, #tpu.memory_space<vmem>>) offsets(%dma_start3A_437 : memref<128xi32, #tpu.memory_space<vmem>>) semaphore(%dma_start3A_442 : memref<!tpu.dma_semaphore, #tpu.memory_space<semaphore_mem>>)
    %dma_start3A_443 = arith.constant 1 : i32
    %dma_start3A_444 = arith.constant 0 : i32
    %dma_start3A_445 = arith.constant 0 : i32
    %dma_start3A_446 = tpu.memref_slice %arg15[%rem3A_416, %dma_start3A_444, %dma_start3A_445] : memref<4x128x32xi32, #tpu.memory_space<vmem>> -> memref<1x128x32xi32, #tpu.memory_space<vmem>>
    %dma_start3A_447 = tpu.memref_squeeze %dma_start3A_446 : memref<1x128x32xi32, #tpu.memory_space<vmem>> -> memref<128x32xi32, #tpu.memory_space<vmem>>
    %dma_start3A_448 = arith.constant 0 : i32
    %dma_start3A_449 = tpu.memref_slice %arg12[%dma_start3A_443, %dma_start3A_448] : memref<8x128xi32, #tpu.memory_space<vmem>> -> memref<1x128xi32, #tpu.memory_space<vmem>>
    %dma_start3A_450 = tpu.memref_squeeze %dma_start3A_449 : memref<1x128xi32, #tpu.memory_space<vmem>> -> memref<128xi32, #tpu.memory_space<vmem>>
    %dma_start3A_451 = arith.constant 0 : i32
    %dma_start3A_452 = arith.constant 0 : i32
    %dma_start3A_453 = tpu.memref_slice %arg3[%dma_start3A_451, %dma_start3A_452] : memref<20224x32xi32, #tpu.memory_space<hbm>> -> memref<20224x32xi32, #tpu.memory_space<hbm>>
    %dma_start3A_454 = tpu.memref_slice %arg21[%rem3A_416] : memref<4x!tpu.dma_semaphore, #tpu.memory_space<semaphore_mem>> -> memref<1x!tpu.dma_semaphore, #tpu.memory_space<semaphore_mem>>
    %dma_start3A_455 = tpu.memref_squeeze %dma_start3A_454 : memref<1x!tpu.dma_semaphore, #tpu.memory_space<semaphore_mem>> -> memref<!tpu.dma_semaphore, #tpu.memory_space<semaphore_mem>>
    tpu.enqueue_indirect_dma source(%dma_start3A_453 : memref<20224x32xi32, #tpu.memory_space<hbm>>) target(%dma_start3A_447 : memref<128x32xi32, #tpu.memory_space<vmem>>) offsets(%dma_start3A_450 : memref<128xi32, #tpu.memory_space<vmem>>) semaphore(%dma_start3A_455 : memref<!tpu.dma_semaphore, #tpu.memory_space<semaphore_mem>>)
    %add3A_456 = arith.constant 256 : i32
    %add3A_457 = arith.addi %mul3A_10, %add3A_456 : i32
    %dma_wait3A_458 = arith.constant 2 : i32
    %dma_wait3A_459 = arith.constant 2 : i32
    %dma_wait3A_460 = arith.constant 0 : i32
    %dma_wait3A_461 = tpu.memref_slice %arg10[%dma_wait3A_458, %dma_wait3A_460] : memref<8x128xi32, #tpu.memory_space<vmem>> -> memref<1x128xi32, #tpu.memory_space<vmem>>
    %dma_wait3A_462 = tpu.memref_squeeze %dma_wait3A_461 : memref<1x128xi32, #tpu.memory_space<vmem>> -> memref<128xi32, #tpu.memory_space<vmem>>
    %dma_wait3A_463 = tpu.memref_slice %arg4[%add3A_457] : memref<321536xi32, #tpu.memory_space<hbm>> -> memref<128xi32, #tpu.memory_space<hbm>>
    %dma_wait3A_464 = tpu.memref_slice %arg20[%dma_wait3A_459] : memref<8x!tpu.dma_semaphore, #tpu.memory_space<semaphore_mem>> -> memref<1x!tpu.dma_semaphore, #tpu.memory_space<semaphore_mem>>
    %dma_wait3A_465 = tpu.memref_squeeze %dma_wait3A_464 : memref<1x!tpu.dma_semaphore, #tpu.memory_space<semaphore_mem>> -> memref<!tpu.dma_semaphore, #tpu.memory_space<semaphore_mem>>
    %dma_wait3A_466 = arith.constant 0 : i32
    %dma_wait3A_467 = tpu.memref_slice %arg10[%dma_wait3A_458, %dma_wait3A_466] : memref<8x128xi32, #tpu.memory_space<vmem>> -> memref<1x128xi32, #tpu.memory_space<vmem>>
    %dma_wait3A_468 = tpu.memref_squeeze %dma_wait3A_467 : memref<1x128xi32, #tpu.memory_space<vmem>> -> memref<128xi32, #tpu.memory_space<vmem>>
    %dma_wait3A_469 = tpu.memref_slice %arg4[%add3A_457] : memref<321536xi32, #tpu.memory_space<hbm>> -> memref<128xi32, #tpu.memory_space<hbm>>
    tpu.wait_dma2 semaphore(%dma_wait3A_465 : memref<!tpu.dma_semaphore, #tpu.memory_space<semaphore_mem>>) src(%dma_wait3A_469 : memref<128xi32, #tpu.memory_space<hbm>>) dst(%dma_wait3A_468 : memref<128xi32, #tpu.memory_space<vmem>>)
    %dma_wait3A_470 = arith.constant 2 : i32
    %dma_wait3A_471 = arith.constant 2 : i32
    %dma_wait3A_472 = arith.constant 0 : i32
    %dma_wait3A_473 = tpu.memref_slice %arg11[%dma_wait3A_470, %dma_wait3A_472] : memref<8x128xi32, #tpu.memory_space<vmem>> -> memref<1x128xi32, #tpu.memory_space<vmem>>
    %dma_wait3A_474 = tpu.memref_squeeze %dma_wait3A_473 : memref<1x128xi32, #tpu.memory_space<vmem>> -> memref<128xi32, #tpu.memory_space<vmem>>
    %dma_wait3A_475 = tpu.memref_slice %arg5[%add3A_457] : memref<321536xi32, #tpu.memory_space<hbm>> -> memref<128xi32, #tpu.memory_space<hbm>>
    %dma_wait3A_476 = tpu.memref_slice %arg20[%dma_wait3A_471] : memref<8x!tpu.dma_semaphore, #tpu.memory_space<semaphore_mem>> -> memref<1x!tpu.dma_semaphore, #tpu.memory_space<semaphore_mem>>
    %dma_wait3A_477 = tpu.memref_squeeze %dma_wait3A_476 : memref<1x!tpu.dma_semaphore, #tpu.memory_space<semaphore_mem>> -> memref<!tpu.dma_semaphore, #tpu.memory_space<semaphore_mem>>
    %dma_wait3A_478 = arith.constant 0 : i32
    %dma_wait3A_479 = tpu.memref_slice %arg11[%dma_wait3A_470, %dma_wait3A_478] : memref<8x128xi32, #tpu.memory_space<vmem>> -> memref<1x128xi32, #tpu.memory_space<vmem>>
    %dma_wait3A_480 = tpu.memref_squeeze %dma_wait3A_479 : memref<1x128xi32, #tpu.memory_space<vmem>> -> memref<128xi32, #tpu.memory_space<vmem>>
    %dma_wait3A_481 = tpu.memref_slice %arg5[%add3A_457] : memref<321536xi32, #tpu.memory_space<hbm>> -> memref<128xi32, #tpu.memory_space<hbm>>
    tpu.wait_dma2 semaphore(%dma_wait3A_477 : memref<!tpu.dma_semaphore, #tpu.memory_space<semaphore_mem>>) src(%dma_wait3A_481 : memref<128xi32, #tpu.memory_space<hbm>>) dst(%dma_wait3A_480 : memref<128xi32, #tpu.memory_space<vmem>>)
    %get3A_482 = arith.constant 2 : i32
    %get3A_483 = arith.index_cast %get3A_482 : i32 to index
    %get3A_484 = arith.constant 0 : index
    %get3A_485 = tpu.vector_load %arg10[%get3A_483, %get3A_484] {strides = array<i32>} : memref<8x128xi32, #tpu.memory_space<vmem>>, vector<1x16xi32>,
    %get3A_486 = vector.shape_cast %get3A_485 : vector<1x16xi32> to vector<16xi32>
    %add3A_487 = vector.broadcast %mul3A_12 : i32 to vector<16xi32>
    %add3A_488 = arith.addi %get3A_486, %add3A_487 : vector<16xi32>
    %swap3A_489 = arith.constant 2 : i32
    %swap3A_490 = arith.index_cast %swap3A_489 : i32 to index
    %swap3A_491 = arith.constant 0 : index
    %swap3A_492 = tpu.vector_load %arg12[%swap3A_490, %swap3A_491] {strides = array<i32>} : memref<8x128xi32, #tpu.memory_space<vmem>>, vector<1x16xi32>,
    %swap3A_493 = vector.shape_cast %swap3A_492 : vector<1x16xi32> to vector<16xi32>
    %swap3A_494 = vector.shape_cast %add3A_488 : vector<16xi32> to vector<1x16xi32>
    tpu.vector_store %arg12[%swap3A_490, %swap3A_491], %swap3A_494 {strides = array<i32>} : memref<8x128xi32, #tpu.memory_space<vmem>>, vector<1x16xi32>,
    %get3A_495 = arith.constant 2 : i32
    %get3A_496 = arith.index_cast %get3A_495 : i32 to index
    %get3A_497 = arith.constant 16 : index
    %get3A_498 = tpu.vector_load %arg10[%get3A_496, %get3A_497] {strides = array<i32>} : memref<8x128xi32, #tpu.memory_space<vmem>>, vector<1x16xi32>,
    %get3A_499 = vector.shape_cast %get3A_498 : vector<1x16xi32> to vector<16xi32>
    %add3A_500 = vector.broadcast %mul3A_12 : i32 to vector<16xi32>
    %add3A_501 = arith.addi %get3A_499, %add3A_500 : vector<16xi32>
    %swap3A_502 = arith.constant 2 : i32
    %swap3A_503 = arith.index_cast %swap3A_502 : i32 to index
    %swap3A_504 = arith.constant 16 : index
    %swap3A_505 = tpu.vector_load %arg12[%swap3A_503, %swap3A_504] {strides = array<i32>} : memref<8x128xi32, #tpu.memory_space<vmem>>, vector<1x16xi32>,
    %swap3A_506 = vector.shape_cast %swap3A_505 : vector<1x16xi32> to vector<16xi32>
    %swap3A_507 = vector.shape_cast %add3A_501 : vector<16xi32> to vector<1x16xi32>
    tpu.vector_store %arg12[%swap3A_503, %swap3A_504], %swap3A_507 {strides = array<i32>} : memref<8x128xi32, #tpu.memory_space<vmem>>, vector<1x16xi32>,
    %get3A_508 = arith.constant 2 : i32
    %get3A_509 = arith.index_cast %get3A_508 : i32 to index
    %get3A_510 = arith.constant 32 : index
    %get3A_511 = tpu.vector_load %arg10[%get3A_509, %get3A_510] {strides = array<i32>} : memref<8x128xi32, #tpu.memory_space<vmem>>, vector<1x16xi32>,
    %get3A_512 = vector.shape_cast %get3A_511 : vector<1x16xi32> to vector<16xi32>
    %add3A_513 = vector.broadcast %mul3A_12 : i32 to vector<16xi32>
    %add3A_514 = arith.addi %get3A_512, %add3A_513 : vector<16xi32>
    %swap3A_515 = arith.constant 2 : i32
    %swap3A_516 = arith.index_cast %swap3A_515 : i32 to index
    %swap3A_517 = arith.constant 32 : index
    %swap3A_518 = tpu.vector_load %arg12[%swap3A_516, %swap3A_517] {strides = array<i32>} : memref<8x128xi32, #tpu.memory_space<vmem>>, vector<1x16xi32>,
    %swap3A_519 = vector.shape_cast %swap3A_518 : vector<1x16xi32> to vector<16xi32>
    %swap3A_520 = vector.shape_cast %add3A_514 : vector<16xi32> to vector<1x16xi32>
    tpu.vector_store %arg12[%swap3A_516, %swap3A_517], %swap3A_520 {strides = array<i32>} : memref<8x128xi32, #tpu.memory_space<vmem>>, vector<1x16xi32>,
    %get3A_521 = arith.constant 2 : i32
    %get3A_522 = arith.index_cast %get3A_521 : i32 to index
    %get3A_523 = arith.constant 48 : index
    %get3A_524 = tpu.vector_load %arg10[%get3A_522, %get3A_523] {strides = array<i32>} : memref<8x128xi32, #tpu.memory_space<vmem>>, vector<1x16xi32>,
    %get3A_525 = vector.shape_cast %get3A_524 : vector<1x16xi32> to vector<16xi32>
    %add3A_526 = vector.broadcast %mul3A_12 : i32 to vector<16xi32>
    %add3A_527 = arith.addi %get3A_525, %add3A_526 : vector<16xi32>
    %swap3A_528 = arith.constant 2 : i32
    %swap3A_529 = arith.index_cast %swap3A_528 : i32 to index
    %swap3A_530 = arith.constant 48 : index
    %swap3A_531 = tpu.vector_load %arg12[%swap3A_529, %swap3A_530] {strides = array<i32>} : memref<8x128xi32, #tpu.memory_space<vmem>>, vector<1x16xi32>,
    %swap3A_532 = vector.shape_cast %swap3A_531 : vector<1x16xi32> to vector<16xi32>
    %swap3A_533 = vector.shape_cast %add3A_527 : vector<16xi32> to vector<1x16xi32>
    tpu.vector_store %arg12[%swap3A_529, %swap3A_530], %swap3A_533 {strides = array<i32>} : memref<8x128xi32, #tpu.memory_space<vmem>>, vector<1x16xi32>,
    %get3A_534 = arith.constant 2 : i32
    %get3A_535 = arith.index_cast %get3A_534 : i32 to index
    %get3A_536 = arith.constant 64 : index
    %get3A_537 = tpu.vector_load %arg10[%get3A_535, %get3A_536] {strides = array<i32>} : memref<8x128xi32, #tpu.memory_space<vmem>>, vector<1x16xi32>,
    %get3A_538 = vector.shape_cast %get3A_537 : vector<1x16xi32> to vector<16xi32>
    %add3A_539 = vector.broadcast %mul3A_12 : i32 to vector<16xi32>
    %add3A_540 = arith.addi %get3A_538, %add3A_539 : vector<16xi32>
    %swap3A_541 = arith.constant 2 : i32
    %swap3A_542 = arith.index_cast %swap3A_541 : i32 to index
    %swap3A_543 = arith.constant 64 : index
    %swap3A_544 = tpu.vector_load %arg12[%swap3A_542, %swap3A_543] {strides = array<i32>} : memref<8x128xi32, #tpu.memory_space<vmem>>, vector<1x16xi32>,
    %swap3A_545 = vector.shape_cast %swap3A_544 : vector<1x16xi32> to vector<16xi32>
    %swap3A_546 = vector.shape_cast %add3A_540 : vector<16xi32> to vector<1x16xi32>
    tpu.vector_store %arg12[%swap3A_542, %swap3A_543], %swap3A_546 {strides = array<i32>} : memref<8x128xi32, #tpu.memory_space<vmem>>, vector<1x16xi32>,
    %get3A_547 = arith.constant 2 : i32
    %get3A_548 = arith.index_cast %get3A_547 : i32 to index
    %get3A_549 = arith.constant 80 : index
    %get3A_550 = tpu.vector_load %arg10[%get3A_548, %get3A_549] {strides = array<i32>} : memref<8x128xi32, #tpu.memory_space<vmem>>, vector<1x16xi32>,
    %get3A_551 = vector.shape_cast %get3A_550 : vector<1x16xi32> to vector<16xi32>
    %add3A_552 = vector.broadcast %mul3A_12 : i32 to vector<16xi32>
    %add3A_553 = arith.addi %get3A_551, %add3A_552 : vector<16xi32>
    %swap3A_554 = arith.constant 2 : i32
    %swap3A_555 = arith.index_cast %swap3A_554 : i32 to index
    %swap3A_556 = arith.constant 80 : index
    %swap3A_557 = tpu.vector_load %arg12[%swap3A_555, %swap3A_556] {strides = array<i32>} : memref<8x128xi32, #tpu.memory_space<vmem>>, vector<1x16xi32>,
    %swap3A_558 = vector.shape_cast %swap3A_557 : vector<1x16xi32> to vector<16xi32>
    %swap3A_559 = vector.shape_cast %add3A_553 : vector<16xi32> to vector<1x16xi32>
    tpu.vector_store %arg12[%swap3A_555, %swap3A_556], %swap3A_559 {strides = array<i32>} : memref<8x128xi32, #tpu.memory_space<vmem>>, vector<1x16xi32>,
    %get3A_560 = arith.constant 2 : i32
    %get3A_561 = arith.index_cast %get3A_560 : i32 to index
    %get3A_562 = arith.constant 96 : index
    %get3A_563 = tpu.vector_load %arg10[%get3A_561, %get3A_562] {strides = array<i32>} : memref<8x128xi32, #tpu.memory_space<vmem>>, vector<1x16xi32>,
    %get3A_564 = vector.shape_cast %get3A_563 : vector<1x16xi32> to vector<16xi32>
    %add3A_565 = vector.broadcast %mul3A_12 : i32 to vector<16xi32>
    %add3A_566 = arith.addi %get3A_564, %add3A_565 : vector<16xi32>
    %swap3A_567 = arith.constant 2 : i32
    %swap3A_568 = arith.index_cast %swap3A_567 : i32 to index
    %swap3A_569 = arith.constant 96 : index
    %swap3A_570 = tpu.vector_load %arg12[%swap3A_568, %swap3A_569] {strides = array<i32>} : memref<8x128xi32, #tpu.memory_space<vmem>>, vector<1x16xi32>,
    %swap3A_571 = vector.shape_cast %swap3A_570 : vector<1x16xi32> to vector<16xi32>
    %swap3A_572 = vector.shape_cast %add3A_566 : vector<16xi32> to vector<1x16xi32>
    tpu.vector_store %arg12[%swap3A_568, %swap3A_569], %swap3A_572 {strides = array<i32>} : memref<8x128xi32, #tpu.memory_space<vmem>>, vector<1x16xi32>,
    %get3A_573 = arith.constant 2 : i32
    %get3A_574 = arith.index_cast %get3A_573 : i32 to index
    %get3A_575 = arith.constant 112 : index
    %get3A_576 = tpu.vector_load %arg10[%get3A_574, %get3A_575] {strides = array<i32>} : memref<8x128xi32, #tpu.memory_space<vmem>>, vector<1x16xi32>,
    %get3A_577 = vector.shape_cast %get3A_576 : vector<1x16xi32> to vector<16xi32>
    %add3A_578 = vector.broadcast %mul3A_12 : i32 to vector<16xi32>
    %add3A_579 = arith.addi %get3A_577, %add3A_578 : vector<16xi32>
    %swap3A_580 = arith.constant 2 : i32
    %swap3A_581 = arith.index_cast %swap3A_580 : i32 to index
    %swap3A_582 = arith.constant 112 : index
    %swap3A_583 = tpu.vector_load %arg12[%swap3A_581, %swap3A_582] {strides = array<i32>} : memref<8x128xi32, #tpu.memory_space<vmem>>, vector<1x16xi32>,
    %swap3A_584 = vector.shape_cast %swap3A_583 : vector<1x16xi32> to vector<16xi32>
    %swap3A_585 = vector.shape_cast %add3A_579 : vector<16xi32> to vector<1x16xi32>
    tpu.vector_store %arg12[%swap3A_581, %swap3A_582], %swap3A_585 {strides = array<i32>} : memref<8x128xi32, #tpu.memory_space<vmem>>, vector<1x16xi32>,
    %rem3A_586 = arith.constant 2 : i32
    %rem3A_587 = arith.constant 4 : i32
    %rem3A_588 = arith.remsi %rem3A_586, %rem3A_587 : i32
    %dma_start3A_589 = arith.constant 2 : i32
    %dma_start3A_590 = arith.constant 0 : i32
    %dma_start3A_591 = arith.constant 0 : i32
    %dma_start3A_592 = tpu.memref_slice %arg13[%rem3A_588, %dma_start3A_590, %dma_start3A_591] : memref<4x128x16xf32, #tpu.memory_space<vmem>> -> memref<1x128x16xf32, #tpu.memory_space<vmem>>
    %dma_start3A_593 = tpu.memref_squeeze %dma_start3A_592 : memref<1x128x16xf32, #tpu.memory_space<vmem>> -> memref<128x16xf32, #tpu.memory_space<vmem>>
    %dma_start3A_594 = arith.constant 0 : i32
    %dma_start3A_595 = tpu.memref_slice %arg10[%dma_start3A_589, %dma_start3A_594] : memref<8x128xi32, #tpu.memory_space<vmem>> -> memref<1x128xi32, #tpu.memory_space<vmem>>
    %dma_start3A_596 = tpu.memref_squeeze %dma_start3A_595 : memref<1x128xi32, #tpu.memory_space<vmem>> -> memref<128xi32, #tpu.memory_space<vmem>>
    %dma_start3A_597 = arith.constant 0 : i32
    %dma_start3A_598 = arith.constant 0 : i32
    %dma_start3A_599 = tpu.memref_slice %arg2[%dma_start3A_597, %dma_start3A_598] : memref<10112x16xf32, #tpu.memory_space<hbm>> -> memref<10112x16xf32, #tpu.memory_space<hbm>>
    %dma_start3A_600 = tpu.memref_slice %arg21[%rem3A_588] : memref<4x!tpu.dma_semaphore, #tpu.memory_space<semaphore_mem>> -> memref<1x!tpu.dma_semaphore, #tpu.memory_space<semaphore_mem>>
    %dma_start3A_601 = tpu.memref_squeeze %dma_start3A_600 : memref<1x!tpu.dma_semaphore, #tpu.memory_space<semaphore_mem>> -> memref<!tpu.dma_semaphore, #tpu.memory_space<semaphore_mem>>
    tpu.enqueue_indirect_dma source(%dma_start3A_599 : memref<10112x16xf32, #tpu.memory_space<hbm>>) target(%dma_start3A_593 : memref<128x16xf32, #tpu.memory_space<vmem>>) offsets(%dma_start3A_596 : memref<128xi32, #tpu.memory_space<vmem>>) semaphore(%dma_start3A_601 : memref<!tpu.dma_semaphore, #tpu.memory_space<semaphore_mem>>)
    %dma_start3A_602 = arith.constant 2 : i32
    %dma_start3A_603 = arith.constant 0 : i32
    %dma_start3A_604 = arith.constant 0 : i32
    %dma_start3A_605 = tpu.memref_slice %arg14[%rem3A_588, %dma_start3A_603, %dma_start3A_604] : memref<4x128x16xf32, #tpu.memory_space<vmem>> -> memref<1x128x16xf32, #tpu.memory_space<vmem>>
    %dma_start3A_606 = tpu.memref_squeeze %dma_start3A_605 : memref<1x128x16xf32, #tpu.memory_space<vmem>> -> memref<128x16xf32, #tpu.memory_space<vmem>>
    %dma_start3A_607 = arith.constant 0 : i32
    %dma_start3A_608 = tpu.memref_slice %arg11[%dma_start3A_602, %dma_start3A_607] : memref<8x128xi32, #tpu.memory_space<vmem>> -> memref<1x128xi32, #tpu.memory_space<vmem>>
    %dma_start3A_609 = tpu.memref_squeeze %dma_start3A_608 : memref<1x128xi32, #tpu.memory_space<vmem>> -> memref<128xi32, #tpu.memory_space<vmem>>
    %dma_start3A_610 = arith.constant 0 : i32
    %dma_start3A_611 = arith.constant 0 : i32
    %dma_start3A_612 = tpu.memref_slice %arg2[%dma_start3A_610, %dma_start3A_611] : memref<10112x16xf32, #tpu.memory_space<hbm>> -> memref<10112x16xf32, #tpu.memory_space<hbm>>
    %dma_start3A_613 = tpu.memref_slice %arg21[%rem3A_588] : memref<4x!tpu.dma_semaphore, #tpu.memory_space<semaphore_mem>> -> memref<1x!tpu.dma_semaphore, #tpu.memory_space<semaphore_mem>>
    %dma_start3A_614 = tpu.memref_squeeze %dma_start3A_613 : memref<1x!tpu.dma_semaphore, #tpu.memory_space<semaphore_mem>> -> memref<!tpu.dma_semaphore, #tpu.memory_space<semaphore_mem>>
    tpu.enqueue_indirect_dma source(%dma_start3A_612 : memref<10112x16xf32, #tpu.memory_space<hbm>>) target(%dma_start3A_606 : memref<128x16xf32, #tpu.memory_space<vmem>>) offsets(%dma_start3A_609 : memref<128xi32, #tpu.memory_space<vmem>>) semaphore(%dma_start3A_614 : memref<!tpu.dma_semaphore, #tpu.memory_space<semaphore_mem>>)
    %dma_start3A_615 = arith.constant 2 : i32
    %dma_start3A_616 = arith.constant 0 : i32
    %dma_start3A_617 = arith.constant 0 : i32
    %dma_start3A_618 = tpu.memref_slice %arg15[%rem3A_588, %dma_start3A_616, %dma_start3A_617] : memref<4x128x32xi32, #tpu.memory_space<vmem>> -> memref<1x128x32xi32, #tpu.memory_space<vmem>>
    %dma_start3A_619 = tpu.memref_squeeze %dma_start3A_618 : memref<1x128x32xi32, #tpu.memory_space<vmem>> -> memref<128x32xi32, #tpu.memory_space<vmem>>
    %dma_start3A_620 = arith.constant 0 : i32
    %dma_start3A_621 = tpu.memref_slice %arg12[%dma_start3A_615, %dma_start3A_620] : memref<8x128xi32, #tpu.memory_space<vmem>> -> memref<1x128xi32, #tpu.memory_space<vmem>>
    %dma_start3A_622 = tpu.memref_squeeze %dma_start3A_621 : memref<1x128xi32, #tpu.memory_space<vmem>> -> memref<128xi32, #tpu.memory_space<vmem>>
    %dma_start3A_623 = arith.constant 0 : i32
    %dma_start3A_624 = arith.constant 0 : i32
    %dma_start3A_625 = tpu.memref_slice %arg3[%dma_start3A_623, %dma_start3A_624] : memref<20224x32xi32, #tpu.memory_space<hbm>> -> memref<20224x32xi32, #tpu.memory_space<hbm>>
    %dma_start3A_626 = tpu.memref_slice %arg21[%rem3A_588] : memref<4x!tpu.dma_semaphore, #tpu.memory_space<semaphore_mem>> -> memref<1x!tpu.dma_semaphore, #tpu.memory_space<semaphore_mem>>
    %dma_start3A_627 = tpu.memref_squeeze %dma_start3A_626 : memref<1x!tpu.dma_semaphore, #tpu.memory_space<semaphore_mem>> -> memref<!tpu.dma_semaphore, #tpu.memory_space<semaphore_mem>>
    tpu.enqueue_indirect_dma source(%dma_start3A_625 : memref<20224x32xi32, #tpu.memory_space<hbm>>) target(%dma_start3A_619 : memref<128x32xi32, #tpu.memory_space<vmem>>) offsets(%dma_start3A_622 : memref<128xi32, #tpu.memory_space<vmem>>) semaphore(%dma_start3A_627 : memref<!tpu.dma_semaphore, #tpu.memory_space<semaphore_mem>>)
    %scan3A = arith.constant 0 : i32
    %scan3A_628 = arith.constant 0 : i32
    %scan3A_629 = arith.constant 157 : i32
    %scan3A_630 = arith.addi %scan3A_628, %scan3A_629 : i32
    %scan3A_631 = arith.constant 1 : i32
    scf.for %scan3A_680 = %scan3A_628 to %scan3A_630 step %scan3A_631  : i32 {
      %rem3A_681 = arith.constant 2 : i32
      %rem3A_682 = arith.remsi %scan3A_680, %rem3A_681 : i32
      %rem3A_683 = arith.constant 4 : i32
      %rem3A_684 = arith.remsi %scan3A_680, %rem3A_683 : i32
      %rem3A_685 = arith.constant 8 : i32
      %rem3A_686 = arith.remsi %scan3A_680, %rem3A_685 : i32
      %ge3A = arith.constant 2 : i32
      %ge3A_687 = arith.cmpi sge, %scan3A_680, %ge3A : i32
      %convert_element_type3A_688 = arith.extui %ge3A_687 : i1 to i32
      %cond3A_689 = arith.constant 0 : i32
      %cond3A_690 = arith.cmpi ne, %convert_element_type3A_688, %cond3A_689 : i32
      scf.if %cond3A_690 {
        %add3A_761 = arith.constant 6 : i32
        %add3A_762 = arith.addi %scan3A_680, %add3A_761 : i32
        %rem3A_763 = arith.constant 8 : i32
        %rem3A_764 = arith.remsi %add3A_762, %rem3A_763 : i32
        %dma_wait3A_765 = arith.constant 0 : i32
        %dma_wait3A_766 = arith.constant 0 : i32
        %dma_wait3A_767 = tpu.memref_slice %arg17[%rem3A_682, %dma_wait3A_765, %dma_wait3A_766] : memref<2x128x64xf32, #tpu.memory_space<vmem>> -> memref<1x128x64xf32, #tpu.memory_space<vmem>>
        %dma_wait3A_768 = tpu.memref_squeeze %dma_wait3A_767 : memref<1x128x64xf32, #tpu.memory_space<vmem>> -> memref<128x64xf32, #tpu.memory_space<vmem>>
        %dma_wait3A_769 = arith.constant 0 : i32
        %dma_wait3A_770 = tpu.memref_slice %arg11[%rem3A_764, %dma_wait3A_769] : memref<8x128xi32, #tpu.memory_space<vmem>> -> memref<1x128xi32, #tpu.memory_space<vmem>>
        %dma_wait3A_771 = tpu.memref_squeeze %dma_wait3A_770 : memref<1x128xi32, #tpu.memory_space<vmem>> -> memref<128xi32, #tpu.memory_space<vmem>>
        %dma_wait3A_772 = arith.constant 0 : i32
        %dma_wait3A_773 = arith.constant 0 : i32
        %dma_wait3A_774 = tpu.memref_slice %arg18[%dma_wait3A_772, %dma_wait3A_773] : memref<10112x64xf32, #tpu.memory_space<vmem_shared>> -> memref<10112x64xf32, #tpu.memory_space<vmem_shared>>
        %dma_wait3A_775 = tpu.memref_slice %arg22[%rem3A_682] : memref<2x!tpu.dma_semaphore, #tpu.memory_space<semaphore_mem>> -> memref<1x!tpu.dma_semaphore, #tpu.memory_space<semaphore_mem>>
        %dma_wait3A_776 = tpu.memref_squeeze %dma_wait3A_775 : memref<1x!tpu.dma_semaphore, #tpu.memory_space<semaphore_mem>> -> memref<!tpu.dma_semaphore, #tpu.memory_space<semaphore_mem>>
        tpu.wait_indirect_dma semaphore(%dma_wait3A_776 : memref<!tpu.dma_semaphore, #tpu.memory_space<semaphore_mem>>) src(%dma_wait3A_768 : memref<128x64xf32, #tpu.memory_space<vmem>>) dst(%dma_wait3A_774 : memref<10112x64xf32, #tpu.memory_space<vmem_shared>>)
        %eq3A_777 = arith.constant 0 : i32
        %eq3A_778 = arith.cmpi eq, %arg0, %eq3A_777 : i32
        %convert_element_type3A_779 = arith.extui %eq3A_778 : i1 to i32
        %cond3A_780 = arith.constant 0 : i32
        %cond3A_781 = arith.cmpi ne, %convert_element_type3A_779, %cond3A_780 : i32
        scf.if %cond3A_781 {
          %add3A_782 = arith.constant 6 : i32
          %add3A_783 = arith.addi %scan3A_680, %add3A_782 : i32
          %rem3A_784 = arith.constant 8 : i32
          %rem3A_785 = arith.remsi %add3A_783, %rem3A_784 : i32
          %dma_wait3A_786 = arith.constant 0 : i32
          %dma_wait3A_787 = arith.constant 0 : i32
          %dma_wait3A_788 = tpu.memref_slice %arg16[%rem3A_682, %dma_wait3A_786, %dma_wait3A_787] : memref<2x128x16xf32, #tpu.memory_space<vmem>> -> memref<1x128x16xf32, #tpu.memory_space<vmem>>
          %dma_wait3A_789 = tpu.memref_squeeze %dma_wait3A_788 : memref<1x128x16xf32, #tpu.memory_space<vmem>> -> memref<128x16xf32, #tpu.memory_space<vmem>>
          %dma_wait3A_790 = arith.constant 0 : i32
          %dma_wait3A_791 = tpu.memref_slice %arg11[%rem3A_785, %dma_wait3A_790] : memref<8x128xi32, #tpu.memory_space<vmem>> -> memref<1x128xi32, #tpu.memory_space<vmem>>
          %dma_wait3A_792 = tpu.memref_squeeze %dma_wait3A_791 : memref<1x128xi32, #tpu.memory_space<vmem>> -> memref<128xi32, #tpu.memory_space<vmem>>
          %dma_wait3A_793 = arith.constant 0 : i32
          %dma_wait3A_794 = arith.constant 0 : i32
          %dma_wait3A_795 = tpu.memref_slice %arg19[%dma_wait3A_793, %dma_wait3A_794] : memref<10112x16xf32, #tpu.memory_space<vmem_shared>> -> memref<10112x16xf32, #tpu.memory_space<vmem_shared>>
          %dma_wait3A_796 = tpu.memref_slice %arg23[%rem3A_682] : memref<2x!tpu.dma_semaphore, #tpu.memory_space<semaphore_mem>> -> memref<1x!tpu.dma_semaphore, #tpu.memory_space<semaphore_mem>>
          %dma_wait3A_797 = tpu.memref_squeeze %dma_wait3A_796 : memref<1x!tpu.dma_semaphore, #tpu.memory_space<semaphore_mem>> -> memref<!tpu.dma_semaphore, #tpu.memory_space<semaphore_mem>>
          tpu.wait_indirect_dma semaphore(%dma_wait3A_797 : memref<!tpu.dma_semaphore, #tpu.memory_space<semaphore_mem>>) src(%dma_wait3A_789 : memref<128x16xf32, #tpu.memory_space<vmem>>) dst(%dma_wait3A_795 : memref<10112x16xf32, #tpu.memory_space<vmem_shared>>)
        } else {
        }
      } else {
      }
      %add3A_691 = arith.constant 4 : i32
      %add3A_692 = arith.addi %scan3A_680, %add3A_691 : i32
      %lt3A = arith.constant 157 : i32
      %lt3A_693 = arith.cmpi slt, %add3A_692, %lt3A : i32
      %convert_element_type3A_694 = arith.extui %lt3A_693 : i1 to i32
      %cond3A_695 = arith.constant 0 : i32
      %cond3A_696 = arith.cmpi ne, %convert_element_type3A_694, %cond3A_695 : i32
      scf.if %cond3A_696 {
        %add3A_761 = arith.constant 4 : i32
        %add3A_762 = arith.addi %scan3A_680, %add3A_761 : i32
        %add3A_763 = arith.constant 4 : i32
        %add3A_764 = arith.addi %scan3A_680, %add3A_763 : i32
        %rem3A_765 = arith.constant 8 : i32
        %rem3A_766 = arith.remsi %add3A_764, %rem3A_765 : i32
        %mul3A_767 = arith.constant 128 : i32
        %mul3A_768 = arith.muli %add3A_762, %mul3A_767 : i32
        %add3A_769 = arith.addi %mul3A_10, %mul3A_768 : i32
        %dma_start3A_770 = arith.constant 0 : i32
        %dma_start3A_771 = tpu.memref_slice %arg10[%rem3A_766, %dma_start3A_770] : memref<8x128xi32, #tpu.memory_space<vmem>> -> memref<1x128xi32, #tpu.memory_space<vmem>>
        %dma_start3A_772 = tpu.memref_squeeze %dma_start3A_771 : memref<1x128xi32, #tpu.memory_space<vmem>> -> memref<128xi32, #tpu.memory_space<vmem>>
        %dma_start3A_773 = tpu.memref_slice %arg4[%add3A_769] : memref<321536xi32, #tpu.memory_space<hbm>> -> memref<128xi32, #tpu.memory_space<hbm>>
        %dma_start3A_774 = tpu.memref_slice %arg20[%rem3A_766] : memref<8x!tpu.dma_semaphore, #tpu.memory_space<semaphore_mem>> -> memref<1x!tpu.dma_semaphore, #tpu.memory_space<semaphore_mem>>
        %dma_start3A_775 = tpu.memref_squeeze %dma_start3A_774 : memref<1x!tpu.dma_semaphore, #tpu.memory_space<semaphore_mem>> -> memref<!tpu.dma_semaphore, #tpu.memory_space<semaphore_mem>>
        %dma_start3A_776 = arith.constant 0 : i32
        %dma_start3A_777 = tpu.memref_slice %arg10[%rem3A_766, %dma_start3A_776] : memref<8x128xi32, #tpu.memory_space<vmem>> -> memref<1x128xi32, #tpu.memory_space<vmem>>
        %dma_start3A_778 = tpu.memref_squeeze %dma_start3A_777 : memref<1x128xi32, #tpu.memory_space<vmem>> -> memref<128xi32, #tpu.memory_space<vmem>>
        %dma_start3A_779 = tpu.memref_slice %arg4[%add3A_769] : memref<321536xi32, #tpu.memory_space<hbm>> -> memref<128xi32, #tpu.memory_space<hbm>>
        tpu.enqueue_dma source(%dma_start3A_779 : memref<128xi32, #tpu.memory_space<hbm>>) target(%dma_start3A_778 : memref<128xi32, #tpu.memory_space<vmem>>) target_semaphore(%dma_start3A_775 : memref<!tpu.dma_semaphore, #tpu.memory_space<semaphore_mem>>)
        %dma_start3A_780 = arith.constant 0 : i32
        %dma_start3A_781 = tpu.memref_slice %arg11[%rem3A_766, %dma_start3A_780] : memref<8x128xi32, #tpu.memory_space<vmem>> -> memref<1x128xi32, #tpu.memory_space<vmem>>
        %dma_start3A_782 = tpu.memref_squeeze %dma_start3A_781 : memref<1x128xi32, #tpu.memory_space<vmem>> -> memref<128xi32, #tpu.memory_space<vmem>>
        %dma_start3A_783 = tpu.memref_slice %arg5[%add3A_769] : memref<321536xi32, #tpu.memory_space<hbm>> -> memref<128xi32, #tpu.memory_space<hbm>>
        %dma_start3A_784 = tpu.memref_slice %arg20[%rem3A_766] : memref<8x!tpu.dma_semaphore, #tpu.memory_space<semaphore_mem>> -> memref<1x!tpu.dma_semaphore, #tpu.memory_space<semaphore_mem>>
        %dma_start3A_785 = tpu.memref_squeeze %dma_start3A_784 : memref<1x!tpu.dma_semaphore, #tpu.memory_space<semaphore_mem>> -> memref<!tpu.dma_semaphore, #tpu.memory_space<semaphore_mem>>
        %dma_start3A_786 = arith.constant 0 : i32
        %dma_start3A_787 = tpu.memref_slice %arg11[%rem3A_766, %dma_start3A_786] : memref<8x128xi32, #tpu.memory_space<vmem>> -> memref<1x128xi32, #tpu.memory_space<vmem>>
        %dma_start3A_788 = tpu.memref_squeeze %dma_start3A_787 : memref<1x128xi32, #tpu.memory_space<vmem>> -> memref<128xi32, #tpu.memory_space<vmem>>
        %dma_start3A_789 = tpu.memref_slice %arg5[%add3A_769] : memref<321536xi32, #tpu.memory_space<hbm>> -> memref<128xi32, #tpu.memory_space<hbm>>
        tpu.enqueue_dma source(%dma_start3A_789 : memref<128xi32, #tpu.memory_space<hbm>>) target(%dma_start3A_788 : memref<128xi32, #tpu.memory_space<vmem>>) target_semaphore(%dma_start3A_785 : memref<!tpu.dma_semaphore, #tpu.memory_space<semaphore_mem>>)
      } else {
      }
      %dma_wait3A_697 = arith.constant 0 : i32
      %dma_wait3A_698 = arith.constant 0 : i32
      %dma_wait3A_699 = tpu.memref_slice %arg13[%rem3A_684, %dma_wait3A_697, %dma_wait3A_698] : memref<4x128x16xf32, #tpu.memory_space<vmem>> -> memref<1x128x16xf32, #tpu.memory_space<vmem>>
      %dma_wait3A_700 = tpu.memref_squeeze %dma_wait3A_699 : memref<1x128x16xf32, #tpu.memory_space<vmem>> -> memref<128x16xf32, #tpu.memory_space<vmem>>
      %dma_wait3A_701 = arith.constant 0 : i32
      %dma_wait3A_702 = tpu.memref_slice %arg10[%rem3A_686, %dma_wait3A_701] : memref<8x128xi32, #tpu.memory_space<vmem>> -> memref<1x128xi32, #tpu.memory_space<vmem>>
      %dma_wait3A_703 = tpu.memref_squeeze %dma_wait3A_702 : memref<1x128xi32, #tpu.memory_space<vmem>> -> memref<128xi32, #tpu.memory_space<vmem>>
      %dma_wait3A_704 = arith.constant 0 : i32
      %dma_wait3A_705 = arith.constant 0 : i32
      %dma_wait3A_706 = tpu.memref_slice %arg2[%dma_wait3A_704, %dma_wait3A_705] : memref<10112x16xf32, #tpu.memory_space<hbm>> -> memref<10112x16xf32, #tpu.memory_space<hbm>>
      %dma_wait3A_707 = tpu.memref_slice %arg21[%rem3A_684] : memref<4x!tpu.dma_semaphore, #tpu.memory_space<semaphore_mem>> -> memref<1x!tpu.dma_semaphore, #tpu.memory_space<semaphore_mem>>
      %dma_wait3A_708 = tpu.memref_squeeze %dma_wait3A_707 : memref<1x!tpu.dma_semaphore, #tpu.memory_space<semaphore_mem>> -> memref<!tpu.dma_semaphore, #tpu.memory_space<semaphore_mem>>
      tpu.wait_indirect_dma semaphore(%dma_wait3A_708 : memref<!tpu.dma_semaphore, #tpu.memory_space<semaphore_mem>>) src(%dma_wait3A_706 : memref<10112x16xf32, #tpu.memory_space<hbm>>) dst(%dma_wait3A_700 : memref<128x16xf32, #tpu.memory_space<vmem>>)
      %dma_wait3A_709 = arith.constant 0 : i32
      %dma_wait3A_710 = arith.constant 0 : i32
      %dma_wait3A_711 = tpu.memref_slice %arg14[%rem3A_684, %dma_wait3A_709, %dma_wait3A_710] : memref<4x128x16xf32, #tpu.memory_space<vmem>> -> memref<1x128x16xf32, #tpu.memory_space<vmem>>
      %dma_wait3A_712 = tpu.memref_squeeze %dma_wait3A_711 : memref<1x128x16xf32, #tpu.memory_space<vmem>> -> memref<128x16xf32, #tpu.memory_space<vmem>>
      %dma_wait3A_713 = arith.constant 0 : i32
      %dma_wait3A_714 = tpu.memref_slice %arg11[%rem3A_686, %dma_wait3A_713] : memref<8x128xi32, #tpu.memory_space<vmem>> -> memref<1x128xi32, #tpu.memory_space<vmem>>
      %dma_wait3A_715 = tpu.memref_squeeze %dma_wait3A_714 : memref<1x128xi32, #tpu.memory_space<vmem>> -> memref<128xi32, #tpu.memory_space<vmem>>
      %dma_wait3A_716 = arith.constant 0 : i32
      %dma_wait3A_717 = arith.constant 0 : i32
      %dma_wait3A_718 = tpu.memref_slice %arg2[%dma_wait3A_716, %dma_wait3A_717] : memref<10112x16xf32, #tpu.memory_space<hbm>> -> memref<10112x16xf32, #tpu.memory_space<hbm>>
      %dma_wait3A_719 = tpu.memref_slice %arg21[%rem3A_684] : memref<4x!tpu.dma_semaphore, #tpu.memory_space<semaphore_mem>> -> memref<1x!tpu.dma_semaphore, #tpu.memory_space<semaphore_mem>>
      %dma_wait3A_720 = tpu.memref_squeeze %dma_wait3A_719 : memref<1x!tpu.dma_semaphore, #tpu.memory_space<semaphore_mem>> -> memref<!tpu.dma_semaphore, #tpu.memory_space<semaphore_mem>>
      tpu.wait_indirect_dma semaphore(%dma_wait3A_720 : memref<!tpu.dma_semaphore, #tpu.memory_space<semaphore_mem>>) src(%dma_wait3A_718 : memref<10112x16xf32, #tpu.memory_space<hbm>>) dst(%dma_wait3A_712 : memref<128x16xf32, #tpu.memory_space<vmem>>)
      %dma_wait3A_721 = arith.constant 0 : i32
      %dma_wait3A_722 = arith.constant 0 : i32
      %dma_wait3A_723 = tpu.memref_slice %arg15[%rem3A_684, %dma_wait3A_721, %dma_wait3A_722] : memref<4x128x32xi32, #tpu.memory_space<vmem>> -> memref<1x128x32xi32, #tpu.memory_space<vmem>>
      %dma_wait3A_724 = tpu.memref_squeeze %dma_wait3A_723 : memref<1x128x32xi32, #tpu.memory_space<vmem>> -> memref<128x32xi32, #tpu.memory_space<vmem>>
      %dma_wait3A_725 = arith.constant 0 : i32
      %dma_wait3A_726 = tpu.memref_slice %arg12[%rem3A_686, %dma_wait3A_725] : memref<8x128xi32, #tpu.memory_space<vmem>> -> memref<1x128xi32, #tpu.memory_space<vmem>>
      %dma_wait3A_727 = tpu.memref_squeeze %dma_wait3A_726 : memref<1x128xi32, #tpu.memory_space<vmem>> -> memref<128xi32, #tpu.memory_space<vmem>>
      %dma_wait3A_728 = arith.constant 0 : i32
      %dma_wait3A_729 = arith.constant 0 : i32
      %dma_wait3A_730 = tpu.memref_slice %arg3[%dma_wait3A_728, %dma_wait3A_729] : memref<20224x32xi32, #tpu.memory_space<hbm>> -> memref<20224x32xi32, #tpu.memory_space<hbm>>
      %dma_wait3A_731 = tpu.memref_slice %arg21[%rem3A_684] : memref<4x!tpu.dma_semaphore, #tpu.memory_space<semaphore_mem>> -> memref<1x!tpu.dma_semaphore, #tpu.memory_space<semaphore_mem>>
      %dma_wait3A_732 = tpu.memref_squeeze %dma_wait3A_731 : memref<1x!tpu.dma_semaphore, #tpu.memory_space<semaphore_mem>> -> memref<!tpu.dma_semaphore, #tpu.memory_space<semaphore_mem>>
      tpu.wait_indirect_dma semaphore(%dma_wait3A_732 : memref<!tpu.dma_semaphore, #tpu.memory_space<semaphore_mem>>) src(%dma_wait3A_730 : memref<20224x32xi32, #tpu.memory_space<hbm>>) dst(%dma_wait3A_724 : memref<128x32xi32, #tpu.memory_space<vmem>>)
      %add3A_733 = arith.constant 3 : i32
      %add3A_734 = arith.addi %scan3A_680, %add3A_733 : i32
      %lt3A_735 = arith.constant 157 : i32
      %lt3A_736 = arith.cmpi slt, %add3A_734, %lt3A_735 : i32
      %convert_element_type3A_737 = arith.extui %lt3A_736 : i1 to i32
      %cond3A_738 = arith.constant 0 : i32
      %cond3A_739 = arith.cmpi ne, %convert_element_type3A_737, %cond3A_738 : i32
      scf.if %cond3A_739 {
        %add3A_761 = arith.constant 3 : i32
        %add3A_762 = arith.addi %scan3A_680, %add3A_761 : i32
        %add3A_763 = arith.constant 3 : i32
        %add3A_764 = arith.addi %scan3A_680, %add3A_763 : i32
        %rem3A_765 = arith.constant 8 : i32
        %rem3A_766 = arith.remsi %add3A_764, %rem3A_765 : i32
        %mul3A_767 = arith.constant 128 : i32
        %mul3A_768 = arith.muli %add3A_762, %mul3A_767 : i32
        %add3A_769 = arith.addi %mul3A_10, %mul3A_768 : i32
        %dma_wait3A_770 = arith.constant 0 : i32
        %dma_wait3A_771 = tpu.memref_slice %arg10[%rem3A_766, %dma_wait3A_770] : memref<8x128xi32, #tpu.memory_space<vmem>> -> memref<1x128xi32, #tpu.memory_space<vmem>>
        %dma_wait3A_772 = tpu.memref_squeeze %dma_wait3A_771 : memref<1x128xi32, #tpu.memory_space<vmem>> -> memref<128xi32, #tpu.memory_space<vmem>>
        %dma_wait3A_773 = tpu.memref_slice %arg4[%add3A_769] : memref<321536xi32, #tpu.memory_space<hbm>> -> memref<128xi32, #tpu.memory_space<hbm>>
        %dma_wait3A_774 = tpu.memref_slice %arg20[%rem3A_766] : memref<8x!tpu.dma_semaphore, #tpu.memory_space<semaphore_mem>> -> memref<1x!tpu.dma_semaphore, #tpu.memory_space<semaphore_mem>>
        %dma_wait3A_775 = tpu.memref_squeeze %dma_wait3A_774 : memref<1x!tpu.dma_semaphore, #tpu.memory_space<semaphore_mem>> -> memref<!tpu.dma_semaphore, #tpu.memory_space<semaphore_mem>>
        %dma_wait3A_776 = arith.constant 0 : i32
        %dma_wait3A_777 = tpu.memref_slice %arg10[%rem3A_766, %dma_wait3A_776] : memref<8x128xi32, #tpu.memory_space<vmem>> -> memref<1x128xi32, #tpu.memory_space<vmem>>
        %dma_wait3A_778 = tpu.memref_squeeze %dma_wait3A_777 : memref<1x128xi32, #tpu.memory_space<vmem>> -> memref<128xi32, #tpu.memory_space<vmem>>
        %dma_wait3A_779 = tpu.memref_slice %arg4[%add3A_769] : memref<321536xi32, #tpu.memory_space<hbm>> -> memref<128xi32, #tpu.memory_space<hbm>>
        tpu.wait_dma2 semaphore(%dma_wait3A_775 : memref<!tpu.dma_semaphore, #tpu.memory_space<semaphore_mem>>) src(%dma_wait3A_779 : memref<128xi32, #tpu.memory_space<hbm>>) dst(%dma_wait3A_778 : memref<128xi32, #tpu.memory_space<vmem>>)
        %dma_wait3A_780 = arith.constant 0 : i32
        %dma_wait3A_781 = tpu.memref_slice %arg11[%rem3A_766, %dma_wait3A_780] : memref<8x128xi32, #tpu.memory_space<vmem>> -> memref<1x128xi32, #tpu.memory_space<vmem>>
        %dma_wait3A_782 = tpu.memref_squeeze %dma_wait3A_781 : memref<1x128xi32, #tpu.memory_space<vmem>> -> memref<128xi32, #tpu.memory_space<vmem>>
        %dma_wait3A_783 = tpu.memref_slice %arg5[%add3A_769] : memref<321536xi32, #tpu.memory_space<hbm>> -> memref<128xi32, #tpu.memory_space<hbm>>
        %dma_wait3A_784 = tpu.memref_slice %arg20[%rem3A_766] : memref<8x!tpu.dma_semaphore, #tpu.memory_space<semaphore_mem>> -> memref<1x!tpu.dma_semaphore, #tpu.memory_space<semaphore_mem>>
        %dma_wait3A_785 = tpu.memref_squeeze %dma_wait3A_784 : memref<1x!tpu.dma_semaphore, #tpu.memory_space<semaphore_mem>> -> memref<!tpu.dma_semaphore, #tpu.memory_space<semaphore_mem>>
        %dma_wait3A_786 = arith.constant 0 : i32
        %dma_wait3A_787 = tpu.memref_slice %arg11[%rem3A_766, %dma_wait3A_786] : memref<8x128xi32, #tpu.memory_space<vmem>> -> memref<1x128xi32, #tpu.memory_space<vmem>>
        %dma_wait3A_788 = tpu.memref_squeeze %dma_wait3A_787 : memref<1x128xi32, #tpu.memory_space<vmem>> -> memref<128xi32, #tpu.memory_space<vmem>>
        %dma_wait3A_789 = tpu.memref_slice %arg5[%add3A_769] : memref<321536xi32, #tpu.memory_space<hbm>> -> memref<128xi32, #tpu.memory_space<hbm>>
        tpu.wait_dma2 semaphore(%dma_wait3A_785 : memref<!tpu.dma_semaphore, #tpu.memory_space<semaphore_mem>>) src(%dma_wait3A_789 : memref<128xi32, #tpu.memory_space<hbm>>) dst(%dma_wait3A_788 : memref<128xi32, #tpu.memory_space<vmem>>)
        %get3A_790 = arith.index_cast %rem3A_766 : i32 to index
        %get3A_791 = arith.constant 0 : index
        %get3A_792 = tpu.vector_load %arg10[%get3A_790, %get3A_791] {strides = array<i32>} : memref<8x128xi32, #tpu.memory_space<vmem>>, vector<1x16xi32>,
        %get3A_793 = vector.shape_cast %get3A_792 : vector<1x16xi32> to vector<16xi32>
        %add3A_794 = vector.broadcast %mul3A_12 : i32 to vector<16xi32>
        %add3A_795 = arith.addi %get3A_793, %add3A_794 : vector<16xi32>
        %swap3A_796 = arith.index_cast %rem3A_766 : i32 to index
        %swap3A_797 = arith.constant 0 : index
        %swap3A_798 = tpu.vector_load %arg12[%swap3A_796, %swap3A_797] {strides = array<i32>} : memref<8x128xi32, #tpu.memory_space<vmem>>, vector<1x16xi32>,
        %swap3A_799 = vector.shape_cast %swap3A_798 : vector<1x16xi32> to vector<16xi32>
        %swap3A_800 = vector.shape_cast %add3A_795 : vector<16xi32> to vector<1x16xi32>
        tpu.vector_store %arg12[%swap3A_796, %swap3A_797], %swap3A_800 {strides = array<i32>} : memref<8x128xi32, #tpu.memory_space<vmem>>, vector<1x16xi32>,
        %get3A_801 = arith.index_cast %rem3A_766 : i32 to index
        %get3A_802 = arith.constant 16 : index
        %get3A_803 = tpu.vector_load %arg10[%get3A_801, %get3A_802] {strides = array<i32>} : memref<8x128xi32, #tpu.memory_space<vmem>>, vector<1x16xi32>,
        %get3A_804 = vector.shape_cast %get3A_803 : vector<1x16xi32> to vector<16xi32>
        %add3A_805 = vector.broadcast %mul3A_12 : i32 to vector<16xi32>
        %add3A_806 = arith.addi %get3A_804, %add3A_805 : vector<16xi32>
        %swap3A_807 = arith.index_cast %rem3A_766 : i32 to index
        %swap3A_808 = arith.constant 16 : index
        %swap3A_809 = tpu.vector_load %arg12[%swap3A_807, %swap3A_808] {strides = array<i32>} : memref<8x128xi32, #tpu.memory_space<vmem>>, vector<1x16xi32>,
        %swap3A_810 = vector.shape_cast %swap3A_809 : vector<1x16xi32> to vector<16xi32>
        %swap3A_811 = vector.shape_cast %add3A_806 : vector<16xi32> to vector<1x16xi32>
        tpu.vector_store %arg12[%swap3A_807, %swap3A_808], %swap3A_811 {strides = array<i32>} : memref<8x128xi32, #tpu.memory_space<vmem>>, vector<1x16xi32>,
        %get3A_812 = arith.index_cast %rem3A_766 : i32 to index
        %get3A_813 = arith.constant 32 : index
        %get3A_814 = tpu.vector_load %arg10[%get3A_812, %get3A_813] {strides = array<i32>} : memref<8x128xi32, #tpu.memory_space<vmem>>, vector<1x16xi32>,
        %get3A_815 = vector.shape_cast %get3A_814 : vector<1x16xi32> to vector<16xi32>
        %add3A_816 = vector.broadcast %mul3A_12 : i32 to vector<16xi32>
        %add3A_817 = arith.addi %get3A_815, %add3A_816 : vector<16xi32>
        %swap3A_818 = arith.index_cast %rem3A_766 : i32 to index
        %swap3A_819 = arith.constant 32 : index
        %swap3A_820 = tpu.vector_load %arg12[%swap3A_818, %swap3A_819] {strides = array<i32>} : memref<8x128xi32, #tpu.memory_space<vmem>>, vector<1x16xi32>,
        %swap3A_821 = vector.shape_cast %swap3A_820 : vector<1x16xi32> to vector<16xi32>
        %swap3A_822 = vector.shape_cast %add3A_817 : vector<16xi32> to vector<1x16xi32>
        tpu.vector_store %arg12[%swap3A_818, %swap3A_819], %swap3A_822 {strides = array<i32>} : memref<8x128xi32, #tpu.memory_space<vmem>>, vector<1x16xi32>,
        %get3A_823 = arith.index_cast %rem3A_766 : i32 to index
        %get3A_824 = arith.constant 48 : index
        %get3A_825 = tpu.vector_load %arg10[%get3A_823, %get3A_824] {strides = array<i32>} : memref<8x128xi32, #tpu.memory_space<vmem>>, vector<1x16xi32>,
        %get3A_826 = vector.shape_cast %get3A_825 : vector<1x16xi32> to vector<16xi32>
        %add3A_827 = vector.broadcast %mul3A_12 : i32 to vector<16xi32>
        %add3A_828 = arith.addi %get3A_826, %add3A_827 : vector<16xi32>
        %swap3A_829 = arith.index_cast %rem3A_766 : i32 to index
        %swap3A_830 = arith.constant 48 : index
        %swap3A_831 = tpu.vector_load %arg12[%swap3A_829, %swap3A_830] {strides = array<i32>} : memref<8x128xi32, #tpu.memory_space<vmem>>, vector<1x16xi32>,
        %swap3A_832 = vector.shape_cast %swap3A_831 : vector<1x16xi32> to vector<16xi32>
        %swap3A_833 = vector.shape_cast %add3A_828 : vector<16xi32> to vector<1x16xi32>
        tpu.vector_store %arg12[%swap3A_829, %swap3A_830], %swap3A_833 {strides = array<i32>} : memref<8x128xi32, #tpu.memory_space<vmem>>, vector<1x16xi32>,
        %get3A_834 = arith.index_cast %rem3A_766 : i32 to index
        %get3A_835 = arith.constant 64 : index
        %get3A_836 = tpu.vector_load %arg10[%get3A_834, %get3A_835] {strides = array<i32>} : memref<8x128xi32, #tpu.memory_space<vmem>>, vector<1x16xi32>,
        %get3A_837 = vector.shape_cast %get3A_836 : vector<1x16xi32> to vector<16xi32>
        %add3A_838 = vector.broadcast %mul3A_12 : i32 to vector<16xi32>
        %add3A_839 = arith.addi %get3A_837, %add3A_838 : vector<16xi32>
        %swap3A_840 = arith.index_cast %rem3A_766 : i32 to index
        %swap3A_841 = arith.constant 64 : index
        %swap3A_842 = tpu.vector_load %arg12[%swap3A_840, %swap3A_841] {strides = array<i32>} : memref<8x128xi32, #tpu.memory_space<vmem>>, vector<1x16xi32>,
        %swap3A_843 = vector.shape_cast %swap3A_842 : vector<1x16xi32> to vector<16xi32>
        %swap3A_844 = vector.shape_cast %add3A_839 : vector<16xi32> to vector<1x16xi32>
        tpu.vector_store %arg12[%swap3A_840, %swap3A_841], %swap3A_844 {strides = array<i32>} : memref<8x128xi32, #tpu.memory_space<vmem>>, vector<1x16xi32>,
        %get3A_845 = arith.index_cast %rem3A_766 : i32 to index
        %get3A_846 = arith.constant 80 : index
        %get3A_847 = tpu.vector_load %arg10[%get3A_845, %get3A_846] {strides = array<i32>} : memref<8x128xi32, #tpu.memory_space<vmem>>, vector<1x16xi32>,
        %get3A_848 = vector.shape_cast %get3A_847 : vector<1x16xi32> to vector<16xi32>
        %add3A_849 = vector.broadcast %mul3A_12 : i32 to vector<16xi32>
        %add3A_850 = arith.addi %get3A_848, %add3A_849 : vector<16xi32>
        %swap3A_851 = arith.index_cast %rem3A_766 : i32 to index
        %swap3A_852 = arith.constant 80 : index
        %swap3A_853 = tpu.vector_load %arg12[%swap3A_851, %swap3A_852] {strides = array<i32>} : memref<8x128xi32, #tpu.memory_space<vmem>>, vector<1x16xi32>,
        %swap3A_854 = vector.shape_cast %swap3A_853 : vector<1x16xi32> to vector<16xi32>
        %swap3A_855 = vector.shape_cast %add3A_850 : vector<16xi32> to vector<1x16xi32>
        tpu.vector_store %arg12[%swap3A_851, %swap3A_852], %swap3A_855 {strides = array<i32>} : memref<8x128xi32, #tpu.memory_space<vmem>>, vector<1x16xi32>,
        %get3A_856 = arith.index_cast %rem3A_766 : i32 to index
        %get3A_857 = arith.constant 96 : index
        %get3A_858 = tpu.vector_load %arg10[%get3A_856, %get3A_857] {strides = array<i32>} : memref<8x128xi32, #tpu.memory_space<vmem>>, vector<1x16xi32>,
        %get3A_859 = vector.shape_cast %get3A_858 : vector<1x16xi32> to vector<16xi32>
        %add3A_860 = vector.broadcast %mul3A_12 : i32 to vector<16xi32>
        %add3A_861 = arith.addi %get3A_859, %add3A_860 : vector<16xi32>
        %swap3A_862 = arith.index_cast %rem3A_766 : i32 to index
        %swap3A_863 = arith.constant 96 : index
        %swap3A_864 = tpu.vector_load %arg12[%swap3A_862, %swap3A_863] {strides = array<i32>} : memref<8x128xi32, #tpu.memory_space<vmem>>, vector<1x16xi32>,
        %swap3A_865 = vector.shape_cast %swap3A_864 : vector<1x16xi32> to vector<16xi32>
        %swap3A_866 = vector.shape_cast %add3A_861 : vector<16xi32> to vector<1x16xi32>
        tpu.vector_store %arg12[%swap3A_862, %swap3A_863], %swap3A_866 {strides = array<i32>} : memref<8x128xi32, #tpu.memory_space<vmem>>, vector<1x16xi32>,
        %get3A_867 = arith.index_cast %rem3A_766 : i32 to index
        %get3A_868 = arith.constant 112 : index
        %get3A_869 = tpu.vector_load %arg10[%get3A_867, %get3A_868] {strides = array<i32>} : memref<8x128xi32, #tpu.memory_space<vmem>>, vector<1x16xi32>,
        %get3A_870 = vector.shape_cast %get3A_869 : vector<1x16xi32> to vector<16xi32>
        %add3A_871 = vector.broadcast %mul3A_12 : i32 to vector<16xi32>
        %add3A_872 = arith.addi %get3A_870, %add3A_871 : vector<16xi32>
        %swap3A_873 = arith.index_cast %rem3A_766 : i32 to index
        %swap3A_874 = arith.constant 112 : index
        %swap3A_875 = tpu.vector_load %arg12[%swap3A_873, %swap3A_874] {strides = array<i32>} : memref<8x128xi32, #tpu.memory_space<vmem>>, vector<1x16xi32>,
        %swap3A_876 = vector.shape_cast %swap3A_875 : vector<1x16xi32> to vector<16xi32>
        %swap3A_877 = vector.shape_cast %add3A_872 : vector<16xi32> to vector<1x16xi32>
        tpu.vector_store %arg12[%swap3A_873, %swap3A_874], %swap3A_877 {strides = array<i32>} : memref<8x128xi32, #tpu.memory_space<vmem>>, vector<1x16xi32>,
        %rem3A_878 = arith.constant 4 : i32
        %rem3A_879 = arith.remsi %add3A_762, %rem3A_878 : i32
        %dma_start3A_880 = arith.constant 0 : i32
        %dma_start3A_881 = arith.constant 0 : i32
        %dma_start3A_882 = tpu.memref_slice %arg13[%rem3A_879, %dma_start3A_880, %dma_start3A_881] : memref<4x128x16xf32, #tpu.memory_space<vmem>> -> memref<1x128x16xf32, #tpu.memory_space<vmem>>
        %dma_start3A_883 = tpu.memref_squeeze %dma_start3A_882 : memref<1x128x16xf32, #tpu.memory_space<vmem>> -> memref<128x16xf32, #tpu.memory_space<vmem>>
        %dma_start3A_884 = arith.constant 0 : i32
        %dma_start3A_885 = tpu.memref_slice %arg10[%rem3A_766, %dma_start3A_884] : memref<8x128xi32, #tpu.memory_space<vmem>> -> memref<1x128xi32, #tpu.memory_space<vmem>>
        %dma_start3A_886 = tpu.memref_squeeze %dma_start3A_885 : memref<1x128xi32, #tpu.memory_space<vmem>> -> memref<128xi32, #tpu.memory_space<vmem>>
        %dma_start3A_887 = arith.constant 0 : i32
        %dma_start3A_888 = arith.constant 0 : i32
        %dma_start3A_889 = tpu.memref_slice %arg2[%dma_start3A_887, %dma_start3A_888] : memref<10112x16xf32, #tpu.memory_space<hbm>> -> memref<10112x16xf32, #tpu.memory_space<hbm>>
        %dma_start3A_890 = tpu.memref_slice %arg21[%rem3A_879] : memref<4x!tpu.dma_semaphore, #tpu.memory_space<semaphore_mem>> -> memref<1x!tpu.dma_semaphore, #tpu.memory_space<semaphore_mem>>
        %dma_start3A_891 = tpu.memref_squeeze %dma_start3A_890 : memref<1x!tpu.dma_semaphore, #tpu.memory_space<semaphore_mem>> -> memref<!tpu.dma_semaphore, #tpu.memory_space<semaphore_mem>>
        tpu.enqueue_indirect_dma source(%dma_start3A_889 : memref<10112x16xf32, #tpu.memory_space<hbm>>) target(%dma_start3A_883 : memref<128x16xf32, #tpu.memory_space<vmem>>) offsets(%dma_start3A_886 : memref<128xi32, #tpu.memory_space<vmem>>) semaphore(%dma_start3A_891 : memref<!tpu.dma_semaphore, #tpu.memory_space<semaphore_mem>>)
        %dma_start3A_892 = arith.constant 0 : i32
        %dma_start3A_893 = arith.constant 0 : i32
        %dma_start3A_894 = tpu.memref_slice %arg14[%rem3A_879, %dma_start3A_892, %dma_start3A_893] : memref<4x128x16xf32, #tpu.memory_space<vmem>> -> memref<1x128x16xf32, #tpu.memory_space<vmem>>
        %dma_start3A_895 = tpu.memref_squeeze %dma_start3A_894 : memref<1x128x16xf32, #tpu.memory_space<vmem>> -> memref<128x16xf32, #tpu.memory_space<vmem>>
        %dma_start3A_896 = arith.constant 0 : i32
        %dma_start3A_897 = tpu.memref_slice %arg11[%rem3A_766, %dma_start3A_896] : memref<8x128xi32, #tpu.memory_space<vmem>> -> memref<1x128xi32, #tpu.memory_space<vmem>>
        %dma_start3A_898 = tpu.memref_squeeze %dma_start3A_897 : memref<1x128xi32, #tpu.memory_space<vmem>> -> memref<128xi32, #tpu.memory_space<vmem>>
        %dma_start3A_899 = arith.constant 0 : i32
        %dma_start3A_900 = arith.constant 0 : i32
        %dma_start3A_901 = tpu.memref_slice %arg2[%dma_start3A_899, %dma_start3A_900] : memref<10112x16xf32, #tpu.memory_space<hbm>> -> memref<10112x16xf32, #tpu.memory_space<hbm>>
        %dma_start3A_902 = tpu.memref_slice %arg21[%rem3A_879] : memref<4x!tpu.dma_semaphore, #tpu.memory_space<semaphore_mem>> -> memref<1x!tpu.dma_semaphore, #tpu.memory_space<semaphore_mem>>
        %dma_start3A_903 = tpu.memref_squeeze %dma_start3A_902 : memref<1x!tpu.dma_semaphore, #tpu.memory_space<semaphore_mem>> -> memref<!tpu.dma_semaphore, #tpu.memory_space<semaphore_mem>>
        tpu.enqueue_indirect_dma source(%dma_start3A_901 : memref<10112x16xf32, #tpu.memory_space<hbm>>) target(%dma_start3A_895 : memref<128x16xf32, #tpu.memory_space<vmem>>) offsets(%dma_start3A_898 : memref<128xi32, #tpu.memory_space<vmem>>) semaphore(%dma_start3A_903 : memref<!tpu.dma_semaphore, #tpu.memory_space<semaphore_mem>>)
        %dma_start3A_904 = arith.constant 0 : i32
        %dma_start3A_905 = arith.constant 0 : i32
        %dma_start3A_906 = tpu.memref_slice %arg15[%rem3A_879, %dma_start3A_904, %dma_start3A_905] : memref<4x128x32xi32, #tpu.memory_space<vmem>> -> memref<1x128x32xi32, #tpu.memory_space<vmem>>
        %dma_start3A_907 = tpu.memref_squeeze %dma_start3A_906 : memref<1x128x32xi32, #tpu.memory_space<vmem>> -> memref<128x32xi32, #tpu.memory_space<vmem>>
        %dma_start3A_908 = arith.constant 0 : i32
        %dma_start3A_909 = tpu.memref_slice %arg12[%rem3A_766, %dma_start3A_908] : memref<8x128xi32, #tpu.memory_space<vmem>> -> memref<1x128xi32, #tpu.memory_space<vmem>>
        %dma_start3A_910 = tpu.memref_squeeze %dma_start3A_909 : memref<1x128xi32, #tpu.memory_space<vmem>> -> memref<128xi32, #tpu.memory_space<vmem>>
        %dma_start3A_911 = arith.constant 0 : i32
        %dma_start3A_912 = arith.constant 0 : i32
        %dma_start3A_913 = tpu.memref_slice %arg3[%dma_start3A_911, %dma_start3A_912] : memref<20224x32xi32, #tpu.memory_space<hbm>> -> memref<20224x32xi32, #tpu.memory_space<hbm>>
        %dma_start3A_914 = tpu.memref_slice %arg21[%rem3A_879] : memref<4x!tpu.dma_semaphore, #tpu.memory_space<semaphore_mem>> -> memref<1x!tpu.dma_semaphore, #tpu.memory_space<semaphore_mem>>
        %dma_start3A_915 = tpu.memref_squeeze %dma_start3A_914 : memref<1x!tpu.dma_semaphore, #tpu.memory_space<semaphore_mem>> -> memref<!tpu.dma_semaphore, #tpu.memory_space<semaphore_mem>>
        tpu.enqueue_indirect_dma source(%dma_start3A_913 : memref<20224x32xi32, #tpu.memory_space<hbm>>) target(%dma_start3A_907 : memref<128x32xi32, #tpu.memory_space<vmem>>) offsets(%dma_start3A_910 : memref<128xi32, #tpu.memory_space<vmem>>) semaphore(%dma_start3A_915 : memref<!tpu.dma_semaphore, #tpu.memory_space<semaphore_mem>>)
      } else {
      }
      %mul3A_740 = arith.constant 4 : i32
      %mul3A_741 = arith.muli %arg0, %mul3A_740 : i32
      %parallel_loop3A = arith.constant 0 : i32
      %parallel_loop3A_742 = arith.constant 128 : i32
      %parallel_loop3A_743 = arith.constant 1 : i32
      scf.for %parallel_loop3A_761 = %parallel_loop3A to %parallel_loop3A_742 step %parallel_loop3A_743  : i32 {
        %parallel_loop3A_762 = arith.index_cast %rem3A_684 : i32 to index
        %parallel_loop3A_763 = arith.index_cast %parallel_loop3A_761 : i32 to index
        %parallel_loop3A_764 = arith.constant 0 : index
        %parallel_loop3A_765 = tpu.vector_load %arg13[%parallel_loop3A_762, %parallel_loop3A_763, %parallel_loop3A_764] {strides = array<i32>} : memref<4x128x16xf32, #tpu.memory_space<vmem>>, vector<1x1x16xf32>,
        %parallel_loop3A_766 = vector.shape_cast %parallel_loop3A_765 : vector<1x1x16xf32> to vector<16xf32>
        %parallel_loop3A_767 = arith.index_cast %rem3A_684 : i32 to index
        %parallel_loop3A_768 = arith.index_cast %parallel_loop3A_761 : i32 to index
        %parallel_loop3A_769 = arith.constant 0 : index
        %parallel_loop3A_770 = tpu.vector_load %arg14[%parallel_loop3A_767, %parallel_loop3A_768, %parallel_loop3A_769] {strides = array<i32>} : memref<4x128x16xf32, #tpu.memory_space<vmem>>, vector<1x1x16xf32>,
        %parallel_loop3A_771 = vector.shape_cast %parallel_loop3A_770 : vector<1x1x16xf32> to vector<16xf32>
        %parallel_loop3A_772 = vector.shape_cast %add3A_6 : vector<16xi32> to vector<16x1xi32>
        %parallel_loop3A_773 = vector.shape_cast %parallel_loop3A_772 : vector<16x1xi32> to vector<16xi32>
        %parallel_loop3A_774 = tpu.dynamic_gather %parallel_loop3A_771[%parallel_loop3A_773] in [0] : vector<16xf32>, vector<16xi32> -> vector<16xf32>
        %parallel_loop3A_775 = arith.addf %parallel_loop3A_766, %parallel_loop3A_774 : vector<16xf32>
        %parallel_loop3A_776 = arith.constant 2.000000e-01 : f32
        %parallel_loop3A_777 = vector.broadcast %parallel_loop3A_776 : f32 to vector<16xf32>
        %parallel_loop3A_778 = arith.mulf %parallel_loop3A_777, %parallel_loop3A_775 : vector<16xf32>
        %parallel_loop3A_779 = arith.maximumf %parallel_loop3A_775, %parallel_loop3A_778 : vector<16xf32>
        %parallel_loop3A_780 = math.exp %parallel_loop3A_779 : vector<16xf32>
        %parallel_loop3A_781 = arith.index_cast %rem3A_682 : i32 to index
        %parallel_loop3A_782 = arith.index_cast %parallel_loop3A_761 : i32 to index
        %parallel_loop3A_783 = arith.constant 0 : index
        %parallel_loop3A_784 = tpu.vector_load %arg16[%parallel_loop3A_781, %parallel_loop3A_782, %parallel_loop3A_783] {strides = array<i32>} : memref<2x128x16xf32, #tpu.memory_space<vmem>>, vector<1x1x16xf32>,
        %parallel_loop3A_785 = vector.shape_cast %parallel_loop3A_784 : vector<1x1x16xf32> to vector<16xf32>
        %parallel_loop3A_786 = vector.shape_cast %parallel_loop3A_780 : vector<16xf32> to vector<1x1x16xf32>
        tpu.vector_store %arg16[%parallel_loop3A_781, %parallel_loop3A_782, %parallel_loop3A_783], %parallel_loop3A_786 {strides = array<i32>} : memref<2x128x16xf32, #tpu.memory_space<vmem>>, vector<1x1x16xf32>,
        %parallel_loop3A_787 = arith.index_cast %rem3A_684 : i32 to index
        %parallel_loop3A_788 = arith.index_cast %parallel_loop3A_761 : i32 to index
        %parallel_loop3A_789 = arith.constant 0 : index
        %parallel_loop3A_790 = tpu.vector_load %arg15[%parallel_loop3A_787, %parallel_loop3A_788, %parallel_loop3A_789] {strides = array<i32>} : memref<4x128x32xi32, #tpu.memory_space<vmem>>, vector<1x1x16xi32>,
        %parallel_loop3A_791 = vector.shape_cast %parallel_loop3A_790 : vector<1x1x16xi32> to vector<16xi32>
        %parallel_loop3A_792 = arith.constant 16 : i32
        %parallel_loop3A_793 = vector.broadcast %parallel_loop3A_792 : i32 to vector<16xi32>
        %parallel_loop3A_794 = arith.shli %parallel_loop3A_791, %parallel_loop3A_793 : vector<16xi32>
        %parallel_loop3A_795 = tpu.bitcast %parallel_loop3A_794 : vector<16xi32> -> vector<16xf32>
        %parallel_loop3A_796 = arith.constant -65536 : i32
        %parallel_loop3A_797 = vector.broadcast %parallel_loop3A_796 : i32 to vector<16xi32>
        %parallel_loop3A_798 = arith.andi %parallel_loop3A_791, %parallel_loop3A_797 : vector<16xi32>
        %parallel_loop3A_799 = tpu.bitcast %parallel_loop3A_798 : vector<16xi32> -> vector<16xf32>
        %parallel_loop3A_800 = arith.constant 0 : i32
        %parallel_loop3A_801 = arith.addi %mul3A_741, %parallel_loop3A_800 : i32
        %parallel_loop3A_802 = vector.broadcast %parallel_loop3A_801 : i32 to vector<16xi32>
        %parallel_loop3A_803 = vector.shape_cast %parallel_loop3A_802 : vector<16xi32> to vector<16x1xi32>
        %parallel_loop3A_804 = vector.shape_cast %parallel_loop3A_803 : vector<16x1xi32> to vector<16xi32>
        %parallel_loop3A_805 = tpu.dynamic_gather %parallel_loop3A_780[%parallel_loop3A_804] in [0] : vector<16xf32>, vector<16xi32> -> vector<16xf32>
        %parallel_loop3A_806 = arith.mulf %parallel_loop3A_795, %parallel_loop3A_805 : vector<16xf32>
        %parallel_loop3A_807 = arith.index_cast %rem3A_682 : i32 to index
        %parallel_loop3A_808 = arith.index_cast %parallel_loop3A_761 : i32 to index
        %parallel_loop3A_809 = arith.constant 0 : index
        %parallel_loop3A_810 = tpu.vector_load %arg17[%parallel_loop3A_807, %parallel_loop3A_808, %parallel_loop3A_809] {strides = array<i32>} : memref<2x128x64xf32, #tpu.memory_space<vmem>>, vector<1x1x16xf32>,
        %parallel_loop3A_811 = vector.shape_cast %parallel_loop3A_810 : vector<1x1x16xf32> to vector<16xf32>
        %parallel_loop3A_812 = vector.shape_cast %parallel_loop3A_806 : vector<16xf32> to vector<1x1x16xf32>
        tpu.vector_store %arg17[%parallel_loop3A_807, %parallel_loop3A_808, %parallel_loop3A_809], %parallel_loop3A_812 {strides = array<i32>} : memref<2x128x64xf32, #tpu.memory_space<vmem>>, vector<1x1x16xf32>,
        %parallel_loop3A_813 = arith.constant 1 : i32
        %parallel_loop3A_814 = arith.addi %parallel_loop3A_801, %parallel_loop3A_813 : i32
        %parallel_loop3A_815 = vector.broadcast %parallel_loop3A_814 : i32 to vector<16xi32>
        %parallel_loop3A_816 = vector.shape_cast %parallel_loop3A_815 : vector<16xi32> to vector<16x1xi32>
        %parallel_loop3A_817 = vector.shape_cast %parallel_loop3A_816 : vector<16x1xi32> to vector<16xi32>
        %parallel_loop3A_818 = tpu.dynamic_gather %parallel_loop3A_780[%parallel_loop3A_817] in [0] : vector<16xf32>, vector<16xi32> -> vector<16xf32>
        %parallel_loop3A_819 = arith.mulf %parallel_loop3A_799, %parallel_loop3A_818 : vector<16xf32>
        %parallel_loop3A_820 = arith.index_cast %rem3A_682 : i32 to index
        %parallel_loop3A_821 = arith.index_cast %parallel_loop3A_761 : i32 to index
        %parallel_loop3A_822 = arith.constant 16 : index
        %parallel_loop3A_823 = tpu.vector_load %arg17[%parallel_loop3A_820, %parallel_loop3A_821, %parallel_loop3A_822] {strides = array<i32>} : memref<2x128x64xf32, #tpu.memory_space<vmem>>, vector<1x1x16xf32>,
        %parallel_loop3A_824 = vector.shape_cast %parallel_loop3A_823 : vector<1x1x16xf32> to vector<16xf32>
        %parallel_loop3A_825 = vector.shape_cast %parallel_loop3A_819 : vector<16xf32> to vector<1x1x16xf32>
        tpu.vector_store %arg17[%parallel_loop3A_820, %parallel_loop3A_821, %parallel_loop3A_822], %parallel_loop3A_825 {strides = array<i32>} : memref<2x128x64xf32, #tpu.memory_space<vmem>>, vector<1x1x16xf32>,
        %parallel_loop3A_826 = arith.index_cast %rem3A_684 : i32 to index
        %parallel_loop3A_827 = arith.index_cast %parallel_loop3A_761 : i32 to index
        %parallel_loop3A_828 = arith.constant 16 : index
        %parallel_loop3A_829 = tpu.vector_load %arg15[%parallel_loop3A_826, %parallel_loop3A_827, %parallel_loop3A_828] {strides = array<i32>} : memref<4x128x32xi32, #tpu.memory_space<vmem>>, vector<1x1x16xi32>,
        %parallel_loop3A_830 = vector.shape_cast %parallel_loop3A_829 : vector<1x1x16xi32> to vector<16xi32>
        %parallel_loop3A_831 = arith.constant 16 : i32
        %parallel_loop3A_832 = vector.broadcast %parallel_loop3A_831 : i32 to vector<16xi32>
        %parallel_loop3A_833 = arith.shli %parallel_loop3A_830, %parallel_loop3A_832 : vector<16xi32>
        %parallel_loop3A_834 = tpu.bitcast %parallel_loop3A_833 : vector<16xi32> -> vector<16xf32>
        %parallel_loop3A_835 = arith.constant -65536 : i32
        %parallel_loop3A_836 = vector.broadcast %parallel_loop3A_835 : i32 to vector<16xi32>
        %parallel_loop3A_837 = arith.andi %parallel_loop3A_830, %parallel_loop3A_836 : vector<16xi32>
        %parallel_loop3A_838 = tpu.bitcast %parallel_loop3A_837 : vector<16xi32> -> vector<16xf32>
        %parallel_loop3A_839 = arith.constant 2 : i32
        %parallel_loop3A_840 = arith.addi %mul3A_741, %parallel_loop3A_839 : i32
        %parallel_loop3A_841 = vector.broadcast %parallel_loop3A_840 : i32 to vector<16xi32>
        %parallel_loop3A_842 = vector.shape_cast %parallel_loop3A_841 : vector<16xi32> to vector<16x1xi32>
        %parallel_loop3A_843 = vector.shape_cast %parallel_loop3A_842 : vector<16x1xi32> to vector<16xi32>
        %parallel_loop3A_844 = tpu.dynamic_gather %parallel_loop3A_780[%parallel_loop3A_843] in [0] : vector<16xf32>, vector<16xi32> -> vector<16xf32>
        %parallel_loop3A_845 = arith.mulf %parallel_loop3A_834, %parallel_loop3A_844 : vector<16xf32>
        %parallel_loop3A_846 = arith.index_cast %rem3A_682 : i32 to index
        %parallel_loop3A_847 = arith.index_cast %parallel_loop3A_761 : i32 to index
        %parallel_loop3A_848 = arith.constant 32 : index
        %parallel_loop3A_849 = tpu.vector_load %arg17[%parallel_loop3A_846, %parallel_loop3A_847, %parallel_loop3A_848] {strides = array<i32>} : memref<2x128x64xf32, #tpu.memory_space<vmem>>, vector<1x1x16xf32>,
        %parallel_loop3A_850 = vector.shape_cast %parallel_loop3A_849 : vector<1x1x16xf32> to vector<16xf32>
        %parallel_loop3A_851 = vector.shape_cast %parallel_loop3A_845 : vector<16xf32> to vector<1x1x16xf32>
        tpu.vector_store %arg17[%parallel_loop3A_846, %parallel_loop3A_847, %parallel_loop3A_848], %parallel_loop3A_851 {strides = array<i32>} : memref<2x128x64xf32, #tpu.memory_space<vmem>>, vector<1x1x16xf32>,
        %parallel_loop3A_852 = arith.constant 1 : i32
        %parallel_loop3A_853 = arith.addi %parallel_loop3A_840, %parallel_loop3A_852 : i32
        %parallel_loop3A_854 = vector.broadcast %parallel_loop3A_853 : i32 to vector<16xi32>
        %parallel_loop3A_855 = vector.shape_cast %parallel_loop3A_854 : vector<16xi32> to vector<16x1xi32>
        %parallel_loop3A_856 = vector.shape_cast %parallel_loop3A_855 : vector<16x1xi32> to vector<16xi32>
        %parallel_loop3A_857 = tpu.dynamic_gather %parallel_loop3A_780[%parallel_loop3A_856] in [0] : vector<16xf32>, vector<16xi32> -> vector<16xf32>
        %parallel_loop3A_858 = arith.mulf %parallel_loop3A_838, %parallel_loop3A_857 : vector<16xf32>
        %parallel_loop3A_859 = arith.index_cast %rem3A_682 : i32 to index
        %parallel_loop3A_860 = arith.index_cast %parallel_loop3A_761 : i32 to index
        %parallel_loop3A_861 = arith.constant 48 : index
        %parallel_loop3A_862 = tpu.vector_load %arg17[%parallel_loop3A_859, %parallel_loop3A_860, %parallel_loop3A_861] {strides = array<i32>} : memref<2x128x64xf32, #tpu.memory_space<vmem>>, vector<1x1x16xf32>,
        %parallel_loop3A_863 = vector.shape_cast %parallel_loop3A_862 : vector<1x1x16xf32> to vector<16xf32>
        %parallel_loop3A_864 = vector.shape_cast %parallel_loop3A_858 : vector<16xf32> to vector<1x1x16xf32>
        tpu.vector_store %arg17[%parallel_loop3A_859, %parallel_loop3A_860, %parallel_loop3A_861], %parallel_loop3A_864 {strides = array<i32>} : memref<2x128x64xf32, #tpu.memory_space<vmem>>, vector<1x1x16xf32>,
      } {sc.loop_unroll_factor = 16 : i64, sc.parallel_access}
      %dma_start3A_744 = arith.constant 0 : i32
      %dma_start3A_745 = arith.constant 0 : i32
      %dma_start3A_746 = tpu.memref_slice %arg17[%rem3A_682, %dma_start3A_744, %dma_start3A_745] : memref<2x128x64xf32, #tpu.memory_space<vmem>> -> memref<1x128x64xf32, #tpu.memory_space<vmem>>
      %dma_start3A_747 = tpu.memref_squeeze %dma_start3A_746 : memref<1x128x64xf32, #tpu.memory_space<vmem>> -> memref<128x64xf32, #tpu.memory_space<vmem>>
      %dma_start3A_748 = arith.constant 0 : i32
      %dma_start3A_749 = tpu.memref_slice %arg11[%rem3A_686, %dma_start3A_748] : memref<8x128xi32, #tpu.memory_space<vmem>> -> memref<1x128xi32, #tpu.memory_space<vmem>>
      %dma_start3A_750 = tpu.memref_squeeze %dma_start3A_749 : memref<1x128xi32, #tpu.memory_space<vmem>> -> memref<128xi32, #tpu.memory_space<vmem>>
      %dma_start3A_751 = arith.constant 0 : i32
      %dma_start3A_752 = arith.constant 0 : i32
      %dma_start3A_753 = tpu.memref_slice %arg18[%dma_start3A_751, %dma_start3A_752] : memref<10112x64xf32, #tpu.memory_space<vmem_shared>> -> memref<10112x64xf32, #tpu.memory_space<vmem_shared>>
      %dma_start3A_754 = tpu.memref_slice %arg22[%rem3A_682] : memref<2x!tpu.dma_semaphore, #tpu.memory_space<semaphore_mem>> -> memref<1x!tpu.dma_semaphore, #tpu.memory_space<semaphore_mem>>
      %dma_start3A_755 = tpu.memref_squeeze %dma_start3A_754 : memref<1x!tpu.dma_semaphore, #tpu.memory_space<semaphore_mem>> -> memref<!tpu.dma_semaphore, #tpu.memory_space<semaphore_mem>>
      tpu.enqueue_indirect_dma source(%dma_start3A_747 : memref<128x64xf32, #tpu.memory_space<vmem>>) target(%dma_start3A_753 : memref<10112x64xf32, #tpu.memory_space<vmem_shared>>) offsets(%dma_start3A_750 : memref<128xi32, #tpu.memory_space<vmem>>) semaphore(%dma_start3A_755 : memref<!tpu.dma_semaphore, #tpu.memory_space<semaphore_mem>>) {add = true}
      %eq3A_756 = arith.constant 0 : i32
      %eq3A_757 = arith.cmpi eq, %arg0, %eq3A_756 : i32
      %convert_element_type3A_758 = arith.extui %eq3A_757 : i1 to i32
      %cond3A_759 = arith.constant 0 : i32
      %cond3A_760 = arith.cmpi ne, %convert_element_type3A_758, %cond3A_759 : i32
      scf.if %cond3A_760 {
        %dma_start3A_761 = arith.constant 0 : i32
        %dma_start3A_762 = arith.constant 0 : i32
        %dma_start3A_763 = tpu.memref_slice %arg16[%rem3A_682, %dma_start3A_761, %dma_start3A_762] : memref<2x128x16xf32, #tpu.memory_space<vmem>> -> memref<1x128x16xf32, #tpu.memory_space<vmem>>
        %dma_start3A_764 = tpu.memref_squeeze %dma_start3A_763 : memref<1x128x16xf32, #tpu.memory_space<vmem>> -> memref<128x16xf32, #tpu.memory_space<vmem>>
        %dma_start3A_765 = arith.constant 0 : i32
        %dma_start3A_766 = tpu.memref_slice %arg11[%rem3A_686, %dma_start3A_765] : memref<8x128xi32, #tpu.memory_space<vmem>> -> memref<1x128xi32, #tpu.memory_space<vmem>>
        %dma_start3A_767 = tpu.memref_squeeze %dma_start3A_766 : memref<1x128xi32, #tpu.memory_space<vmem>> -> memref<128xi32, #tpu.memory_space<vmem>>
        %dma_start3A_768 = arith.constant 0 : i32
        %dma_start3A_769 = arith.constant 0 : i32
        %dma_start3A_770 = tpu.memref_slice %arg19[%dma_start3A_768, %dma_start3A_769] : memref<10112x16xf32, #tpu.memory_space<vmem_shared>> -> memref<10112x16xf32, #tpu.memory_space<vmem_shared>>
        %dma_start3A_771 = tpu.memref_slice %arg23[%rem3A_682] : memref<2x!tpu.dma_semaphore, #tpu.memory_space<semaphore_mem>> -> memref<1x!tpu.dma_semaphore, #tpu.memory_space<semaphore_mem>>
        %dma_start3A_772 = tpu.memref_squeeze %dma_start3A_771 : memref<1x!tpu.dma_semaphore, #tpu.memory_space<semaphore_mem>> -> memref<!tpu.dma_semaphore, #tpu.memory_space<semaphore_mem>>
        tpu.enqueue_indirect_dma source(%dma_start3A_764 : memref<128x16xf32, #tpu.memory_space<vmem>>) target(%dma_start3A_770 : memref<10112x16xf32, #tpu.memory_space<vmem_shared>>) offsets(%dma_start3A_767 : memref<128xi32, #tpu.memory_space<vmem>>) semaphore(%dma_start3A_772 : memref<!tpu.dma_semaphore, #tpu.memory_space<semaphore_mem>>) {add = true}
      } else {
      }
    }
    %scan3A_632 = arith.constant 157 : i32
    %dma_wait3A_633 = arith.constant 1 : i32
    %dma_wait3A_634 = arith.constant 3 : i32
    %dma_wait3A_635 = arith.constant 1 : i32
    %dma_wait3A_636 = arith.constant 0 : i32
    %dma_wait3A_637 = arith.constant 0 : i32
    %dma_wait3A_638 = tpu.memref_slice %arg17[%dma_wait3A_633, %dma_wait3A_636, %dma_wait3A_637] : memref<2x128x64xf32, #tpu.memory_space<vmem>> -> memref<1x128x64xf32, #tpu.memory_space<vmem>>
    %dma_wait3A_639 = tpu.memref_squeeze %dma_wait3A_638 : memref<1x128x64xf32, #tpu.memory_space<vmem>> -> memref<128x64xf32, #tpu.memory_space<vmem>>
    %dma_wait3A_640 = arith.constant 0 : i32
    %dma_wait3A_641 = tpu.memref_slice %arg11[%dma_wait3A_634, %dma_wait3A_640] : memref<8x128xi32, #tpu.memory_space<vmem>> -> memref<1x128xi32, #tpu.memory_space<vmem>>
    %dma_wait3A_642 = tpu.memref_squeeze %dma_wait3A_641 : memref<1x128xi32, #tpu.memory_space<vmem>> -> memref<128xi32, #tpu.memory_space<vmem>>
    %dma_wait3A_643 = arith.constant 0 : i32
    %dma_wait3A_644 = arith.constant 0 : i32
    %dma_wait3A_645 = tpu.memref_slice %arg18[%dma_wait3A_643, %dma_wait3A_644] : memref<10112x64xf32, #tpu.memory_space<vmem_shared>> -> memref<10112x64xf32, #tpu.memory_space<vmem_shared>>
    %dma_wait3A_646 = tpu.memref_slice %arg22[%dma_wait3A_635] : memref<2x!tpu.dma_semaphore, #tpu.memory_space<semaphore_mem>> -> memref<1x!tpu.dma_semaphore, #tpu.memory_space<semaphore_mem>>
    %dma_wait3A_647 = tpu.memref_squeeze %dma_wait3A_646 : memref<1x!tpu.dma_semaphore, #tpu.memory_space<semaphore_mem>> -> memref<!tpu.dma_semaphore, #tpu.memory_space<semaphore_mem>>
    tpu.wait_indirect_dma semaphore(%dma_wait3A_647 : memref<!tpu.dma_semaphore, #tpu.memory_space<semaphore_mem>>) src(%dma_wait3A_639 : memref<128x64xf32, #tpu.memory_space<vmem>>) dst(%dma_wait3A_645 : memref<10112x64xf32, #tpu.memory_space<vmem_shared>>)
    %eq3A = arith.constant 0 : i32
    %eq3A_648 = arith.cmpi eq, %arg0, %eq3A : i32
    %convert_element_type3A = arith.extui %eq3A_648 : i1 to i32
    %cond3A = arith.constant 0 : i32
    %cond3A_649 = arith.cmpi ne, %convert_element_type3A, %cond3A : i32
    scf.if %cond3A_649 {
      %dma_wait3A_680 = arith.constant 1 : i32
      %dma_wait3A_681 = arith.constant 3 : i32
      %dma_wait3A_682 = arith.constant 1 : i32
      %dma_wait3A_683 = arith.constant 0 : i32
      %dma_wait3A_684 = arith.constant 0 : i32
      %dma_wait3A_685 = tpu.memref_slice %arg16[%dma_wait3A_680, %dma_wait3A_683, %dma_wait3A_684] : memref<2x128x16xf32, #tpu.memory_space<vmem>> -> memref<1x128x16xf32, #tpu.memory_space<vmem>>
      %dma_wait3A_686 = tpu.memref_squeeze %dma_wait3A_685 : memref<1x128x16xf32, #tpu.memory_space<vmem>> -> memref<128x16xf32, #tpu.memory_space<vmem>>
      %dma_wait3A_687 = arith.constant 0 : i32
      %dma_wait3A_688 = tpu.memref_slice %arg11[%dma_wait3A_681, %dma_wait3A_687] : memref<8x128xi32, #tpu.memory_space<vmem>> -> memref<1x128xi32, #tpu.memory_space<vmem>>
      %dma_wait3A_689 = tpu.memref_squeeze %dma_wait3A_688 : memref<1x128xi32, #tpu.memory_space<vmem>> -> memref<128xi32, #tpu.memory_space<vmem>>
      %dma_wait3A_690 = arith.constant 0 : i32
      %dma_wait3A_691 = arith.constant 0 : i32
      %dma_wait3A_692 = tpu.memref_slice %arg19[%dma_wait3A_690, %dma_wait3A_691] : memref<10112x16xf32, #tpu.memory_space<vmem_shared>> -> memref<10112x16xf32, #tpu.memory_space<vmem_shared>>
      %dma_wait3A_693 = tpu.memref_slice %arg23[%dma_wait3A_682] : memref<2x!tpu.dma_semaphore, #tpu.memory_space<semaphore_mem>> -> memref<1x!tpu.dma_semaphore, #tpu.memory_space<semaphore_mem>>
      %dma_wait3A_694 = tpu.memref_squeeze %dma_wait3A_693 : memref<1x!tpu.dma_semaphore, #tpu.memory_space<semaphore_mem>> -> memref<!tpu.dma_semaphore, #tpu.memory_space<semaphore_mem>>
      tpu.wait_indirect_dma semaphore(%dma_wait3A_694 : memref<!tpu.dma_semaphore, #tpu.memory_space<semaphore_mem>>) src(%dma_wait3A_686 : memref<128x16xf32, #tpu.memory_space<vmem>>) dst(%dma_wait3A_692 : memref<10112x16xf32, #tpu.memory_space<vmem_shared>>)
    } else {
    }
    %dma_wait3A_650 = arith.constant 0 : i32
    %dma_wait3A_651 = arith.constant 4 : i32
    %dma_wait3A_652 = arith.constant 0 : i32
    %dma_wait3A_653 = arith.constant 0 : i32
    %dma_wait3A_654 = arith.constant 0 : i32
    %dma_wait3A_655 = tpu.memref_slice %arg17[%dma_wait3A_650, %dma_wait3A_653, %dma_wait3A_654] : memref<2x128x64xf32, #tpu.memory_space<vmem>> -> memref<1x128x64xf32, #tpu.memory_space<vmem>>
    %dma_wait3A_656 = tpu.memref_squeeze %dma_wait3A_655 : memref<1x128x64xf32, #tpu.memory_space<vmem>> -> memref<128x64xf32, #tpu.memory_space<vmem>>
    %dma_wait3A_657 = arith.constant 0 : i32
    %dma_wait3A_658 = tpu.memref_slice %arg11[%dma_wait3A_651, %dma_wait3A_657] : memref<8x128xi32, #tpu.memory_space<vmem>> -> memref<1x128xi32, #tpu.memory_space<vmem>>
    %dma_wait3A_659 = tpu.memref_squeeze %dma_wait3A_658 : memref<1x128xi32, #tpu.memory_space<vmem>> -> memref<128xi32, #tpu.memory_space<vmem>>
    %dma_wait3A_660 = arith.constant 0 : i32
    %dma_wait3A_661 = arith.constant 0 : i32
    %dma_wait3A_662 = tpu.memref_slice %arg18[%dma_wait3A_660, %dma_wait3A_661] : memref<10112x64xf32, #tpu.memory_space<vmem_shared>> -> memref<10112x64xf32, #tpu.memory_space<vmem_shared>>
    %dma_wait3A_663 = tpu.memref_slice %arg22[%dma_wait3A_652] : memref<2x!tpu.dma_semaphore, #tpu.memory_space<semaphore_mem>> -> memref<1x!tpu.dma_semaphore, #tpu.memory_space<semaphore_mem>>
    %dma_wait3A_664 = tpu.memref_squeeze %dma_wait3A_663 : memref<1x!tpu.dma_semaphore, #tpu.memory_space<semaphore_mem>> -> memref<!tpu.dma_semaphore, #tpu.memory_space<semaphore_mem>>
    tpu.wait_indirect_dma semaphore(%dma_wait3A_664 : memref<!tpu.dma_semaphore, #tpu.memory_space<semaphore_mem>>) src(%dma_wait3A_656 : memref<128x64xf32, #tpu.memory_space<vmem>>) dst(%dma_wait3A_662 : memref<10112x64xf32, #tpu.memory_space<vmem_shared>>)
    %eq3A_665 = arith.constant 0 : i32
    %eq3A_666 = arith.cmpi eq, %arg0, %eq3A_665 : i32
    %convert_element_type3A_667 = arith.extui %eq3A_666 : i1 to i32
    %cond3A_668 = arith.constant 0 : i32
    %cond3A_669 = arith.cmpi ne, %convert_element_type3A_667, %cond3A_668 : i32
    scf.if %cond3A_669 {
      %dma_wait3A_680 = arith.constant 0 : i32
      %dma_wait3A_681 = arith.constant 0 : i32
      %dma_wait3A_682 = arith.constant 0 : i32
      %dma_wait3A_683 = arith.constant 0 : i32
      %dma_wait3A_684 = arith.constant 0 : i32
      %dma_wait3A_685 = tpu.memref_slice %arg16[%dma_wait3A_680, %dma_wait3A_683, %dma_wait3A_684] : memref<2x128x16xf32, #tpu.memory_space<vmem>> -> memref<1x128x16xf32, #tpu.memory_space<vmem>>
      %dma_wait3A_686 = tpu.memref_squeeze %dma_wait3A_685 : memref<1x128x16xf32, #tpu.memory_space<vmem>> -> memref<128x16xf32, #tpu.memory_space<vmem>>
      %dma_wait3A_687 = arith.constant 0 : i32
      %dma_wait3A_688 = tpu.memref_slice %arg11[%dma_wait3A_681, %dma_wait3A_687] : memref<8x128xi32, #tpu.memory_space<vmem>> -> memref<1x128xi32, #tpu.memory_space<vmem>>
      %dma_wait3A_689 = tpu.memref_squeeze %dma_wait3A_688 : memref<1x128xi32, #tpu.memory_space<vmem>> -> memref<128xi32, #tpu.memory_space<vmem>>
      %dma_wait3A_690 = arith.constant 0 : i32
      %dma_wait3A_691 = arith.constant 0 : i32
      %dma_wait3A_692 = tpu.memref_slice %arg19[%dma_wait3A_690, %dma_wait3A_691] : memref<10112x16xf32, #tpu.memory_space<vmem_shared>> -> memref<10112x16xf32, #tpu.memory_space<vmem_shared>>
      %dma_wait3A_693 = tpu.memref_slice %arg23[%dma_wait3A_682] : memref<2x!tpu.dma_semaphore, #tpu.memory_space<semaphore_mem>> -> memref<1x!tpu.dma_semaphore, #tpu.memory_space<semaphore_mem>>
      %dma_wait3A_694 = tpu.memref_squeeze %dma_wait3A_693 : memref<1x!tpu.dma_semaphore, #tpu.memory_space<semaphore_mem>> -> memref<!tpu.dma_semaphore, #tpu.memory_space<semaphore_mem>>
      tpu.wait_indirect_dma semaphore(%dma_wait3A_694 : memref<!tpu.dma_semaphore, #tpu.memory_space<semaphore_mem>>) src(%dma_wait3A_686 : memref<128x16xf32, #tpu.memory_space<vmem>>) dst(%dma_wait3A_692 : memref<10112x16xf32, #tpu.memory_space<vmem_shared>>)
    } else {
    }
    %barrier3A_670 = arith.constant 0 : index
    tpu.barrier barrier_id(%barrier3A_670)
    %mul3A_671 = arith.constant 632 : i32
    %mul3A_672 = arith.muli %arg1, %mul3A_671 : i32
    %mul3A_673 = arith.constant 632 : i32
    %mul3A_674 = arith.muli %arg1, %mul3A_673 : i32
    "tpu.region"() ({
      %run_scoped3A = tpu.sem_alloc : memref<!tpu.dma_semaphore, #tpu.memory_space<semaphore_mem>>
      %dma_start3A_680 = arith.constant 0 : i32
      %dma_start3A_681 = tpu.memref_slice %arg8[%arg0, %mul3A_674, %dma_start3A_680] : memref<2x10112x64xf32, #tpu.memory_space<hbm>> -> memref<1x632x64xf32, #tpu.memory_space<hbm>>
      %dma_start3A_682 = tpu.memref_squeeze %dma_start3A_681 : memref<1x632x64xf32, #tpu.memory_space<hbm>> -> memref<632x64xf32, #tpu.memory_space<hbm>>
      %dma_start3A_683 = arith.constant 0 : i32
      %dma_start3A_684 = tpu.memref_slice %arg18[%mul3A_672, %dma_start3A_683] : memref<10112x64xf32, #tpu.memory_space<vmem_shared>> -> memref<632x64xf32, #tpu.memory_space<vmem_shared>>
      tpu.enqueue_dma source(%dma_start3A_684 : memref<632x64xf32, #tpu.memory_space<vmem_shared>>) target(%dma_start3A_682 : memref<632x64xf32, #tpu.memory_space<hbm>>) target_semaphore(%run_scoped3A : memref<!tpu.dma_semaphore, #tpu.memory_space<semaphore_mem>>)
      %dma_wait3A_685 = arith.constant 0 : i32
      %dma_wait3A_686 = tpu.memref_slice %arg8[%arg0, %mul3A_674, %dma_wait3A_685] : memref<2x10112x64xf32, #tpu.memory_space<hbm>> -> memref<1x632x64xf32, #tpu.memory_space<hbm>>
      %dma_wait3A_687 = tpu.memref_squeeze %dma_wait3A_686 : memref<1x632x64xf32, #tpu.memory_space<hbm>> -> memref<632x64xf32, #tpu.memory_space<hbm>>
      %dma_wait3A_688 = arith.constant 0 : i32
      %dma_wait3A_689 = tpu.memref_slice %arg18[%mul3A_672, %dma_wait3A_688] : memref<10112x64xf32, #tpu.memory_space<vmem_shared>> -> memref<632x64xf32, #tpu.memory_space<vmem_shared>>
      tpu.wait_dma2 semaphore(%run_scoped3A : memref<!tpu.dma_semaphore, #tpu.memory_space<semaphore_mem>>) src(%dma_wait3A_689 : memref<632x64xf32, #tpu.memory_space<vmem_shared>>) dst(%dma_wait3A_687 : memref<632x64xf32, #tpu.memory_space<hbm>>)
      tpu.yield
    }) : () -> ()
    %eq3A_675 = arith.constant 0 : i32
    %eq3A_676 = arith.cmpi eq, %arg0, %eq3A_675 : i32
    %convert_element_type3A_677 = arith.extui %eq3A_676 : i1 to i32
    %cond3A_678 = arith.constant 0 : i32
    %cond3A_679 = arith.cmpi ne, %convert_element_type3A_677, %cond3A_678 : i32
    scf.if %cond3A_679 {
      %mul3A_680 = arith.constant 632 : i32
      %mul3A_681 = arith.muli %arg1, %mul3A_680 : i32
      %mul3A_682 = arith.constant 632 : i32
      %mul3A_683 = arith.muli %arg1, %mul3A_682 : i32
      "tpu.region"() ({
        %run_scoped3A = tpu.sem_alloc : memref<!tpu.dma_semaphore, #tpu.memory_space<semaphore_mem>>
        %dma_start3A_684 = arith.constant 0 : i32
        %dma_start3A_685 = tpu.memref_slice %arg9[%mul3A_683, %dma_start3A_684] : memref<10112x16xf32, #tpu.memory_space<hbm>> -> memref<632x16xf32, #tpu.memory_space<hbm>>
        %dma_start3A_686 = arith.constant 0 : i32
        %dma_start3A_687 = tpu.memref_slice %arg19[%mul3A_681, %dma_start3A_686] : memref<10112x16xf32, #tpu.memory_space<vmem_shared>> -> memref<632x16xf32, #tpu.memory_space<vmem_shared>>
        tpu.enqueue_dma source(%dma_start3A_687 : memref<632x16xf32, #tpu.memory_space<vmem_shared>>) target(%dma_start3A_685 : memref<632x16xf32, #tpu.memory_space<hbm>>) target_semaphore(%run_scoped3A : memref<!tpu.dma_semaphore, #tpu.memory_space<semaphore_mem>>)
        %dma_wait3A_688 = arith.constant 0 : i32
        %dma_wait3A_689 = tpu.memref_slice %arg9[%mul3A_683, %dma_wait3A_688] : memref<10112x16xf32, #tpu.memory_space<hbm>> -> memref<632x16xf32, #tpu.memory_space<hbm>>
        %dma_wait3A_690 = arith.constant 0 : i32
        %dma_wait3A_691 = tpu.memref_slice %arg19[%mul3A_681, %dma_wait3A_690] : memref<10112x16xf32, #tpu.memory_space<vmem_shared>> -> memref<632x16xf32, #tpu.memory_space<vmem_shared>>
        tpu.wait_dma2 semaphore(%run_scoped3A : memref<!tpu.dma_semaphore, #tpu.memory_space<semaphore_mem>>) src(%dma_wait3A_691 : memref<632x16xf32, #tpu.memory_space<vmem_shared>>) dst(%dma_wait3A_689 : memref<632x16xf32, #tpu.memory_space<hbm>>)
        tpu.yield
      }) : () -> ()
    } else {
    }
    return
  }
}

#map = affine_map<(d0, d1) -> (0, 0)>
#map1 = affine_map<(d0, d1) -> (0)>
#map2 = affine_map<(d0, d1) -> (0, 0, 0)>
module attributes {stable_mosaic.version = 14 : i64} {
  func.func @_sc_body(%arg0: i32, %arg1: i32, %arg2: memref<10112x16xf32, #tpu.memory_space<hbm>>, %arg3: memref<20224x32xi32, #tpu.memory_space<hbm>>, %arg4: memref<321536xi32, #tpu.memory_space<hbm>>, %arg5: memref<321536xi32, #tpu.memory_space<hbm>>, %arg6: memref<632x64xf32, #tpu.memory_space<hbm>>, %arg7: memref<632x16xf32, #tpu.memory_space<hbm>>, %arg8: memref<2x10112x64xf32, #tpu.memory_space<hbm>>, %arg9: memref<10112x16xf32, #tpu.memory_space<hbm>>, %arg10: memref<8x128xi32, #tpu.memory_space<vmem>>, %arg11: memref<8x128xi32, #tpu.memory_space<vmem>>, %arg12: memref<8x128xi32, #tpu.memory_space<vmem>>, %arg13: memref<4x128x16xf32, #tpu.memory_space<vmem>>, %arg14: memref<4x128x16xf32, #tpu.memory_space<vmem>>, %arg15: memref<4x128x32xi32, #tpu.memory_space<vmem>>, %arg16: memref<2x128x16xf32, #tpu.memory_space<vmem>>, %arg17: memref<2x128x64xf32, #tpu.memory_space<vmem>>, %arg18: memref<10112x64xf32, #tpu.memory_space<vmem_shared>>, %arg19: memref<10112x16xf32, #tpu.memory_space<vmem_shared>>, %arg20: memref<8x!tpu.dma_semaphore, #tpu.memory_space<semaphore_mem>>, %arg21: memref<4x!tpu.dma_semaphore, #tpu.memory_space<semaphore_mem>>, %arg22: memref<2x!tpu.dma_semaphore, #tpu.memory_space<semaphore_mem>>, %arg23: memref<2x!tpu.dma_semaphore, #tpu.memory_space<semaphore_mem>>) attributes {dimension_semantics = [#tpu.dimension_semantics<core_parallel>, #tpu.dimension_semantics<subcore_parallel>], iteration_bounds = array<i64: 2, 16>, scalar_prefetch = 0 : i64, scratch_operands = 14 : i64, tpu.core_type = #tpu.core_type<sc_vector_subcore>, window_params = [{transform_indices = #map}, {transform_indices = #map}, {transform_indices = #map1}, {transform_indices = #map1}, {transform_indices = #map}, {transform_indices = #map}, {transform_indices = #map2}, {transform_indices = #map}]} {
    %mul3A = arith.constant 632 : i32
    %mul3A_0 = arith.muli %arg1, %mul3A : i32
    "tpu.region"() ({
      %run_scoped3A = tpu.sem_alloc : memref<!tpu.dma_semaphore, #tpu.memory_space<semaphore_mem>>
      %dma_start3A_680 = arith.constant 0 : i32
      %dma_start3A_681 = tpu.memref_slice %arg18[%mul3A_0, %dma_start3A_680] : memref<10112x64xf32, #tpu.memory_space<vmem_shared>> -> memref<632x64xf32, #tpu.memory_space<vmem_shared>>
      tpu.enqueue_dma source(%arg6 : memref<632x64xf32, #tpu.memory_space<hbm>>) target(%dma_start3A_681 : memref<632x64xf32, #tpu.memory_space<vmem_shared>>) target_semaphore(%run_scoped3A : memref<!tpu.dma_semaphore, #tpu.memory_space<semaphore_mem>>)
      %dma_wait3A_682 = arith.constant 0 : i32
      %dma_wait3A_683 = tpu.memref_slice %arg18[%mul3A_0, %dma_wait3A_682] : memref<10112x64xf32, #tpu.memory_space<vmem_shared>> -> memref<632x64xf32, #tpu.memory_space<vmem_shared>>
      tpu.wait_dma2 semaphore(%run_scoped3A : memref<!tpu.dma_semaphore, #tpu.memory_space<semaphore_mem>>) src(%arg6 : memref<632x64xf32, #tpu.memory_space<hbm>>) dst(%dma_wait3A_683 : memref<632x64xf32, #tpu.memory_space<vmem_shared>>)
      tpu.yield
    }) : () -> ()
    %mul3A_1 = arith.constant 632 : i32
    %mul3A_2 = arith.muli %arg1, %mul3A_1 : i32
    "tpu.region"() ({
      %run_scoped3A = tpu.sem_alloc : memref<!tpu.dma_semaphore, #tpu.memory_space<semaphore_mem>>
      %dma_start3A_680 = arith.constant 0 : i32
      %dma_start3A_681 = tpu.memref_slice %arg19[%mul3A_2, %dma_start3A_680] : memref<10112x16xf32, #tpu.memory_space<vmem_shared>> -> memref<632x16xf32, #tpu.memory_space<vmem_shared>>
      tpu.enqueue_dma source(%arg7 : memref<632x16xf32, #tpu.memory_space<hbm>>) target(%dma_start3A_681 : memref<632x16xf32, #tpu.memory_space<vmem_shared>>) target_semaphore(%run_scoped3A : memref<!tpu.dma_semaphore, #tpu.memory_space<semaphore_mem>>)
      %dma_wait3A_682 = arith.constant 0 : i32
      %dma_wait3A_683 = tpu.memref_slice %arg19[%mul3A_2, %dma_wait3A_682] : memref<10112x16xf32, #tpu.memory_space<vmem_shared>> -> memref<632x16xf32, #tpu.memory_space<vmem_shared>>
      tpu.wait_dma2 semaphore(%run_scoped3A : memref<!tpu.dma_semaphore, #tpu.memory_space<semaphore_mem>>) src(%arg7 : memref<632x16xf32, #tpu.memory_space<hbm>>) dst(%dma_wait3A_683 : memref<632x16xf32, #tpu.memory_space<vmem_shared>>)
      tpu.yield
    }) : () -> ()
    %barrier3A = arith.constant 0 : index
    tpu.barrier barrier_id(%barrier3A)
    %iota3A = tpu.iota {dimensions = array<i32: 0>} : vector<16xi32>
    %and3A = arith.constant 7 : i32
    %and3A_3 = vector.broadcast %and3A : i32 to vector<16xi32>
    %and3A_4 = arith.andi %iota3A, %and3A_3 : vector<16xi32>
    %add3A = arith.constant 8 : i32
    %add3A_5 = vector.broadcast %add3A : i32 to vector<16xi32>
    %add3A_6 = arith.addi %and3A_4, %add3A_5 : vector<16xi32>
    %mul3A_7 = arith.constant 157 : i32
    %mul3A_8 = arith.muli %arg1, %mul3A_7 : i32
    %mul3A_9 = arith.constant 128 : i32
    %mul3A_10 = arith.muli %mul3A_8, %mul3A_9 : i32
    %mul3A_11 = arith.constant 10112 : i32
    %mul3A_12 = arith.muli %arg0, %mul3A_11 : i32
    %add3A_13 = arith.constant 0 : i32
    %add3A_14 = arith.addi %mul3A_10, %add3A_13 : i32
    %dma_start3A = arith.constant 0 : i32
    %dma_start3A_15 = arith.constant 0 : i32
    %dma_start3A_16 = arith.constant 0 : i32
    %dma_start3A_17 = tpu.memref_slice %arg10[%dma_start3A, %dma_start3A_16] : memref<8x128xi32, #tpu.memory_space<vmem>> -> memref<1x128xi32, #tpu.memory_space<vmem>>
    %dma_start3A_18 = tpu.memref_squeeze %dma_start3A_17 : memref<1x128xi32, #tpu.memory_space<vmem>> -> memref<128xi32, #tpu.memory_space<vmem>>
    %dma_start3A_19 = tpu.memref_slice %arg4[%add3A_14] : memref<321536xi32, #tpu.memory_space<hbm>> -> memref<128xi32, #tpu.memory_space<hbm>>
    %dma_start3A_20 = tpu.memref_slice %arg20[%dma_start3A_15] : memref<8x!tpu.dma_semaphore, #tpu.memory_space<semaphore_mem>> -> memref<1x!tpu.dma_semaphore, #tpu.memory_space<semaphore_mem>>
    %dma_start3A_21 = tpu.memref_squeeze %dma_start3A_20 : memref<1x!tpu.dma_semaphore, #tpu.memory_space<semaphore_mem>> -> memref<!tpu.dma_semaphore, #tpu.memory_space<semaphore_mem>>
    %dma_start3A_22 = arith.constant 0 : i32
    %dma_start3A_23 = tpu.memref_slice %arg10[%dma_start3A, %dma_start3A_22] : memref<8x128xi32, #tpu.memory_space<vmem>> -> memref<1x128xi32, #tpu.memory_space<vmem>>
    %dma_start3A_24 = tpu.memref_squeeze %dma_start3A_23 : memref<1x128xi32, #tpu.memory_space<vmem>> -> memref<128xi32, #tpu.memory_space<vmem>>
    %dma_start3A_25 = tpu.memref_slice %arg4[%add3A_14] : memref<321536xi32, #tpu.memory_space<hbm>> -> memref<128xi32, #tpu.memory_space<hbm>>
    tpu.enqueue_dma source(%dma_start3A_25 : memref<128xi32, #tpu.memory_space<hbm>>) target(%dma_start3A_24 : memref<128xi32, #tpu.memory_space<vmem>>) target_semaphore(%dma_start3A_21 : memref<!tpu.dma_semaphore, #tpu.memory_space<semaphore_mem>>)
    %dma_start3A_26 = arith.constant 0 : i32
    %dma_start3A_27 = arith.constant 0 : i32
    %dma_start3A_28 = arith.constant 0 : i32
    %dma_start3A_29 = tpu.memref_slice %arg11[%dma_start3A_26, %dma_start3A_28] : memref<8x128xi32, #tpu.memory_space<vmem>> -> memref<1x128xi32, #tpu.memory_space<vmem>>
    %dma_start3A_30 = tpu.memref_squeeze %dma_start3A_29 : memref<1x128xi32, #tpu.memory_space<vmem>> -> memref<128xi32, #tpu.memory_space<vmem>>
    %dma_start3A_31 = tpu.memref_slice %arg5[%add3A_14] : memref<321536xi32, #tpu.memory_space<hbm>> -> memref<128xi32, #tpu.memory_space<hbm>>
    %dma_start3A_32 = tpu.memref_slice %arg20[%dma_start3A_27] : memref<8x!tpu.dma_semaphore, #tpu.memory_space<semaphore_mem>> -> memref<1x!tpu.dma_semaphore, #tpu.memory_space<semaphore_mem>>
    %dma_start3A_33 = tpu.memref_squeeze %dma_start3A_32 : memref<1x!tpu.dma_semaphore, #tpu.memory_space<semaphore_mem>> -> memref<!tpu.dma_semaphore, #tpu.memory_space<semaphore_mem>>
    %dma_start3A_34 = arith.constant 0 : i32
    %dma_start3A_35 = tpu.memref_slice %arg11[%dma_start3A_26, %dma_start3A_34] : memref<8x128xi32, #tpu.memory_space<vmem>> -> memref<1x128xi32, #tpu.memory_space<vmem>>
    %dma_start3A_36 = tpu.memref_squeeze %dma_start3A_35 : memref<1x128xi32, #tpu.memory_space<vmem>> -> memref<128xi32, #tpu.memory_space<vmem>>
    %dma_start3A_37 = tpu.memref_slice %arg5[%add3A_14] : memref<321536xi32, #tpu.memory_space<hbm>> -> memref<128xi32, #tpu.memory_space<hbm>>
    tpu.enqueue_dma source(%dma_start3A_37 : memref<128xi32, #tpu.memory_space<hbm>>) target(%dma_start3A_36 : memref<128xi32, #tpu.memory_space<vmem>>) target_semaphore(%dma_start3A_33 : memref<!tpu.dma_semaphore, #tpu.memory_space<semaphore_mem>>)
    %add3A_38 = arith.constant 128 : i32
    %add3A_39 = arith.addi %mul3A_10, %add3A_38 : i32
    %dma_start3A_40 = arith.constant 1 : i32
    %dma_start3A_41 = arith.constant 1 : i32
    %dma_start3A_42 = arith.constant 0 : i32
    %dma_start3A_43 = tpu.memref_slice %arg10[%dma_start3A_40, %dma_start3A_42] : memref<8x128xi32, #tpu.memory_space<vmem>> -> memref<1x128xi32, #tpu.memory_space<vmem>>
    %dma_start3A_44 = tpu.memref_squeeze %dma_start3A_43 : memref<1x128xi32, #tpu.memory_space<vmem>> -> memref<128xi32, #tpu.memory_space<vmem>>
    %dma_start3A_45 = tpu.memref_slice %arg4[%add3A_39] : memref<321536xi32, #tpu.memory_space<hbm>> -> memref<128xi32, #tpu.memory_space<hbm>>
    %dma_start3A_46 = tpu.memref_slice %arg20[%dma_start3A_41] : memref<8x!tpu.dma_semaphore, #tpu.memory_space<semaphore_mem>> -> memref<1x!tpu.dma_semaphore, #tpu.memory_space<semaphore_mem>>
    %dma_start3A_47 = tpu.memref_squeeze %dma_start3A_46 : memref<1x!tpu.dma_semaphore, #tpu.memory_space<semaphore_mem>> -> memref<!tpu.dma_semaphore, #tpu.memory_space<semaphore_mem>>
    %dma_start3A_48 = arith.constant 0 : i32
    %dma_start3A_49 = tpu.memref_slice %arg10[%dma_start3A_40, %dma_start3A_48] : memref<8x128xi32, #tpu.memory_space<vmem>> -> memref<1x128xi32, #tpu.memory_space<vmem>>
    %dma_start3A_50 = tpu.memref_squeeze %dma_start3A_49 : memref<1x128xi32, #tpu.memory_space<vmem>> -> memref<128xi32, #tpu.memory_space<vmem>>
    %dma_start3A_51 = tpu.memref_slice %arg4[%add3A_39] : memref<321536xi32, #tpu.memory_space<hbm>> -> memref<128xi32, #tpu.memory_space<hbm>>
    tpu.enqueue_dma source(%dma_start3A_51 : memref<128xi32, #tpu.memory_space<hbm>>) target(%dma_start3A_50 : memref<128xi32, #tpu.memory_space<vmem>>) target_semaphore(%dma_start3A_47 : memref<!tpu.dma_semaphore, #tpu.memory_space<semaphore_mem>>)
    %dma_start3A_52 = arith.constant 1 : i32
    %dma_start3A_53 = arith.constant 1 : i32
    %dma_start3A_54 = arith.constant 0 : i32
    %dma_start3A_55 = tpu.memref_slice %arg11[%dma_start3A_52, %dma_start3A_54] : memref<8x128xi32, #tpu.memory_space<vmem>> -> memref<1x128xi32, #tpu.memory_space<vmem>>
    %dma_start3A_56 = tpu.memref_squeeze %dma_start3A_55 : memref<1x128xi32, #tpu.memory_space<vmem>> -> memref<128xi32, #tpu.memory_space<vmem>>
    %dma_start3A_57 = tpu.memref_slice %arg5[%add3A_39] : memref<321536xi32, #tpu.memory_space<hbm>> -> memref<128xi32, #tpu.memory_space<hbm>>
    %dma_start3A_58 = tpu.memref_slice %arg20[%dma_start3A_53] : memref<8x!tpu.dma_semaphore, #tpu.memory_space<semaphore_mem>> -> memref<1x!tpu.dma_semaphore, #tpu.memory_space<semaphore_mem>>
    %dma_start3A_59 = tpu.memref_squeeze %dma_start3A_58 : memref<1x!tpu.dma_semaphore, #tpu.memory_space<semaphore_mem>> -> memref<!tpu.dma_semaphore, #tpu.memory_space<semaphore_mem>>
    %dma_start3A_60 = arith.constant 0 : i32
    %dma_start3A_61 = tpu.memref_slice %arg11[%dma_start3A_52, %dma_start3A_60] : memref<8x128xi32, #tpu.memory_space<vmem>> -> memref<1x128xi32, #tpu.memory_space<vmem>>
    %dma_start3A_62 = tpu.memref_squeeze %dma_start3A_61 : memref<1x128xi32, #tpu.memory_space<vmem>> -> memref<128xi32, #tpu.memory_space<vmem>>
    %dma_start3A_63 = tpu.memref_slice %arg5[%add3A_39] : memref<321536xi32, #tpu.memory_space<hbm>> -> memref<128xi32, #tpu.memory_space<hbm>>
    tpu.enqueue_dma source(%dma_start3A_63 : memref<128xi32, #tpu.memory_space<hbm>>) target(%dma_start3A_62 : memref<128xi32, #tpu.memory_space<vmem>>) target_semaphore(%dma_start3A_59 : memref<!tpu.dma_semaphore, #tpu.memory_space<semaphore_mem>>)
    %add3A_64 = arith.constant 256 : i32
    %add3A_65 = arith.addi %mul3A_10, %add3A_64 : i32
    %dma_start3A_66 = arith.constant 2 : i32
    %dma_start3A_67 = arith.constant 2 : i32
    %dma_start3A_68 = arith.constant 0 : i32
    %dma_start3A_69 = tpu.memref_slice %arg10[%dma_start3A_66, %dma_start3A_68] : memref<8x128xi32, #tpu.memory_space<vmem>> -> memref<1x128xi32, #tpu.memory_space<vmem>>
    %dma_start3A_70 = tpu.memref_squeeze %dma_start3A_69 : memref<1x128xi32, #tpu.memory_space<vmem>> -> memref<128xi32, #tpu.memory_space<vmem>>
    %dma_start3A_71 = tpu.memref_slice %arg4[%add3A_65] : memref<321536xi32, #tpu.memory_space<hbm>> -> memref<128xi32, #tpu.memory_space<hbm>>
    %dma_start3A_72 = tpu.memref_slice %arg20[%dma_start3A_67] : memref<8x!tpu.dma_semaphore, #tpu.memory_space<semaphore_mem>> -> memref<1x!tpu.dma_semaphore, #tpu.memory_space<semaphore_mem>>
    %dma_start3A_73 = tpu.memref_squeeze %dma_start3A_72 : memref<1x!tpu.dma_semaphore, #tpu.memory_space<semaphore_mem>> -> memref<!tpu.dma_semaphore, #tpu.memory_space<semaphore_mem>>
    %dma_start3A_74 = arith.constant 0 : i32
    %dma_start3A_75 = tpu.memref_slice %arg10[%dma_start3A_66, %dma_start3A_74] : memref<8x128xi32, #tpu.memory_space<vmem>> -> memref<1x128xi32, #tpu.memory_space<vmem>>
    %dma_start3A_76 = tpu.memref_squeeze %dma_start3A_75 : memref<1x128xi32, #tpu.memory_space<vmem>> -> memref<128xi32, #tpu.memory_space<vmem>>
    %dma_start3A_77 = tpu.memref_slice %arg4[%add3A_65] : memref<321536xi32, #tpu.memory_space<hbm>> -> memref<128xi32, #tpu.memory_space<hbm>>
    tpu.enqueue_dma source(%dma_start3A_77 : memref<128xi32, #tpu.memory_space<hbm>>) target(%dma_start3A_76 : memref<128xi32, #tpu.memory_space<vmem>>) target_semaphore(%dma_start3A_73 : memref<!tpu.dma_semaphore, #tpu.memory_space<semaphore_mem>>)
    %dma_start3A_78 = arith.constant 2 : i32
    %dma_start3A_79 = arith.constant 2 : i32
    %dma_start3A_80 = arith.constant 0 : i32
    %dma_start3A_81 = tpu.memref_slice %arg11[%dma_start3A_78, %dma_start3A_80] : memref<8x128xi32, #tpu.memory_space<vmem>> -> memref<1x128xi32, #tpu.memory_space<vmem>>
    %dma_start3A_82 = tpu.memref_squeeze %dma_start3A_81 : memref<1x128xi32, #tpu.memory_space<vmem>> -> memref<128xi32, #tpu.memory_space<vmem>>
    %dma_start3A_83 = tpu.memref_slice %arg5[%add3A_65] : memref<321536xi32, #tpu.memory_space<hbm>> -> memref<128xi32, #tpu.memory_space<hbm>>
    %dma_start3A_84 = tpu.memref_slice %arg20[%dma_start3A_79] : memref<8x!tpu.dma_semaphore, #tpu.memory_space<semaphore_mem>> -> memref<1x!tpu.dma_semaphore, #tpu.memory_space<semaphore_mem>>
    %dma_start3A_85 = tpu.memref_squeeze %dma_start3A_84 : memref<1x!tpu.dma_semaphore, #tpu.memory_space<semaphore_mem>> -> memref<!tpu.dma_semaphore, #tpu.memory_space<semaphore_mem>>
    %dma_start3A_86 = arith.constant 0 : i32
    %dma_start3A_87 = tpu.memref_slice %arg11[%dma_start3A_78, %dma_start3A_86] : memref<8x128xi32, #tpu.memory_space<vmem>> -> memref<1x128xi32, #tpu.memory_space<vmem>>
    %dma_start3A_88 = tpu.memref_squeeze %dma_start3A_87 : memref<1x128xi32, #tpu.memory_space<vmem>> -> memref<128xi32, #tpu.memory_space<vmem>>
    %dma_start3A_89 = tpu.memref_slice %arg5[%add3A_65] : memref<321536xi32, #tpu.memory_space<hbm>> -> memref<128xi32, #tpu.memory_space<hbm>>
    tpu.enqueue_dma source(%dma_start3A_89 : memref<128xi32, #tpu.memory_space<hbm>>) target(%dma_start3A_88 : memref<128xi32, #tpu.memory_space<vmem>>) target_semaphore(%dma_start3A_85 : memref<!tpu.dma_semaphore, #tpu.memory_space<semaphore_mem>>)
    %add3A_90 = arith.constant 384 : i32
    %add3A_91 = arith.addi %mul3A_10, %add3A_90 : i32
    %dma_start3A_92 = arith.constant 3 : i32
    %dma_start3A_93 = arith.constant 3 : i32
    %dma_start3A_94 = arith.constant 0 : i32
    %dma_start3A_95 = tpu.memref_slice %arg10[%dma_start3A_92, %dma_start3A_94] : memref<8x128xi32, #tpu.memory_space<vmem>> -> memref<1x128xi32, #tpu.memory_space<vmem>>
    %dma_start3A_96 = tpu.memref_squeeze %dma_start3A_95 : memref<1x128xi32, #tpu.memory_space<vmem>> -> memref<128xi32, #tpu.memory_space<vmem>>
    %dma_start3A_97 = tpu.memref_slice %arg4[%add3A_91] : memref<321536xi32, #tpu.memory_space<hbm>> -> memref<128xi32, #tpu.memory_space<hbm>>
    %dma_start3A_98 = tpu.memref_slice %arg20[%dma_start3A_93] : memref<8x!tpu.dma_semaphore, #tpu.memory_space<semaphore_mem>> -> memref<1x!tpu.dma_semaphore, #tpu.memory_space<semaphore_mem>>
    %dma_start3A_99 = tpu.memref_squeeze %dma_start3A_98 : memref<1x!tpu.dma_semaphore, #tpu.memory_space<semaphore_mem>> -> memref<!tpu.dma_semaphore, #tpu.memory_space<semaphore_mem>>
    %dma_start3A_100 = arith.constant 0 : i32
    %dma_start3A_101 = tpu.memref_slice %arg10[%dma_start3A_92, %dma_start3A_100] : memref<8x128xi32, #tpu.memory_space<vmem>> -> memref<1x128xi32, #tpu.memory_space<vmem>>
    %dma_start3A_102 = tpu.memref_squeeze %dma_start3A_101 : memref<1x128xi32, #tpu.memory_space<vmem>> -> memref<128xi32, #tpu.memory_space<vmem>>
    %dma_start3A_103 = tpu.memref_slice %arg4[%add3A_91] : memref<321536xi32, #tpu.memory_space<hbm>> -> memref<128xi32, #tpu.memory_space<hbm>>
    tpu.enqueue_dma source(%dma_start3A_103 : memref<128xi32, #tpu.memory_space<hbm>>) target(%dma_start3A_102 : memref<128xi32, #tpu.memory_space<vmem>>) target_semaphore(%dma_start3A_99 : memref<!tpu.dma_semaphore, #tpu.memory_space<semaphore_mem>>)
    %dma_start3A_104 = arith.constant 3 : i32
    %dma_start3A_105 = arith.constant 3 : i32
    %dma_start3A_106 = arith.constant 0 : i32
    %dma_start3A_107 = tpu.memref_slice %arg11[%dma_start3A_104, %dma_start3A_106] : memref<8x128xi32, #tpu.memory_space<vmem>> -> memref<1x128xi32, #tpu.memory_space<vmem>>
    %dma_start3A_108 = tpu.memref_squeeze %dma_start3A_107 : memref<1x128xi32, #tpu.memory_space<vmem>> -> memref<128xi32, #tpu.memory_space<vmem>>
    %dma_start3A_109 = tpu.memref_slice %arg5[%add3A_91] : memref<321536xi32, #tpu.memory_space<hbm>> -> memref<128xi32, #tpu.memory_space<hbm>>
    %dma_start3A_110 = tpu.memref_slice %arg20[%dma_start3A_105] : memref<8x!tpu.dma_semaphore, #tpu.memory_space<semaphore_mem>> -> memref<1x!tpu.dma_semaphore, #tpu.memory_space<semaphore_mem>>
    %dma_start3A_111 = tpu.memref_squeeze %dma_start3A_110 : memref<1x!tpu.dma_semaphore, #tpu.memory_space<semaphore_mem>> -> memref<!tpu.dma_semaphore, #tpu.memory_space<semaphore_mem>>
    %dma_start3A_112 = arith.constant 0 : i32
    %dma_start3A_113 = tpu.memref_slice %arg11[%dma_start3A_104, %dma_start3A_112] : memref<8x128xi32, #tpu.memory_space<vmem>> -> memref<1x128xi32, #tpu.memory_space<vmem>>
    %dma_start3A_114 = tpu.memref_squeeze %dma_start3A_113 : memref<1x128xi32, #tpu.memory_space<vmem>> -> memref<128xi32, #tpu.memory_space<vmem>>
    %dma_start3A_115 = tpu.memref_slice %arg5[%add3A_91] : memref<321536xi32, #tpu.memory_space<hbm>> -> memref<128xi32, #tpu.memory_space<hbm>>
    tpu.enqueue_dma source(%dma_start3A_115 : memref<128xi32, #tpu.memory_space<hbm>>) target(%dma_start3A_114 : memref<128xi32, #tpu.memory_space<vmem>>) target_semaphore(%dma_start3A_111 : memref<!tpu.dma_semaphore, #tpu.memory_space<semaphore_mem>>)
    %add3A_116 = arith.constant 0 : i32
    %add3A_117 = arith.addi %mul3A_10, %add3A_116 : i32
    %dma_wait3A = arith.constant 0 : i32
    %dma_wait3A_118 = arith.constant 0 : i32
    %dma_wait3A_119 = arith.constant 0 : i32
    %dma_wait3A_120 = tpu.memref_slice %arg10[%dma_wait3A, %dma_wait3A_119] : memref<8x128xi32, #tpu.memory_space<vmem>> -> memref<1x128xi32, #tpu.memory_space<vmem>>
    %dma_wait3A_121 = tpu.memref_squeeze %dma_wait3A_120 : memref<1x128xi32, #tpu.memory_space<vmem>> -> memref<128xi32, #tpu.memory_space<vmem>>
    %dma_wait3A_122 = tpu.memref_slice %arg4[%add3A_117] : memref<321536xi32, #tpu.memory_space<hbm>> -> memref<128xi32, #tpu.memory_space<hbm>>
    %dma_wait3A_123 = tpu.memref_slice %arg20[%dma_wait3A_118] : memref<8x!tpu.dma_semaphore, #tpu.memory_space<semaphore_mem>> -> memref<1x!tpu.dma_semaphore, #tpu.memory_space<semaphore_mem>>
    %dma_wait3A_124 = tpu.memref_squeeze %dma_wait3A_123 : memref<1x!tpu.dma_semaphore, #tpu.memory_space<semaphore_mem>> -> memref<!tpu.dma_semaphore, #tpu.memory_space<semaphore_mem>>
    %dma_wait3A_125 = arith.constant 0 : i32
    %dma_wait3A_126 = tpu.memref_slice %arg10[%dma_wait3A, %dma_wait3A_125] : memref<8x128xi32, #tpu.memory_space<vmem>> -> memref<1x128xi32, #tpu.memory_space<vmem>>
    %dma_wait3A_127 = tpu.memref_squeeze %dma_wait3A_126 : memref<1x128xi32, #tpu.memory_space<vmem>> -> memref<128xi32, #tpu.memory_space<vmem>>
    %dma_wait3A_128 = tpu.memref_slice %arg4[%add3A_117] : memref<321536xi32, #tpu.memory_space<hbm>> -> memref<128xi32, #tpu.memory_space<hbm>>
    tpu.wait_dma2 semaphore(%dma_wait3A_124 : memref<!tpu.dma_semaphore, #tpu.memory_space<semaphore_mem>>) src(%dma_wait3A_128 : memref<128xi32, #tpu.memory_space<hbm>>) dst(%dma_wait3A_127 : memref<128xi32, #tpu.memory_space<vmem>>)
    %dma_wait3A_129 = arith.constant 0 : i32
    %dma_wait3A_130 = arith.constant 0 : i32
    %dma_wait3A_131 = arith.constant 0 : i32
    %dma_wait3A_132 = tpu.memref_slice %arg11[%dma_wait3A_129, %dma_wait3A_131] : memref<8x128xi32, #tpu.memory_space<vmem>> -> memref<1x128xi32, #tpu.memory_space<vmem>>
    %dma_wait3A_133 = tpu.memref_squeeze %dma_wait3A_132 : memref<1x128xi32, #tpu.memory_space<vmem>> -> memref<128xi32, #tpu.memory_space<vmem>>
    %dma_wait3A_134 = tpu.memref_slice %arg5[%add3A_117] : memref<321536xi32, #tpu.memory_space<hbm>> -> memref<128xi32, #tpu.memory_space<hbm>>
    %dma_wait3A_135 = tpu.memref_slice %arg20[%dma_wait3A_130] : memref<8x!tpu.dma_semaphore, #tpu.memory_space<semaphore_mem>> -> memref<1x!tpu.dma_semaphore, #tpu.memory_space<semaphore_mem>>
    %dma_wait3A_136 = tpu.memref_squeeze %dma_wait3A_135 : memref<1x!tpu.dma_semaphore, #tpu.memory_space<semaphore_mem>> -> memref<!tpu.dma_semaphore, #tpu.memory_space<semaphore_mem>>
    %dma_wait3A_137 = arith.constant 0 : i32
    %dma_wait3A_138 = tpu.memref_slice %arg11[%dma_wait3A_129, %dma_wait3A_137] : memref<8x128xi32, #tpu.memory_space<vmem>> -> memref<1x128xi32, #tpu.memory_space<vmem>>
    %dma_wait3A_139 = tpu.memref_squeeze %dma_wait3A_138 : memref<1x128xi32, #tpu.memory_space<vmem>> -> memref<128xi32, #tpu.memory_space<vmem>>
    %dma_wait3A_140 = tpu.memref_slice %arg5[%add3A_117] : memref<321536xi32, #tpu.memory_space<hbm>> -> memref<128xi32, #tpu.memory_space<hbm>>
    tpu.wait_dma2 semaphore(%dma_wait3A_136 : memref<!tpu.dma_semaphore, #tpu.memory_space<semaphore_mem>>) src(%dma_wait3A_140 : memref<128xi32, #tpu.memory_space<hbm>>) dst(%dma_wait3A_139 : memref<128xi32, #tpu.memory_space<vmem>>)
    %get3A = arith.constant 0 : i32
    %get3A_141 = arith.index_cast %get3A : i32 to index
    %get3A_142 = arith.constant 0 : index
    %get3A_143 = tpu.vector_load %arg10[%get3A_141, %get3A_142] {strides = array<i32>} : memref<8x128xi32, #tpu.memory_space<vmem>>, vector<1x16xi32>,
    %get3A_144 = vector.shape_cast %get3A_143 : vector<1x16xi32> to vector<16xi32>
    %add3A_145 = vector.broadcast %mul3A_12 : i32 to vector<16xi32>
    %add3A_146 = arith.addi %get3A_144, %add3A_145 : vector<16xi32>
    %swap3A = arith.constant 0 : i32
    %swap3A_147 = arith.index_cast %swap3A : i32 to index
    %swap3A_148 = arith.constant 0 : index
    %swap3A_149 = tpu.vector_load %arg12[%swap3A_147, %swap3A_148] {strides = array<i32>} : memref<8x128xi32, #tpu.memory_space<vmem>>, vector<1x16xi32>,
    %swap3A_150 = vector.shape_cast %swap3A_149 : vector<1x16xi32> to vector<16xi32>
    %swap3A_151 = vector.shape_cast %add3A_146 : vector<16xi32> to vector<1x16xi32>
    tpu.vector_store %arg12[%swap3A_147, %swap3A_148], %swap3A_151 {strides = array<i32>} : memref<8x128xi32, #tpu.memory_space<vmem>>, vector<1x16xi32>,
    %get3A_152 = arith.constant 0 : i32
    %get3A_153 = arith.index_cast %get3A_152 : i32 to index
    %get3A_154 = arith.constant 16 : index
    %get3A_155 = tpu.vector_load %arg10[%get3A_153, %get3A_154] {strides = array<i32>} : memref<8x128xi32, #tpu.memory_space<vmem>>, vector<1x16xi32>,
    %get3A_156 = vector.shape_cast %get3A_155 : vector<1x16xi32> to vector<16xi32>
    %add3A_157 = vector.broadcast %mul3A_12 : i32 to vector<16xi32>
    %add3A_158 = arith.addi %get3A_156, %add3A_157 : vector<16xi32>
    %swap3A_159 = arith.constant 0 : i32
    %swap3A_160 = arith.index_cast %swap3A_159 : i32 to index
    %swap3A_161 = arith.constant 16 : index
    %swap3A_162 = tpu.vector_load %arg12[%swap3A_160, %swap3A_161] {strides = array<i32>} : memref<8x128xi32, #tpu.memory_space<vmem>>, vector<1x16xi32>,
    %swap3A_163 = vector.shape_cast %swap3A_162 : vector<1x16xi32> to vector<16xi32>
    %swap3A_164 = vector.shape_cast %add3A_158 : vector<16xi32> to vector<1x16xi32>
    tpu.vector_store %arg12[%swap3A_160, %swap3A_161], %swap3A_164 {strides = array<i32>} : memref<8x128xi32, #tpu.memory_space<vmem>>, vector<1x16xi32>,
    %get3A_165 = arith.constant 0 : i32
    %get3A_166 = arith.index_cast %get3A_165 : i32 to index
    %get3A_167 = arith.constant 32 : index
    %get3A_168 = tpu.vector_load %arg10[%get3A_166, %get3A_167] {strides = array<i32>} : memref<8x128xi32, #tpu.memory_space<vmem>>, vector<1x16xi32>,
    %get3A_169 = vector.shape_cast %get3A_168 : vector<1x16xi32> to vector<16xi32>
    %add3A_170 = vector.broadcast %mul3A_12 : i32 to vector<16xi32>
    %add3A_171 = arith.addi %get3A_169, %add3A_170 : vector<16xi32>
    %swap3A_172 = arith.constant 0 : i32
    %swap3A_173 = arith.index_cast %swap3A_172 : i32 to index
    %swap3A_174 = arith.constant 32 : index
    %swap3A_175 = tpu.vector_load %arg12[%swap3A_173, %swap3A_174] {strides = array<i32>} : memref<8x128xi32, #tpu.memory_space<vmem>>, vector<1x16xi32>,
    %swap3A_176 = vector.shape_cast %swap3A_175 : vector<1x16xi32> to vector<16xi32>
    %swap3A_177 = vector.shape_cast %add3A_171 : vector<16xi32> to vector<1x16xi32>
    tpu.vector_store %arg12[%swap3A_173, %swap3A_174], %swap3A_177 {strides = array<i32>} : memref<8x128xi32, #tpu.memory_space<vmem>>, vector<1x16xi32>,
    %get3A_178 = arith.constant 0 : i32
    %get3A_179 = arith.index_cast %get3A_178 : i32 to index
    %get3A_180 = arith.constant 48 : index
    %get3A_181 = tpu.vector_load %arg10[%get3A_179, %get3A_180] {strides = array<i32>} : memref<8x128xi32, #tpu.memory_space<vmem>>, vector<1x16xi32>,
    %get3A_182 = vector.shape_cast %get3A_181 : vector<1x16xi32> to vector<16xi32>
    %add3A_183 = vector.broadcast %mul3A_12 : i32 to vector<16xi32>
    %add3A_184 = arith.addi %get3A_182, %add3A_183 : vector<16xi32>
    %swap3A_185 = arith.constant 0 : i32
    %swap3A_186 = arith.index_cast %swap3A_185 : i32 to index
    %swap3A_187 = arith.constant 48 : index
    %swap3A_188 = tpu.vector_load %arg12[%swap3A_186, %swap3A_187] {strides = array<i32>} : memref<8x128xi32, #tpu.memory_space<vmem>>, vector<1x16xi32>,
    %swap3A_189 = vector.shape_cast %swap3A_188 : vector<1x16xi32> to vector<16xi32>
    %swap3A_190 = vector.shape_cast %add3A_184 : vector<16xi32> to vector<1x16xi32>
    tpu.vector_store %arg12[%swap3A_186, %swap3A_187], %swap3A_190 {strides = array<i32>} : memref<8x128xi32, #tpu.memory_space<vmem>>, vector<1x16xi32>,
    %get3A_191 = arith.constant 0 : i32
    %get3A_192 = arith.index_cast %get3A_191 : i32 to index
    %get3A_193 = arith.constant 64 : index
    %get3A_194 = tpu.vector_load %arg10[%get3A_192, %get3A_193] {strides = array<i32>} : memref<8x128xi32, #tpu.memory_space<vmem>>, vector<1x16xi32>,
    %get3A_195 = vector.shape_cast %get3A_194 : vector<1x16xi32> to vector<16xi32>
    %add3A_196 = vector.broadcast %mul3A_12 : i32 to vector<16xi32>
    %add3A_197 = arith.addi %get3A_195, %add3A_196 : vector<16xi32>
    %swap3A_198 = arith.constant 0 : i32
    %swap3A_199 = arith.index_cast %swap3A_198 : i32 to index
    %swap3A_200 = arith.constant 64 : index
    %swap3A_201 = tpu.vector_load %arg12[%swap3A_199, %swap3A_200] {strides = array<i32>} : memref<8x128xi32, #tpu.memory_space<vmem>>, vector<1x16xi32>,
    %swap3A_202 = vector.shape_cast %swap3A_201 : vector<1x16xi32> to vector<16xi32>
    %swap3A_203 = vector.shape_cast %add3A_197 : vector<16xi32> to vector<1x16xi32>
    tpu.vector_store %arg12[%swap3A_199, %swap3A_200], %swap3A_203 {strides = array<i32>} : memref<8x128xi32, #tpu.memory_space<vmem>>, vector<1x16xi32>,
    %get3A_204 = arith.constant 0 : i32
    %get3A_205 = arith.index_cast %get3A_204 : i32 to index
    %get3A_206 = arith.constant 80 : index
    %get3A_207 = tpu.vector_load %arg10[%get3A_205, %get3A_206] {strides = array<i32>} : memref<8x128xi32, #tpu.memory_space<vmem>>, vector<1x16xi32>,
    %get3A_208 = vector.shape_cast %get3A_207 : vector<1x16xi32> to vector<16xi32>
    %add3A_209 = vector.broadcast %mul3A_12 : i32 to vector<16xi32>
    %add3A_210 = arith.addi %get3A_208, %add3A_209 : vector<16xi32>
    %swap3A_211 = arith.constant 0 : i32
    %swap3A_212 = arith.index_cast %swap3A_211 : i32 to index
    %swap3A_213 = arith.constant 80 : index
    %swap3A_214 = tpu.vector_load %arg12[%swap3A_212, %swap3A_213] {strides = array<i32>} : memref<8x128xi32, #tpu.memory_space<vmem>>, vector<1x16xi32>,
    %swap3A_215 = vector.shape_cast %swap3A_214 : vector<1x16xi32> to vector<16xi32>
    %swap3A_216 = vector.shape_cast %add3A_210 : vector<16xi32> to vector<1x16xi32>
    tpu.vector_store %arg12[%swap3A_212, %swap3A_213], %swap3A_216 {strides = array<i32>} : memref<8x128xi32, #tpu.memory_space<vmem>>, vector<1x16xi32>,
    %get3A_217 = arith.constant 0 : i32
    %get3A_218 = arith.index_cast %get3A_217 : i32 to index
    %get3A_219 = arith.constant 96 : index
    %get3A_220 = tpu.vector_load %arg10[%get3A_218, %get3A_219] {strides = array<i32>} : memref<8x128xi32, #tpu.memory_space<vmem>>, vector<1x16xi32>,
    %get3A_221 = vector.shape_cast %get3A_220 : vector<1x16xi32> to vector<16xi32>
    %add3A_222 = vector.broadcast %mul3A_12 : i32 to vector<16xi32>
    %add3A_223 = arith.addi %get3A_221, %add3A_222 : vector<16xi32>
    %swap3A_224 = arith.constant 0 : i32
    %swap3A_225 = arith.index_cast %swap3A_224 : i32 to index
    %swap3A_226 = arith.constant 96 : index
    %swap3A_227 = tpu.vector_load %arg12[%swap3A_225, %swap3A_226] {strides = array<i32>} : memref<8x128xi32, #tpu.memory_space<vmem>>, vector<1x16xi32>,
    %swap3A_228 = vector.shape_cast %swap3A_227 : vector<1x16xi32> to vector<16xi32>
    %swap3A_229 = vector.shape_cast %add3A_223 : vector<16xi32> to vector<1x16xi32>
    tpu.vector_store %arg12[%swap3A_225, %swap3A_226], %swap3A_229 {strides = array<i32>} : memref<8x128xi32, #tpu.memory_space<vmem>>, vector<1x16xi32>,
    %get3A_230 = arith.constant 0 : i32
    %get3A_231 = arith.index_cast %get3A_230 : i32 to index
    %get3A_232 = arith.constant 112 : index
    %get3A_233 = tpu.vector_load %arg10[%get3A_231, %get3A_232] {strides = array<i32>} : memref<8x128xi32, #tpu.memory_space<vmem>>, vector<1x16xi32>,
    %get3A_234 = vector.shape_cast %get3A_233 : vector<1x16xi32> to vector<16xi32>
    %add3A_235 = vector.broadcast %mul3A_12 : i32 to vector<16xi32>
    %add3A_236 = arith.addi %get3A_234, %add3A_235 : vector<16xi32>
    %swap3A_237 = arith.constant 0 : i32
    %swap3A_238 = arith.index_cast %swap3A_237 : i32 to index
    %swap3A_239 = arith.constant 112 : index
    %swap3A_240 = tpu.vector_load %arg12[%swap3A_238, %swap3A_239] {strides = array<i32>} : memref<8x128xi32, #tpu.memory_space<vmem>>, vector<1x16xi32>,
    %swap3A_241 = vector.shape_cast %swap3A_240 : vector<1x16xi32> to vector<16xi32>
    %swap3A_242 = vector.shape_cast %add3A_236 : vector<16xi32> to vector<1x16xi32>
    tpu.vector_store %arg12[%swap3A_238, %swap3A_239], %swap3A_242 {strides = array<i32>} : memref<8x128xi32, #tpu.memory_space<vmem>>, vector<1x16xi32>,
    %rem3A = arith.constant 0 : i32
    %rem3A_243 = arith.constant 4 : i32
    %rem3A_244 = arith.remsi %rem3A, %rem3A_243 : i32
    %dma_start3A_245 = arith.constant 0 : i32
    %dma_start3A_246 = arith.constant 0 : i32
    %dma_start3A_247 = arith.constant 0 : i32
    %dma_start3A_248 = tpu.memref_slice %arg13[%rem3A_244, %dma_start3A_246, %dma_start3A_247] : memref<4x128x16xf32, #tpu.memory_space<vmem>> -> memref<1x128x16xf32, #tpu.memory_space<vmem>>
    %dma_start3A_249 = tpu.memref_squeeze %dma_start3A_248 : memref<1x128x16xf32, #tpu.memory_space<vmem>> -> memref<128x16xf32, #tpu.memory_space<vmem>>
    %dma_start3A_250 = arith.constant 0 : i32
    %dma_start3A_251 = tpu.memref_slice %arg10[%dma_start3A_245, %dma_start3A_250] : memref<8x128xi32, #tpu.memory_space<vmem>> -> memref<1x128xi32, #tpu.memory_space<vmem>>
    %dma_start3A_252 = tpu.memref_squeeze %dma_start3A_251 : memref<1x128xi32, #tpu.memory_space<vmem>> -> memref<128xi32, #tpu.memory_space<vmem>>
    %dma_start3A_253 = arith.constant 0 : i32
    %dma_start3A_254 = arith.constant 0 : i32
    %dma_start3A_255 = tpu.memref_slice %arg2[%dma_start3A_253, %dma_start3A_254] : memref<10112x16xf32, #tpu.memory_space<hbm>> -> memref<10112x16xf32, #tpu.memory_space<hbm>>
    %dma_start3A_256 = tpu.memref_slice %arg21[%rem3A_244] : memref<4x!tpu.dma_semaphore, #tpu.memory_space<semaphore_mem>> -> memref<1x!tpu.dma_semaphore, #tpu.memory_space<semaphore_mem>>
    %dma_start3A_257 = tpu.memref_squeeze %dma_start3A_256 : memref<1x!tpu.dma_semaphore, #tpu.memory_space<semaphore_mem>> -> memref<!tpu.dma_semaphore, #tpu.memory_space<semaphore_mem>>
    tpu.enqueue_indirect_dma source(%dma_start3A_255 : memref<10112x16xf32, #tpu.memory_space<hbm>>) target(%dma_start3A_249 : memref<128x16xf32, #tpu.memory_space<vmem>>) offsets(%dma_start3A_252 : memref<128xi32, #tpu.memory_space<vmem>>) semaphore(%dma_start3A_257 : memref<!tpu.dma_semaphore, #tpu.memory_space<semaphore_mem>>)
    %dma_start3A_258 = arith.constant 0 : i32
    %dma_start3A_259 = arith.constant 0 : i32
    %dma_start3A_260 = arith.constant 0 : i32
    %dma_start3A_261 = tpu.memref_slice %arg14[%rem3A_244, %dma_start3A_259, %dma_start3A_260] : memref<4x128x16xf32, #tpu.memory_space<vmem>> -> memref<1x128x16xf32, #tpu.memory_space<vmem>>
    %dma_start3A_262 = tpu.memref_squeeze %dma_start3A_261 : memref<1x128x16xf32, #tpu.memory_space<vmem>> -> memref<128x16xf32, #tpu.memory_space<vmem>>
    %dma_start3A_263 = arith.constant 0 : i32
    %dma_start3A_264 = tpu.memref_slice %arg11[%dma_start3A_258, %dma_start3A_263] : memref<8x128xi32, #tpu.memory_space<vmem>> -> memref<1x128xi32, #tpu.memory_space<vmem>>
    %dma_start3A_265 = tpu.memref_squeeze %dma_start3A_264 : memref<1x128xi32, #tpu.memory_space<vmem>> -> memref<128xi32, #tpu.memory_space<vmem>>
    %dma_start3A_266 = arith.constant 0 : i32
    %dma_start3A_267 = arith.constant 0 : i32
    %dma_start3A_268 = tpu.memref_slice %arg2[%dma_start3A_266, %dma_start3A_267] : memref<10112x16xf32, #tpu.memory_space<hbm>> -> memref<10112x16xf32, #tpu.memory_space<hbm>>
    %dma_start3A_269 = tpu.memref_slice %arg21[%rem3A_244] : memref<4x!tpu.dma_semaphore, #tpu.memory_space<semaphore_mem>> -> memref<1x!tpu.dma_semaphore, #tpu.memory_space<semaphore_mem>>
    %dma_start3A_270 = tpu.memref_squeeze %dma_start3A_269 : memref<1x!tpu.dma_semaphore, #tpu.memory_space<semaphore_mem>> -> memref<!tpu.dma_semaphore, #tpu.memory_space<semaphore_mem>>
    tpu.enqueue_indirect_dma source(%dma_start3A_268 : memref<10112x16xf32, #tpu.memory_space<hbm>>) target(%dma_start3A_262 : memref<128x16xf32, #tpu.memory_space<vmem>>) offsets(%dma_start3A_265 : memref<128xi32, #tpu.memory_space<vmem>>) semaphore(%dma_start3A_270 : memref<!tpu.dma_semaphore, #tpu.memory_space<semaphore_mem>>)
    %dma_start3A_271 = arith.constant 0 : i32
    %dma_start3A_272 = arith.constant 0 : i32
    %dma_start3A_273 = arith.constant 0 : i32
    %dma_start3A_274 = tpu.memref_slice %arg15[%rem3A_244, %dma_start3A_272, %dma_start3A_273] : memref<4x128x32xi32, #tpu.memory_space<vmem>> -> memref<1x128x32xi32, #tpu.memory_space<vmem>>
    %dma_start3A_275 = tpu.memref_squeeze %dma_start3A_274 : memref<1x128x32xi32, #tpu.memory_space<vmem>> -> memref<128x32xi32, #tpu.memory_space<vmem>>
    %dma_start3A_276 = arith.constant 0 : i32
    %dma_start3A_277 = tpu.memref_slice %arg12[%dma_start3A_271, %dma_start3A_276] : memref<8x128xi32, #tpu.memory_space<vmem>> -> memref<1x128xi32, #tpu.memory_space<vmem>>
    %dma_start3A_278 = tpu.memref_squeeze %dma_start3A_277 : memref<1x128xi32, #tpu.memory_space<vmem>> -> memref<128xi32, #tpu.memory_space<vmem>>
    %dma_start3A_279 = arith.constant 0 : i32
    %dma_start3A_280 = arith.constant 0 : i32
    %dma_start3A_281 = tpu.memref_slice %arg3[%dma_start3A_279, %dma_start3A_280] : memref<20224x32xi32, #tpu.memory_space<hbm>> -> memref<20224x32xi32, #tpu.memory_space<hbm>>
    %dma_start3A_282 = tpu.memref_slice %arg21[%rem3A_244] : memref<4x!tpu.dma_semaphore, #tpu.memory_space<semaphore_mem>> -> memref<1x!tpu.dma_semaphore, #tpu.memory_space<semaphore_mem>>
    %dma_start3A_283 = tpu.memref_squeeze %dma_start3A_282 : memref<1x!tpu.dma_semaphore, #tpu.memory_space<semaphore_mem>> -> memref<!tpu.dma_semaphore, #tpu.memory_space<semaphore_mem>>
    tpu.enqueue_indirect_dma source(%dma_start3A_281 : memref<20224x32xi32, #tpu.memory_space<hbm>>) target(%dma_start3A_275 : memref<128x32xi32, #tpu.memory_space<vmem>>) offsets(%dma_start3A_278 : memref<128xi32, #tpu.memory_space<vmem>>) semaphore(%dma_start3A_283 : memref<!tpu.dma_semaphore, #tpu.memory_space<semaphore_mem>>)
    %add3A_284 = arith.constant 128 : i32
    %add3A_285 = arith.addi %mul3A_10, %add3A_284 : i32
    %dma_wait3A_286 = arith.constant 1 : i32
    %dma_wait3A_287 = arith.constant 1 : i32
    %dma_wait3A_288 = arith.constant 0 : i32
    %dma_wait3A_289 = tpu.memref_slice %arg10[%dma_wait3A_286, %dma_wait3A_288] : memref<8x128xi32, #tpu.memory_space<vmem>> -> memref<1x128xi32, #tpu.memory_space<vmem>>
    %dma_wait3A_290 = tpu.memref_squeeze %dma_wait3A_289 : memref<1x128xi32, #tpu.memory_space<vmem>> -> memref<128xi32, #tpu.memory_space<vmem>>
    %dma_wait3A_291 = tpu.memref_slice %arg4[%add3A_285] : memref<321536xi32, #tpu.memory_space<hbm>> -> memref<128xi32, #tpu.memory_space<hbm>>
    %dma_wait3A_292 = tpu.memref_slice %arg20[%dma_wait3A_287] : memref<8x!tpu.dma_semaphore, #tpu.memory_space<semaphore_mem>> -> memref<1x!tpu.dma_semaphore, #tpu.memory_space<semaphore_mem>>
    %dma_wait3A_293 = tpu.memref_squeeze %dma_wait3A_292 : memref<1x!tpu.dma_semaphore, #tpu.memory_space<semaphore_mem>> -> memref<!tpu.dma_semaphore, #tpu.memory_space<semaphore_mem>>
    %dma_wait3A_294 = arith.constant 0 : i32
    %dma_wait3A_295 = tpu.memref_slice %arg10[%dma_wait3A_286, %dma_wait3A_294] : memref<8x128xi32, #tpu.memory_space<vmem>> -> memref<1x128xi32, #tpu.memory_space<vmem>>
    %dma_wait3A_296 = tpu.memref_squeeze %dma_wait3A_295 : memref<1x128xi32, #tpu.memory_space<vmem>> -> memref<128xi32, #tpu.memory_space<vmem>>
    %dma_wait3A_297 = tpu.memref_slice %arg4[%add3A_285] : memref<321536xi32, #tpu.memory_space<hbm>> -> memref<128xi32, #tpu.memory_space<hbm>>
    tpu.wait_dma2 semaphore(%dma_wait3A_293 : memref<!tpu.dma_semaphore, #tpu.memory_space<semaphore_mem>>) src(%dma_wait3A_297 : memref<128xi32, #tpu.memory_space<hbm>>) dst(%dma_wait3A_296 : memref<128xi32, #tpu.memory_space<vmem>>)
    %dma_wait3A_298 = arith.constant 1 : i32
    %dma_wait3A_299 = arith.constant 1 : i32
    %dma_wait3A_300 = arith.constant 0 : i32
    %dma_wait3A_301 = tpu.memref_slice %arg11[%dma_wait3A_298, %dma_wait3A_300] : memref<8x128xi32, #tpu.memory_space<vmem>> -> memref<1x128xi32, #tpu.memory_space<vmem>>
    %dma_wait3A_302 = tpu.memref_squeeze %dma_wait3A_301 : memref<1x128xi32, #tpu.memory_space<vmem>> -> memref<128xi32, #tpu.memory_space<vmem>>
    %dma_wait3A_303 = tpu.memref_slice %arg5[%add3A_285] : memref<321536xi32, #tpu.memory_space<hbm>> -> memref<128xi32, #tpu.memory_space<hbm>>
    %dma_wait3A_304 = tpu.memref_slice %arg20[%dma_wait3A_299] : memref<8x!tpu.dma_semaphore, #tpu.memory_space<semaphore_mem>> -> memref<1x!tpu.dma_semaphore, #tpu.memory_space<semaphore_mem>>
    %dma_wait3A_305 = tpu.memref_squeeze %dma_wait3A_304 : memref<1x!tpu.dma_semaphore, #tpu.memory_space<semaphore_mem>> -> memref<!tpu.dma_semaphore, #tpu.memory_space<semaphore_mem>>
    %dma_wait3A_306 = arith.constant 0 : i32
    %dma_wait3A_307 = tpu.memref_slice %arg11[%dma_wait3A_298, %dma_wait3A_306] : memref<8x128xi32, #tpu.memory_space<vmem>> -> memref<1x128xi32, #tpu.memory_space<vmem>>
    %dma_wait3A_308 = tpu.memref_squeeze %dma_wait3A_307 : memref<1x128xi32, #tpu.memory_space<vmem>> -> memref<128xi32, #tpu.memory_space<vmem>>
    %dma_wait3A_309 = tpu.memref_slice %arg5[%add3A_285] : memref<321536xi32, #tpu.memory_space<hbm>> -> memref<128xi32, #tpu.memory_space<hbm>>
    tpu.wait_dma2 semaphore(%dma_wait3A_305 : memref<!tpu.dma_semaphore, #tpu.memory_space<semaphore_mem>>) src(%dma_wait3A_309 : memref<128xi32, #tpu.memory_space<hbm>>) dst(%dma_wait3A_308 : memref<128xi32, #tpu.memory_space<vmem>>)
    %get3A_310 = arith.constant 1 : i32
    %get3A_311 = arith.index_cast %get3A_310 : i32 to index
    %get3A_312 = arith.constant 0 : index
    %get3A_313 = tpu.vector_load %arg10[%get3A_311, %get3A_312] {strides = array<i32>} : memref<8x128xi32, #tpu.memory_space<vmem>>, vector<1x16xi32>,
    %get3A_314 = vector.shape_cast %get3A_313 : vector<1x16xi32> to vector<16xi32>
    %add3A_315 = vector.broadcast %mul3A_12 : i32 to vector<16xi32>
    %add3A_316 = arith.addi %get3A_314, %add3A_315 : vector<16xi32>
    %swap3A_317 = arith.constant 1 : i32
    %swap3A_318 = arith.index_cast %swap3A_317 : i32 to index
    %swap3A_319 = arith.constant 0 : index
    %swap3A_320 = tpu.vector_load %arg12[%swap3A_318, %swap3A_319] {strides = array<i32>} : memref<8x128xi32, #tpu.memory_space<vmem>>, vector<1x16xi32>,
    %swap3A_321 = vector.shape_cast %swap3A_320 : vector<1x16xi32> to vector<16xi32>
    %swap3A_322 = vector.shape_cast %add3A_316 : vector<16xi32> to vector<1x16xi32>
    tpu.vector_store %arg12[%swap3A_318, %swap3A_319], %swap3A_322 {strides = array<i32>} : memref<8x128xi32, #tpu.memory_space<vmem>>, vector<1x16xi32>,
    %get3A_323 = arith.constant 1 : i32
    %get3A_324 = arith.index_cast %get3A_323 : i32 to index
    %get3A_325 = arith.constant 16 : index
    %get3A_326 = tpu.vector_load %arg10[%get3A_324, %get3A_325] {strides = array<i32>} : memref<8x128xi32, #tpu.memory_space<vmem>>, vector<1x16xi32>,
    %get3A_327 = vector.shape_cast %get3A_326 : vector<1x16xi32> to vector<16xi32>
    %add3A_328 = vector.broadcast %mul3A_12 : i32 to vector<16xi32>
    %add3A_329 = arith.addi %get3A_327, %add3A_328 : vector<16xi32>
    %swap3A_330 = arith.constant 1 : i32
    %swap3A_331 = arith.index_cast %swap3A_330 : i32 to index
    %swap3A_332 = arith.constant 16 : index
    %swap3A_333 = tpu.vector_load %arg12[%swap3A_331, %swap3A_332] {strides = array<i32>} : memref<8x128xi32, #tpu.memory_space<vmem>>, vector<1x16xi32>,
    %swap3A_334 = vector.shape_cast %swap3A_333 : vector<1x16xi32> to vector<16xi32>
    %swap3A_335 = vector.shape_cast %add3A_329 : vector<16xi32> to vector<1x16xi32>
    tpu.vector_store %arg12[%swap3A_331, %swap3A_332], %swap3A_335 {strides = array<i32>} : memref<8x128xi32, #tpu.memory_space<vmem>>, vector<1x16xi32>,
    %get3A_336 = arith.constant 1 : i32
    %get3A_337 = arith.index_cast %get3A_336 : i32 to index
    %get3A_338 = arith.constant 32 : index
    %get3A_339 = tpu.vector_load %arg10[%get3A_337, %get3A_338] {strides = array<i32>} : memref<8x128xi32, #tpu.memory_space<vmem>>, vector<1x16xi32>,
    %get3A_340 = vector.shape_cast %get3A_339 : vector<1x16xi32> to vector<16xi32>
    %add3A_341 = vector.broadcast %mul3A_12 : i32 to vector<16xi32>
    %add3A_342 = arith.addi %get3A_340, %add3A_341 : vector<16xi32>
    %swap3A_343 = arith.constant 1 : i32
    %swap3A_344 = arith.index_cast %swap3A_343 : i32 to index
    %swap3A_345 = arith.constant 32 : index
    %swap3A_346 = tpu.vector_load %arg12[%swap3A_344, %swap3A_345] {strides = array<i32>} : memref<8x128xi32, #tpu.memory_space<vmem>>, vector<1x16xi32>,
    %swap3A_347 = vector.shape_cast %swap3A_346 : vector<1x16xi32> to vector<16xi32>
    %swap3A_348 = vector.shape_cast %add3A_342 : vector<16xi32> to vector<1x16xi32>
    tpu.vector_store %arg12[%swap3A_344, %swap3A_345], %swap3A_348 {strides = array<i32>} : memref<8x128xi32, #tpu.memory_space<vmem>>, vector<1x16xi32>,
    %get3A_349 = arith.constant 1 : i32
    %get3A_350 = arith.index_cast %get3A_349 : i32 to index
    %get3A_351 = arith.constant 48 : index
    %get3A_352 = tpu.vector_load %arg10[%get3A_350, %get3A_351] {strides = array<i32>} : memref<8x128xi32, #tpu.memory_space<vmem>>, vector<1x16xi32>,
    %get3A_353 = vector.shape_cast %get3A_352 : vector<1x16xi32> to vector<16xi32>
    %add3A_354 = vector.broadcast %mul3A_12 : i32 to vector<16xi32>
    %add3A_355 = arith.addi %get3A_353, %add3A_354 : vector<16xi32>
    %swap3A_356 = arith.constant 1 : i32
    %swap3A_357 = arith.index_cast %swap3A_356 : i32 to index
    %swap3A_358 = arith.constant 48 : index
    %swap3A_359 = tpu.vector_load %arg12[%swap3A_357, %swap3A_358] {strides = array<i32>} : memref<8x128xi32, #tpu.memory_space<vmem>>, vector<1x16xi32>,
    %swap3A_360 = vector.shape_cast %swap3A_359 : vector<1x16xi32> to vector<16xi32>
    %swap3A_361 = vector.shape_cast %add3A_355 : vector<16xi32> to vector<1x16xi32>
    tpu.vector_store %arg12[%swap3A_357, %swap3A_358], %swap3A_361 {strides = array<i32>} : memref<8x128xi32, #tpu.memory_space<vmem>>, vector<1x16xi32>,
    %get3A_362 = arith.constant 1 : i32
    %get3A_363 = arith.index_cast %get3A_362 : i32 to index
    %get3A_364 = arith.constant 64 : index
    %get3A_365 = tpu.vector_load %arg10[%get3A_363, %get3A_364] {strides = array<i32>} : memref<8x128xi32, #tpu.memory_space<vmem>>, vector<1x16xi32>,
    %get3A_366 = vector.shape_cast %get3A_365 : vector<1x16xi32> to vector<16xi32>
    %add3A_367 = vector.broadcast %mul3A_12 : i32 to vector<16xi32>
    %add3A_368 = arith.addi %get3A_366, %add3A_367 : vector<16xi32>
    %swap3A_369 = arith.constant 1 : i32
    %swap3A_370 = arith.index_cast %swap3A_369 : i32 to index
    %swap3A_371 = arith.constant 64 : index
    %swap3A_372 = tpu.vector_load %arg12[%swap3A_370, %swap3A_371] {strides = array<i32>} : memref<8x128xi32, #tpu.memory_space<vmem>>, vector<1x16xi32>,
    %swap3A_373 = vector.shape_cast %swap3A_372 : vector<1x16xi32> to vector<16xi32>
    %swap3A_374 = vector.shape_cast %add3A_368 : vector<16xi32> to vector<1x16xi32>
    tpu.vector_store %arg12[%swap3A_370, %swap3A_371], %swap3A_374 {strides = array<i32>} : memref<8x128xi32, #tpu.memory_space<vmem>>, vector<1x16xi32>,
    %get3A_375 = arith.constant 1 : i32
    %get3A_376 = arith.index_cast %get3A_375 : i32 to index
    %get3A_377 = arith.constant 80 : index
    %get3A_378 = tpu.vector_load %arg10[%get3A_376, %get3A_377] {strides = array<i32>} : memref<8x128xi32, #tpu.memory_space<vmem>>, vector<1x16xi32>,
    %get3A_379 = vector.shape_cast %get3A_378 : vector<1x16xi32> to vector<16xi32>
    %add3A_380 = vector.broadcast %mul3A_12 : i32 to vector<16xi32>
    %add3A_381 = arith.addi %get3A_379, %add3A_380 : vector<16xi32>
    %swap3A_382 = arith.constant 1 : i32
    %swap3A_383 = arith.index_cast %swap3A_382 : i32 to index
    %swap3A_384 = arith.constant 80 : index
    %swap3A_385 = tpu.vector_load %arg12[%swap3A_383, %swap3A_384] {strides = array<i32>} : memref<8x128xi32, #tpu.memory_space<vmem>>, vector<1x16xi32>,
    %swap3A_386 = vector.shape_cast %swap3A_385 : vector<1x16xi32> to vector<16xi32>
    %swap3A_387 = vector.shape_cast %add3A_381 : vector<16xi32> to vector<1x16xi32>
    tpu.vector_store %arg12[%swap3A_383, %swap3A_384], %swap3A_387 {strides = array<i32>} : memref<8x128xi32, #tpu.memory_space<vmem>>, vector<1x16xi32>,
    %get3A_388 = arith.constant 1 : i32
    %get3A_389 = arith.index_cast %get3A_388 : i32 to index
    %get3A_390 = arith.constant 96 : index
    %get3A_391 = tpu.vector_load %arg10[%get3A_389, %get3A_390] {strides = array<i32>} : memref<8x128xi32, #tpu.memory_space<vmem>>, vector<1x16xi32>,
    %get3A_392 = vector.shape_cast %get3A_391 : vector<1x16xi32> to vector<16xi32>
    %add3A_393 = vector.broadcast %mul3A_12 : i32 to vector<16xi32>
    %add3A_394 = arith.addi %get3A_392, %add3A_393 : vector<16xi32>
    %swap3A_395 = arith.constant 1 : i32
    %swap3A_396 = arith.index_cast %swap3A_395 : i32 to index
    %swap3A_397 = arith.constant 96 : index
    %swap3A_398 = tpu.vector_load %arg12[%swap3A_396, %swap3A_397] {strides = array<i32>} : memref<8x128xi32, #tpu.memory_space<vmem>>, vector<1x16xi32>,
    %swap3A_399 = vector.shape_cast %swap3A_398 : vector<1x16xi32> to vector<16xi32>
    %swap3A_400 = vector.shape_cast %add3A_394 : vector<16xi32> to vector<1x16xi32>
    tpu.vector_store %arg12[%swap3A_396, %swap3A_397], %swap3A_400 {strides = array<i32>} : memref<8x128xi32, #tpu.memory_space<vmem>>, vector<1x16xi32>,
    %get3A_401 = arith.constant 1 : i32
    %get3A_402 = arith.index_cast %get3A_401 : i32 to index
    %get3A_403 = arith.constant 112 : index
    %get3A_404 = tpu.vector_load %arg10[%get3A_402, %get3A_403] {strides = array<i32>} : memref<8x128xi32, #tpu.memory_space<vmem>>, vector<1x16xi32>,
    %get3A_405 = vector.shape_cast %get3A_404 : vector<1x16xi32> to vector<16xi32>
    %add3A_406 = vector.broadcast %mul3A_12 : i32 to vector<16xi32>
    %add3A_407 = arith.addi %get3A_405, %add3A_406 : vector<16xi32>
    %swap3A_408 = arith.constant 1 : i32
    %swap3A_409 = arith.index_cast %swap3A_408 : i32 to index
    %swap3A_410 = arith.constant 112 : index
    %swap3A_411 = tpu.vector_load %arg12[%swap3A_409, %swap3A_410] {strides = array<i32>} : memref<8x128xi32, #tpu.memory_space<vmem>>, vector<1x16xi32>,
    %swap3A_412 = vector.shape_cast %swap3A_411 : vector<1x16xi32> to vector<16xi32>
    %swap3A_413 = vector.shape_cast %add3A_407 : vector<16xi32> to vector<1x16xi32>
    tpu.vector_store %arg12[%swap3A_409, %swap3A_410], %swap3A_413 {strides = array<i32>} : memref<8x128xi32, #tpu.memory_space<vmem>>, vector<1x16xi32>,
    %rem3A_414 = arith.constant 1 : i32
    %rem3A_415 = arith.constant 4 : i32
    %rem3A_416 = arith.remsi %rem3A_414, %rem3A_415 : i32
    %dma_start3A_417 = arith.constant 1 : i32
    %dma_start3A_418 = arith.constant 0 : i32
    %dma_start3A_419 = arith.constant 0 : i32
    %dma_start3A_420 = tpu.memref_slice %arg13[%rem3A_416, %dma_start3A_418, %dma_start3A_419] : memref<4x128x16xf32, #tpu.memory_space<vmem>> -> memref<1x128x16xf32, #tpu.memory_space<vmem>>
    %dma_start3A_421 = tpu.memref_squeeze %dma_start3A_420 : memref<1x128x16xf32, #tpu.memory_space<vmem>> -> memref<128x16xf32, #tpu.memory_space<vmem>>
    %dma_start3A_422 = arith.constant 0 : i32
    %dma_start3A_423 = tpu.memref_slice %arg10[%dma_start3A_417, %dma_start3A_422] : memref<8x128xi32, #tpu.memory_space<vmem>> -> memref<1x128xi32, #tpu.memory_space<vmem>>
    %dma_start3A_424 = tpu.memref_squeeze %dma_start3A_423 : memref<1x128xi32, #tpu.memory_space<vmem>> -> memref<128xi32, #tpu.memory_space<vmem>>
    %dma_start3A_425 = arith.constant 0 : i32
    %dma_start3A_426 = arith.constant 0 : i32
    %dma_start3A_427 = tpu.memref_slice %arg2[%dma_start3A_425, %dma_start3A_426] : memref<10112x16xf32, #tpu.memory_space<hbm>> -> memref<10112x16xf32, #tpu.memory_space<hbm>>
    %dma_start3A_428 = tpu.memref_slice %arg21[%rem3A_416] : memref<4x!tpu.dma_semaphore, #tpu.memory_space<semaphore_mem>> -> memref<1x!tpu.dma_semaphore, #tpu.memory_space<semaphore_mem>>
    %dma_start3A_429 = tpu.memref_squeeze %dma_start3A_428 : memref<1x!tpu.dma_semaphore, #tpu.memory_space<semaphore_mem>> -> memref<!tpu.dma_semaphore, #tpu.memory_space<semaphore_mem>>
    tpu.enqueue_indirect_dma source(%dma_start3A_427 : memref<10112x16xf32, #tpu.memory_space<hbm>>) target(%dma_start3A_421 : memref<128x16xf32, #tpu.memory_space<vmem>>) offsets(%dma_start3A_424 : memref<128xi32, #tpu.memory_space<vmem>>) semaphore(%dma_start3A_429 : memref<!tpu.dma_semaphore, #tpu.memory_space<semaphore_mem>>)
    %dma_start3A_430 = arith.constant 1 : i32
    %dma_start3A_431 = arith.constant 0 : i32
    %dma_start3A_432 = arith.constant 0 : i32
    %dma_start3A_433 = tpu.memref_slice %arg14[%rem3A_416, %dma_start3A_431, %dma_start3A_432] : memref<4x128x16xf32, #tpu.memory_space<vmem>> -> memref<1x128x16xf32, #tpu.memory_space<vmem>>
    %dma_start3A_434 = tpu.memref_squeeze %dma_start3A_433 : memref<1x128x16xf32, #tpu.memory_space<vmem>> -> memref<128x16xf32, #tpu.memory_space<vmem>>
    %dma_start3A_435 = arith.constant 0 : i32
    %dma_start3A_436 = tpu.memref_slice %arg11[%dma_start3A_430, %dma_start3A_435] : memref<8x128xi32, #tpu.memory_space<vmem>> -> memref<1x128xi32, #tpu.memory_space<vmem>>
    %dma_start3A_437 = tpu.memref_squeeze %dma_start3A_436 : memref<1x128xi32, #tpu.memory_space<vmem>> -> memref<128xi32, #tpu.memory_space<vmem>>
    %dma_start3A_438 = arith.constant 0 : i32
    %dma_start3A_439 = arith.constant 0 : i32
    %dma_start3A_440 = tpu.memref_slice %arg2[%dma_start3A_438, %dma_start3A_439] : memref<10112x16xf32, #tpu.memory_space<hbm>> -> memref<10112x16xf32, #tpu.memory_space<hbm>>
    %dma_start3A_441 = tpu.memref_slice %arg21[%rem3A_416] : memref<4x!tpu.dma_semaphore, #tpu.memory_space<semaphore_mem>> -> memref<1x!tpu.dma_semaphore, #tpu.memory_space<semaphore_mem>>
    %dma_start3A_442 = tpu.memref_squeeze %dma_start3A_441 : memref<1x!tpu.dma_semaphore, #tpu.memory_space<semaphore_mem>> -> memref<!tpu.dma_semaphore, #tpu.memory_space<semaphore_mem>>
    tpu.enqueue_indirect_dma source(%dma_start3A_440 : memref<10112x16xf32, #tpu.memory_space<hbm>>) target(%dma_start3A_434 : memref<128x16xf32, #tpu.memory_space<vmem>>) offsets(%dma_start3A_437 : memref<128xi32, #tpu.memory_space<vmem>>) semaphore(%dma_start3A_442 : memref<!tpu.dma_semaphore, #tpu.memory_space<semaphore_mem>>)
    %dma_start3A_443 = arith.constant 1 : i32
    %dma_start3A_444 = arith.constant 0 : i32
    %dma_start3A_445 = arith.constant 0 : i32
    %dma_start3A_446 = tpu.memref_slice %arg15[%rem3A_416, %dma_start3A_444, %dma_start3A_445] : memref<4x128x32xi32, #tpu.memory_space<vmem>> -> memref<1x128x32xi32, #tpu.memory_space<vmem>>
    %dma_start3A_447 = tpu.memref_squeeze %dma_start3A_446 : memref<1x128x32xi32, #tpu.memory_space<vmem>> -> memref<128x32xi32, #tpu.memory_space<vmem>>
    %dma_start3A_448 = arith.constant 0 : i32
    %dma_start3A_449 = tpu.memref_slice %arg12[%dma_start3A_443, %dma_start3A_448] : memref<8x128xi32, #tpu.memory_space<vmem>> -> memref<1x128xi32, #tpu.memory_space<vmem>>
    %dma_start3A_450 = tpu.memref_squeeze %dma_start3A_449 : memref<1x128xi32, #tpu.memory_space<vmem>> -> memref<128xi32, #tpu.memory_space<vmem>>
    %dma_start3A_451 = arith.constant 0 : i32
    %dma_start3A_452 = arith.constant 0 : i32
    %dma_start3A_453 = tpu.memref_slice %arg3[%dma_start3A_451, %dma_start3A_452] : memref<20224x32xi32, #tpu.memory_space<hbm>> -> memref<20224x32xi32, #tpu.memory_space<hbm>>
    %dma_start3A_454 = tpu.memref_slice %arg21[%rem3A_416] : memref<4x!tpu.dma_semaphore, #tpu.memory_space<semaphore_mem>> -> memref<1x!tpu.dma_semaphore, #tpu.memory_space<semaphore_mem>>
    %dma_start3A_455 = tpu.memref_squeeze %dma_start3A_454 : memref<1x!tpu.dma_semaphore, #tpu.memory_space<semaphore_mem>> -> memref<!tpu.dma_semaphore, #tpu.memory_space<semaphore_mem>>
    tpu.enqueue_indirect_dma source(%dma_start3A_453 : memref<20224x32xi32, #tpu.memory_space<hbm>>) target(%dma_start3A_447 : memref<128x32xi32, #tpu.memory_space<vmem>>) offsets(%dma_start3A_450 : memref<128xi32, #tpu.memory_space<vmem>>) semaphore(%dma_start3A_455 : memref<!tpu.dma_semaphore, #tpu.memory_space<semaphore_mem>>)
    %add3A_456 = arith.constant 256 : i32
    %add3A_457 = arith.addi %mul3A_10, %add3A_456 : i32
    %dma_wait3A_458 = arith.constant 2 : i32
    %dma_wait3A_459 = arith.constant 2 : i32
    %dma_wait3A_460 = arith.constant 0 : i32
    %dma_wait3A_461 = tpu.memref_slice %arg10[%dma_wait3A_458, %dma_wait3A_460] : memref<8x128xi32, #tpu.memory_space<vmem>> -> memref<1x128xi32, #tpu.memory_space<vmem>>
    %dma_wait3A_462 = tpu.memref_squeeze %dma_wait3A_461 : memref<1x128xi32, #tpu.memory_space<vmem>> -> memref<128xi32, #tpu.memory_space<vmem>>
    %dma_wait3A_463 = tpu.memref_slice %arg4[%add3A_457] : memref<321536xi32, #tpu.memory_space<hbm>> -> memref<128xi32, #tpu.memory_space<hbm>>
    %dma_wait3A_464 = tpu.memref_slice %arg20[%dma_wait3A_459] : memref<8x!tpu.dma_semaphore, #tpu.memory_space<semaphore_mem>> -> memref<1x!tpu.dma_semaphore, #tpu.memory_space<semaphore_mem>>
    %dma_wait3A_465 = tpu.memref_squeeze %dma_wait3A_464 : memref<1x!tpu.dma_semaphore, #tpu.memory_space<semaphore_mem>> -> memref<!tpu.dma_semaphore, #tpu.memory_space<semaphore_mem>>
    %dma_wait3A_466 = arith.constant 0 : i32
    %dma_wait3A_467 = tpu.memref_slice %arg10[%dma_wait3A_458, %dma_wait3A_466] : memref<8x128xi32, #tpu.memory_space<vmem>> -> memref<1x128xi32, #tpu.memory_space<vmem>>
    %dma_wait3A_468 = tpu.memref_squeeze %dma_wait3A_467 : memref<1x128xi32, #tpu.memory_space<vmem>> -> memref<128xi32, #tpu.memory_space<vmem>>
    %dma_wait3A_469 = tpu.memref_slice %arg4[%add3A_457] : memref<321536xi32, #tpu.memory_space<hbm>> -> memref<128xi32, #tpu.memory_space<hbm>>
    tpu.wait_dma2 semaphore(%dma_wait3A_465 : memref<!tpu.dma_semaphore, #tpu.memory_space<semaphore_mem>>) src(%dma_wait3A_469 : memref<128xi32, #tpu.memory_space<hbm>>) dst(%dma_wait3A_468 : memref<128xi32, #tpu.memory_space<vmem>>)
    %dma_wait3A_470 = arith.constant 2 : i32
    %dma_wait3A_471 = arith.constant 2 : i32
    %dma_wait3A_472 = arith.constant 0 : i32
    %dma_wait3A_473 = tpu.memref_slice %arg11[%dma_wait3A_470, %dma_wait3A_472] : memref<8x128xi32, #tpu.memory_space<vmem>> -> memref<1x128xi32, #tpu.memory_space<vmem>>
    %dma_wait3A_474 = tpu.memref_squeeze %dma_wait3A_473 : memref<1x128xi32, #tpu.memory_space<vmem>> -> memref<128xi32, #tpu.memory_space<vmem>>
    %dma_wait3A_475 = tpu.memref_slice %arg5[%add3A_457] : memref<321536xi32, #tpu.memory_space<hbm>> -> memref<128xi32, #tpu.memory_space<hbm>>
    %dma_wait3A_476 = tpu.memref_slice %arg20[%dma_wait3A_471] : memref<8x!tpu.dma_semaphore, #tpu.memory_space<semaphore_mem>> -> memref<1x!tpu.dma_semaphore, #tpu.memory_space<semaphore_mem>>
    %dma_wait3A_477 = tpu.memref_squeeze %dma_wait3A_476 : memref<1x!tpu.dma_semaphore, #tpu.memory_space<semaphore_mem>> -> memref<!tpu.dma_semaphore, #tpu.memory_space<semaphore_mem>>
    %dma_wait3A_478 = arith.constant 0 : i32
    %dma_wait3A_479 = tpu.memref_slice %arg11[%dma_wait3A_470, %dma_wait3A_478] : memref<8x128xi32, #tpu.memory_space<vmem>> -> memref<1x128xi32, #tpu.memory_space<vmem>>
    %dma_wait3A_480 = tpu.memref_squeeze %dma_wait3A_479 : memref<1x128xi32, #tpu.memory_space<vmem>> -> memref<128xi32, #tpu.memory_space<vmem>>
    %dma_wait3A_481 = tpu.memref_slice %arg5[%add3A_457] : memref<321536xi32, #tpu.memory_space<hbm>> -> memref<128xi32, #tpu.memory_space<hbm>>
    tpu.wait_dma2 semaphore(%dma_wait3A_477 : memref<!tpu.dma_semaphore, #tpu.memory_space<semaphore_mem>>) src(%dma_wait3A_481 : memref<128xi32, #tpu.memory_space<hbm>>) dst(%dma_wait3A_480 : memref<128xi32, #tpu.memory_space<vmem>>)
    %get3A_482 = arith.constant 2 : i32
    %get3A_483 = arith.index_cast %get3A_482 : i32 to index
    %get3A_484 = arith.constant 0 : index
    %get3A_485 = tpu.vector_load %arg10[%get3A_483, %get3A_484] {strides = array<i32>} : memref<8x128xi32, #tpu.memory_space<vmem>>, vector<1x16xi32>,
    %get3A_486 = vector.shape_cast %get3A_485 : vector<1x16xi32> to vector<16xi32>
    %add3A_487 = vector.broadcast %mul3A_12 : i32 to vector<16xi32>
    %add3A_488 = arith.addi %get3A_486, %add3A_487 : vector<16xi32>
    %swap3A_489 = arith.constant 2 : i32
    %swap3A_490 = arith.index_cast %swap3A_489 : i32 to index
    %swap3A_491 = arith.constant 0 : index
    %swap3A_492 = tpu.vector_load %arg12[%swap3A_490, %swap3A_491] {strides = array<i32>} : memref<8x128xi32, #tpu.memory_space<vmem>>, vector<1x16xi32>,
    %swap3A_493 = vector.shape_cast %swap3A_492 : vector<1x16xi32> to vector<16xi32>
    %swap3A_494 = vector.shape_cast %add3A_488 : vector<16xi32> to vector<1x16xi32>
    tpu.vector_store %arg12[%swap3A_490, %swap3A_491], %swap3A_494 {strides = array<i32>} : memref<8x128xi32, #tpu.memory_space<vmem>>, vector<1x16xi32>,
    %get3A_495 = arith.constant 2 : i32
    %get3A_496 = arith.index_cast %get3A_495 : i32 to index
    %get3A_497 = arith.constant 16 : index
    %get3A_498 = tpu.vector_load %arg10[%get3A_496, %get3A_497] {strides = array<i32>} : memref<8x128xi32, #tpu.memory_space<vmem>>, vector<1x16xi32>,
    %get3A_499 = vector.shape_cast %get3A_498 : vector<1x16xi32> to vector<16xi32>
    %add3A_500 = vector.broadcast %mul3A_12 : i32 to vector<16xi32>
    %add3A_501 = arith.addi %get3A_499, %add3A_500 : vector<16xi32>
    %swap3A_502 = arith.constant 2 : i32
    %swap3A_503 = arith.index_cast %swap3A_502 : i32 to index
    %swap3A_504 = arith.constant 16 : index
    %swap3A_505 = tpu.vector_load %arg12[%swap3A_503, %swap3A_504] {strides = array<i32>} : memref<8x128xi32, #tpu.memory_space<vmem>>, vector<1x16xi32>,
    %swap3A_506 = vector.shape_cast %swap3A_505 : vector<1x16xi32> to vector<16xi32>
    %swap3A_507 = vector.shape_cast %add3A_501 : vector<16xi32> to vector<1x16xi32>
    tpu.vector_store %arg12[%swap3A_503, %swap3A_504], %swap3A_507 {strides = array<i32>} : memref<8x128xi32, #tpu.memory_space<vmem>>, vector<1x16xi32>,
    %get3A_508 = arith.constant 2 : i32
    %get3A_509 = arith.index_cast %get3A_508 : i32 to index
    %get3A_510 = arith.constant 32 : index
    %get3A_511 = tpu.vector_load %arg10[%get3A_509, %get3A_510] {strides = array<i32>} : memref<8x128xi32, #tpu.memory_space<vmem>>, vector<1x16xi32>,
    %get3A_512 = vector.shape_cast %get3A_511 : vector<1x16xi32> to vector<16xi32>
    %add3A_513 = vector.broadcast %mul3A_12 : i32 to vector<16xi32>
    %add3A_514 = arith.addi %get3A_512, %add3A_513 : vector<16xi32>
    %swap3A_515 = arith.constant 2 : i32
    %swap3A_516 = arith.index_cast %swap3A_515 : i32 to index
    %swap3A_517 = arith.constant 32 : index
    %swap3A_518 = tpu.vector_load %arg12[%swap3A_516, %swap3A_517] {strides = array<i32>} : memref<8x128xi32, #tpu.memory_space<vmem>>, vector<1x16xi32>,
    %swap3A_519 = vector.shape_cast %swap3A_518 : vector<1x16xi32> to vector<16xi32>
    %swap3A_520 = vector.shape_cast %add3A_514 : vector<16xi32> to vector<1x16xi32>
    tpu.vector_store %arg12[%swap3A_516, %swap3A_517], %swap3A_520 {strides = array<i32>} : memref<8x128xi32, #tpu.memory_space<vmem>>, vector<1x16xi32>,
    %get3A_521 = arith.constant 2 : i32
    %get3A_522 = arith.index_cast %get3A_521 : i32 to index
    %get3A_523 = arith.constant 48 : index
    %get3A_524 = tpu.vector_load %arg10[%get3A_522, %get3A_523] {strides = array<i32>} : memref<8x128xi32, #tpu.memory_space<vmem>>, vector<1x16xi32>,
    %get3A_525 = vector.shape_cast %get3A_524 : vector<1x16xi32> to vector<16xi32>
    %add3A_526 = vector.broadcast %mul3A_12 : i32 to vector<16xi32>
    %add3A_527 = arith.addi %get3A_525, %add3A_526 : vector<16xi32>
    %swap3A_528 = arith.constant 2 : i32
    %swap3A_529 = arith.index_cast %swap3A_528 : i32 to index
    %swap3A_530 = arith.constant 48 : index
    %swap3A_531 = tpu.vector_load %arg12[%swap3A_529, %swap3A_530] {strides = array<i32>} : memref<8x128xi32, #tpu.memory_space<vmem>>, vector<1x16xi32>,
    %swap3A_532 = vector.shape_cast %swap3A_531 : vector<1x16xi32> to vector<16xi32>
    %swap3A_533 = vector.shape_cast %add3A_527 : vector<16xi32> to vector<1x16xi32>
    tpu.vector_store %arg12[%swap3A_529, %swap3A_530], %swap3A_533 {strides = array<i32>} : memref<8x128xi32, #tpu.memory_space<vmem>>, vector<1x16xi32>,
    %get3A_534 = arith.constant 2 : i32
    %get3A_535 = arith.index_cast %get3A_534 : i32 to index
    %get3A_536 = arith.constant 64 : index
    %get3A_537 = tpu.vector_load %arg10[%get3A_535, %get3A_536] {strides = array<i32>} : memref<8x128xi32, #tpu.memory_space<vmem>>, vector<1x16xi32>,
    %get3A_538 = vector.shape_cast %get3A_537 : vector<1x16xi32> to vector<16xi32>
    %add3A_539 = vector.broadcast %mul3A_12 : i32 to vector<16xi32>
    %add3A_540 = arith.addi %get3A_538, %add3A_539 : vector<16xi32>
    %swap3A_541 = arith.constant 2 : i32
    %swap3A_542 = arith.index_cast %swap3A_541 : i32 to index
    %swap3A_543 = arith.constant 64 : index
    %swap3A_544 = tpu.vector_load %arg12[%swap3A_542, %swap3A_543] {strides = array<i32>} : memref<8x128xi32, #tpu.memory_space<vmem>>, vector<1x16xi32>,
    %swap3A_545 = vector.shape_cast %swap3A_544 : vector<1x16xi32> to vector<16xi32>
    %swap3A_546 = vector.shape_cast %add3A_540 : vector<16xi32> to vector<1x16xi32>
    tpu.vector_store %arg12[%swap3A_542, %swap3A_543], %swap3A_546 {strides = array<i32>} : memref<8x128xi32, #tpu.memory_space<vmem>>, vector<1x16xi32>,
    %get3A_547 = arith.constant 2 : i32
    %get3A_548 = arith.index_cast %get3A_547 : i32 to index
    %get3A_549 = arith.constant 80 : index
    %get3A_550 = tpu.vector_load %arg10[%get3A_548, %get3A_549] {strides = array<i32>} : memref<8x128xi32, #tpu.memory_space<vmem>>, vector<1x16xi32>,
    %get3A_551 = vector.shape_cast %get3A_550 : vector<1x16xi32> to vector<16xi32>
    %add3A_552 = vector.broadcast %mul3A_12 : i32 to vector<16xi32>
    %add3A_553 = arith.addi %get3A_551, %add3A_552 : vector<16xi32>
    %swap3A_554 = arith.constant 2 : i32
    %swap3A_555 = arith.index_cast %swap3A_554 : i32 to index
    %swap3A_556 = arith.constant 80 : index
    %swap3A_557 = tpu.vector_load %arg12[%swap3A_555, %swap3A_556] {strides = array<i32>} : memref<8x128xi32, #tpu.memory_space<vmem>>, vector<1x16xi32>,
    %swap3A_558 = vector.shape_cast %swap3A_557 : vector<1x16xi32> to vector<16xi32>
    %swap3A_559 = vector.shape_cast %add3A_553 : vector<16xi32> to vector<1x16xi32>
    tpu.vector_store %arg12[%swap3A_555, %swap3A_556], %swap3A_559 {strides = array<i32>} : memref<8x128xi32, #tpu.memory_space<vmem>>, vector<1x16xi32>,
    %get3A_560 = arith.constant 2 : i32
    %get3A_561 = arith.index_cast %get3A_560 : i32 to index
    %get3A_562 = arith.constant 96 : index
    %get3A_563 = tpu.vector_load %arg10[%get3A_561, %get3A_562] {strides = array<i32>} : memref<8x128xi32, #tpu.memory_space<vmem>>, vector<1x16xi32>,
    %get3A_564 = vector.shape_cast %get3A_563 : vector<1x16xi32> to vector<16xi32>
    %add3A_565 = vector.broadcast %mul3A_12 : i32 to vector<16xi32>
    %add3A_566 = arith.addi %get3A_564, %add3A_565 : vector<16xi32>
    %swap3A_567 = arith.constant 2 : i32
    %swap3A_568 = arith.index_cast %swap3A_567 : i32 to index
    %swap3A_569 = arith.constant 96 : index
    %swap3A_570 = tpu.vector_load %arg12[%swap3A_568, %swap3A_569] {strides = array<i32>} : memref<8x128xi32, #tpu.memory_space<vmem>>, vector<1x16xi32>,
    %swap3A_571 = vector.shape_cast %swap3A_570 : vector<1x16xi32> to vector<16xi32>
    %swap3A_572 = vector.shape_cast %add3A_566 : vector<16xi32> to vector<1x16xi32>
    tpu.vector_store %arg12[%swap3A_568, %swap3A_569], %swap3A_572 {strides = array<i32>} : memref<8x128xi32, #tpu.memory_space<vmem>>, vector<1x16xi32>,
    %get3A_573 = arith.constant 2 : i32
    %get3A_574 = arith.index_cast %get3A_573 : i32 to index
    %get3A_575 = arith.constant 112 : index
    %get3A_576 = tpu.vector_load %arg10[%get3A_574, %get3A_575] {strides = array<i32>} : memref<8x128xi32, #tpu.memory_space<vmem>>, vector<1x16xi32>,
    %get3A_577 = vector.shape_cast %get3A_576 : vector<1x16xi32> to vector<16xi32>
    %add3A_578 = vector.broadcast %mul3A_12 : i32 to vector<16xi32>
    %add3A_579 = arith.addi %get3A_577, %add3A_578 : vector<16xi32>
    %swap3A_580 = arith.constant 2 : i32
    %swap3A_581 = arith.index_cast %swap3A_580 : i32 to index
    %swap3A_582 = arith.constant 112 : index
    %swap3A_583 = tpu.vector_load %arg12[%swap3A_581, %swap3A_582] {strides = array<i32>} : memref<8x128xi32, #tpu.memory_space<vmem>>, vector<1x16xi32>,
    %swap3A_584 = vector.shape_cast %swap3A_583 : vector<1x16xi32> to vector<16xi32>
    %swap3A_585 = vector.shape_cast %add3A_579 : vector<16xi32> to vector<1x16xi32>
    tpu.vector_store %arg12[%swap3A_581, %swap3A_582], %swap3A_585 {strides = array<i32>} : memref<8x128xi32, #tpu.memory_space<vmem>>, vector<1x16xi32>,
    %rem3A_586 = arith.constant 2 : i32
    %rem3A_587 = arith.constant 4 : i32
    %rem3A_588 = arith.remsi %rem3A_586, %rem3A_587 : i32
    %dma_start3A_589 = arith.constant 2 : i32
    %dma_start3A_590 = arith.constant 0 : i32
    %dma_start3A_591 = arith.constant 0 : i32
    %dma_start3A_592 = tpu.memref_slice %arg13[%rem3A_588, %dma_start3A_590, %dma_start3A_591] : memref<4x128x16xf32, #tpu.memory_space<vmem>> -> memref<1x128x16xf32, #tpu.memory_space<vmem>>
    %dma_start3A_593 = tpu.memref_squeeze %dma_start3A_592 : memref<1x128x16xf32, #tpu.memory_space<vmem>> -> memref<128x16xf32, #tpu.memory_space<vmem>>
    %dma_start3A_594 = arith.constant 0 : i32
    %dma_start3A_595 = tpu.memref_slice %arg10[%dma_start3A_589, %dma_start3A_594] : memref<8x128xi32, #tpu.memory_space<vmem>> -> memref<1x128xi32, #tpu.memory_space<vmem>>
    %dma_start3A_596 = tpu.memref_squeeze %dma_start3A_595 : memref<1x128xi32, #tpu.memory_space<vmem>> -> memref<128xi32, #tpu.memory_space<vmem>>
    %dma_start3A_597 = arith.constant 0 : i32
    %dma_start3A_598 = arith.constant 0 : i32
    %dma_start3A_599 = tpu.memref_slice %arg2[%dma_start3A_597, %dma_start3A_598] : memref<10112x16xf32, #tpu.memory_space<hbm>> -> memref<10112x16xf32, #tpu.memory_space<hbm>>
    %dma_start3A_600 = tpu.memref_slice %arg21[%rem3A_588] : memref<4x!tpu.dma_semaphore, #tpu.memory_space<semaphore_mem>> -> memref<1x!tpu.dma_semaphore, #tpu.memory_space<semaphore_mem>>
    %dma_start3A_601 = tpu.memref_squeeze %dma_start3A_600 : memref<1x!tpu.dma_semaphore, #tpu.memory_space<semaphore_mem>> -> memref<!tpu.dma_semaphore, #tpu.memory_space<semaphore_mem>>
    tpu.enqueue_indirect_dma source(%dma_start3A_599 : memref<10112x16xf32, #tpu.memory_space<hbm>>) target(%dma_start3A_593 : memref<128x16xf32, #tpu.memory_space<vmem>>) offsets(%dma_start3A_596 : memref<128xi32, #tpu.memory_space<vmem>>) semaphore(%dma_start3A_601 : memref<!tpu.dma_semaphore, #tpu.memory_space<semaphore_mem>>)
    %dma_start3A_602 = arith.constant 2 : i32
    %dma_start3A_603 = arith.constant 0 : i32
    %dma_start3A_604 = arith.constant 0 : i32
    %dma_start3A_605 = tpu.memref_slice %arg14[%rem3A_588, %dma_start3A_603, %dma_start3A_604] : memref<4x128x16xf32, #tpu.memory_space<vmem>> -> memref<1x128x16xf32, #tpu.memory_space<vmem>>
    %dma_start3A_606 = tpu.memref_squeeze %dma_start3A_605 : memref<1x128x16xf32, #tpu.memory_space<vmem>> -> memref<128x16xf32, #tpu.memory_space<vmem>>
    %dma_start3A_607 = arith.constant 0 : i32
    %dma_start3A_608 = tpu.memref_slice %arg11[%dma_start3A_602, %dma_start3A_607] : memref<8x128xi32, #tpu.memory_space<vmem>> -> memref<1x128xi32, #tpu.memory_space<vmem>>
    %dma_start3A_609 = tpu.memref_squeeze %dma_start3A_608 : memref<1x128xi32, #tpu.memory_space<vmem>> -> memref<128xi32, #tpu.memory_space<vmem>>
    %dma_start3A_610 = arith.constant 0 : i32
    %dma_start3A_611 = arith.constant 0 : i32
    %dma_start3A_612 = tpu.memref_slice %arg2[%dma_start3A_610, %dma_start3A_611] : memref<10112x16xf32, #tpu.memory_space<hbm>> -> memref<10112x16xf32, #tpu.memory_space<hbm>>
    %dma_start3A_613 = tpu.memref_slice %arg21[%rem3A_588] : memref<4x!tpu.dma_semaphore, #tpu.memory_space<semaphore_mem>> -> memref<1x!tpu.dma_semaphore, #tpu.memory_space<semaphore_mem>>
    %dma_start3A_614 = tpu.memref_squeeze %dma_start3A_613 : memref<1x!tpu.dma_semaphore, #tpu.memory_space<semaphore_mem>> -> memref<!tpu.dma_semaphore, #tpu.memory_space<semaphore_mem>>
    tpu.enqueue_indirect_dma source(%dma_start3A_612 : memref<10112x16xf32, #tpu.memory_space<hbm>>) target(%dma_start3A_606 : memref<128x16xf32, #tpu.memory_space<vmem>>) offsets(%dma_start3A_609 : memref<128xi32, #tpu.memory_space<vmem>>) semaphore(%dma_start3A_614 : memref<!tpu.dma_semaphore, #tpu.memory_space<semaphore_mem>>)
    %dma_start3A_615 = arith.constant 2 : i32
    %dma_start3A_616 = arith.constant 0 : i32
    %dma_start3A_617 = arith.constant 0 : i32
    %dma_start3A_618 = tpu.memref_slice %arg15[%rem3A_588, %dma_start3A_616, %dma_start3A_617] : memref<4x128x32xi32, #tpu.memory_space<vmem>> -> memref<1x128x32xi32, #tpu.memory_space<vmem>>
    %dma_start3A_619 = tpu.memref_squeeze %dma_start3A_618 : memref<1x128x32xi32, #tpu.memory_space<vmem>> -> memref<128x32xi32, #tpu.memory_space<vmem>>
    %dma_start3A_620 = arith.constant 0 : i32
    %dma_start3A_621 = tpu.memref_slice %arg12[%dma_start3A_615, %dma_start3A_620] : memref<8x128xi32, #tpu.memory_space<vmem>> -> memref<1x128xi32, #tpu.memory_space<vmem>>
    %dma_start3A_622 = tpu.memref_squeeze %dma_start3A_621 : memref<1x128xi32, #tpu.memory_space<vmem>> -> memref<128xi32, #tpu.memory_space<vmem>>
    %dma_start3A_623 = arith.constant 0 : i32
    %dma_start3A_624 = arith.constant 0 : i32
    %dma_start3A_625 = tpu.memref_slice %arg3[%dma_start3A_623, %dma_start3A_624] : memref<20224x32xi32, #tpu.memory_space<hbm>> -> memref<20224x32xi32, #tpu.memory_space<hbm>>
    %dma_start3A_626 = tpu.memref_slice %arg21[%rem3A_588] : memref<4x!tpu.dma_semaphore, #tpu.memory_space<semaphore_mem>> -> memref<1x!tpu.dma_semaphore, #tpu.memory_space<semaphore_mem>>
    %dma_start3A_627 = tpu.memref_squeeze %dma_start3A_626 : memref<1x!tpu.dma_semaphore, #tpu.memory_space<semaphore_mem>> -> memref<!tpu.dma_semaphore, #tpu.memory_space<semaphore_mem>>
    tpu.enqueue_indirect_dma source(%dma_start3A_625 : memref<20224x32xi32, #tpu.memory_space<hbm>>) target(%dma_start3A_619 : memref<128x32xi32, #tpu.memory_space<vmem>>) offsets(%dma_start3A_622 : memref<128xi32, #tpu.memory_space<vmem>>) semaphore(%dma_start3A_627 : memref<!tpu.dma_semaphore, #tpu.memory_space<semaphore_mem>>)
    %scan3A = arith.constant 0 : i32
    %scan3A_628 = arith.constant 0 : i32
    %scan3A_629 = arith.constant 157 : i32
    %scan3A_630 = arith.addi %scan3A_628, %scan3A_629 : i32
    %scan3A_631 = arith.constant 1 : i32
    scf.for %scan3A_680 = %scan3A_628 to %scan3A_630 step %scan3A_631  : i32 {
      %rem3A_681 = arith.constant 2 : i32
      %rem3A_682 = arith.remsi %scan3A_680, %rem3A_681 : i32
      %rem3A_683 = arith.constant 4 : i32
      %rem3A_684 = arith.remsi %scan3A_680, %rem3A_683 : i32
      %rem3A_685 = arith.constant 8 : i32
      %rem3A_686 = arith.remsi %scan3A_680, %rem3A_685 : i32
      %ge3A = arith.constant 2 : i32
      %ge3A_687 = arith.cmpi sge, %scan3A_680, %ge3A : i32
      %convert_element_type3A_688 = arith.extui %ge3A_687 : i1 to i32
      %cond3A_689 = arith.constant 0 : i32
      %cond3A_690 = arith.cmpi ne, %convert_element_type3A_688, %cond3A_689 : i32
      scf.if %cond3A_690 {
        %add3A_761 = arith.constant 6 : i32
        %add3A_762 = arith.addi %scan3A_680, %add3A_761 : i32
        %rem3A_763 = arith.constant 8 : i32
        %rem3A_764 = arith.remsi %add3A_762, %rem3A_763 : i32
        %dma_wait3A_765 = arith.constant 0 : i32
        %dma_wait3A_766 = arith.constant 0 : i32
        %dma_wait3A_767 = tpu.memref_slice %arg17[%rem3A_682, %dma_wait3A_765, %dma_wait3A_766] : memref<2x128x64xf32, #tpu.memory_space<vmem>> -> memref<1x128x64xf32, #tpu.memory_space<vmem>>
        %dma_wait3A_768 = tpu.memref_squeeze %dma_wait3A_767 : memref<1x128x64xf32, #tpu.memory_space<vmem>> -> memref<128x64xf32, #tpu.memory_space<vmem>>
        %dma_wait3A_769 = arith.constant 0 : i32
        %dma_wait3A_770 = tpu.memref_slice %arg11[%rem3A_764, %dma_wait3A_769] : memref<8x128xi32, #tpu.memory_space<vmem>> -> memref<1x128xi32, #tpu.memory_space<vmem>>
        %dma_wait3A_771 = tpu.memref_squeeze %dma_wait3A_770 : memref<1x128xi32, #tpu.memory_space<vmem>> -> memref<128xi32, #tpu.memory_space<vmem>>
        %dma_wait3A_772 = arith.constant 0 : i32
        %dma_wait3A_773 = arith.constant 0 : i32
        %dma_wait3A_774 = tpu.memref_slice %arg18[%dma_wait3A_772, %dma_wait3A_773] : memref<10112x64xf32, #tpu.memory_space<vmem_shared>> -> memref<10112x64xf32, #tpu.memory_space<vmem_shared>>
        %dma_wait3A_775 = tpu.memref_slice %arg22[%rem3A_682] : memref<2x!tpu.dma_semaphore, #tpu.memory_space<semaphore_mem>> -> memref<1x!tpu.dma_semaphore, #tpu.memory_space<semaphore_mem>>
        %dma_wait3A_776 = tpu.memref_squeeze %dma_wait3A_775 : memref<1x!tpu.dma_semaphore, #tpu.memory_space<semaphore_mem>> -> memref<!tpu.dma_semaphore, #tpu.memory_space<semaphore_mem>>
        tpu.wait_indirect_dma semaphore(%dma_wait3A_776 : memref<!tpu.dma_semaphore, #tpu.memory_space<semaphore_mem>>) src(%dma_wait3A_768 : memref<128x64xf32, #tpu.memory_space<vmem>>) dst(%dma_wait3A_774 : memref<10112x64xf32, #tpu.memory_space<vmem_shared>>)
        %eq3A_777 = arith.constant 0 : i32
        %eq3A_778 = arith.cmpi eq, %arg0, %eq3A_777 : i32
        %convert_element_type3A_779 = arith.extui %eq3A_778 : i1 to i32
        %cond3A_780 = arith.constant 0 : i32
        %cond3A_781 = arith.cmpi ne, %convert_element_type3A_779, %cond3A_780 : i32
        scf.if %cond3A_781 {
          %add3A_782 = arith.constant 6 : i32
          %add3A_783 = arith.addi %scan3A_680, %add3A_782 : i32
          %rem3A_784 = arith.constant 8 : i32
          %rem3A_785 = arith.remsi %add3A_783, %rem3A_784 : i32
          %dma_wait3A_786 = arith.constant 0 : i32
          %dma_wait3A_787 = arith.constant 0 : i32
          %dma_wait3A_788 = tpu.memref_slice %arg16[%rem3A_682, %dma_wait3A_786, %dma_wait3A_787] : memref<2x128x16xf32, #tpu.memory_space<vmem>> -> memref<1x128x16xf32, #tpu.memory_space<vmem>>
          %dma_wait3A_789 = tpu.memref_squeeze %dma_wait3A_788 : memref<1x128x16xf32, #tpu.memory_space<vmem>> -> memref<128x16xf32, #tpu.memory_space<vmem>>
          %dma_wait3A_790 = arith.constant 0 : i32
          %dma_wait3A_791 = tpu.memref_slice %arg11[%rem3A_785, %dma_wait3A_790] : memref<8x128xi32, #tpu.memory_space<vmem>> -> memref<1x128xi32, #tpu.memory_space<vmem>>
          %dma_wait3A_792 = tpu.memref_squeeze %dma_wait3A_791 : memref<1x128xi32, #tpu.memory_space<vmem>> -> memref<128xi32, #tpu.memory_space<vmem>>
          %dma_wait3A_793 = arith.constant 0 : i32
          %dma_wait3A_794 = arith.constant 0 : i32
          %dma_wait3A_795 = tpu.memref_slice %arg19[%dma_wait3A_793, %dma_wait3A_794] : memref<10112x16xf32, #tpu.memory_space<vmem_shared>> -> memref<10112x16xf32, #tpu.memory_space<vmem_shared>>
          %dma_wait3A_796 = tpu.memref_slice %arg23[%rem3A_682] : memref<2x!tpu.dma_semaphore, #tpu.memory_space<semaphore_mem>> -> memref<1x!tpu.dma_semaphore, #tpu.memory_space<semaphore_mem>>
          %dma_wait3A_797 = tpu.memref_squeeze %dma_wait3A_796 : memref<1x!tpu.dma_semaphore, #tpu.memory_space<semaphore_mem>> -> memref<!tpu.dma_semaphore, #tpu.memory_space<semaphore_mem>>
          tpu.wait_indirect_dma semaphore(%dma_wait3A_797 : memref<!tpu.dma_semaphore, #tpu.memory_space<semaphore_mem>>) src(%dma_wait3A_789 : memref<128x16xf32, #tpu.memory_space<vmem>>) dst(%dma_wait3A_795 : memref<10112x16xf32, #tpu.memory_space<vmem_shared>>)
        } else {
        }
      } else {
      }
      %add3A_691 = arith.constant 4 : i32
      %add3A_692 = arith.addi %scan3A_680, %add3A_691 : i32
      %lt3A = arith.constant 157 : i32
      %lt3A_693 = arith.cmpi slt, %add3A_692, %lt3A : i32
      %convert_element_type3A_694 = arith.extui %lt3A_693 : i1 to i32
      %cond3A_695 = arith.constant 0 : i32
      %cond3A_696 = arith.cmpi ne, %convert_element_type3A_694, %cond3A_695 : i32
      scf.if %cond3A_696 {
        %add3A_761 = arith.constant 4 : i32
        %add3A_762 = arith.addi %scan3A_680, %add3A_761 : i32
        %add3A_763 = arith.constant 4 : i32
        %add3A_764 = arith.addi %scan3A_680, %add3A_763 : i32
        %rem3A_765 = arith.constant 8 : i32
        %rem3A_766 = arith.remsi %add3A_764, %rem3A_765 : i32
        %mul3A_767 = arith.constant 128 : i32
        %mul3A_768 = arith.muli %add3A_762, %mul3A_767 : i32
        %add3A_769 = arith.addi %mul3A_10, %mul3A_768 : i32
        %dma_start3A_770 = arith.constant 0 : i32
        %dma_start3A_771 = tpu.memref_slice %arg10[%rem3A_766, %dma_start3A_770] : memref<8x128xi32, #tpu.memory_space<vmem>> -> memref<1x128xi32, #tpu.memory_space<vmem>>
        %dma_start3A_772 = tpu.memref_squeeze %dma_start3A_771 : memref<1x128xi32, #tpu.memory_space<vmem>> -> memref<128xi32, #tpu.memory_space<vmem>>
        %dma_start3A_773 = tpu.memref_slice %arg4[%add3A_769] : memref<321536xi32, #tpu.memory_space<hbm>> -> memref<128xi32, #tpu.memory_space<hbm>>
        %dma_start3A_774 = tpu.memref_slice %arg20[%rem3A_766] : memref<8x!tpu.dma_semaphore, #tpu.memory_space<semaphore_mem>> -> memref<1x!tpu.dma_semaphore, #tpu.memory_space<semaphore_mem>>
        %dma_start3A_775 = tpu.memref_squeeze %dma_start3A_774 : memref<1x!tpu.dma_semaphore, #tpu.memory_space<semaphore_mem>> -> memref<!tpu.dma_semaphore, #tpu.memory_space<semaphore_mem>>
        %dma_start3A_776 = arith.constant 0 : i32
        %dma_start3A_777 = tpu.memref_slice %arg10[%rem3A_766, %dma_start3A_776] : memref<8x128xi32, #tpu.memory_space<vmem>> -> memref<1x128xi32, #tpu.memory_space<vmem>>
        %dma_start3A_778 = tpu.memref_squeeze %dma_start3A_777 : memref<1x128xi32, #tpu.memory_space<vmem>> -> memref<128xi32, #tpu.memory_space<vmem>>
        %dma_start3A_779 = tpu.memref_slice %arg4[%add3A_769] : memref<321536xi32, #tpu.memory_space<hbm>> -> memref<128xi32, #tpu.memory_space<hbm>>
        tpu.enqueue_dma source(%dma_start3A_779 : memref<128xi32, #tpu.memory_space<hbm>>) target(%dma_start3A_778 : memref<128xi32, #tpu.memory_space<vmem>>) target_semaphore(%dma_start3A_775 : memref<!tpu.dma_semaphore, #tpu.memory_space<semaphore_mem>>)
        %dma_start3A_780 = arith.constant 0 : i32
        %dma_start3A_781 = tpu.memref_slice %arg11[%rem3A_766, %dma_start3A_780] : memref<8x128xi32, #tpu.memory_space<vmem>> -> memref<1x128xi32, #tpu.memory_space<vmem>>
        %dma_start3A_782 = tpu.memref_squeeze %dma_start3A_781 : memref<1x128xi32, #tpu.memory_space<vmem>> -> memref<128xi32, #tpu.memory_space<vmem>>
        %dma_start3A_783 = tpu.memref_slice %arg5[%add3A_769] : memref<321536xi32, #tpu.memory_space<hbm>> -> memref<128xi32, #tpu.memory_space<hbm>>
        %dma_start3A_784 = tpu.memref_slice %arg20[%rem3A_766] : memref<8x!tpu.dma_semaphore, #tpu.memory_space<semaphore_mem>> -> memref<1x!tpu.dma_semaphore, #tpu.memory_space<semaphore_mem>>
        %dma_start3A_785 = tpu.memref_squeeze %dma_start3A_784 : memref<1x!tpu.dma_semaphore, #tpu.memory_space<semaphore_mem>> -> memref<!tpu.dma_semaphore, #tpu.memory_space<semaphore_mem>>
        %dma_start3A_786 = arith.constant 0 : i32
        %dma_start3A_787 = tpu.memref_slice %arg11[%rem3A_766, %dma_start3A_786] : memref<8x128xi32, #tpu.memory_space<vmem>> -> memref<1x128xi32, #tpu.memory_space<vmem>>
        %dma_start3A_788 = tpu.memref_squeeze %dma_start3A_787 : memref<1x128xi32, #tpu.memory_space<vmem>> -> memref<128xi32, #tpu.memory_space<vmem>>
        %dma_start3A_789 = tpu.memref_slice %arg5[%add3A_769] : memref<321536xi32, #tpu.memory_space<hbm>> -> memref<128xi32, #tpu.memory_space<hbm>>
        tpu.enqueue_dma source(%dma_start3A_789 : memref<128xi32, #tpu.memory_space<hbm>>) target(%dma_start3A_788 : memref<128xi32, #tpu.memory_space<vmem>>) target_semaphore(%dma_start3A_785 : memref<!tpu.dma_semaphore, #tpu.memory_space<semaphore_mem>>)
      } else {
      }
      %dma_wait3A_697 = arith.constant 0 : i32
      %dma_wait3A_698 = arith.constant 0 : i32
      %dma_wait3A_699 = tpu.memref_slice %arg13[%rem3A_684, %dma_wait3A_697, %dma_wait3A_698] : memref<4x128x16xf32, #tpu.memory_space<vmem>> -> memref<1x128x16xf32, #tpu.memory_space<vmem>>
      %dma_wait3A_700 = tpu.memref_squeeze %dma_wait3A_699 : memref<1x128x16xf32, #tpu.memory_space<vmem>> -> memref<128x16xf32, #tpu.memory_space<vmem>>
      %dma_wait3A_701 = arith.constant 0 : i32
      %dma_wait3A_702 = tpu.memref_slice %arg10[%rem3A_686, %dma_wait3A_701] : memref<8x128xi32, #tpu.memory_space<vmem>> -> memref<1x128xi32, #tpu.memory_space<vmem>>
      %dma_wait3A_703 = tpu.memref_squeeze %dma_wait3A_702 : memref<1x128xi32, #tpu.memory_space<vmem>> -> memref<128xi32, #tpu.memory_space<vmem>>
      %dma_wait3A_704 = arith.constant 0 : i32
      %dma_wait3A_705 = arith.constant 0 : i32
      %dma_wait3A_706 = tpu.memref_slice %arg2[%dma_wait3A_704, %dma_wait3A_705] : memref<10112x16xf32, #tpu.memory_space<hbm>> -> memref<10112x16xf32, #tpu.memory_space<hbm>>
      %dma_wait3A_707 = tpu.memref_slice %arg21[%rem3A_684] : memref<4x!tpu.dma_semaphore, #tpu.memory_space<semaphore_mem>> -> memref<1x!tpu.dma_semaphore, #tpu.memory_space<semaphore_mem>>
      %dma_wait3A_708 = tpu.memref_squeeze %dma_wait3A_707 : memref<1x!tpu.dma_semaphore, #tpu.memory_space<semaphore_mem>> -> memref<!tpu.dma_semaphore, #tpu.memory_space<semaphore_mem>>
      tpu.wait_indirect_dma semaphore(%dma_wait3A_708 : memref<!tpu.dma_semaphore, #tpu.memory_space<semaphore_mem>>) src(%dma_wait3A_706 : memref<10112x16xf32, #tpu.memory_space<hbm>>) dst(%dma_wait3A_700 : memref<128x16xf32, #tpu.memory_space<vmem>>)
      %dma_wait3A_709 = arith.constant 0 : i32
      %dma_wait3A_710 = arith.constant 0 : i32
      %dma_wait3A_711 = tpu.memref_slice %arg14[%rem3A_684, %dma_wait3A_709, %dma_wait3A_710] : memref<4x128x16xf32, #tpu.memory_space<vmem>> -> memref<1x128x16xf32, #tpu.memory_space<vmem>>
      %dma_wait3A_712 = tpu.memref_squeeze %dma_wait3A_711 : memref<1x128x16xf32, #tpu.memory_space<vmem>> -> memref<128x16xf32, #tpu.memory_space<vmem>>
      %dma_wait3A_713 = arith.constant 0 : i32
      %dma_wait3A_714 = tpu.memref_slice %arg11[%rem3A_686, %dma_wait3A_713] : memref<8x128xi32, #tpu.memory_space<vmem>> -> memref<1x128xi32, #tpu.memory_space<vmem>>
      %dma_wait3A_715 = tpu.memref_squeeze %dma_wait3A_714 : memref<1x128xi32, #tpu.memory_space<vmem>> -> memref<128xi32, #tpu.memory_space<vmem>>
      %dma_wait3A_716 = arith.constant 0 : i32
      %dma_wait3A_717 = arith.constant 0 : i32
      %dma_wait3A_718 = tpu.memref_slice %arg2[%dma_wait3A_716, %dma_wait3A_717] : memref<10112x16xf32, #tpu.memory_space<hbm>> -> memref<10112x16xf32, #tpu.memory_space<hbm>>
      %dma_wait3A_719 = tpu.memref_slice %arg21[%rem3A_684] : memref<4x!tpu.dma_semaphore, #tpu.memory_space<semaphore_mem>> -> memref<1x!tpu.dma_semaphore, #tpu.memory_space<semaphore_mem>>
      %dma_wait3A_720 = tpu.memref_squeeze %dma_wait3A_719 : memref<1x!tpu.dma_semaphore, #tpu.memory_space<semaphore_mem>> -> memref<!tpu.dma_semaphore, #tpu.memory_space<semaphore_mem>>
      tpu.wait_indirect_dma semaphore(%dma_wait3A_720 : memref<!tpu.dma_semaphore, #tpu.memory_space<semaphore_mem>>) src(%dma_wait3A_718 : memref<10112x16xf32, #tpu.memory_space<hbm>>) dst(%dma_wait3A_712 : memref<128x16xf32, #tpu.memory_space<vmem>>)
      %dma_wait3A_721 = arith.constant 0 : i32
      %dma_wait3A_722 = arith.constant 0 : i32
      %dma_wait3A_723 = tpu.memref_slice %arg15[%rem3A_684, %dma_wait3A_721, %dma_wait3A_722] : memref<4x128x32xi32, #tpu.memory_space<vmem>> -> memref<1x128x32xi32, #tpu.memory_space<vmem>>
      %dma_wait3A_724 = tpu.memref_squeeze %dma_wait3A_723 : memref<1x128x32xi32, #tpu.memory_space<vmem>> -> memref<128x32xi32, #tpu.memory_space<vmem>>
      %dma_wait3A_725 = arith.constant 0 : i32
      %dma_wait3A_726 = tpu.memref_slice %arg12[%rem3A_686, %dma_wait3A_725] : memref<8x128xi32, #tpu.memory_space<vmem>> -> memref<1x128xi32, #tpu.memory_space<vmem>>
      %dma_wait3A_727 = tpu.memref_squeeze %dma_wait3A_726 : memref<1x128xi32, #tpu.memory_space<vmem>> -> memref<128xi32, #tpu.memory_space<vmem>>
      %dma_wait3A_728 = arith.constant 0 : i32
      %dma_wait3A_729 = arith.constant 0 : i32
      %dma_wait3A_730 = tpu.memref_slice %arg3[%dma_wait3A_728, %dma_wait3A_729] : memref<20224x32xi32, #tpu.memory_space<hbm>> -> memref<20224x32xi32, #tpu.memory_space<hbm>>
      %dma_wait3A_731 = tpu.memref_slice %arg21[%rem3A_684] : memref<4x!tpu.dma_semaphore, #tpu.memory_space<semaphore_mem>> -> memref<1x!tpu.dma_semaphore, #tpu.memory_space<semaphore_mem>>
      %dma_wait3A_732 = tpu.memref_squeeze %dma_wait3A_731 : memref<1x!tpu.dma_semaphore, #tpu.memory_space<semaphore_mem>> -> memref<!tpu.dma_semaphore, #tpu.memory_space<semaphore_mem>>
      tpu.wait_indirect_dma semaphore(%dma_wait3A_732 : memref<!tpu.dma_semaphore, #tpu.memory_space<semaphore_mem>>) src(%dma_wait3A_730 : memref<20224x32xi32, #tpu.memory_space<hbm>>) dst(%dma_wait3A_724 : memref<128x32xi32, #tpu.memory_space<vmem>>)
      %add3A_733 = arith.constant 3 : i32
      %add3A_734 = arith.addi %scan3A_680, %add3A_733 : i32
      %lt3A_735 = arith.constant 157 : i32
      %lt3A_736 = arith.cmpi slt, %add3A_734, %lt3A_735 : i32
      %convert_element_type3A_737 = arith.extui %lt3A_736 : i1 to i32
      %cond3A_738 = arith.constant 0 : i32
      %cond3A_739 = arith.cmpi ne, %convert_element_type3A_737, %cond3A_738 : i32
      scf.if %cond3A_739 {
        %add3A_761 = arith.constant 3 : i32
        %add3A_762 = arith.addi %scan3A_680, %add3A_761 : i32
        %add3A_763 = arith.constant 3 : i32
        %add3A_764 = arith.addi %scan3A_680, %add3A_763 : i32
        %rem3A_765 = arith.constant 8 : i32
        %rem3A_766 = arith.remsi %add3A_764, %rem3A_765 : i32
        %mul3A_767 = arith.constant 128 : i32
        %mul3A_768 = arith.muli %add3A_762, %mul3A_767 : i32
        %add3A_769 = arith.addi %mul3A_10, %mul3A_768 : i32
        %dma_wait3A_770 = arith.constant 0 : i32
        %dma_wait3A_771 = tpu.memref_slice %arg10[%rem3A_766, %dma_wait3A_770] : memref<8x128xi32, #tpu.memory_space<vmem>> -> memref<1x128xi32, #tpu.memory_space<vmem>>
        %dma_wait3A_772 = tpu.memref_squeeze %dma_wait3A_771 : memref<1x128xi32, #tpu.memory_space<vmem>> -> memref<128xi32, #tpu.memory_space<vmem>>
        %dma_wait3A_773 = tpu.memref_slice %arg4[%add3A_769] : memref<321536xi32, #tpu.memory_space<hbm>> -> memref<128xi32, #tpu.memory_space<hbm>>
        %dma_wait3A_774 = tpu.memref_slice %arg20[%rem3A_766] : memref<8x!tpu.dma_semaphore, #tpu.memory_space<semaphore_mem>> -> memref<1x!tpu.dma_semaphore, #tpu.memory_space<semaphore_mem>>
        %dma_wait3A_775 = tpu.memref_squeeze %dma_wait3A_774 : memref<1x!tpu.dma_semaphore, #tpu.memory_space<semaphore_mem>> -> memref<!tpu.dma_semaphore, #tpu.memory_space<semaphore_mem>>
        %dma_wait3A_776 = arith.constant 0 : i32
        %dma_wait3A_777 = tpu.memref_slice %arg10[%rem3A_766, %dma_wait3A_776] : memref<8x128xi32, #tpu.memory_space<vmem>> -> memref<1x128xi32, #tpu.memory_space<vmem>>
        %dma_wait3A_778 = tpu.memref_squeeze %dma_wait3A_777 : memref<1x128xi32, #tpu.memory_space<vmem>> -> memref<128xi32, #tpu.memory_space<vmem>>
        %dma_wait3A_779 = tpu.memref_slice %arg4[%add3A_769] : memref<321536xi32, #tpu.memory_space<hbm>> -> memref<128xi32, #tpu.memory_space<hbm>>
        tpu.wait_dma2 semaphore(%dma_wait3A_775 : memref<!tpu.dma_semaphore, #tpu.memory_space<semaphore_mem>>) src(%dma_wait3A_779 : memref<128xi32, #tpu.memory_space<hbm>>) dst(%dma_wait3A_778 : memref<128xi32, #tpu.memory_space<vmem>>)
        %dma_wait3A_780 = arith.constant 0 : i32
        %dma_wait3A_781 = tpu.memref_slice %arg11[%rem3A_766, %dma_wait3A_780] : memref<8x128xi32, #tpu.memory_space<vmem>> -> memref<1x128xi32, #tpu.memory_space<vmem>>
        %dma_wait3A_782 = tpu.memref_squeeze %dma_wait3A_781 : memref<1x128xi32, #tpu.memory_space<vmem>> -> memref<128xi32, #tpu.memory_space<vmem>>
        %dma_wait3A_783 = tpu.memref_slice %arg5[%add3A_769] : memref<321536xi32, #tpu.memory_space<hbm>> -> memref<128xi32, #tpu.memory_space<hbm>>
        %dma_wait3A_784 = tpu.memref_slice %arg20[%rem3A_766] : memref<8x!tpu.dma_semaphore, #tpu.memory_space<semaphore_mem>> -> memref<1x!tpu.dma_semaphore, #tpu.memory_space<semaphore_mem>>
        %dma_wait3A_785 = tpu.memref_squeeze %dma_wait3A_784 : memref<1x!tpu.dma_semaphore, #tpu.memory_space<semaphore_mem>> -> memref<!tpu.dma_semaphore, #tpu.memory_space<semaphore_mem>>
        %dma_wait3A_786 = arith.constant 0 : i32
        %dma_wait3A_787 = tpu.memref_slice %arg11[%rem3A_766, %dma_wait3A_786] : memref<8x128xi32, #tpu.memory_space<vmem>> -> memref<1x128xi32, #tpu.memory_space<vmem>>
        %dma_wait3A_788 = tpu.memref_squeeze %dma_wait3A_787 : memref<1x128xi32, #tpu.memory_space<vmem>> -> memref<128xi32, #tpu.memory_space<vmem>>
        %dma_wait3A_789 = tpu.memref_slice %arg5[%add3A_769] : memref<321536xi32, #tpu.memory_space<hbm>> -> memref<128xi32, #tpu.memory_space<hbm>>
        tpu.wait_dma2 semaphore(%dma_wait3A_785 : memref<!tpu.dma_semaphore, #tpu.memory_space<semaphore_mem>>) src(%dma_wait3A_789 : memref<128xi32, #tpu.memory_space<hbm>>) dst(%dma_wait3A_788 : memref<128xi32, #tpu.memory_space<vmem>>)
        %get3A_790 = arith.index_cast %rem3A_766 : i32 to index
        %get3A_791 = arith.constant 0 : index
        %get3A_792 = tpu.vector_load %arg10[%get3A_790, %get3A_791] {strides = array<i32>} : memref<8x128xi32, #tpu.memory_space<vmem>>, vector<1x16xi32>,
        %get3A_793 = vector.shape_cast %get3A_792 : vector<1x16xi32> to vector<16xi32>
        %add3A_794 = vector.broadcast %mul3A_12 : i32 to vector<16xi32>
        %add3A_795 = arith.addi %get3A_793, %add3A_794 : vector<16xi32>
        %swap3A_796 = arith.index_cast %rem3A_766 : i32 to index
        %swap3A_797 = arith.constant 0 : index
        %swap3A_798 = tpu.vector_load %arg12[%swap3A_796, %swap3A_797] {strides = array<i32>} : memref<8x128xi32, #tpu.memory_space<vmem>>, vector<1x16xi32>,
        %swap3A_799 = vector.shape_cast %swap3A_798 : vector<1x16xi32> to vector<16xi32>
        %swap3A_800 = vector.shape_cast %add3A_795 : vector<16xi32> to vector<1x16xi32>
        tpu.vector_store %arg12[%swap3A_796, %swap3A_797], %swap3A_800 {strides = array<i32>} : memref<8x128xi32, #tpu.memory_space<vmem>>, vector<1x16xi32>,
        %get3A_801 = arith.index_cast %rem3A_766 : i32 to index
        %get3A_802 = arith.constant 16 : index
        %get3A_803 = tpu.vector_load %arg10[%get3A_801, %get3A_802] {strides = array<i32>} : memref<8x128xi32, #tpu.memory_space<vmem>>, vector<1x16xi32>,
        %get3A_804 = vector.shape_cast %get3A_803 : vector<1x16xi32> to vector<16xi32>
        %add3A_805 = vector.broadcast %mul3A_12 : i32 to vector<16xi32>
        %add3A_806 = arith.addi %get3A_804, %add3A_805 : vector<16xi32>
        %swap3A_807 = arith.index_cast %rem3A_766 : i32 to index
        %swap3A_808 = arith.constant 16 : index
        %swap3A_809 = tpu.vector_load %arg12[%swap3A_807, %swap3A_808] {strides = array<i32>} : memref<8x128xi32, #tpu.memory_space<vmem>>, vector<1x16xi32>,
        %swap3A_810 = vector.shape_cast %swap3A_809 : vector<1x16xi32> to vector<16xi32>
        %swap3A_811 = vector.shape_cast %add3A_806 : vector<16xi32> to vector<1x16xi32>
        tpu.vector_store %arg12[%swap3A_807, %swap3A_808], %swap3A_811 {strides = array<i32>} : memref<8x128xi32, #tpu.memory_space<vmem>>, vector<1x16xi32>,
        %get3A_812 = arith.index_cast %rem3A_766 : i32 to index
        %get3A_813 = arith.constant 32 : index
        %get3A_814 = tpu.vector_load %arg10[%get3A_812, %get3A_813] {strides = array<i32>} : memref<8x128xi32, #tpu.memory_space<vmem>>, vector<1x16xi32>,
        %get3A_815 = vector.shape_cast %get3A_814 : vector<1x16xi32> to vector<16xi32>
        %add3A_816 = vector.broadcast %mul3A_12 : i32 to vector<16xi32>
        %add3A_817 = arith.addi %get3A_815, %add3A_816 : vector<16xi32>
        %swap3A_818 = arith.index_cast %rem3A_766 : i32 to index
        %swap3A_819 = arith.constant 32 : index
        %swap3A_820 = tpu.vector_load %arg12[%swap3A_818, %swap3A_819] {strides = array<i32>} : memref<8x128xi32, #tpu.memory_space<vmem>>, vector<1x16xi32>,
        %swap3A_821 = vector.shape_cast %swap3A_820 : vector<1x16xi32> to vector<16xi32>
        %swap3A_822 = vector.shape_cast %add3A_817 : vector<16xi32> to vector<1x16xi32>
        tpu.vector_store %arg12[%swap3A_818, %swap3A_819], %swap3A_822 {strides = array<i32>} : memref<8x128xi32, #tpu.memory_space<vmem>>, vector<1x16xi32>,
        %get3A_823 = arith.index_cast %rem3A_766 : i32 to index
        %get3A_824 = arith.constant 48 : index
        %get3A_825 = tpu.vector_load %arg10[%get3A_823, %get3A_824] {strides = array<i32>} : memref<8x128xi32, #tpu.memory_space<vmem>>, vector<1x16xi32>,
        %get3A_826 = vector.shape_cast %get3A_825 : vector<1x16xi32> to vector<16xi32>
        %add3A_827 = vector.broadcast %mul3A_12 : i32 to vector<16xi32>
        %add3A_828 = arith.addi %get3A_826, %add3A_827 : vector<16xi32>
        %swap3A_829 = arith.index_cast %rem3A_766 : i32 to index
        %swap3A_830 = arith.constant 48 : index
        %swap3A_831 = tpu.vector_load %arg12[%swap3A_829, %swap3A_830] {strides = array<i32>} : memref<8x128xi32, #tpu.memory_space<vmem>>, vector<1x16xi32>,
        %swap3A_832 = vector.shape_cast %swap3A_831 : vector<1x16xi32> to vector<16xi32>
        %swap3A_833 = vector.shape_cast %add3A_828 : vector<16xi32> to vector<1x16xi32>
        tpu.vector_store %arg12[%swap3A_829, %swap3A_830], %swap3A_833 {strides = array<i32>} : memref<8x128xi32, #tpu.memory_space<vmem>>, vector<1x16xi32>,
        %get3A_834 = arith.index_cast %rem3A_766 : i32 to index
        %get3A_835 = arith.constant 64 : index
        %get3A_836 = tpu.vector_load %arg10[%get3A_834, %get3A_835] {strides = array<i32>} : memref<8x128xi32, #tpu.memory_space<vmem>>, vector<1x16xi32>,
        %get3A_837 = vector.shape_cast %get3A_836 : vector<1x16xi32> to vector<16xi32>
        %add3A_838 = vector.broadcast %mul3A_12 : i32 to vector<16xi32>
        %add3A_839 = arith.addi %get3A_837, %add3A_838 : vector<16xi32>
        %swap3A_840 = arith.index_cast %rem3A_766 : i32 to index
        %swap3A_841 = arith.constant 64 : index
        %swap3A_842 = tpu.vector_load %arg12[%swap3A_840, %swap3A_841] {strides = array<i32>} : memref<8x128xi32, #tpu.memory_space<vmem>>, vector<1x16xi32>,
        %swap3A_843 = vector.shape_cast %swap3A_842 : vector<1x16xi32> to vector<16xi32>
        %swap3A_844 = vector.shape_cast %add3A_839 : vector<16xi32> to vector<1x16xi32>
        tpu.vector_store %arg12[%swap3A_840, %swap3A_841], %swap3A_844 {strides = array<i32>} : memref<8x128xi32, #tpu.memory_space<vmem>>, vector<1x16xi32>,
        %get3A_845 = arith.index_cast %rem3A_766 : i32 to index
        %get3A_846 = arith.constant 80 : index
        %get3A_847 = tpu.vector_load %arg10[%get3A_845, %get3A_846] {strides = array<i32>} : memref<8x128xi32, #tpu.memory_space<vmem>>, vector<1x16xi32>,
        %get3A_848 = vector.shape_cast %get3A_847 : vector<1x16xi32> to vector<16xi32>
        %add3A_849 = vector.broadcast %mul3A_12 : i32 to vector<16xi32>
        %add3A_850 = arith.addi %get3A_848, %add3A_849 : vector<16xi32>
        %swap3A_851 = arith.index_cast %rem3A_766 : i32 to index
        %swap3A_852 = arith.constant 80 : index
        %swap3A_853 = tpu.vector_load %arg12[%swap3A_851, %swap3A_852] {strides = array<i32>} : memref<8x128xi32, #tpu.memory_space<vmem>>, vector<1x16xi32>,
        %swap3A_854 = vector.shape_cast %swap3A_853 : vector<1x16xi32> to vector<16xi32>
        %swap3A_855 = vector.shape_cast %add3A_850 : vector<16xi32> to vector<1x16xi32>
        tpu.vector_store %arg12[%swap3A_851, %swap3A_852], %swap3A_855 {strides = array<i32>} : memref<8x128xi32, #tpu.memory_space<vmem>>, vector<1x16xi32>,
        %get3A_856 = arith.index_cast %rem3A_766 : i32 to index
        %get3A_857 = arith.constant 96 : index
        %get3A_858 = tpu.vector_load %arg10[%get3A_856, %get3A_857] {strides = array<i32>} : memref<8x128xi32, #tpu.memory_space<vmem>>, vector<1x16xi32>,
        %get3A_859 = vector.shape_cast %get3A_858 : vector<1x16xi32> to vector<16xi32>
        %add3A_860 = vector.broadcast %mul3A_12 : i32 to vector<16xi32>
        %add3A_861 = arith.addi %get3A_859, %add3A_860 : vector<16xi32>
        %swap3A_862 = arith.index_cast %rem3A_766 : i32 to index
        %swap3A_863 = arith.constant 96 : index
        %swap3A_864 = tpu.vector_load %arg12[%swap3A_862, %swap3A_863] {strides = array<i32>} : memref<8x128xi32, #tpu.memory_space<vmem>>, vector<1x16xi32>,
        %swap3A_865 = vector.shape_cast %swap3A_864 : vector<1x16xi32> to vector<16xi32>
        %swap3A_866 = vector.shape_cast %add3A_861 : vector<16xi32> to vector<1x16xi32>
        tpu.vector_store %arg12[%swap3A_862, %swap3A_863], %swap3A_866 {strides = array<i32>} : memref<8x128xi32, #tpu.memory_space<vmem>>, vector<1x16xi32>,
        %get3A_867 = arith.index_cast %rem3A_766 : i32 to index
        %get3A_868 = arith.constant 112 : index
        %get3A_869 = tpu.vector_load %arg10[%get3A_867, %get3A_868] {strides = array<i32>} : memref<8x128xi32, #tpu.memory_space<vmem>>, vector<1x16xi32>,
        %get3A_870 = vector.shape_cast %get3A_869 : vector<1x16xi32> to vector<16xi32>
        %add3A_871 = vector.broadcast %mul3A_12 : i32 to vector<16xi32>
        %add3A_872 = arith.addi %get3A_870, %add3A_871 : vector<16xi32>
        %swap3A_873 = arith.index_cast %rem3A_766 : i32 to index
        %swap3A_874 = arith.constant 112 : index
        %swap3A_875 = tpu.vector_load %arg12[%swap3A_873, %swap3A_874] {strides = array<i32>} : memref<8x128xi32, #tpu.memory_space<vmem>>, vector<1x16xi32>,
        %swap3A_876 = vector.shape_cast %swap3A_875 : vector<1x16xi32> to vector<16xi32>
        %swap3A_877 = vector.shape_cast %add3A_872 : vector<16xi32> to vector<1x16xi32>
        tpu.vector_store %arg12[%swap3A_873, %swap3A_874], %swap3A_877 {strides = array<i32>} : memref<8x128xi32, #tpu.memory_space<vmem>>, vector<1x16xi32>,
        %rem3A_878 = arith.constant 4 : i32
        %rem3A_879 = arith.remsi %add3A_762, %rem3A_878 : i32
        %dma_start3A_880 = arith.constant 0 : i32
        %dma_start3A_881 = arith.constant 0 : i32
        %dma_start3A_882 = tpu.memref_slice %arg13[%rem3A_879, %dma_start3A_880, %dma_start3A_881] : memref<4x128x16xf32, #tpu.memory_space<vmem>> -> memref<1x128x16xf32, #tpu.memory_space<vmem>>
        %dma_start3A_883 = tpu.memref_squeeze %dma_start3A_882 : memref<1x128x16xf32, #tpu.memory_space<vmem>> -> memref<128x16xf32, #tpu.memory_space<vmem>>
        %dma_start3A_884 = arith.constant 0 : i32
        %dma_start3A_885 = tpu.memref_slice %arg10[%rem3A_766, %dma_start3A_884] : memref<8x128xi32, #tpu.memory_space<vmem>> -> memref<1x128xi32, #tpu.memory_space<vmem>>
        %dma_start3A_886 = tpu.memref_squeeze %dma_start3A_885 : memref<1x128xi32, #tpu.memory_space<vmem>> -> memref<128xi32, #tpu.memory_space<vmem>>
        %dma_start3A_887 = arith.constant 0 : i32
        %dma_start3A_888 = arith.constant 0 : i32
        %dma_start3A_889 = tpu.memref_slice %arg2[%dma_start3A_887, %dma_start3A_888] : memref<10112x16xf32, #tpu.memory_space<hbm>> -> memref<10112x16xf32, #tpu.memory_space<hbm>>
        %dma_start3A_890 = tpu.memref_slice %arg21[%rem3A_879] : memref<4x!tpu.dma_semaphore, #tpu.memory_space<semaphore_mem>> -> memref<1x!tpu.dma_semaphore, #tpu.memory_space<semaphore_mem>>
        %dma_start3A_891 = tpu.memref_squeeze %dma_start3A_890 : memref<1x!tpu.dma_semaphore, #tpu.memory_space<semaphore_mem>> -> memref<!tpu.dma_semaphore, #tpu.memory_space<semaphore_mem>>
        tpu.enqueue_indirect_dma source(%dma_start3A_889 : memref<10112x16xf32, #tpu.memory_space<hbm>>) target(%dma_start3A_883 : memref<128x16xf32, #tpu.memory_space<vmem>>) offsets(%dma_start3A_886 : memref<128xi32, #tpu.memory_space<vmem>>) semaphore(%dma_start3A_891 : memref<!tpu.dma_semaphore, #tpu.memory_space<semaphore_mem>>)
        %dma_start3A_892 = arith.constant 0 : i32
        %dma_start3A_893 = arith.constant 0 : i32
        %dma_start3A_894 = tpu.memref_slice %arg14[%rem3A_879, %dma_start3A_892, %dma_start3A_893] : memref<4x128x16xf32, #tpu.memory_space<vmem>> -> memref<1x128x16xf32, #tpu.memory_space<vmem>>
        %dma_start3A_895 = tpu.memref_squeeze %dma_start3A_894 : memref<1x128x16xf32, #tpu.memory_space<vmem>> -> memref<128x16xf32, #tpu.memory_space<vmem>>
        %dma_start3A_896 = arith.constant 0 : i32
        %dma_start3A_897 = tpu.memref_slice %arg11[%rem3A_766, %dma_start3A_896] : memref<8x128xi32, #tpu.memory_space<vmem>> -> memref<1x128xi32, #tpu.memory_space<vmem>>
        %dma_start3A_898 = tpu.memref_squeeze %dma_start3A_897 : memref<1x128xi32, #tpu.memory_space<vmem>> -> memref<128xi32, #tpu.memory_space<vmem>>
        %dma_start3A_899 = arith.constant 0 : i32
        %dma_start3A_900 = arith.constant 0 : i32
        %dma_start3A_901 = tpu.memref_slice %arg2[%dma_start3A_899, %dma_start3A_900] : memref<10112x16xf32, #tpu.memory_space<hbm>> -> memref<10112x16xf32, #tpu.memory_space<hbm>>
        %dma_start3A_902 = tpu.memref_slice %arg21[%rem3A_879] : memref<4x!tpu.dma_semaphore, #tpu.memory_space<semaphore_mem>> -> memref<1x!tpu.dma_semaphore, #tpu.memory_space<semaphore_mem>>
        %dma_start3A_903 = tpu.memref_squeeze %dma_start3A_902 : memref<1x!tpu.dma_semaphore, #tpu.memory_space<semaphore_mem>> -> memref<!tpu.dma_semaphore, #tpu.memory_space<semaphore_mem>>
        tpu.enqueue_indirect_dma source(%dma_start3A_901 : memref<10112x16xf32, #tpu.memory_space<hbm>>) target(%dma_start3A_895 : memref<128x16xf32, #tpu.memory_space<vmem>>) offsets(%dma_start3A_898 : memref<128xi32, #tpu.memory_space<vmem>>) semaphore(%dma_start3A_903 : memref<!tpu.dma_semaphore, #tpu.memory_space<semaphore_mem>>)
        %dma_start3A_904 = arith.constant 0 : i32
        %dma_start3A_905 = arith.constant 0 : i32
        %dma_start3A_906 = tpu.memref_slice %arg15[%rem3A_879, %dma_start3A_904, %dma_start3A_905] : memref<4x128x32xi32, #tpu.memory_space<vmem>> -> memref<1x128x32xi32, #tpu.memory_space<vmem>>
        %dma_start3A_907 = tpu.memref_squeeze %dma_start3A_906 : memref<1x128x32xi32, #tpu.memory_space<vmem>> -> memref<128x32xi32, #tpu.memory_space<vmem>>
        %dma_start3A_908 = arith.constant 0 : i32
        %dma_start3A_909 = tpu.memref_slice %arg12[%rem3A_766, %dma_start3A_908] : memref<8x128xi32, #tpu.memory_space<vmem>> -> memref<1x128xi32, #tpu.memory_space<vmem>>
        %dma_start3A_910 = tpu.memref_squeeze %dma_start3A_909 : memref<1x128xi32, #tpu.memory_space<vmem>> -> memref<128xi32, #tpu.memory_space<vmem>>
        %dma_start3A_911 = arith.constant 0 : i32
        %dma_start3A_912 = arith.constant 0 : i32
        %dma_start3A_913 = tpu.memref_slice %arg3[%dma_start3A_911, %dma_start3A_912] : memref<20224x32xi32, #tpu.memory_space<hbm>> -> memref<20224x32xi32, #tpu.memory_space<hbm>>
        %dma_start3A_914 = tpu.memref_slice %arg21[%rem3A_879] : memref<4x!tpu.dma_semaphore, #tpu.memory_space<semaphore_mem>> -> memref<1x!tpu.dma_semaphore, #tpu.memory_space<semaphore_mem>>
        %dma_start3A_915 = tpu.memref_squeeze %dma_start3A_914 : memref<1x!tpu.dma_semaphore, #tpu.memory_space<semaphore_mem>> -> memref<!tpu.dma_semaphore, #tpu.memory_space<semaphore_mem>>
        tpu.enqueue_indirect_dma source(%dma_start3A_913 : memref<20224x32xi32, #tpu.memory_space<hbm>>) target(%dma_start3A_907 : memref<128x32xi32, #tpu.memory_space<vmem>>) offsets(%dma_start3A_910 : memref<128xi32, #tpu.memory_space<vmem>>) semaphore(%dma_start3A_915 : memref<!tpu.dma_semaphore, #tpu.memory_space<semaphore_mem>>)
      } else {
      }
      %mul3A_740 = arith.constant 4 : i32
      %mul3A_741 = arith.muli %arg0, %mul3A_740 : i32
      %parallel_loop3A = arith.constant 0 : i32
      %parallel_loop3A_742 = arith.constant 128 : i32
      %parallel_loop3A_743 = arith.constant 1 : i32
      scf.for %parallel_loop3A_761 = %parallel_loop3A to %parallel_loop3A_742 step %parallel_loop3A_743  : i32 {
        %parallel_loop3A_762 = arith.index_cast %rem3A_684 : i32 to index
        %parallel_loop3A_763 = arith.index_cast %parallel_loop3A_761 : i32 to index
        %parallel_loop3A_764 = arith.constant 0 : index
        %parallel_loop3A_765 = tpu.vector_load %arg13[%parallel_loop3A_762, %parallel_loop3A_763, %parallel_loop3A_764] {strides = array<i32>} : memref<4x128x16xf32, #tpu.memory_space<vmem>>, vector<1x1x16xf32>,
        %parallel_loop3A_766 = vector.shape_cast %parallel_loop3A_765 : vector<1x1x16xf32> to vector<16xf32>
        %parallel_loop3A_767 = arith.index_cast %rem3A_684 : i32 to index
        %parallel_loop3A_768 = arith.index_cast %parallel_loop3A_761 : i32 to index
        %parallel_loop3A_769 = arith.constant 0 : index
        %parallel_loop3A_770 = tpu.vector_load %arg14[%parallel_loop3A_767, %parallel_loop3A_768, %parallel_loop3A_769] {strides = array<i32>} : memref<4x128x16xf32, #tpu.memory_space<vmem>>, vector<1x1x16xf32>,
        %parallel_loop3A_771 = vector.shape_cast %parallel_loop3A_770 : vector<1x1x16xf32> to vector<16xf32>
        %parallel_loop3A_772 = vector.shape_cast %add3A_6 : vector<16xi32> to vector<16x1xi32>
        %parallel_loop3A_773 = vector.shape_cast %parallel_loop3A_772 : vector<16x1xi32> to vector<16xi32>
        %parallel_loop3A_774 = tpu.dynamic_gather %parallel_loop3A_771[%parallel_loop3A_773] in [0] : vector<16xf32>, vector<16xi32> -> vector<16xf32>
        %parallel_loop3A_775 = arith.addf %parallel_loop3A_766, %parallel_loop3A_774 : vector<16xf32>
        %parallel_loop3A_776 = arith.constant 2.000000e-01 : f32
        %parallel_loop3A_777 = vector.broadcast %parallel_loop3A_776 : f32 to vector<16xf32>
        %parallel_loop3A_778 = arith.mulf %parallel_loop3A_777, %parallel_loop3A_775 : vector<16xf32>
        %parallel_loop3A_779 = arith.maximumf %parallel_loop3A_775, %parallel_loop3A_778 : vector<16xf32>
        %parallel_loop3A_780 = math.exp %parallel_loop3A_779 : vector<16xf32>
        %parallel_loop3A_781 = arith.index_cast %rem3A_682 : i32 to index
        %parallel_loop3A_782 = arith.index_cast %parallel_loop3A_761 : i32 to index
        %parallel_loop3A_783 = arith.constant 0 : index
        %parallel_loop3A_784 = tpu.vector_load %arg16[%parallel_loop3A_781, %parallel_loop3A_782, %parallel_loop3A_783] {strides = array<i32>} : memref<2x128x16xf32, #tpu.memory_space<vmem>>, vector<1x1x16xf32>,
        %parallel_loop3A_785 = vector.shape_cast %parallel_loop3A_784 : vector<1x1x16xf32> to vector<16xf32>
        %parallel_loop3A_786 = vector.shape_cast %parallel_loop3A_780 : vector<16xf32> to vector<1x1x16xf32>
        tpu.vector_store %arg16[%parallel_loop3A_781, %parallel_loop3A_782, %parallel_loop3A_783], %parallel_loop3A_786 {strides = array<i32>} : memref<2x128x16xf32, #tpu.memory_space<vmem>>, vector<1x1x16xf32>,
        %parallel_loop3A_787 = arith.index_cast %rem3A_684 : i32 to index
        %parallel_loop3A_788 = arith.index_cast %parallel_loop3A_761 : i32 to index
        %parallel_loop3A_789 = arith.constant 0 : index
        %parallel_loop3A_790 = tpu.vector_load %arg15[%parallel_loop3A_787, %parallel_loop3A_788, %parallel_loop3A_789] {strides = array<i32>} : memref<4x128x32xi32, #tpu.memory_space<vmem>>, vector<1x1x16xi32>,
        %parallel_loop3A_791 = vector.shape_cast %parallel_loop3A_790 : vector<1x1x16xi32> to vector<16xi32>
        %parallel_loop3A_792 = arith.constant 16 : i32
        %parallel_loop3A_793 = vector.broadcast %parallel_loop3A_792 : i32 to vector<16xi32>
        %parallel_loop3A_794 = arith.shli %parallel_loop3A_791, %parallel_loop3A_793 : vector<16xi32>
        %parallel_loop3A_795 = tpu.bitcast %parallel_loop3A_794 : vector<16xi32> -> vector<16xf32>
        %parallel_loop3A_796 = arith.constant -65536 : i32
        %parallel_loop3A_797 = vector.broadcast %parallel_loop3A_796 : i32 to vector<16xi32>
        %parallel_loop3A_798 = arith.andi %parallel_loop3A_791, %parallel_loop3A_797 : vector<16xi32>
        %parallel_loop3A_799 = tpu.bitcast %parallel_loop3A_798 : vector<16xi32> -> vector<16xf32>
        %parallel_loop3A_800 = arith.constant 0 : i32
        %parallel_loop3A_801 = arith.addi %mul3A_741, %parallel_loop3A_800 : i32
        %parallel_loop3A_802 = vector.broadcast %parallel_loop3A_801 : i32 to vector<16xi32>
        %parallel_loop3A_803 = vector.shape_cast %parallel_loop3A_802 : vector<16xi32> to vector<16x1xi32>
        %parallel_loop3A_804 = vector.shape_cast %parallel_loop3A_803 : vector<16x1xi32> to vector<16xi32>
        %parallel_loop3A_805 = tpu.dynamic_gather %parallel_loop3A_780[%parallel_loop3A_804] in [0] : vector<16xf32>, vector<16xi32> -> vector<16xf32>
        %parallel_loop3A_806 = arith.mulf %parallel_loop3A_795, %parallel_loop3A_805 : vector<16xf32>
        %parallel_loop3A_807 = arith.index_cast %rem3A_682 : i32 to index
        %parallel_loop3A_808 = arith.index_cast %parallel_loop3A_761 : i32 to index
        %parallel_loop3A_809 = arith.constant 0 : index
        %parallel_loop3A_810 = tpu.vector_load %arg17[%parallel_loop3A_807, %parallel_loop3A_808, %parallel_loop3A_809] {strides = array<i32>} : memref<2x128x64xf32, #tpu.memory_space<vmem>>, vector<1x1x16xf32>,
        %parallel_loop3A_811 = vector.shape_cast %parallel_loop3A_810 : vector<1x1x16xf32> to vector<16xf32>
        %parallel_loop3A_812 = vector.shape_cast %parallel_loop3A_806 : vector<16xf32> to vector<1x1x16xf32>
        tpu.vector_store %arg17[%parallel_loop3A_807, %parallel_loop3A_808, %parallel_loop3A_809], %parallel_loop3A_812 {strides = array<i32>} : memref<2x128x64xf32, #tpu.memory_space<vmem>>, vector<1x1x16xf32>,
        %parallel_loop3A_813 = arith.constant 1 : i32
        %parallel_loop3A_814 = arith.addi %parallel_loop3A_801, %parallel_loop3A_813 : i32
        %parallel_loop3A_815 = vector.broadcast %parallel_loop3A_814 : i32 to vector<16xi32>
        %parallel_loop3A_816 = vector.shape_cast %parallel_loop3A_815 : vector<16xi32> to vector<16x1xi32>
        %parallel_loop3A_817 = vector.shape_cast %parallel_loop3A_816 : vector<16x1xi32> to vector<16xi32>
        %parallel_loop3A_818 = tpu.dynamic_gather %parallel_loop3A_780[%parallel_loop3A_817] in [0] : vector<16xf32>, vector<16xi32> -> vector<16xf32>
        %parallel_loop3A_819 = arith.mulf %parallel_loop3A_799, %parallel_loop3A_818 : vector<16xf32>
        %parallel_loop3A_820 = arith.index_cast %rem3A_682 : i32 to index
        %parallel_loop3A_821 = arith.index_cast %parallel_loop3A_761 : i32 to index
        %parallel_loop3A_822 = arith.constant 16 : index
        %parallel_loop3A_823 = tpu.vector_load %arg17[%parallel_loop3A_820, %parallel_loop3A_821, %parallel_loop3A_822] {strides = array<i32>} : memref<2x128x64xf32, #tpu.memory_space<vmem>>, vector<1x1x16xf32>,
        %parallel_loop3A_824 = vector.shape_cast %parallel_loop3A_823 : vector<1x1x16xf32> to vector<16xf32>
        %parallel_loop3A_825 = vector.shape_cast %parallel_loop3A_819 : vector<16xf32> to vector<1x1x16xf32>
        tpu.vector_store %arg17[%parallel_loop3A_820, %parallel_loop3A_821, %parallel_loop3A_822], %parallel_loop3A_825 {strides = array<i32>} : memref<2x128x64xf32, #tpu.memory_space<vmem>>, vector<1x1x16xf32>,
        %parallel_loop3A_826 = arith.index_cast %rem3A_684 : i32 to index
        %parallel_loop3A_827 = arith.index_cast %parallel_loop3A_761 : i32 to index
        %parallel_loop3A_828 = arith.constant 16 : index
        %parallel_loop3A_829 = tpu.vector_load %arg15[%parallel_loop3A_826, %parallel_loop3A_827, %parallel_loop3A_828] {strides = array<i32>} : memref<4x128x32xi32, #tpu.memory_space<vmem>>, vector<1x1x16xi32>,
        %parallel_loop3A_830 = vector.shape_cast %parallel_loop3A_829 : vector<1x1x16xi32> to vector<16xi32>
        %parallel_loop3A_831 = arith.constant 16 : i32
        %parallel_loop3A_832 = vector.broadcast %parallel_loop3A_831 : i32 to vector<16xi32>
        %parallel_loop3A_833 = arith.shli %parallel_loop3A_830, %parallel_loop3A_832 : vector<16xi32>
        %parallel_loop3A_834 = tpu.bitcast %parallel_loop3A_833 : vector<16xi32> -> vector<16xf32>
        %parallel_loop3A_835 = arith.constant -65536 : i32
        %parallel_loop3A_836 = vector.broadcast %parallel_loop3A_835 : i32 to vector<16xi32>
        %parallel_loop3A_837 = arith.andi %parallel_loop3A_830, %parallel_loop3A_836 : vector<16xi32>
        %parallel_loop3A_838 = tpu.bitcast %parallel_loop3A_837 : vector<16xi32> -> vector<16xf32>
        %parallel_loop3A_839 = arith.constant 2 : i32
        %parallel_loop3A_840 = arith.addi %mul3A_741, %parallel_loop3A_839 : i32
        %parallel_loop3A_841 = vector.broadcast %parallel_loop3A_840 : i32 to vector<16xi32>
        %parallel_loop3A_842 = vector.shape_cast %parallel_loop3A_841 : vector<16xi32> to vector<16x1xi32>
        %parallel_loop3A_843 = vector.shape_cast %parallel_loop3A_842 : vector<16x1xi32> to vector<16xi32>
        %parallel_loop3A_844 = tpu.dynamic_gather %parallel_loop3A_780[%parallel_loop3A_843] in [0] : vector<16xf32>, vector<16xi32> -> vector<16xf32>
        %parallel_loop3A_845 = arith.mulf %parallel_loop3A_834, %parallel_loop3A_844 : vector<16xf32>
        %parallel_loop3A_846 = arith.index_cast %rem3A_682 : i32 to index
        %parallel_loop3A_847 = arith.index_cast %parallel_loop3A_761 : i32 to index
        %parallel_loop3A_848 = arith.constant 32 : index
        %parallel_loop3A_849 = tpu.vector_load %arg17[%parallel_loop3A_846, %parallel_loop3A_847, %parallel_loop3A_848] {strides = array<i32>} : memref<2x128x64xf32, #tpu.memory_space<vmem>>, vector<1x1x16xf32>,
        %parallel_loop3A_850 = vector.shape_cast %parallel_loop3A_849 : vector<1x1x16xf32> to vector<16xf32>
        %parallel_loop3A_851 = vector.shape_cast %parallel_loop3A_845 : vector<16xf32> to vector<1x1x16xf32>
        tpu.vector_store %arg17[%parallel_loop3A_846, %parallel_loop3A_847, %parallel_loop3A_848], %parallel_loop3A_851 {strides = array<i32>} : memref<2x128x64xf32, #tpu.memory_space<vmem>>, vector<1x1x16xf32>,
        %parallel_loop3A_852 = arith.constant 1 : i32
        %parallel_loop3A_853 = arith.addi %parallel_loop3A_840, %parallel_loop3A_852 : i32
        %parallel_loop3A_854 = vector.broadcast %parallel_loop3A_853 : i32 to vector<16xi32>
        %parallel_loop3A_855 = vector.shape_cast %parallel_loop3A_854 : vector<16xi32> to vector<16x1xi32>
        %parallel_loop3A_856 = vector.shape_cast %parallel_loop3A_855 : vector<16x1xi32> to vector<16xi32>
        %parallel_loop3A_857 = tpu.dynamic_gather %parallel_loop3A_780[%parallel_loop3A_856] in [0] : vector<16xf32>, vector<16xi32> -> vector<16xf32>
        %parallel_loop3A_858 = arith.mulf %parallel_loop3A_838, %parallel_loop3A_857 : vector<16xf32>
        %parallel_loop3A_859 = arith.index_cast %rem3A_682 : i32 to index
        %parallel_loop3A_860 = arith.index_cast %parallel_loop3A_761 : i32 to index
        %parallel_loop3A_861 = arith.constant 48 : index
        %parallel_loop3A_862 = tpu.vector_load %arg17[%parallel_loop3A_859, %parallel_loop3A_860, %parallel_loop3A_861] {strides = array<i32>} : memref<2x128x64xf32, #tpu.memory_space<vmem>>, vector<1x1x16xf32>,
        %parallel_loop3A_863 = vector.shape_cast %parallel_loop3A_862 : vector<1x1x16xf32> to vector<16xf32>
        %parallel_loop3A_864 = vector.shape_cast %parallel_loop3A_858 : vector<16xf32> to vector<1x1x16xf32>
        tpu.vector_store %arg17[%parallel_loop3A_859, %parallel_loop3A_860, %parallel_loop3A_861], %parallel_loop3A_864 {strides = array<i32>} : memref<2x128x64xf32, #tpu.memory_space<vmem>>, vector<1x1x16xf32>,
      } {sc.loop_unroll_factor = 16 : i64, sc.parallel_access}
      %dma_start3A_744 = arith.constant 0 : i32
      %dma_start3A_745 = arith.constant 0 : i32
      %dma_start3A_746 = tpu.memref_slice %arg17[%rem3A_682, %dma_start3A_744, %dma_start3A_745] : memref<2x128x64xf32, #tpu.memory_space<vmem>> -> memref<1x128x64xf32, #tpu.memory_space<vmem>>
      %dma_start3A_747 = tpu.memref_squeeze %dma_start3A_746 : memref<1x128x64xf32, #tpu.memory_space<vmem>> -> memref<128x64xf32, #tpu.memory_space<vmem>>
      %dma_start3A_748 = arith.constant 0 : i32
      %dma_start3A_749 = tpu.memref_slice %arg11[%rem3A_686, %dma_start3A_748] : memref<8x128xi32, #tpu.memory_space<vmem>> -> memref<1x128xi32, #tpu.memory_space<vmem>>
      %dma_start3A_750 = tpu.memref_squeeze %dma_start3A_749 : memref<1x128xi32, #tpu.memory_space<vmem>> -> memref<128xi32, #tpu.memory_space<vmem>>
      %dma_start3A_751 = arith.constant 0 : i32
      %dma_start3A_752 = arith.constant 0 : i32
      %dma_start3A_753 = tpu.memref_slice %arg18[%dma_start3A_751, %dma_start3A_752] : memref<10112x64xf32, #tpu.memory_space<vmem_shared>> -> memref<10112x64xf32, #tpu.memory_space<vmem_shared>>
      %dma_start3A_754 = tpu.memref_slice %arg22[%rem3A_682] : memref<2x!tpu.dma_semaphore, #tpu.memory_space<semaphore_mem>> -> memref<1x!tpu.dma_semaphore, #tpu.memory_space<semaphore_mem>>
      %dma_start3A_755 = tpu.memref_squeeze %dma_start3A_754 : memref<1x!tpu.dma_semaphore, #tpu.memory_space<semaphore_mem>> -> memref<!tpu.dma_semaphore, #tpu.memory_space<semaphore_mem>>
      tpu.enqueue_indirect_dma source(%dma_start3A_747 : memref<128x64xf32, #tpu.memory_space<vmem>>) target(%dma_start3A_753 : memref<10112x64xf32, #tpu.memory_space<vmem_shared>>) offsets(%dma_start3A_750 : memref<128xi32, #tpu.memory_space<vmem>>) semaphore(%dma_start3A_755 : memref<!tpu.dma_semaphore, #tpu.memory_space<semaphore_mem>>) {add = true}
      %eq3A_756 = arith.constant 0 : i32
      %eq3A_757 = arith.cmpi eq, %arg0, %eq3A_756 : i32
      %convert_element_type3A_758 = arith.extui %eq3A_757 : i1 to i32
      %cond3A_759 = arith.constant 0 : i32
      %cond3A_760 = arith.cmpi ne, %convert_element_type3A_758, %cond3A_759 : i32
      scf.if %cond3A_760 {
        %dma_start3A_761 = arith.constant 0 : i32
        %dma_start3A_762 = arith.constant 0 : i32
        %dma_start3A_763 = tpu.memref_slice %arg16[%rem3A_682, %dma_start3A_761, %dma_start3A_762] : memref<2x128x16xf32, #tpu.memory_space<vmem>> -> memref<1x128x16xf32, #tpu.memory_space<vmem>>
        %dma_start3A_764 = tpu.memref_squeeze %dma_start3A_763 : memref<1x128x16xf32, #tpu.memory_space<vmem>> -> memref<128x16xf32, #tpu.memory_space<vmem>>
        %dma_start3A_765 = arith.constant 0 : i32
        %dma_start3A_766 = tpu.memref_slice %arg11[%rem3A_686, %dma_start3A_765] : memref<8x128xi32, #tpu.memory_space<vmem>> -> memref<1x128xi32, #tpu.memory_space<vmem>>
        %dma_start3A_767 = tpu.memref_squeeze %dma_start3A_766 : memref<1x128xi32, #tpu.memory_space<vmem>> -> memref<128xi32, #tpu.memory_space<vmem>>
        %dma_start3A_768 = arith.constant 0 : i32
        %dma_start3A_769 = arith.constant 0 : i32
        %dma_start3A_770 = tpu.memref_slice %arg19[%dma_start3A_768, %dma_start3A_769] : memref<10112x16xf32, #tpu.memory_space<vmem_shared>> -> memref<10112x16xf32, #tpu.memory_space<vmem_shared>>
        %dma_start3A_771 = tpu.memref_slice %arg23[%rem3A_682] : memref<2x!tpu.dma_semaphore, #tpu.memory_space<semaphore_mem>> -> memref<1x!tpu.dma_semaphore, #tpu.memory_space<semaphore_mem>>
        %dma_start3A_772 = tpu.memref_squeeze %dma_start3A_771 : memref<1x!tpu.dma_semaphore, #tpu.memory_space<semaphore_mem>> -> memref<!tpu.dma_semaphore, #tpu.memory_space<semaphore_mem>>
        tpu.enqueue_indirect_dma source(%dma_start3A_764 : memref<128x16xf32, #tpu.memory_space<vmem>>) target(%dma_start3A_770 : memref<10112x16xf32, #tpu.memory_space<vmem_shared>>) offsets(%dma_start3A_767 : memref<128xi32, #tpu.memory_space<vmem>>) semaphore(%dma_start3A_772 : memref<!tpu.dma_semaphore, #tpu.memory_space<semaphore_mem>>) {add = true}
      } else {
      }
    }
    %scan3A_632 = arith.constant 157 : i32
    %dma_wait3A_633 = arith.constant 1 : i32
    %dma_wait3A_634 = arith.constant 3 : i32
    %dma_wait3A_635 = arith.constant 1 : i32
    %dma_wait3A_636 = arith.constant 0 : i32
    %dma_wait3A_637 = arith.constant 0 : i32
    %dma_wait3A_638 = tpu.memref_slice %arg17[%dma_wait3A_633, %dma_wait3A_636, %dma_wait3A_637] : memref<2x128x64xf32, #tpu.memory_space<vmem>> -> memref<1x128x64xf32, #tpu.memory_space<vmem>>
    %dma_wait3A_639 = tpu.memref_squeeze %dma_wait3A_638 : memref<1x128x64xf32, #tpu.memory_space<vmem>> -> memref<128x64xf32, #tpu.memory_space<vmem>>
    %dma_wait3A_640 = arith.constant 0 : i32
    %dma_wait3A_641 = tpu.memref_slice %arg11[%dma_wait3A_634, %dma_wait3A_640] : memref<8x128xi32, #tpu.memory_space<vmem>> -> memref<1x128xi32, #tpu.memory_space<vmem>>
    %dma_wait3A_642 = tpu.memref_squeeze %dma_wait3A_641 : memref<1x128xi32, #tpu.memory_space<vmem>> -> memref<128xi32, #tpu.memory_space<vmem>>
    %dma_wait3A_643 = arith.constant 0 : i32
    %dma_wait3A_644 = arith.constant 0 : i32
    %dma_wait3A_645 = tpu.memref_slice %arg18[%dma_wait3A_643, %dma_wait3A_644] : memref<10112x64xf32, #tpu.memory_space<vmem_shared>> -> memref<10112x64xf32, #tpu.memory_space<vmem_shared>>
    %dma_wait3A_646 = tpu.memref_slice %arg22[%dma_wait3A_635] : memref<2x!tpu.dma_semaphore, #tpu.memory_space<semaphore_mem>> -> memref<1x!tpu.dma_semaphore, #tpu.memory_space<semaphore_mem>>
    %dma_wait3A_647 = tpu.memref_squeeze %dma_wait3A_646 : memref<1x!tpu.dma_semaphore, #tpu.memory_space<semaphore_mem>> -> memref<!tpu.dma_semaphore, #tpu.memory_space<semaphore_mem>>
    tpu.wait_indirect_dma semaphore(%dma_wait3A_647 : memref<!tpu.dma_semaphore, #tpu.memory_space<semaphore_mem>>) src(%dma_wait3A_639 : memref<128x64xf32, #tpu.memory_space<vmem>>) dst(%dma_wait3A_645 : memref<10112x64xf32, #tpu.memory_space<vmem_shared>>)
    %eq3A = arith.constant 0 : i32
    %eq3A_648 = arith.cmpi eq, %arg0, %eq3A : i32
    %convert_element_type3A = arith.extui %eq3A_648 : i1 to i32
    %cond3A = arith.constant 0 : i32
    %cond3A_649 = arith.cmpi ne, %convert_element_type3A, %cond3A : i32
    scf.if %cond3A_649 {
      %dma_wait3A_680 = arith.constant 1 : i32
      %dma_wait3A_681 = arith.constant 3 : i32
      %dma_wait3A_682 = arith.constant 1 : i32
      %dma_wait3A_683 = arith.constant 0 : i32
      %dma_wait3A_684 = arith.constant 0 : i32
      %dma_wait3A_685 = tpu.memref_slice %arg16[%dma_wait3A_680, %dma_wait3A_683, %dma_wait3A_684] : memref<2x128x16xf32, #tpu.memory_space<vmem>> -> memref<1x128x16xf32, #tpu.memory_space<vmem>>
      %dma_wait3A_686 = tpu.memref_squeeze %dma_wait3A_685 : memref<1x128x16xf32, #tpu.memory_space<vmem>> -> memref<128x16xf32, #tpu.memory_space<vmem>>
      %dma_wait3A_687 = arith.constant 0 : i32
      %dma_wait3A_688 = tpu.memref_slice %arg11[%dma_wait3A_681, %dma_wait3A_687] : memref<8x128xi32, #tpu.memory_space<vmem>> -> memref<1x128xi32, #tpu.memory_space<vmem>>
      %dma_wait3A_689 = tpu.memref_squeeze %dma_wait3A_688 : memref<1x128xi32, #tpu.memory_space<vmem>> -> memref<128xi32, #tpu.memory_space<vmem>>
      %dma_wait3A_690 = arith.constant 0 : i32
      %dma_wait3A_691 = arith.constant 0 : i32
      %dma_wait3A_692 = tpu.memref_slice %arg19[%dma_wait3A_690, %dma_wait3A_691] : memref<10112x16xf32, #tpu.memory_space<vmem_shared>> -> memref<10112x16xf32, #tpu.memory_space<vmem_shared>>
      %dma_wait3A_693 = tpu.memref_slice %arg23[%dma_wait3A_682] : memref<2x!tpu.dma_semaphore, #tpu.memory_space<semaphore_mem>> -> memref<1x!tpu.dma_semaphore, #tpu.memory_space<semaphore_mem>>
      %dma_wait3A_694 = tpu.memref_squeeze %dma_wait3A_693 : memref<1x!tpu.dma_semaphore, #tpu.memory_space<semaphore_mem>> -> memref<!tpu.dma_semaphore, #tpu.memory_space<semaphore_mem>>
      tpu.wait_indirect_dma semaphore(%dma_wait3A_694 : memref<!tpu.dma_semaphore, #tpu.memory_space<semaphore_mem>>) src(%dma_wait3A_686 : memref<128x16xf32, #tpu.memory_space<vmem>>) dst(%dma_wait3A_692 : memref<10112x16xf32, #tpu.memory_space<vmem_shared>>)
    } else {
    }
    %dma_wait3A_650 = arith.constant 0 : i32
    %dma_wait3A_651 = arith.constant 4 : i32
    %dma_wait3A_652 = arith.constant 0 : i32
    %dma_wait3A_653 = arith.constant 0 : i32
    %dma_wait3A_654 = arith.constant 0 : i32
    %dma_wait3A_655 = tpu.memref_slice %arg17[%dma_wait3A_650, %dma_wait3A_653, %dma_wait3A_654] : memref<2x128x64xf32, #tpu.memory_space<vmem>> -> memref<1x128x64xf32, #tpu.memory_space<vmem>>
    %dma_wait3A_656 = tpu.memref_squeeze %dma_wait3A_655 : memref<1x128x64xf32, #tpu.memory_space<vmem>> -> memref<128x64xf32, #tpu.memory_space<vmem>>
    %dma_wait3A_657 = arith.constant 0 : i32
    %dma_wait3A_658 = tpu.memref_slice %arg11[%dma_wait3A_651, %dma_wait3A_657] : memref<8x128xi32, #tpu.memory_space<vmem>> -> memref<1x128xi32, #tpu.memory_space<vmem>>
    %dma_wait3A_659 = tpu.memref_squeeze %dma_wait3A_658 : memref<1x128xi32, #tpu.memory_space<vmem>> -> memref<128xi32, #tpu.memory_space<vmem>>
    %dma_wait3A_660 = arith.constant 0 : i32
    %dma_wait3A_661 = arith.constant 0 : i32
    %dma_wait3A_662 = tpu.memref_slice %arg18[%dma_wait3A_660, %dma_wait3A_661] : memref<10112x64xf32, #tpu.memory_space<vmem_shared>> -> memref<10112x64xf32, #tpu.memory_space<vmem_shared>>
    %dma_wait3A_663 = tpu.memref_slice %arg22[%dma_wait3A_652] : memref<2x!tpu.dma_semaphore, #tpu.memory_space<semaphore_mem>> -> memref<1x!tpu.dma_semaphore, #tpu.memory_space<semaphore_mem>>
    %dma_wait3A_664 = tpu.memref_squeeze %dma_wait3A_663 : memref<1x!tpu.dma_semaphore, #tpu.memory_space<semaphore_mem>> -> memref<!tpu.dma_semaphore, #tpu.memory_space<semaphore_mem>>
    tpu.wait_indirect_dma semaphore(%dma_wait3A_664 : memref<!tpu.dma_semaphore, #tpu.memory_space<semaphore_mem>>) src(%dma_wait3A_656 : memref<128x64xf32, #tpu.memory_space<vmem>>) dst(%dma_wait3A_662 : memref<10112x64xf32, #tpu.memory_space<vmem_shared>>)
    %eq3A_665 = arith.constant 0 : i32
    %eq3A_666 = arith.cmpi eq, %arg0, %eq3A_665 : i32
    %convert_element_type3A_667 = arith.extui %eq3A_666 : i1 to i32
    %cond3A_668 = arith.constant 0 : i32
    %cond3A_669 = arith.cmpi ne, %convert_element_type3A_667, %cond3A_668 : i32
    scf.if %cond3A_669 {
      %dma_wait3A_680 = arith.constant 0 : i32
      %dma_wait3A_681 = arith.constant 0 : i32
      %dma_wait3A_682 = arith.constant 0 : i32
      %dma_wait3A_683 = arith.constant 0 : i32
      %dma_wait3A_684 = arith.constant 0 : i32
      %dma_wait3A_685 = tpu.memref_slice %arg16[%dma_wait3A_680, %dma_wait3A_683, %dma_wait3A_684] : memref<2x128x16xf32, #tpu.memory_space<vmem>> -> memref<1x128x16xf32, #tpu.memory_space<vmem>>
      %dma_wait3A_686 = tpu.memref_squeeze %dma_wait3A_685 : memref<1x128x16xf32, #tpu.memory_space<vmem>> -> memref<128x16xf32, #tpu.memory_space<vmem>>
      %dma_wait3A_687 = arith.constant 0 : i32
      %dma_wait3A_688 = tpu.memref_slice %arg11[%dma_wait3A_681, %dma_wait3A_687] : memref<8x128xi32, #tpu.memory_space<vmem>> -> memref<1x128xi32, #tpu.memory_space<vmem>>
      %dma_wait3A_689 = tpu.memref_squeeze %dma_wait3A_688 : memref<1x128xi32, #tpu.memory_space<vmem>> -> memref<128xi32, #tpu.memory_space<vmem>>
      %dma_wait3A_690 = arith.constant 0 : i32
      %dma_wait3A_691 = arith.constant 0 : i32
      %dma_wait3A_692 = tpu.memref_slice %arg19[%dma_wait3A_690, %dma_wait3A_691] : memref<10112x16xf32, #tpu.memory_space<vmem_shared>> -> memref<10112x16xf32, #tpu.memory_space<vmem_shared>>
      %dma_wait3A_693 = tpu.memref_slice %arg23[%dma_wait3A_682] : memref<2x!tpu.dma_semaphore, #tpu.memory_space<semaphore_mem>> -> memref<1x!tpu.dma_semaphore, #tpu.memory_space<semaphore_mem>>
      %dma_wait3A_694 = tpu.memref_squeeze %dma_wait3A_693 : memref<1x!tpu.dma_semaphore, #tpu.memory_space<semaphore_mem>> -> memref<!tpu.dma_semaphore, #tpu.memory_space<semaphore_mem>>
      tpu.wait_indirect_dma semaphore(%dma_wait3A_694 : memref<!tpu.dma_semaphore, #tpu.memory_space<semaphore_mem>>) src(%dma_wait3A_686 : memref<128x16xf32, #tpu.memory_space<vmem>>) dst(%dma_wait3A_692 : memref<10112x16xf32, #tpu.memory_space<vmem_shared>>)
    } else {
    }
    %barrier3A_670 = arith.constant 0 : index
    tpu.barrier barrier_id(%barrier3A_670)
    %mul3A_671 = arith.constant 632 : i32
    %mul3A_672 = arith.muli %arg1, %mul3A_671 : i32
    %mul3A_673 = arith.constant 632 : i32
    %mul3A_674 = arith.muli %arg1, %mul3A_673 : i32
    "tpu.region"() ({
      %run_scoped3A = tpu.sem_alloc : memref<!tpu.dma_semaphore, #tpu.memory_space<semaphore_mem>>
      %dma_start3A_680 = arith.constant 0 : i32
      %dma_start3A_681 = tpu.memref_slice %arg8[%arg0, %mul3A_674, %dma_start3A_680] : memref<2x10112x64xf32, #tpu.memory_space<hbm>> -> memref<1x632x64xf32, #tpu.memory_space<hbm>>
      %dma_start3A_682 = tpu.memref_squeeze %dma_start3A_681 : memref<1x632x64xf32, #tpu.memory_space<hbm>> -> memref<632x64xf32, #tpu.memory_space<hbm>>
      %dma_start3A_683 = arith.constant 0 : i32
      %dma_start3A_684 = tpu.memref_slice %arg18[%mul3A_672, %dma_start3A_683] : memref<10112x64xf32, #tpu.memory_space<vmem_shared>> -> memref<632x64xf32, #tpu.memory_space<vmem_shared>>
      tpu.enqueue_dma source(%dma_start3A_684 : memref<632x64xf32, #tpu.memory_space<vmem_shared>>) target(%dma_start3A_682 : memref<632x64xf32, #tpu.memory_space<hbm>>) target_semaphore(%run_scoped3A : memref<!tpu.dma_semaphore, #tpu.memory_space<semaphore_mem>>)
      %dma_wait3A_685 = arith.constant 0 : i32
      %dma_wait3A_686 = tpu.memref_slice %arg8[%arg0, %mul3A_674, %dma_wait3A_685] : memref<2x10112x64xf32, #tpu.memory_space<hbm>> -> memref<1x632x64xf32, #tpu.memory_space<hbm>>
      %dma_wait3A_687 = tpu.memref_squeeze %dma_wait3A_686 : memref<1x632x64xf32, #tpu.memory_space<hbm>> -> memref<632x64xf32, #tpu.memory_space<hbm>>
      %dma_wait3A_688 = arith.constant 0 : i32
      %dma_wait3A_689 = tpu.memref_slice %arg18[%mul3A_672, %dma_wait3A_688] : memref<10112x64xf32, #tpu.memory_space<vmem_shared>> -> memref<632x64xf32, #tpu.memory_space<vmem_shared>>
      tpu.wait_dma2 semaphore(%run_scoped3A : memref<!tpu.dma_semaphore, #tpu.memory_space<semaphore_mem>>) src(%dma_wait3A_689 : memref<632x64xf32, #tpu.memory_space<vmem_shared>>) dst(%dma_wait3A_687 : memref<632x64xf32, #tpu.memory_space<hbm>>)
      tpu.yield
    }) : () -> ()
    %eq3A_675 = arith.constant 0 : i32
    %eq3A_676 = arith.cmpi eq, %arg0, %eq3A_675 : i32
    %convert_element_type3A_677 = arith.extui %eq3A_676 : i1 to i32
    %cond3A_678 = arith.constant 0 : i32
    %cond3A_679 = arith.cmpi ne, %convert_element_type3A_677, %cond3A_678 : i32
    scf.if %cond3A_679 {
      %mul3A_680 = arith.constant 632 : i32
      %mul3A_681 = arith.muli %arg1, %mul3A_680 : i32
      %mul3A_682 = arith.constant 632 : i32
      %mul3A_683 = arith.muli %arg1, %mul3A_682 : i32
      "tpu.region"() ({
        %run_scoped3A = tpu.sem_alloc : memref<!tpu.dma_semaphore, #tpu.memory_space<semaphore_mem>>
        %dma_start3A_684 = arith.constant 0 : i32
        %dma_start3A_685 = tpu.memref_slice %arg9[%mul3A_683, %dma_start3A_684] : memref<10112x16xf32, #tpu.memory_space<hbm>> -> memref<632x16xf32, #tpu.memory_space<hbm>>
        %dma_start3A_686 = arith.constant 0 : i32
        %dma_start3A_687 = tpu.memref_slice %arg19[%mul3A_681, %dma_start3A_686] : memref<10112x16xf32, #tpu.memory_space<vmem_shared>> -> memref<632x16xf32, #tpu.memory_space<vmem_shared>>
        tpu.enqueue_dma source(%dma_start3A_687 : memref<632x16xf32, #tpu.memory_space<vmem_shared>>) target(%dma_start3A_685 : memref<632x16xf32, #tpu.memory_space<hbm>>) target_semaphore(%run_scoped3A : memref<!tpu.dma_semaphore, #tpu.memory_space<semaphore_mem>>)
        %dma_wait3A_688 = arith.constant 0 : i32
        %dma_wait3A_689 = tpu.memref_slice %arg9[%mul3A_683, %dma_wait3A_688] : memref<10112x16xf32, #tpu.memory_space<hbm>> -> memref<632x16xf32, #tpu.memory_space<hbm>>
        %dma_wait3A_690 = arith.constant 0 : i32
        %dma_wait3A_691 = tpu.memref_slice %arg19[%mul3A_681, %dma_wait3A_690] : memref<10112x16xf32, #tpu.memory_space<vmem_shared>> -> memref<632x16xf32, #tpu.memory_space<vmem_shared>>
        tpu.wait_dma2 semaphore(%run_scoped3A : memref<!tpu.dma_semaphore, #tpu.memory_space<semaphore_mem>>) src(%dma_wait3A_691 : memref<632x16xf32, #tpu.memory_space<vmem_shared>>) dst(%dma_wait3A_689 : memref<632x16xf32, #tpu.memory_space<hbm>>)
        tpu.yield
      }) : () -> ()
    } else {
    }
    return
  }
}

module attributes {stable_mosaic.version = 14 : i64} {
  func.func @_tc1_body(%arg0: i32, %arg1: memref<2528x128xf32, #tpu.memory_space<vmem>>, %arg2: memref<128x128xf32, #tpu.memory_space<vmem>>, %arg3: memref<128x16xf32, #tpu.memory_space<vmem>>, %arg4: memref<128x128xf32, #tpu.memory_space<vmem>>, %arg5: memref<2528x64xbf16, #tpu.memory_space<vmem>>, %arg6: memref<2528x64xbf16, #tpu.memory_space<vmem>>, %arg7: memref<2528x16xf32, #tpu.memory_space<vmem>>) attributes {dimension_semantics = [#tpu.dimension_semantics<arbitrary>], iteration_bounds = array<i64: 4>, scalar_prefetch = 0 : i64, scratch_operands = 0 : i64, tpu.core_type = #tpu.core_type<tc>, window_params = [{transform_indices = @transform_0, window_bounds = array<i64: 2528, 128>}, {pipeline_mode = #tpu.pipeline_mode<synchronous>, transform_indices = @transform_1, window_bounds = array<i64: 128, 128>}, {pipeline_mode = #tpu.pipeline_mode<synchronous>, transform_indices = @transform_2, window_bounds = array<i64: 128, 16>}, {pipeline_mode = #tpu.pipeline_mode<synchronous>, transform_indices = @transform_3, window_bounds = array<i64: 128, 128>}, {transform_indices = @transform_4, window_bounds = array<i64: 2528, 64>}, {transform_indices = @transform_5, window_bounds = array<i64: 2528, 64>}, {transform_indices = @transform_6, window_bounds = array<i64: 2528, 16>}]} {
    %get3A = arith.constant 0 : index
    %get3A_0 = arith.constant 0 : index
    %get3A_1 = vector.load %arg1[%get3A, %get3A_0] : memref<2528x128xf32, #tpu.memory_space<vmem>>, vector<2528x128xf32>
    %get3A_2 = arith.constant 0 : index
    %get3A_3 = arith.constant 0 : index
    %get3A_4 = vector.load %arg2[%get3A_2, %get3A_3] : memref<128x128xf32, #tpu.memory_space<vmem>>, vector<128x128xf32>
    %dot_general3A = arith.constant dense<0.000000e+00> : vector<2528x128xf32>
    %dot_general3A_5 = tpu.matmul %get3A_1, %get3A_4, %dot_general3A {dimension_numbers = #tpu.dot_dimension_numbers<[1], [0], [0], [1], [0, 0, 1, 1], [], []>, transpose_lhs_hint = false} : vector<2528x128xf32>, vector<128x128xf32>, vector<2528x128xf32> -> vector<2528x128xf32>
    %get3A_6 = arith.constant 0 : index
    %get3A_7 = arith.constant 0 : index
    %get3A_8 = vector.load %arg4[%get3A_6, %get3A_7] : memref<128x128xf32, #tpu.memory_space<vmem>>, vector<128x128xf32>
    %dot_general3A_9 = arith.constant dense<0.000000e+00> : vector<2528x128xf32>
    %dot_general3A_10 = tpu.matmul %dot_general3A_5, %get3A_8, %dot_general3A_9 {dimension_numbers = #tpu.dot_dimension_numbers<[1], [0], [0], [1], [0, 0, 1, 1], [], []>, transpose_lhs_hint = false} : vector<2528x128xf32>, vector<128x128xf32>, vector<2528x128xf32> -> vector<2528x128xf32>
    %slice3A = vector.extract_strided_slice %dot_general3A_10 {offsets = [0, 0], sizes = [2528, 64], strides = [1, 1]} : vector<2528x128xf32> to vector<2528x64xf32>
    %convert_element_type3A = arith.truncf %slice3A : vector<2528x64xf32> to vector<2528x64xbf16>
    %swap3A = arith.constant 0 : index
    %swap3A_11 = arith.constant 0 : index
    %swap3A_12 = vector.load %arg5[%swap3A, %swap3A_11] : memref<2528x64xbf16, #tpu.memory_space<vmem>>, vector<2528x64xbf16>
    tpu.vector_store %arg5[%swap3A, %swap3A_11], %convert_element_type3A {strides = array<i32>} : memref<2528x64xbf16, #tpu.memory_space<vmem>>, vector<2528x64xbf16>,
    %slice3A_13 = vector.extract_strided_slice %dot_general3A_10 {offsets = [0, 64], sizes = [2528, 64], strides = [1, 1]} : vector<2528x128xf32> to vector<2528x64xf32>
    %convert_element_type3A_14 = arith.truncf %slice3A_13 : vector<2528x64xf32> to vector<2528x64xbf16>
    %swap3A_15 = arith.constant 0 : index
    %swap3A_16 = arith.constant 0 : index
    %swap3A_17 = vector.load %arg6[%swap3A_15, %swap3A_16] : memref<2528x64xbf16, #tpu.memory_space<vmem>>, vector<2528x64xbf16>
    tpu.vector_store %arg6[%swap3A_15, %swap3A_16], %convert_element_type3A_14 {strides = array<i32>} : memref<2528x64xbf16, #tpu.memory_space<vmem>>, vector<2528x64xbf16>,
    %get3A_18 = arith.constant 0 : index
    %get3A_19 = arith.constant 0 : index
    %get3A_20 = vector.load %arg3[%get3A_18, %get3A_19] : memref<128x16xf32, #tpu.memory_space<vmem>>, vector<128x16xf32>
    %dot_general3A_21 = arith.constant dense<0.000000e+00> : vector<2528x16xf32>
    %dot_general3A_22 = tpu.matmul %dot_general3A_5, %get3A_20, %dot_general3A_21 {dimension_numbers = #tpu.dot_dimension_numbers<[1], [0], [0], [1], [0, 0, 1, 1], [], []>, transpose_lhs_hint = false} : vector<2528x128xf32>, vector<128x16xf32>, vector<2528x16xf32> -> vector<2528x16xf32>
    %swap3A_23 = arith.constant 0 : index
    %swap3A_24 = arith.constant 0 : index
    %swap3A_25 = vector.load %arg7[%swap3A_23, %swap3A_24] : memref<2528x16xf32, #tpu.memory_space<vmem>>, vector<2528x16xf32>
    tpu.vector_store %arg7[%swap3A_23, %swap3A_24], %dot_general3A_22 {strides = array<i32>} : memref<2528x16xf32, #tpu.memory_space<vmem>>, vector<2528x16xf32>,
    return
  }
  func.func @transform_0(%arg0: i32) -> (i32, i32) {
    %c0_i32 = arith.constant 0 : i32
    %c0_i32_0 = arith.constant 0 : i32
    return %arg0, %c0_i32 : i32, i32
  }
  func.func @transform_1(%arg0: i32) -> (i32, i32) {
    %c0_i32 = arith.constant 0 : i32
    %c0_i32_0 = arith.constant 0 : i32
    %c0_i32_1 = arith.constant 0 : i32
    return %c0_i32, %c0_i32_0 : i32, i32
  }
  func.func @transform_2(%arg0: i32) -> (i32, i32) {
    %c0_i32 = arith.constant 0 : i32
    %c0_i32_0 = arith.constant 0 : i32
    %c0_i32_1 = arith.constant 0 : i32
    return %c0_i32, %c0_i32_0 : i32, i32
  }
  func.func @transform_3(%arg0: i32) -> (i32, i32) {
    %c0_i32 = arith.constant 0 : i32
    %c0_i32_0 = arith.constant 0 : i32
    %c0_i32_1 = arith.constant 0 : i32
    return %c0_i32, %c0_i32_0 : i32, i32
  }
  func.func @transform_4(%arg0: i32) -> (i32, i32) {
    %c0_i32 = arith.constant 0 : i32
    %c0_i32_0 = arith.constant 0 : i32
    return %arg0, %c0_i32 : i32, i32
  }
  func.func @transform_5(%arg0: i32) -> (i32, i32) {
    %c0_i32 = arith.constant 0 : i32
    %c0_i32_0 = arith.constant 0 : i32
    return %arg0, %c0_i32 : i32, i32
  }
  func.func @transform_6(%arg0: i32) -> (i32, i32) {
    %c0_i32 = arith.constant 0 : i32
    %c0_i32_0 = arith.constant 0 : i32
    return %arg0, %c0_i32 : i32, i32
  }
}

module attributes {stable_mosaic.version = 14 : i64} {
  func.func @_tc2_body(%arg0: i32, %arg1: memref<2x2528x64xf32, #tpu.memory_space<vmem>>, %arg2: memref<2528x16xf32, #tpu.memory_space<vmem>>, %arg3: memref<2528x64xbf16, #tpu.memory_space<vmem>>, %arg4: memref<2528x64xbf16, #tpu.memory_space<vmem>>, %arg5: memref<2528x16xf32, #tpu.memory_space<vmem>>, %arg6: memref<1x128xf32, #tpu.memory_space<vmem>>, %arg7: memref<128x128xf32, #tpu.memory_space<vmem>>, %arg8: memref<128x16xf32, #tpu.memory_space<vmem>>, %arg9: memref<16x8xf32, #tpu.memory_space<vmem>>, %arg10: memref<8x128xf32, #tpu.memory_space<vmem>>, %arg11: memref<16x128xf32, #tpu.memory_space<vmem>>, %arg12: memref<128x128xf32, #tpu.memory_space<vmem>>, %arg13: memref<128x128xf32, #tpu.memory_space<vmem>>, %arg14: memref<2528x64xbf16, #tpu.memory_space<vmem>>, %arg15: memref<2528x64xbf16, #tpu.memory_space<vmem>>, %arg16: memref<2528x16xf32, #tpu.memory_space<vmem>>) attributes {dimension_semantics = [#tpu.dimension_semantics<arbitrary>], iteration_bounds = array<i64: 4>, scalar_prefetch = 0 : i64, scratch_operands = 0 : i64, tpu.core_type = #tpu.core_type<tc>, window_params = [{transform_indices = @transform_0, window_bounds = array<i64: 2, 2528, 64>}, {transform_indices = @transform_1, window_bounds = array<i64: 2528, 16>}, {transform_indices = @transform_2, window_bounds = array<i64: 2528, 64>}, {transform_indices = @transform_3, window_bounds = array<i64: 2528, 64>}, {transform_indices = @transform_4, window_bounds = array<i64: 2528, 16>}, {pipeline_mode = #tpu.pipeline_mode<synchronous>, transform_indices = @transform_5, window_bounds = array<i64: 1, 128>}, {pipeline_mode = #tpu.pipeline_mode<synchronous>, transform_indices = @transform_6, window_bounds = array<i64: 128, 128>}, {pipeline_mode = #tpu.pipeline_mode<synchronous>, transform_indices = @transform_7, window_bounds = array<i64: 128, 16>}, {pipeline_mode = #tpu.pipeline_mode<synchronous>, transform_indices = @transform_8, window_bounds = array<i64: 16, 8>}, {pipeline_mode = #tpu.pipeline_mode<synchronous>, transform_indices = @transform_9, window_bounds = array<i64: 8, 128>}, {pipeline_mode = #tpu.pipeline_mode<synchronous>, transform_indices = @transform_10, window_bounds = array<i64: 16, 128>}, {pipeline_mode = #tpu.pipeline_mode<synchronous>, transform_indices = @transform_11, window_bounds = array<i64: 128, 128>}, {pipeline_mode = #tpu.pipeline_mode<synchronous>, transform_indices = @transform_12, window_bounds = array<i64: 128, 128>}, {transform_indices = @transform_13, window_bounds = array<i64: 2528, 64>}, {transform_indices = @transform_14, window_bounds = array<i64: 2528, 64>}, {transform_indices = @transform_15, window_bounds = array<i64: 2528, 16>}]} {
    %get3A = arith.constant 0 : index
    %get3A_0 = arith.constant 0 : index
    %get3A_1 = vector.load %arg5[%get3A, %get3A_0] : memref<2528x16xf32, #tpu.memory_space<vmem>>, vector<2528x16xf32>
    %get3A_2 = arith.constant 0 : index
    %get3A_3 = arith.constant 0 : index
    %get3A_4 = vector.load %arg9[%get3A_2, %get3A_3] : memref<16x8xf32, #tpu.memory_space<vmem>>, vector<16x8xf32>
    %dot_general3A = arith.constant dense<0.000000e+00> : vector<2528x8xf32>
    %dot_general3A_5 = tpu.matmul %get3A_1, %get3A_4, %dot_general3A {dimension_numbers = #tpu.dot_dimension_numbers<[1], [0], [0], [1], [0, 0, 1, 1], [], []>, transpose_lhs_hint = false} : vector<2528x16xf32>, vector<16x8xf32>, vector<2528x8xf32> -> vector<2528x8xf32>
    %mul3A = arith.constant 2.000000e-01 : f32
    %mul3A_6 = vector.broadcast %mul3A : f32 to vector<2528x8xf32>
    %mul3A_7 = arith.mulf %mul3A_6, %dot_general3A_5 : vector<2528x8xf32>
    %max3A = arith.maximumf %dot_general3A_5, %mul3A_7 : vector<2528x8xf32>
    %exp3A = math.exp %max3A : vector<2528x8xf32>
    %get3A_8 = arith.constant 0 : index
    %get3A_9 = arith.constant 0 : index
    %get3A_10 = vector.load %arg10[%get3A_8, %get3A_9] : memref<8x128xf32, #tpu.memory_space<vmem>>, vector<8x128xf32>
    %dot_general3A_11 = arith.constant dense<0.000000e+00> : vector<2528x128xf32>
    %dot_general3A_12 = tpu.matmul %exp3A, %get3A_10, %dot_general3A_11 {dimension_numbers = #tpu.dot_dimension_numbers<[1], [0], [0], [1], [0, 0, 1, 1], [], []>, transpose_lhs_hint = false} : vector<2528x8xf32>, vector<8x128xf32>, vector<2528x128xf32> -> vector<2528x128xf32>
    %get3A_13 = arith.constant 0 : index
    %get3A_14 = arith.constant 0 : index
    %get3A_15 = vector.load %arg2[%get3A_13, %get3A_14] : memref<2528x16xf32, #tpu.memory_space<vmem>>, vector<2528x16xf32>
    %get3A_16 = arith.constant 0 : index
    %get3A_17 = arith.constant 0 : index
    %get3A_18 = vector.load %arg11[%get3A_16, %get3A_17] : memref<16x128xf32, #tpu.memory_space<vmem>>, vector<16x128xf32>
    %dot_general3A_19 = arith.constant dense<0.000000e+00> : vector<2528x128xf32>
    %dot_general3A_20 = tpu.matmul %get3A_15, %get3A_18, %dot_general3A_19 {dimension_numbers = #tpu.dot_dimension_numbers<[1], [0], [0], [1], [0, 0, 1, 1], [], []>, transpose_lhs_hint = false} : vector<2528x16xf32>, vector<16x128xf32>, vector<2528x128xf32> -> vector<2528x128xf32>
    %add3A = arith.addf %dot_general3A_20, %dot_general3A_12 : vector<2528x128xf32>
    %get3A_21 = arith.constant 0 : index
    %get3A_22 = arith.constant 0 : index
    %get3A_23 = vector.load %arg3[%get3A_21, %get3A_22] : memref<2528x64xbf16, #tpu.memory_space<vmem>>, vector<2528x64xbf16>
    %get3A_24 = arith.constant 0 : index
    %get3A_25 = arith.constant 0 : index
    %get3A_26 = vector.load %arg4[%get3A_24, %get3A_25] : memref<2528x64xbf16, #tpu.memory_space<vmem>>, vector<2528x64xbf16>
    %concatenate3A = tpu.concatenate %get3A_23, %get3A_26 in 1 : vector<2528x64xbf16>, vector<2528x64xbf16> -> vector<2528x128xbf16>
    %convert_element_type3A = arith.extf %concatenate3A : vector<2528x128xbf16> to vector<2528x128xf32>
    %get3A_27 = arith.constant 0 : index
    %get3A_28 = arith.constant 0 : index
    %get3A_29 = vector.load %arg12[%get3A_27, %get3A_28] : memref<128x128xf32, #tpu.memory_space<vmem>>, vector<128x128xf32>
    %dot_general3A_30 = arith.constant dense<0.000000e+00> : vector<2528x128xf32>
    %dot_general3A_31 = tpu.matmul %convert_element_type3A, %get3A_29, %dot_general3A_30 {dimension_numbers = #tpu.dot_dimension_numbers<[1], [0], [0], [1], [0, 0, 1, 1], [], []>, transpose_lhs_hint = false} : vector<2528x128xf32>, vector<128x128xf32>, vector<2528x128xf32> -> vector<2528x128xf32>
    %get3A_32 = arith.constant 0 : index
    %get3A_33 = arith.constant 0 : index
    %get3A_34 = arith.constant 0 : index
    %get3A_35 = vector.load %arg1[%get3A_32, %get3A_33, %get3A_34] : memref<2x2528x64xf32, #tpu.memory_space<vmem>>, vector<1x2528x64xf32>
    %get3A_36 = vector.shape_cast %get3A_35 : vector<1x2528x64xf32> to vector<2528x64xf32>
    %get3A_37 = arith.constant 1 : index
    %get3A_38 = arith.constant 0 : index
    %get3A_39 = arith.constant 0 : index
    %get3A_40 = vector.load %arg1[%get3A_37, %get3A_38, %get3A_39] : memref<2x2528x64xf32, #tpu.memory_space<vmem>>, vector<1x2528x64xf32>
    %get3A_41 = vector.shape_cast %get3A_40 : vector<1x2528x64xf32> to vector<2528x64xf32>
    %concatenate3A_42 = tpu.concatenate %get3A_36, %get3A_41 in 1 : vector<2528x64xf32>, vector<2528x64xf32> -> vector<2528x128xf32>
    %mul3A_43 = arith.mulf %dot_general3A_12, %dot_general3A_31 : vector<2528x128xf32>
    %add3A_44 = arith.addf %concatenate3A_42, %mul3A_43 : vector<2528x128xf32>
    %add3A_45 = arith.constant 1.000000e-16 : f32
    %add3A_46 = vector.broadcast %add3A_45 : f32 to vector<2528x128xf32>
    %add3A_47 = arith.addf %add3A, %add3A_46 : vector<2528x128xf32>
    %div3A = arith.divf %add3A_44, %add3A_47 : vector<2528x128xf32>
    %get3A_48 = arith.constant 0 : index
    %get3A_49 = arith.constant 0 : index
    %get3A_50 = vector.load %arg6[%get3A_48, %get3A_49] : memref<1x128xf32, #tpu.memory_space<vmem>>, vector<1x128xf32>
    %add3A_51 = vector.broadcast %get3A_50 : vector<1x128xf32> to vector<2528x128xf32>
    %add3A_52 = arith.addf %div3A, %add3A_51 : vector<2528x128xf32>
    %max3A_53 = arith.constant 0.000000e+00 : f32
    %max3A_54 = vector.broadcast %max3A_53 : f32 to vector<2528x128xf32>
    %max3A_55 = arith.maximumf %add3A_52, %max3A_54 : vector<2528x128xf32>
    %get3A_56 = arith.constant 0 : index
    %get3A_57 = arith.constant 0 : index
    %get3A_58 = vector.load %arg7[%get3A_56, %get3A_57] : memref<128x128xf32, #tpu.memory_space<vmem>>, vector<128x128xf32>
    %dot_general3A_59 = arith.constant dense<0.000000e+00> : vector<2528x128xf32>
    %dot_general3A_60 = tpu.matmul %max3A_55, %get3A_58, %dot_general3A_59 {dimension_numbers = #tpu.dot_dimension_numbers<[1], [0], [0], [1], [0, 0, 1, 1], [], []>, transpose_lhs_hint = false} : vector<2528x128xf32>, vector<128x128xf32>, vector<2528x128xf32> -> vector<2528x128xf32>
    %get3A_61 = arith.constant 0 : index
    %get3A_62 = arith.constant 0 : index
    %get3A_63 = vector.load %arg13[%get3A_61, %get3A_62] : memref<128x128xf32, #tpu.memory_space<vmem>>, vector<128x128xf32>
    %dot_general3A_64 = arith.constant dense<0.000000e+00> : vector<2528x128xf32>
    %dot_general3A_65 = tpu.matmul %dot_general3A_60, %get3A_63, %dot_general3A_64 {dimension_numbers = #tpu.dot_dimension_numbers<[1], [0], [0], [1], [0, 0, 1, 1], [], []>, transpose_lhs_hint = false} : vector<2528x128xf32>, vector<128x128xf32>, vector<2528x128xf32> -> vector<2528x128xf32>
    %slice3A = vector.extract_strided_slice %dot_general3A_65 {offsets = [0, 0], sizes = [2528, 64], strides = [1, 1]} : vector<2528x128xf32> to vector<2528x64xf32>
    %convert_element_type3A_66 = arith.truncf %slice3A : vector<2528x64xf32> to vector<2528x64xbf16>
    %swap3A = arith.constant 0 : index
    %swap3A_67 = arith.constant 0 : index
    %swap3A_68 = vector.load %arg14[%swap3A, %swap3A_67] : memref<2528x64xbf16, #tpu.memory_space<vmem>>, vector<2528x64xbf16>
    tpu.vector_store %arg14[%swap3A, %swap3A_67], %convert_element_type3A_66 {strides = array<i32>} : memref<2528x64xbf16, #tpu.memory_space<vmem>>, vector<2528x64xbf16>,
    %slice3A_69 = vector.extract_strided_slice %dot_general3A_65 {offsets = [0, 64], sizes = [2528, 64], strides = [1, 1]} : vector<2528x128xf32> to vector<2528x64xf32>
    %convert_element_type3A_70 = arith.truncf %slice3A_69 : vector<2528x64xf32> to vector<2528x64xbf16>
    %swap3A_71 = arith.constant 0 : index
    %swap3A_72 = arith.constant 0 : index
    %swap3A_73 = vector.load %arg15[%swap3A_71, %swap3A_72] : memref<2528x64xbf16, #tpu.memory_space<vmem>>, vector<2528x64xbf16>
    tpu.vector_store %arg15[%swap3A_71, %swap3A_72], %convert_element_type3A_70 {strides = array<i32>} : memref<2528x64xbf16, #tpu.memory_space<vmem>>, vector<2528x64xbf16>,
    %get3A_74 = arith.constant 0 : index
    %get3A_75 = arith.constant 0 : index
    %get3A_76 = vector.load %arg8[%get3A_74, %get3A_75] : memref<128x16xf32, #tpu.memory_space<vmem>>, vector<128x16xf32>
    %dot_general3A_77 = arith.constant dense<0.000000e+00> : vector<2528x16xf32>
    %dot_general3A_78 = tpu.matmul %dot_general3A_60, %get3A_76, %dot_general3A_77 {dimension_numbers = #tpu.dot_dimension_numbers<[1], [0], [0], [1], [0, 0, 1, 1], [], []>, transpose_lhs_hint = false} : vector<2528x128xf32>, vector<128x16xf32>, vector<2528x16xf32> -> vector<2528x16xf32>
    %swap3A_79 = arith.constant 0 : index
    %swap3A_80 = arith.constant 0 : index
    %swap3A_81 = vector.load %arg16[%swap3A_79, %swap3A_80] : memref<2528x16xf32, #tpu.memory_space<vmem>>, vector<2528x16xf32>
    tpu.vector_store %arg16[%swap3A_79, %swap3A_80], %dot_general3A_78 {strides = array<i32>} : memref<2528x16xf32, #tpu.memory_space<vmem>>, vector<2528x16xf32>,
    return
  }
  func.func @transform_0(%arg0: i32) -> (i32, i32, i32) {
    %c0_i32 = arith.constant 0 : i32
    %c0_i32_0 = arith.constant 0 : i32
    %c0_i32_1 = arith.constant 0 : i32
    return %c0_i32, %arg0, %c0_i32_0 : i32, i32, i32
  }
  func.func @transform_1(%arg0: i32) -> (i32, i32) {
    %c0_i32 = arith.constant 0 : i32
    %c0_i32_0 = arith.constant 0 : i32
    return %arg0, %c0_i32 : i32, i32
  }
  func.func @transform_2(%arg0: i32) -> (i32, i32) {
    %c0_i32 = arith.constant 0 : i32
    %c0_i32_0 = arith.constant 0 : i32
    return %arg0, %c0_i32 : i32, i32
  }
  func.func @transform_3(%arg0: i32) -> (i32, i32) {
    %c0_i32 = arith.constant 0 : i32
    %c0_i32_0 = arith.constant 0 : i32
    return %arg0, %c0_i32 : i32, i32
  }
  func.func @transform_4(%arg0: i32) -> (i32, i32) {
    %c0_i32 = arith.constant 0 : i32
    %c0_i32_0 = arith.constant 0 : i32
    return %arg0, %c0_i32 : i32, i32
  }
  func.func @transform_5(%arg0: i32) -> (i32, i32) {
    %c0_i32 = arith.constant 0 : i32
    %c0_i32_0 = arith.constant 0 : i32
    %c0_i32_1 = arith.constant 0 : i32
    return %c0_i32, %c0_i32_0 : i32, i32
  }
  func.func @transform_6(%arg0: i32) -> (i32, i32) {
    %c0_i32 = arith.constant 0 : i32
    %c0_i32_0 = arith.constant 0 : i32
    %c0_i32_1 = arith.constant 0 : i32
    return %c0_i32, %c0_i32_0 : i32, i32
  }
  func.func @transform_7(%arg0: i32) -> (i32, i32) {
    %c0_i32 = arith.constant 0 : i32
    %c0_i32_0 = arith.constant 0 : i32
    %c0_i32_1 = arith.constant 0 : i32
    return %c0_i32, %c0_i32_0 : i32, i32
  }
  func.func @transform_8(%arg0: i32) -> (i32, i32) {
    %c0_i32 = arith.constant 0 : i32
    %c0_i32_0 = arith.constant 0 : i32
    %c0_i32_1 = arith.constant 0 : i32
    return %c0_i32, %c0_i32_0 : i32, i32
  }
  func.func @transform_9(%arg0: i32) -> (i32, i32) {
    %c0_i32 = arith.constant 0 : i32
    %c0_i32_0 = arith.constant 0 : i32
    %c0_i32_1 = arith.constant 0 : i32
    return %c0_i32, %c0_i32_0 : i32, i32
  }
  func.func @transform_10(%arg0: i32) -> (i32, i32) {
    %c0_i32 = arith.constant 0 : i32
    %c0_i32_0 = arith.constant 0 : i32
    %c0_i32_1 = arith.constant 0 : i32
    return %c0_i32, %c0_i32_0 : i32, i32
  }
  func.func @transform_11(%arg0: i32) -> (i32, i32) {
    %c0_i32 = arith.constant 0 : i32
    %c0_i32_0 = arith.constant 0 : i32
    %c0_i32_1 = arith.constant 0 : i32
    return %c0_i32, %c0_i32_0 : i32, i32
  }
  func.func @transform_12(%arg0: i32) -> (i32, i32) {
    %c0_i32 = arith.constant 0 : i32
    %c0_i32_0 = arith.constant 0 : i32
    %c0_i32_1 = arith.constant 0 : i32
    return %c0_i32, %c0_i32_0 : i32, i32
  }
  func.func @transform_13(%arg0: i32) -> (i32, i32) {
    %c0_i32 = arith.constant 0 : i32
    %c0_i32_0 = arith.constant 0 : i32
    return %arg0, %c0_i32 : i32, i32
  }
  func.func @transform_14(%arg0: i32) -> (i32, i32) {
    %c0_i32 = arith.constant 0 : i32
    %c0_i32_0 = arith.constant 0 : i32
    return %arg0, %c0_i32 : i32, i32
  }
  func.func @transform_15(%arg0: i32) -> (i32, i32) {
    %c0_i32 = arith.constant 0 : i32
    %c0_i32_0 = arith.constant 0 : i32
    return %arg0, %c0_i32 : i32, i32
  }
}

module attributes {stable_mosaic.version = 14 : i64} {
  func.func @_tc3_body(%arg0: i32, %arg1: memref<2x2000x64xf32, #tpu.memory_space<vmem>>, %arg2: memref<2000x16xf32, #tpu.memory_space<vmem>>, %arg3: memref<2000x64xbf16, #tpu.memory_space<vmem>>, %arg4: memref<2000x64xbf16, #tpu.memory_space<vmem>>, %arg5: memref<2000x16xf32, #tpu.memory_space<vmem>>, %arg6: memref<1x128xf32, #tpu.memory_space<vmem>>, %arg7: memref<16x8xf32, #tpu.memory_space<vmem>>, %arg8: memref<8x128xf32, #tpu.memory_space<vmem>>, %arg9: memref<16x128xf32, #tpu.memory_space<vmem>>, %arg10: memref<128x128xf32, #tpu.memory_space<vmem>>, %arg11: memref<2000x128xf32, #tpu.memory_space<vmem>>) attributes {dimension_semantics = [#tpu.dimension_semantics<arbitrary>], iteration_bounds = array<i64: 5>, scalar_prefetch = 0 : i64, scratch_operands = 0 : i64, tpu.core_type = #tpu.core_type<tc>, window_params = [{transform_indices = @transform_0, window_bounds = array<i64: 2, 2000, 64>}, {transform_indices = @transform_1, window_bounds = array<i64: 2000, 16>}, {transform_indices = @transform_2, window_bounds = array<i64: 2000, 64>}, {transform_indices = @transform_3, window_bounds = array<i64: 2000, 64>}, {transform_indices = @transform_4, window_bounds = array<i64: 2000, 16>}, {pipeline_mode = #tpu.pipeline_mode<synchronous>, transform_indices = @transform_5, window_bounds = array<i64: 1, 128>}, {pipeline_mode = #tpu.pipeline_mode<synchronous>, transform_indices = @transform_6, window_bounds = array<i64: 16, 8>}, {pipeline_mode = #tpu.pipeline_mode<synchronous>, transform_indices = @transform_7, window_bounds = array<i64: 8, 128>}, {pipeline_mode = #tpu.pipeline_mode<synchronous>, transform_indices = @transform_8, window_bounds = array<i64: 16, 128>}, {pipeline_mode = #tpu.pipeline_mode<synchronous>, transform_indices = @transform_9, window_bounds = array<i64: 128, 128>}, {transform_indices = @transform_10, window_bounds = array<i64: 2000, 128>}]} {
    %get3A = arith.constant 0 : index
    %get3A_0 = arith.constant 0 : index
    %get3A_1 = vector.load %arg5[%get3A, %get3A_0] : memref<2000x16xf32, #tpu.memory_space<vmem>>, vector<2000x16xf32>
    %get3A_2 = arith.constant 0 : index
    %get3A_3 = arith.constant 0 : index
    %get3A_4 = vector.load %arg7[%get3A_2, %get3A_3] : memref<16x8xf32, #tpu.memory_space<vmem>>, vector<16x8xf32>
    %dot_general3A = arith.constant dense<0.000000e+00> : vector<2000x8xf32>
    %dot_general3A_5 = tpu.matmul %get3A_1, %get3A_4, %dot_general3A {dimension_numbers = #tpu.dot_dimension_numbers<[1], [0], [0], [1], [0, 0, 1, 1], [], []>, transpose_lhs_hint = false} : vector<2000x16xf32>, vector<16x8xf32>, vector<2000x8xf32> -> vector<2000x8xf32>
    %mul3A = arith.constant 2.000000e-01 : f32
    %mul3A_6 = vector.broadcast %mul3A : f32 to vector<2000x8xf32>
    %mul3A_7 = arith.mulf %mul3A_6, %dot_general3A_5 : vector<2000x8xf32>
    %max3A = arith.maximumf %dot_general3A_5, %mul3A_7 : vector<2000x8xf32>
    %exp3A = math.exp %max3A : vector<2000x8xf32>
    %get3A_8 = arith.constant 0 : index
    %get3A_9 = arith.constant 0 : index
    %get3A_10 = vector.load %arg8[%get3A_8, %get3A_9] : memref<8x128xf32, #tpu.memory_space<vmem>>, vector<8x128xf32>
    %dot_general3A_11 = arith.constant dense<0.000000e+00> : vector<2000x128xf32>
    %dot_general3A_12 = tpu.matmul %exp3A, %get3A_10, %dot_general3A_11 {dimension_numbers = #tpu.dot_dimension_numbers<[1], [0], [0], [1], [0, 0, 1, 1], [], []>, transpose_lhs_hint = false} : vector<2000x8xf32>, vector<8x128xf32>, vector<2000x128xf32> -> vector<2000x128xf32>
    %get3A_13 = arith.constant 0 : index
    %get3A_14 = arith.constant 0 : index
    %get3A_15 = vector.load %arg2[%get3A_13, %get3A_14] : memref<2000x16xf32, #tpu.memory_space<vmem>>, vector<2000x16xf32>
    %get3A_16 = arith.constant 0 : index
    %get3A_17 = arith.constant 0 : index
    %get3A_18 = vector.load %arg9[%get3A_16, %get3A_17] : memref<16x128xf32, #tpu.memory_space<vmem>>, vector<16x128xf32>
    %dot_general3A_19 = arith.constant dense<0.000000e+00> : vector<2000x128xf32>
    %dot_general3A_20 = tpu.matmul %get3A_15, %get3A_18, %dot_general3A_19 {dimension_numbers = #tpu.dot_dimension_numbers<[1], [0], [0], [1], [0, 0, 1, 1], [], []>, transpose_lhs_hint = false} : vector<2000x16xf32>, vector<16x128xf32>, vector<2000x128xf32> -> vector<2000x128xf32>
    %add3A = arith.addf %dot_general3A_20, %dot_general3A_12 : vector<2000x128xf32>
    %get3A_21 = arith.constant 0 : index
    %get3A_22 = arith.constant 0 : index
    %get3A_23 = vector.load %arg3[%get3A_21, %get3A_22] : memref<2000x64xbf16, #tpu.memory_space<vmem>>, vector<2000x64xbf16>
    %get3A_24 = arith.constant 0 : index
    %get3A_25 = arith.constant 0 : index
    %get3A_26 = vector.load %arg4[%get3A_24, %get3A_25] : memref<2000x64xbf16, #tpu.memory_space<vmem>>, vector<2000x64xbf16>
    %concatenate3A = tpu.concatenate %get3A_23, %get3A_26 in 1 : vector<2000x64xbf16>, vector<2000x64xbf16> -> vector<2000x128xbf16>
    %convert_element_type3A = arith.extf %concatenate3A : vector<2000x128xbf16> to vector<2000x128xf32>
    %get3A_27 = arith.constant 0 : index
    %get3A_28 = arith.constant 0 : index
    %get3A_29 = vector.load %arg10[%get3A_27, %get3A_28] : memref<128x128xf32, #tpu.memory_space<vmem>>, vector<128x128xf32>
    %dot_general3A_30 = arith.constant dense<0.000000e+00> : vector<2000x128xf32>
    %dot_general3A_31 = tpu.matmul %convert_element_type3A, %get3A_29, %dot_general3A_30 {dimension_numbers = #tpu.dot_dimension_numbers<[1], [0], [0], [1], [0, 0, 1, 1], [], []>, transpose_lhs_hint = false} : vector<2000x128xf32>, vector<128x128xf32>, vector<2000x128xf32> -> vector<2000x128xf32>
    %get3A_32 = arith.constant 0 : index
    %get3A_33 = arith.constant 0 : index
    %get3A_34 = arith.constant 0 : index
    %get3A_35 = vector.load %arg1[%get3A_32, %get3A_33, %get3A_34] : memref<2x2000x64xf32, #tpu.memory_space<vmem>>, vector<1x2000x64xf32>
    %get3A_36 = vector.shape_cast %get3A_35 : vector<1x2000x64xf32> to vector<2000x64xf32>
    %get3A_37 = arith.constant 1 : index
    %get3A_38 = arith.constant 0 : index
    %get3A_39 = arith.constant 0 : index
    %get3A_40 = vector.load %arg1[%get3A_37, %get3A_38, %get3A_39] : memref<2x2000x64xf32, #tpu.memory_space<vmem>>, vector<1x2000x64xf32>
    %get3A_41 = vector.shape_cast %get3A_40 : vector<1x2000x64xf32> to vector<2000x64xf32>
    %concatenate3A_42 = tpu.concatenate %get3A_36, %get3A_41 in 1 : vector<2000x64xf32>, vector<2000x64xf32> -> vector<2000x128xf32>
    %mul3A_43 = arith.mulf %dot_general3A_12, %dot_general3A_31 : vector<2000x128xf32>
    %add3A_44 = arith.addf %concatenate3A_42, %mul3A_43 : vector<2000x128xf32>
    %add3A_45 = arith.constant 1.000000e-16 : f32
    %add3A_46 = vector.broadcast %add3A_45 : f32 to vector<2000x128xf32>
    %add3A_47 = arith.addf %add3A, %add3A_46 : vector<2000x128xf32>
    %div3A = arith.divf %add3A_44, %add3A_47 : vector<2000x128xf32>
    %get3A_48 = arith.constant 0 : index
    %get3A_49 = arith.constant 0 : index
    %get3A_50 = vector.load %arg6[%get3A_48, %get3A_49] : memref<1x128xf32, #tpu.memory_space<vmem>>, vector<1x128xf32>
    %add3A_51 = vector.broadcast %get3A_50 : vector<1x128xf32> to vector<2000x128xf32>
    %add3A_52 = arith.addf %div3A, %add3A_51 : vector<2000x128xf32>
    %swap3A = arith.constant 0 : index
    %swap3A_53 = arith.constant 0 : index
    %swap3A_54 = vector.load %arg11[%swap3A, %swap3A_53] : memref<2000x128xf32, #tpu.memory_space<vmem>>, vector<2000x128xf32>
    tpu.vector_store %arg11[%swap3A, %swap3A_53], %add3A_52 {strides = array<i32>} : memref<2000x128xf32, #tpu.memory_space<vmem>>, vector<2000x128xf32>,
    return
  }
  func.func @transform_0(%arg0: i32) -> (i32, i32, i32) {
    %c0_i32 = arith.constant 0 : i32
    %c0_i32_0 = arith.constant 0 : i32
    %c0_i32_1 = arith.constant 0 : i32
    return %c0_i32, %arg0, %c0_i32_0 : i32, i32, i32
  }
  func.func @transform_1(%arg0: i32) -> (i32, i32) {
    %c0_i32 = arith.constant 0 : i32
    %c0_i32_0 = arith.constant 0 : i32
    return %arg0, %c0_i32 : i32, i32
  }
  func.func @transform_2(%arg0: i32) -> (i32, i32) {
    %c0_i32 = arith.constant 0 : i32
    %c0_i32_0 = arith.constant 0 : i32
    return %arg0, %c0_i32 : i32, i32
  }
  func.func @transform_3(%arg0: i32) -> (i32, i32) {
    %c0_i32 = arith.constant 0 : i32
    %c0_i32_0 = arith.constant 0 : i32
    return %arg0, %c0_i32 : i32, i32
  }
  func.func @transform_4(%arg0: i32) -> (i32, i32) {
    %c0_i32 = arith.constant 0 : i32
    %c0_i32_0 = arith.constant 0 : i32
    return %arg0, %c0_i32 : i32, i32
  }
  func.func @transform_5(%arg0: i32) -> (i32, i32) {
    %c0_i32 = arith.constant 0 : i32
    %c0_i32_0 = arith.constant 0 : i32
    %c0_i32_1 = arith.constant 0 : i32
    return %c0_i32, %c0_i32_0 : i32, i32
  }
  func.func @transform_6(%arg0: i32) -> (i32, i32) {
    %c0_i32 = arith.constant 0 : i32
    %c0_i32_0 = arith.constant 0 : i32
    %c0_i32_1 = arith.constant 0 : i32
    return %c0_i32, %c0_i32_0 : i32, i32
  }
  func.func @transform_7(%arg0: i32) -> (i32, i32) {
    %c0_i32 = arith.constant 0 : i32
    %c0_i32_0 = arith.constant 0 : i32
    %c0_i32_1 = arith.constant 0 : i32
    return %c0_i32, %c0_i32_0 : i32, i32
  }
  func.func @transform_8(%arg0: i32) -> (i32, i32) {
    %c0_i32 = arith.constant 0 : i32
    %c0_i32_0 = arith.constant 0 : i32
    %c0_i32_1 = arith.constant 0 : i32
    return %c0_i32, %c0_i32_0 : i32, i32
  }
  func.func @transform_9(%arg0: i32) -> (i32, i32) {
    %c0_i32 = arith.constant 0 : i32
    %c0_i32_0 = arith.constant 0 : i32
    %c0_i32_1 = arith.constant 0 : i32
    return %c0_i32, %c0_i32_0 : i32, i32
  }
  func.func @transform_10(%arg0: i32) -> (i32, i32) {
    %c0_i32 = arith.constant 0 : i32
    %c0_i32_0 = arith.constant 0 : i32
    return %arg0, %c0_i32 : i32, i32
  }
}

</mosaic_0001>

<sc_bundles>
// kernel: kernel.10.cloned.1.call-start
scs
__scs_entry_jumppad:
0x0: {  	(pc) =	sbr.rel $0x88, $3  }
0x1: {  	(tag) =	ssettag $0x0;
	lr =	simm.s32 $0x1  }
0x2: {  	[smem:$0x3F97] =	sst lr;
	_ =	strace $0xD0000000  }
0x3: {  	_ = 	snop  }
0x4: {  	_ = 	snop  }
0x5: {  	_ = 	snop  }
0x6: {  	_ = 	snop  }
0x7: {  	_ = 	snop  }
__scs_overlays_trampoline_lowered:
0x8: {  	[smem:$0x3FA6] =	sst s0  }
0x9: {  	[smem:$0x3FA7] =	sst s1  }
0xa: {  	[smem:$0x3FA8] =	sst s2  }
0xb: {  	[smem:$0x3FA9] =	sst s3  }
0xc: {  	[smem:$0x3FAA] =	sst s4  }
0xd: {  	[smem:$0x3FAB] =	sst s5  }
0xe: {  	[smem:$0x3FAC] =	sst s6  }
0xf: {  	[smem:$0x3FAD] =	sst s7  }
0x10: {  	[smem:$0x3FAE] =	sst s8  }
0x11: {  	[smem:$0x3FAF] =	sst s9;
	s0 =	simm.s32 @!p0 $0x0  }
0x12: {  	s1 =	sld [smem:$0x3F95];
	s0 =	simm.s32 @p0 $0x1  }
0x13: {  	[smem:$0x3FB0] =	sst s0;
	s0 =	simm.s32 @!p1 $0x0  }
0x14: {  	s2 =	sld [smem:$0x3F94];
	s0 =	simm.s32 @p1 $0x1  }
0x15: {  	[smem:$0x3FB1] =	sst s0;
	s0 =	simm.s32 @!p2 $0x0  }
0x16: {  	s3 =	sld [smem:$0x3FDB];
	s0 =	simm.s32 @p2 $0x1  }
0x17: {  	s4 =	simm.s32 $0x1BF5;
	[smem:$0x3FB3] =	sst s0  }
0x18: {  	s0 =	sld [smem:$0x3F96];
	_ =	swait.ge [sflag:s4], $0x0  }
0x19: {  	s7 =	sld [smem:$0x3F97]  }
0x1a: {  	s8 =	sadd.s32 $0xFFFFE003, lr  }
0x1b: {  	s9 =	sadd.s32 $0xFFFFFEF7, lr;
	s5 =	simm.s32 $0xFFFFFFFF;
	p2 =	slt.u32 s8, $0xFFFFF086  }
0x1c: {  	p1 =	slt.u32 s9, $0xF7A;
	s5 =	simm.s32 @!p2 $0x0  }
0x1d: {  	s5 =	simm.s32 @p1 $0x1;
	p0 =	seq.s32 s7, s2  }
0x1e: {  	s7 =	smul.u32 @!p0 $0xF7A, s2;
	p2 =	seq.s32 @!p0 s5, $0x0  }
0x1f: {  	s9 =	smul.u32 $0xF7A, s1;
	s8 =	simm.s32 @!p0 $0x1BF5;
	p2 =	por !p2, p0  }
0x20: {  	[sflag:s8] =	ssyncset.s32 @!p0 $0xFFFFF086;
	s6 =	sadd.s32 @!p0 s3, s7;
	s7 =	simm.s32 @!p0 $0x108  }
0x21: {  	s3 =	sadd.s32 s3, s9;
	s6 =	sadd.s32 @!p0 $0x88, s6;
	s7 =	simm.s32 @p2 $0x1082  }
0x22: {  	[simem:s7], [sflag:s8] =	dma.local @!p0 [hbm:s6], $0xF7A  }
0x23: {  	s9 =	sor.u32 $0xD0000000, s2;
	s6 =	simm.s32 $0x108;
	_ =	swait.ge @!p0 [sflag:s8], $0x0  }
0x24: {  	s3 =	sadd.s32 $0x88, s3;
	s6 =	simm.s32 @!p1 $0x1082;
	[sflag:s4] =	ssyncset.s32 $0xFFFFF086  }
0x25: {  	[simem:s6], [sflag:s4] =	dma.local [hbm:s3], $0xF7A  }
0x26: {  	[smem:$0x3F97] =	sst s1;
	(tag) =	ssettag s2;
	_ =	strace s9  }
0x27: {  	s1 =	sld [smem:$0x3FA7]  }
0x28: {  	s2 =	sld [smem:$0x3FA8]  }
0x29: {  	s4 =	sld [smem:$0x3FAA]  }
0x2a: {  	p0 =	seq.s32 s5, $0x0;
	s5 =	sld [smem:$0x3FAB]  }
0x2b: {  	s6 =	sld [smem:$0x3FAC]  }
0x2c: {  	s7 =	sld [smem:$0x3FAD]  }
0x2d: {  	s3 =	simm.s32 $0x108;
	s8 =	sld [smem:$0x3FAE]  }
0x2e: {  	s3 =	simm.s32 @!p0 $0x1082;
	s9 =	sld [smem:$0x3FAF]  }
0x2f: {  	lr =	sadd.s32 s0, s3;
	s0 =	sld [smem:$0x3FA6]  }
0x30: {  	s3 =	sld [smem:$0x3FA9]  }
0x31: {  	[smem:$0x3FB2] =	sst s10  }
0x32: {  	s10 =	sld [smem:$0x3FB0];
	_ =	sdelay $0x3  }
0x33: {  	p0 =	seq.s32 s10, $0x1;
	s10 =	sld [smem:$0x3FB2];
	_ =	sdelay $0x3  }
0x34: {  	[smem:$0x3FB2] =	sst s10  }
0x35: {  	s10 =	sld [smem:$0x3FB1];
	_ =	sdelay $0x3  }
0x36: {  	p1 =	seq.s32 s10, $0x1;
	s10 =	sld [smem:$0x3FB2];
	_ =	sdelay $0x3  }
0x37: {  	[smem:$0x3FB2] =	sst s10  }
0x38: {  	s10 =	sld [smem:$0x3FB3]  }
0x39: {  	_ = 	snop;
	(pc) =	sbr.ind lr, $3  }
0x3a: {  	_ = 	snop  }
0x3b: {  	_ = 	snop  }
0x3c: {  	p2 =	seq.s32 s10, $0x1;
	s10 =	sld [smem:$0x3FB2]  }
0x3d: {  	_ =	shalt  }
0x3e: {  	_ =	shalt  }
0x3f: {  	_ =	shalt  }
0x40: {  	_ =	shalt  }
0x41: {  	_ =	shalt  }
0x42: {  	_ =	shalt  }
0x43: {  	_ =	shalt  }
0x44: {  	_ =	shalt  }
0x45: {  	_ =	shalt  }
0x46: {  	_ =	shalt  }
0x47: {  	_ =	shalt  }
0x48: {  	_ =	shalt  }
0x49: {  	_ =	shalt  }
0x4a: {  	_ =	shalt  }
0x4b: {  	_ =	shalt  }
0x4c: {  	_ =	shalt  }
0x4d: {  	_ =	shalt  }
0x4e: {  	_ =	shalt  }
0x4f: {  	_ =	shalt  }
0x50: {  	_ =	shalt  }
0x51: {  	_ =	shalt  }
0x52: {  	_ =	shalt  }
0x53: {  	_ =	shalt  }
0x54: {  	_ =	shalt  }
0x55: {  	_ =	shalt  }
0x56: {  	_ =	shalt  }
0x57: {  	_ =	shalt  }
0x58: {  	_ =	shalt  }
0x59: {  	_ =	shalt  }
0x5a: {  	_ =	shalt  }
0x5b: {  	_ =	shalt  }
0x5c: {  	_ =	shalt  }
0x5d: {  	_ =	shalt  }
0x5e: {  	_ =	shalt  }
0x5f: {  	_ =	shalt  }
0x60: {  	_ =	shalt  }
0x61: {  	_ =	shalt  }
0x62: {  	_ =	shalt  }
0x63: {  	_ =	shalt  }
0x64: {  	_ =	shalt  }
0x65: {  	_ =	shalt  }
0x66: {  	_ =	shalt  }
0x67: {  	_ =	shalt  }
0x68: {  	_ =	shalt  }
0x69: {  	_ =	shalt  }
0x6a: {  	_ =	shalt  }
0x6b: {  	_ =	shalt  }
0x6c: {  	_ =	shalt  }
0x6d: {  	_ =	shalt  }
0x6e: {  	_ =	shalt  }
0x6f: {  	_ =	shalt  }
0x70: {  	_ =	shalt  }
0x71: {  	_ =	shalt  }
0x72: {  	_ =	shalt  }
0x73: {  	_ =	shalt  }
0x74: {  	_ =	shalt  }
0x75: {  	_ =	shalt  }
0x76: {  	_ =	shalt  }
0x77: {  	_ =	shalt  }
0x78: {  	_ =	shalt  }
0x79: {  	_ =	shalt  }
0x7a: {  	_ =	shalt  }
0x7b: {  	_ =	shalt  }
0x7c: {  	_ =	shalt  }
0x7d: {  	_ =	shalt  }
0x7e: {  	_ =	shalt  }
0x7f: {  	_ =	shalt  }
0x80: {  	_ =	shalt  }
0x81: {  	_ =	shalt  }
0x82: {  	_ =	shalt  }
0x83: {  	_ =	shalt  }
0x84: {  	_ =	shalt  }
0x85: {  	_ =	shalt  }
0x86: {  	_ =	shalt  }
0x87: {  	_ =	shalt  }
.Lfunc_end0:
.L_simem_size_0:
called_computation.1_lowered:
.L_overlay_start_0:
0x88: {  	s2 =	sld [smem:$0x3FD9]  }
0x89: {  	s3 =	sld [smem:$0x3FFE];
	_ =	sdelay $0x1  }
0x8a: {  	s1 =	srdreg.scid  }
0x8b: {  	s0 =	sand.u32 $0x1, s1  }
0x8c: {  	s17 =	sshll.u32 s0, $0xA;
	s2 =	sadd.s32 s3, s2  }
0x8d: {  	s2 =	sadd.s32 s2, s17  }
0x8e: {  	[smem:$0x3FBE] =	sst s2  }
0x8f: {  	_ = 	snop  }
0x90: {  	s2 =	sld [smem:$0x3FD0];
	(tm) =	ssettm $0x1  }
0x91: {  	s18 =	sld [smem:$0x3FFB];
	_ =	sdelay $0x3  }
0x92: {  	_ =	strace s18  }
0x93: {  	s3 =	sld [smem:$0x3FFC];
	_ =	sdelay $0x3  }
0x94: {  	_ =	strace s3  }
0x95: {  	s3 =	sld [smem:$0x3FFD];
	_ =	sdelay $0x3  }
0x96: {  	_ =	strace s3  }
0x97: {  	_ =	strace $0x8FFFFFFF  }
0x98: {  	s19 =	sld [smem:$0x3FDB];
	_ =	sdelay $0x1  }
0x99: {  	s4 =	simm.s32 $_scs_section_size  }
0x9a: {  	s5 =	simm.s32 $_size__tile_overlayer_lowered;
	s6 =	simm.s32 $_tile_overlayer_lowered  }
0x9b: {  	s22 =	simm.s32 $0x1BFF;
	s21 =	sshll.u32 s6, $0x1;
	s3 =	sadd.s32 s4, s19  }
0x9c: {  	s7 =	simm.s32 $0x0;
	s20 =	sshll.u32 s5, $0x1;
	s5 =	sadd.s32 s21, s3  }
0x9d: {  	[timem:s7], [sflag:s22] =	dma.local [hbm:s5], s20  }
0x9e: {  	_ =	swait.ge [sflag:s22], s20  }
0x9f: {  	s4 =	ssub.s32 $0x0, s20;
	[sflag:s22] =	ssyncset.done $0x0  }
0xa0: {  	[sflag:s22] =	ssyncadd.s32 s4;
	_ =	sdelay $0x1  }
0xa1: {  	s23 =	simm.s32 $0x1B8B  }
0xa2: {  	_ =	swait.ge [sflag:s23], $0x1  }
0xa3: {  	[sflag:s23] =	ssyncset.done $0x0  }
0xa4: {  	s25 =	simm.s32 $0x1B8E;
	s24 =	sld [smem:$0x3FFE];
	[sflag:s23] =	ssyncadd.s32 $0xFFFFFFFF  }
0xa5: {  	s26 =	simm.s32 $execute0_lowered;
	[smem:$0x3FD2] =	sst s25  }
0xa6: {  	s5 =	sshll.u32 s26, $0x1;
	_ =	strace $0x80000049;
	[dreg:$0x1] =	wrdreg $0xFFFFFFFF  }
0xa7: {  	s28 =	simm.s32 $_size_execute0_lowered;
	s3 =	sadd.s32 s3, s5;
	[dreg:$0x0] =	wrdreg $0x0  }
0xa8: {  	s5 =	sshll.u32 s28, $0x1;
	[dreg:$0x2] =	wrdreg s3  }
0xa9: {  	[dreg:$0x3] =	wrdreg s5  }
0xaa: {  	[dreg:$0x4] =	wrdreg $0xC0  }
0xab: {  	_ =	task [dreg:s7], $0x5FFFF  }
0xac: {  	[dreg:$0x1] =	wrdreg $0xFFFFFFFF  }
0xad: {  	[dreg:$0x0] =	wrdreg $0x60  }
0xae: {  	[dreg:$0x2] =	wrdreg s24  }
0xaf: {  	[dreg:$0x3] =	wrdreg s2  }
0xb0: {  	[dreg:$0x4] =	wrdreg $0xDC000  }
0xb1: {  	[dreg:$0x5] =	wrdreg $0x17A000  }
0xb2: {  	[dreg:$0x6] =	wrdreg $0x9  }
0xb3: {  	_ =	task.clear_ibuf [dreg:s7], $0x7FFFF;
	_ =	strace $0x90000049  }
0xb4: {  	s29 =	simm.s32 $0x9;
	_ =	strace $0x8000004B  }
0xb5: {  	_ =	swait.ge [sflag:s29], $0x1  }
0xb6: {  	[sflag:s29] =	ssyncadd.s32 $0xFFFFFFFF  }
0xb7: {  	_ =	strace $0x9000004B  }
0xb8: {  	_ =	sfence  }
0xb9: {  	s30 =	sld [smem:$0x0];
	_ =	sdelay $0x2  }
0xba: {  	s31 =	sshll.u32 s1, $0xD;
	s1 =	sshrl.u32 s1, $0x2  }
0xbb: {  	s3 =	sand.u32 $0x4000, s31;
	s1 =	sadd.s32 s1, s30  }
0xbc: {  	s0 =	sor.u32 s3, s0;
	s1 =	sshll.u32 s1, $0x11  }
0xbd: {  	s0 =	sor.u32 s1, s0  }
0xbe: {  	s0 =	sadd.s32 $0x8F2B, s0  }
0xbf: {  	[sflag:s0] =	ssyncadd.remote.s32 $0x1  }
0xc0: {  	_ =	sfence.sel $0xFFFF  }
0xc1: {  	[dreg:$0x0] =	wrdreg $0xFFFFFFFF;
	(pc) =	sbr.abs _section_cstart, $3  }
0xc2: {  	[dreg:$0x1] =	wrdreg $0xFFFFFFFF  }
0xc3: {  	_ =	task.clear_ibuf [dreg:s7], $0x2FFFF;
	_ =	strace $0x9FFFFFFF  }
0xc4: {  	(tm) =	ssettm $0x7FFFFFFF  }
0xc5: {  	_ =	shalt  }
tec
execute0_lowered:
.L_overlay_start_1:
0x0: {  	(tag) =	ssettag $0x1  }
0x1: {  	s0 =	rddreg [dreg:$0x0]  }
0x2: {  	s1 =	rddreg [dreg:$0x1]  }
0x3: {  	s3 =	rddreg [dreg:$0x2]  }
0x4: {  	s4 =	rddreg [dreg:$0x3]  }
0x5: {  	s2 =	srdreg.scid;
	s15 =	stileid.u32;
	s5 =	simm.s32 $0x0  }
0x6: {  	s28 =	simm.s32 $0x11;
	s30 =	simm.s32 $0x80;
	s29 =	simm.s32 $0x0  }
0x7: {  	s6 =	sand.u32 $0x1, s2;
	s23 =	smul.u32 $0x9E00, s15;
	[smem:$0x7FF] =	sst s5  }
0x8: {  	s7 =	sadd.s32 $0x1E00, s0;
	s8 =	sadd.s32 $0x38400, s0;
	s9 =	sadd.s32 $0x2E600, s0  }
0x9: {  	s11 =	smul.u32 $0x2780, s15;
	s12 =	sadd.s32 $0x42800, s0;
	s24 =	sadd.s32 $0x42200, s0  }
0xa: {  	s26 =	sshll.u32 s15, $0x6;
	_ =	strace $0x8000004A;
	[dreg:$0x5] =	wrdreg s12  }
0xb: {  	s10 =	smul.u32 $0x9E000, s6;
	[dreg:$0x6] =	wrdreg s24;
	s13 =	ssub.s32 $0x2, s6  }
0xc: {  	s12 =	smul.u32 $0x4E80, s15;
	s24 =	sshll.u32 s6, $0x2;
	s25 =	sshrl.u32 s11, $0x3  }
0xd: {  	s14 =	sshrl.u32 s13, $0x1;
	s2 =	sadd.s32 s23, s3;
	s15 =	sadd.s32 s11, s4  }
0xe: {  	s10 =	sadd.s32 s23, s10;
	s13 =	ssub.s32 s13, s14;
	[dreg:$0x7] =	wrdreg s2  }
0xf: {  	s14 =	sor.u32 $0x1C11, s26;
	s31 =	sshrl.u32 s12, $0x3;
	s26 =	sor.u32 $0x1, s24  }
0x10: {  	s10 =	sshrl.u32 s10, $0x3;
	s16 =	sadd.s32 s8, s31;
	s17 =	sadd.s32 s9, s31  }
0x11: {  	s18 =	sadd.s32 $0x10, s31;
	s19 =	sadd.s32 $0x20, s31;
	[dreg:$0x8] =	wrdreg s16  }
0x12: {  	s2 =	sadd.s32 $0x30, s31;
	s23 =	smax.u32 s13, $0x1;
	[dreg:$0x9] =	wrdreg s17  }
0x13: {  	s31 =	sor.u32 $0x2, s24;
	s16 =	sadd.s32 s8, s18;
	[dreg:$0x12] =	wrdreg s23  }
0x14: {  	v5 =	vlaneseq.u32;
	v1 =	vmov s24;
	s10 =	sadd.s32 s10, s0;
	s11 =	sadd.s32 s9, s18;
	[dreg:$0xa] =	wrdreg s16  }
0x15: {  	v63 =	vbroadcast v1, $0x0;
	v1 =	vor.u32 $0x8, v5;
	v2 =	vmov s26;
	s0 =	sadd.s32 s25, s0;
	s20 =	sadd.s32 s8, s19;
	[dreg:$0xb] =	wrdreg s11  }
0x16: {  	[tilespmem:$0x1FFE0] =	vst v1;
	s21 =	sadd.s32 s8, s2;
	s25 =	smul.u32 $0x2780, s6;
	v48 =	vbroadcast v2, $0x0;
	[dreg:$0xc] =	wrdreg s20  }
0x17: {  	s2 =	sadd.s32 s9, s2;
	s17 =	sshllo.u32 s6, $0x2;
	v3 =	vmov s31;
	[tilespmem:$0x1FFB0] =	vst v63;
	[dreg:$0xe] =	wrdreg s21  }
0x18: {  	p0 =	sne.s32 s6, $0x0;
	s11 =	sadd.s32 s9, s19;
	[dreg:$0xf] =	wrdreg s2;
	v4 =	vmov s17;
	v13 =	vbroadcast v3, $0x0;
	v0 =	vmov s25;
	[tilespmem:$0x1FFF0] =	vst v48  }
0x19: {  	s13 =	simm.s32 $0x3;
	s22 =	sadd.s32 $0x43C00, s10;
	[dreg:$0xd] =	wrdreg s11;
	v12 =	vbroadcast v4, $0x0;
	[tilespmem:$0x1FFA0] =	vst v0  }
0x1a: {  	s0 =	sadd.s32 $0x6E00, s0;
	s10 =	simm.s32 $0x1;
	[dreg:$0x10] =	wrdreg s22;
	[tilespmem:$0x1FFC0] =	vst v13  }
0x1b: {  	s16 =	simm.s32 $0xE;
	[dreg:$0x11] =	wrdreg s0;
	s11 =	simm.s32 $0x2;
	[tilespmem:$0x1FFD0] =	vst v12  }
.LBB2_1:
0x1c: {  	s0 =	rddreg [dreg:$0x7]  }
0x1d: {  	s25 =	rddreg [dreg:$0x5];
	s17 =	sshrl.u32 s0, $0x3  }
0x1e: {  	[spmem:s17], [sflag:s14] =	dma.local [hbm:s25], $0x13C0  }
0x1f: {  	_ =	swait.ge [sflag:s28], $0x13C0  }
0x20: {  	[sflag:s28] =	ssyncset.done $0x0  }
0x21: {  	s26 =	sshrl.u32 s15, $0x3;
	s2 =	rddreg [dreg:$0x6];
	[sflag:s28] =	ssyncadd.s32 $0xFFFFEC40  }
0x22: {  	[spmem:s26], [sflag:s14] =	dma.local [hbm:s2], $0x4F0  }
0x23: {  	_ =	swait.ge [sflag:s28], $0x4F0  }
0x24: {  	[sflag:s28] =	ssyncset.done $0x0  }
0x25: {  	[sflag:s28] =	ssyncadd.s32 $0xFFFFFB10  }
0x26: {  	[bflag:$0x0] =	sbarrier.arrive $0xFFFF  }
0x27: {  	s18 =	rddreg [dreg:$0x8]  }
0x28: {  	[tilespmem:s5], [sflag:$0x1] =	stream.linear.gather [hbm4b:s18+s5], $0x80, $0x38;
	[tilespmem:$0x1A180] =	vst v63  }
0x29: {  	s2 =	simm.s32 $0x400;
	s19 =	rddreg [dreg:$0x9]  }
0x2a: {  	[tilespmem:s2], [sflag:$0x1] =	stream.linear.gather [hbm4b:s19+s5], $0x80, $0x38;
	[tilespmem:$0x1A180] =	vst v63  }
0x2b: {  	s20 =	rddreg [dreg:$0xa]  }
0x2c: {  	[tilespmem:s30], [sflag:$0x2] =	stream.linear.gather [hbm4b:s20+s5], $0x80, $0x38;
	[tilespmem:$0x1A180] =	vst v63  }
0x2d: {  	s21 =	rddreg [dreg:$0xb];
	s18 =	simm.s32 $0x480  }
0x2e: {  	[tilespmem:s18], [sflag:$0x2] =	stream.linear.gather [hbm4b:s21+s5], $0x80, $0x38;
	[tilespmem:$0x1A180] =	vst v63  }
0x2f: {  	s22 =	rddreg [dreg:$0xc];
	s19 =	simm.s32 $0x100  }
0x30: {  	[tilespmem:s19], [sflag:$0x3] =	stream.linear.gather [hbm4b:s22+s5], $0x80, $0x38;
	[tilespmem:$0x1A180] =	vst v63  }
0x31: {  	s23 =	rddreg [dreg:$0xd];
	s20 =	simm.s32 $0x500  }
0x32: {  	[tilespmem:s20], [sflag:$0x3] =	stream.linear.gather [hbm4b:s23+s5], $0x80, $0x38;
	[tilespmem:$0x1A180] =	vst v63  }
0x33: {  	s24 =	rddreg [dreg:$0xe];
	s21 =	simm.s32 $0x180  }
0x34: {  	[tilespmem:s21], [sflag:$0x4] =	stream.linear.gather [hbm4b:s24+s5], $0x80, $0x38;
	[tilespmem:$0x1A180] =	vst v63  }
0x35: {  	s26 =	simm.s32 $0x580;
	s25 =	rddreg [dreg:$0xf]  }
0x36: {  	[tilespmem:s26], [sflag:$0x4] =	stream.linear.gather [hbm4b:s25+s5], $0x80, $0x38;
	[tilespmem:$0x1A180] =	vst v63  }
0x37: {  	_ =	swait.ge [sflag:s10], $0x80  }
0x38: {  	[sflag:s10] =	ssyncset.done $0x0  }
0x39: {  	[sflag:s10] =	ssyncadd.s32 $0xFFFFFF80  }
0x3a: {  	_ =	swait.ge [sflag:s10], $0x80  }
0x3b: {  	[sflag:s10] =	ssyncset.done $0x0  }
0x3c: {  	v0 =	vld [tilespmem:$0x1FFA0];
	[sflag:s10] =	ssyncadd.s32 $0xFFFFFF80  }
0x3d: {  	v6 =	vld [tilespmem:$0x0]  }
0x3e: {  	v7 =	vld [tilespmem:$0x10]  }
0x3f: {  	v8 =	vld [tilespmem:$0x20]  }
0x40: {  	v9 =	vld [tilespmem:$0x30]  }
0x41: {  	v10 =	vld [tilespmem:$0x40]  }
0x42: {  	v11 =	vld [tilespmem:$0x50];
	v6 =	vadd.s32 v0, v6  }
0x43: {  	v24 =	vld [tilespmem:$0x60];
	v23 =	vadd.s32 v0, v7;
	[tilespmem:$0x800] =	vst v6  }
0x44: {  	v26 =	vld [tilespmem:$0x70];
	v25 =	vadd.s32 v0, v8;
	[tilespmem:$0x810] =	vst v23  }
0x45: {  	v27 =	vadd.s32 v0, v9;
	[tilespmem:$0x820] =	vst v25  }
0x46: {  	v28 =	vadd.s32 v0, v10;
	[tilespmem:$0x830] =	vst v27  }
0x47: {  	v29 =	vadd.s32 v0, v11;
	[tilespmem:$0x840] =	vst v28  }
0x48: {  	v30 =	vadd.s32 v0, v24;
	[tilespmem:$0x850] =	vst v29  }
0x49: {  	v31 =	vadd.s32 v0, v26;
	[tilespmem:$0x860] =	vst v30  }
0x4a: {  	s22 =	simm.s32 $0xC00;
	[tilespmem:$0x870] =	vst v31  }
0x4b: {  	[tilespmem:s22], [sflag:$0x9] =	stream.indirect.gather [hbm4b:s7+s30], $0x10, s5, s30, $0xb8;
	[tilespmem:$0x1A180] =	vst v63  }
0x4c: {  	s23 =	simm.s32 $0x2C00  }
0x4d: {  	[tilespmem:s23], [sflag:$0x9] =	stream.indirect.gather [hbm4b:s7+s30], $0x10, s2, s30, $0xb8;
	[tilespmem:$0x1A180] =	vst v63  }
0x4e: {  	s24 =	simm.s32 $0x800;
	s25 =	simm.s32 $0x4C00  }
0x4f: {  	[tilespmem:s25], [sflag:$0x9] =	stream.indirect.gather [hbm4b:s1+s30], $0x20, s24, s30, $0xb8;
	[tilespmem:$0x1A180] =	vst v63  }
0x50: {  	_ =	swait.ge [sflag:s11], $0x80  }
0x51: {  	[sflag:s11] =	ssyncset.done $0x0  }
0x52: {  	[sflag:s11] =	ssyncadd.s32 $0xFFFFFF80  }
0x53: {  	_ =	swait.ge [sflag:s11], $0x80  }
0x54: {  	[sflag:s11] =	ssyncset.done $0x0  }
0x55: {  	[sflag:s11] =	ssyncadd.s32 $0xFFFFFF80  }
0x56: {  	v32 =	vld [tilespmem:$0x80]  }
0x57: {  	v33 =	vld [tilespmem:$0x90]  }
0x58: {  	v34 =	vld [tilespmem:$0xA0]  }
0x59: {  	v35 =	vld [tilespmem:$0xB0]  }
0x5a: {  	v36 =	vld [tilespmem:$0xC0]  }
0x5b: {  	v37 =	vld [tilespmem:$0xD0];
	v6 =	vadd.s32 v0, v32  }
0x5c: {  	v39 =	vld [tilespmem:$0xE0];
	v38 =	vadd.s32 v0, v33;
	[tilespmem:$0x880] =	vst v6  }
0x5d: {  	v41 =	vld [tilespmem:$0xF0];
	v40 =	vadd.s32 v0, v34;
	[tilespmem:$0x890] =	vst v38  }
0x5e: {  	v42 =	vadd.s32 v0, v35;
	[tilespmem:$0x8A0] =	vst v40  }
0x5f: {  	v43 =	vadd.s32 v0, v36;
	[tilespmem:$0x8B0] =	vst v42  }
0x60: {  	v44 =	vadd.s32 v0, v37;
	[tilespmem:$0x8C0] =	vst v43  }
0x61: {  	v45 =	vadd.s32 v0, v39;
	[tilespmem:$0x8D0] =	vst v44  }
0x62: {  	v46 =	vadd.s32 v0, v41;
	[tilespmem:$0x8E0] =	vst v45  }
0x63: {  	s26 =	simm.s32 $0x1400;
	[tilespmem:$0x8F0] =	vst v46  }
0x64: {  	[tilespmem:s26], [sflag:$0xA] =	stream.indirect.gather [hbm4b:s7+s30], $0x10, s30, s30, $0xb8;
	[tilespmem:$0x1A180] =	vst v63  }
0x65: {  	s2 =	simm.s32 $0x3400  }
0x66: {  	[tilespmem:s2], [sflag:$0xA] =	stream.indirect.gather [hbm4b:s7+s30], $0x10, s18, s30, $0xb8;
	[tilespmem:$0x1A180] =	vst v63  }
0x67: {  	s21 =	simm.s32 $0x880;
	s22 =	simm.s32 $0x5C00  }
0x68: {  	[tilespmem:s22], [sflag:$0xA] =	stream.indirect.gather [hbm4b:s1+s30], $0x20, s21, s30, $0xb8;
	[tilespmem:$0x1A180] =	vst v63  }
0x69: {  	_ =	swait.ge [sflag:s13], $0x80  }
0x6a: {  	[sflag:s13] =	ssyncset.done $0x0  }
0x6b: {  	[sflag:s13] =	ssyncadd.s32 $0xFFFFFF80  }
0x6c: {  	_ =	swait.ge [sflag:s13], $0x80  }
0x6d: {  	[sflag:s13] =	ssyncset.done $0x0  }
0x6e: {  	[sflag:s13] =	ssyncadd.s32 $0xFFFFFF80  }
0x6f: {  	v47 =	vld [tilespmem:$0x100]  }
0x70: {  	v49 =	vld [tilespmem:$0x110]  }
0x71: {  	v50 =	vld [tilespmem:$0x120]  }
0x72: {  	v51 =	vld [tilespmem:$0x130]  }
0x73: {  	v52 =	vld [tilespmem:$0x140]  }
0x74: {  	v53 =	vld [tilespmem:$0x150];
	v6 =	vadd.s32 v0, v47  }
0x75: {  	v55 =	vld [tilespmem:$0x160];
	v54 =	vadd.s32 v0, v49;
	[tilespmem:$0x900] =	vst v6  }
0x76: {  	v57 =	vld [tilespmem:$0x170];
	v56 =	vadd.s32 v0, v50;
	[tilespmem:$0x910] =	vst v54  }
0x77: {  	v58 =	vadd.s32 v0, v51;
	[tilespmem:$0x920] =	vst v56  }
0x78: {  	v59 =	vadd.s32 v0, v52;
	[tilespmem:$0x930] =	vst v58  }
0x79: {  	v60 =	vadd.s32 v0, v53;
	[tilespmem:$0x940] =	vst v59  }
0x7a: {  	v61 =	vadd.s32 v0, v55;
	[tilespmem:$0x950] =	vst v60  }
0x7b: {  	v62 =	vadd.s32 v0, v57;
	[tilespmem:$0x960] =	vst v61  }
0x7c: {  	s23 =	simm.s32 $0x1C00;
	[tilespmem:$0x970] =	vst v62  }
0x7d: {  	[tilespmem:s23], [sflag:$0xB] =	stream.indirect.gather [hbm4b:s7+s30], $0x10, s19, s30, $0xb8;
	[tilespmem:$0x1A180] =	vst v63  }
0x7e: {  	p1 =	por $0x0, $0x0;
	s31 =	simm.s32 $0x0;
	s24 =	simm.s32 $0x3C00  }
0x7f: {  	[tilespmem:s24], [sflag:$0xB] =	stream.indirect.gather [hbm4b:s7+s30], $0x10, s20, s30, $0xb8;
	[tilespmem:$0x1A180] =	vst v63  }
0x80: {  	s25 =	simm.s32 $0x900;
	s26 =	simm.s32 $0x6C00;
	s18 =	simm.s32 $0x0  }
0x81: {  	[tilespmem:s26], [sflag:$0xB] =	stream.indirect.gather [hbm4b:s1+s30], $0x20, s25, s30, $0xb8;
	[tilespmem:$0x1A180] =	vst v63  }
.LBB2_2:
0x82: {  	s0 =	sand.u32 $0x1, s18;
	p2 =	slt.u32 s18, $0x2  }
0x83: {  	s2 =	sadd.s32 @!p2 $0xD, s0  }
0x84: {  	p3 =	sne.s32 @!p2 s6, $0x0;
	_ =	swait.ge @!p2 [sflag:s2], $0x2000  }
0x85: {  	p3 =	por p3, p2;
	[sflag:s2] =	ssyncset.done @!p2 $0x0  }
0x86: {  	[sflag:s2] =	ssyncadd.s32 @!p2 $0xFFFFE000;
	s2 =	sadd.s32 @!p3 $0xF, s0  }
0x87: {  	p4 =	sgt.u32 @!p2 s18, $0x98;
	_ =	swait.ge @!p3 [sflag:s2], $0x800  }
0x88: {  	p2 =	por p2, !p4;
	[sflag:s2] =	ssyncset.done @!p3 $0x0  }
0x89: {  	[sflag:s2] =	ssyncadd.s32 @!p3 $0xFFFFF800;
	s2 =	sadd.s32 @p2 $0x4, s18  }
0x8a: {  	s19 =	sshll.u32 @p2 s2, $0x7  }
0x8b: {  	s19 =	sadd.s32 @p2 s12, s19  }
0x8c: {  	s2 =	sand.u32 @p2 $0x7, s2;
	s19 =	sshrl.u32 @p2 s19, $0x3  }
0x8d: {  	s20 =	sadd.s32 @p2 $0x1, s2;
	s2 =	sshll.u32 @p2 s2, $0x7;
	s21 =	sadd.s32 @p2 s8, s19  }
0x8e: {  	[tilespmem:s2], [sflag:s20] =	stream.linear.gather @p2 [hbm4b:s21+s5], $0x80, $0x38;
	[tilespmem:$0x1A180] =	vst v63  }
0x8f: {  	s25 =	sand.u32 $0x3, s18;
	s19 =	sadd.s32 @p2 s9, s19;
	s2 =	sor.u32 @p2 $0x400, s2  }
0x90: {  	[tilespmem:s2], [sflag:s20] =	stream.linear.gather @p2 [hbm4b:s19+s5], $0x80, $0x38;
	[tilespmem:$0x1A180] =	vst v63  }
0x91: {  	s2 =	sadd.s32 $0x9, s25  }
0x92: {  	_ =	swait.ge [sflag:s2], $0x800  }
0x93: {  	[sflag:s2] =	ssyncset.done $0x0  }
0x94: {  	[sflag:s2] =	ssyncadd.s32 $0xFFFFF800  }
0x95: {  	_ =	swait.ge [sflag:s2], $0x800  }
0x96: {  	[sflag:s2] =	ssyncset.done $0x0  }
0x97: {  	p2 =	sgt.u32 s18, $0x99;
	[sflag:s2] =	ssyncadd.s32 $0xFFFFF800  }
0x98: {  	s19 =	sadd.s32 @!p2 $0x3, s18;
	_ =	swait.ge [sflag:s2], $0x1000  }
0x99: {  	s20 =	sand.u32 @!p2 $0x7, s19;
	[sflag:s2] =	ssyncset.done $0x0  }
0x9a: {  	[sflag:s2] =	ssyncadd.s32 $0xFFFFF000;
	s2 =	sadd.s32 @!p2 $0x1, s20  }
0x9b: {  	_ =	swait.ge @!p2 [sflag:s2], $0x80  }
0x9c: {  	[sflag:s2] =	ssyncset.done @!p2 $0x0  }
0x9d: {  	[sflag:s2] =	ssyncadd.s32 @!p2 $0xFFFFFF80  }
0x9e: {  	_ =	swait.ge @!p2 [sflag:s2], $0x80  }
0x9f: {  	[sflag:s2] =	ssyncset.done @!p2 $0x0  }
0xa0: {  	s20 =	sshll.u32 @!p2 s20, $0x7;
	v0 =	vld [tilespmem:$0x1FFA0];
	[sflag:s2] =	ssyncadd.s32 @!p2 $0xFFFFFF80  }
0xa1: {  	v6 =	vld @!p2 [tilespmem:s20+$0x0]  }
0xa2: {  	v7 =	vld @!p2 [tilespmem:s20+$0x10]  }
0xa3: {  	v8 =	vld @!p2 [tilespmem:s20+$0x20]  }
0xa4: {  	v9 =	vld @!p2 [tilespmem:s20+$0x30]  }
0xa5: {  	v10 =	vld @!p2 [tilespmem:s20+$0x40]  }
0xa6: {  	v11 =	vld @!p2 [tilespmem:s20+$0x50];
	v6 =	vadd.s32 @!p2 v0, v6  }
0xa7: {  	[tilespmem:s20+$0x800] =	vst @!p2 v6;
	v6 =	vadd.s32 @!p2 v0, v7;
	v7 =	vld @!p2 [tilespmem:s20+$0x60]  }
0xa8: {  	[tilespmem:s20+$0x810] =	vst @!p2 v6;
	v6 =	vadd.s32 @!p2 v0, v8;
	v8 =	vld @!p2 [tilespmem:s20+$0x70]  }
0xa9: {  	[tilespmem:s20+$0x820] =	vst @!p2 v6;
	v6 =	vadd.s32 @!p2 v0, v9  }
0xaa: {  	[tilespmem:s20+$0x830] =	vst @!p2 v6;
	v6 =	vadd.s32 @!p2 v0, v10  }
0xab: {  	[tilespmem:s20+$0x840] =	vst @!p2 v6;
	v6 =	vadd.s32 @!p2 v0, v11  }
0xac: {  	s2 =	sand.u32 @!p2 $0x3, s19;
	[tilespmem:s20+$0x850] =	vst @!p2 v6;
	v6 =	vadd.s32 @!p2 v0, v7  }
0xad: {  	s19 =	sshll.u32 @!p2 s2, $0xB;
	[tilespmem:s20+$0x860] =	vst @!p2 v6;
	v6 =	vadd.s32 @!p2 v0, v8  }
0xae: {  	s24 =	simm.s32 @!p2 $0x80;
	s22 =	sadd.s32 @!p2 $0x9, s2;
	s21 =	sadd.s32 @!p2 $0xC00, s19;
	[tilespmem:s20+$0x870] =	vst @!p2 v6  }
0xaf: {  	[tilespmem:s21], [sflag:s22] =	stream.indirect.gather @!p2 [hbm4b:s7+s24], $0x10, s20, s24, $0xb8;
	[tilespmem:$0x1A180] =	vst v63  }
0xb0: {  	s23 =	sor.u32 @!p2 $0x400, s20;
	s21 =	sand.u32 $0x3, s31  }
0xb1: {  	s2 =	sshll.u32 @!p2 s2, $0xC;
	s19 =	sadd.s32 @!p2 $0x2C00, s19;
	s26 =	sshll.u32 s21, $0xB  }
0xb2: {  	[tilespmem:s19], [sflag:s22] =	stream.indirect.gather @!p2 [hbm4b:s7+s24], $0x10, s23, s24, $0xb8;
	[tilespmem:$0x1A180] =	vst v63  }
0xb3: {  	s2 =	sor.u32 @!p2 $0x4C00, s2;
	s20 =	sor.u32 @!p2 $0x800, s20;
	s23 =	sadd.s32 $0x2C80, s26  }
0xb4: {  	[tilespmem:s2], [sflag:s22] =	stream.indirect.gather @!p2 [hbm4b:s1+s24], $0x20, s20, s24, $0xb8;
	[tilespmem:$0x1A180] =	vst v63  }
0xb5: {  	s19 =	sadd.s32 $0xC80, s26;
	v6 =	vld [tilespmem:s23+$0x70]  }
0xb6: {  	v7 =	vld [tilespmem:s19+$0x70]  }
0xb7: {  	v8 =	vld [tilespmem:s23+$0xFFFFFF80]  }
0xb8: {  	v9 =	vld [tilespmem:s23+$0xFFFFFF90]  }
0xb9: {  	v10 =	vld [tilespmem:s23+$0xFFFFFFA0]  }
0xba: {  	v11 =	vld [tilespmem:s23+$0xFFFFFFB0]  }
0xbb: {  	v12 =	vld [tilespmem:s23+$0xFFFFFFD0]  }
0xbc: {  	v14 =	vld [tilespmem:s23+$0xFFFFFFE0]  }
0xbd: {  	v15 =	vld [tilespmem:s23+$0xFFFFFFF0]  }
0xbe: {  	v16 =	vld [tilespmem:s23+$0x10]  }
0xbf: {  	v17 =	vld [tilespmem:s23+$0x20]  }
0xc0: {  	v18 =	vld [tilespmem:s23+$0x40]  }
0xc1: {  	v19 =	vld [tilespmem:s23+$0x50]  }
0xc2: {  	v20 =	vld [tilespmem:s23+$0x60]  }
0xc3: {  	v21 =	vld [tilespmem:s19+$0xFFFFFF90]  }
0xc4: {  	v22 =	vld [tilespmem:s19+$0xFFFFFFA0];
	v6 =	vperm.xlane v6, v1  }
0xc5: {  	v23 =	vld [tilespmem:s19+$0xFFFFFFB0];
	v8 =	vperm.xlane v8, v1  }
0xc6: {  	v24 =	vld [tilespmem:s19+$0xFFFFFFC0];
	v9 =	vperm.xlane v9, v1;
	v10 =	vperm.xlane v10, v1;
	v6 =	vadd.f32 v6, v7  }
0xc7: {  	v25 =	vld [tilespmem:s19+$0xFFFFFFD0];
	v11 =	vperm.xlane v11, v1;
	v12 =	vperm.xlane v12, v1  }
0xc8: {  	v27 =	vld [tilespmem:s19+$0xFFFFFFE0];
	v14 =	vperm.xlane v14, v1;
	v13 =	vmul.f32 $2.000000030e-01, v6  }
0xc9: {  	v30 =	vld [tilespmem:s19+$0x10];
	v15 =	vperm.xlane v15, v1;
	v16 =	vperm.xlane v16, v1  }
0xca: {  	v36 =	vld [tilespmem:s19+$0x40];
	v17 =	vperm.xlane v17, v1;
	v18 =	vperm.xlane v18, v1;
	v6 =	vmax.f32 v6, v13  }
0xcb: {  	v7 =	vld [tilespmem:s23+$0xFFFFFFC0];
	v9 =	vadd.f32 v9, v21;
	v10 =	vadd.f32 v10, v22;
	v6 =	vmul.f32 $1.442695020e+00, v6  }
0xcc: {  	v19 =	vperm.xlane v19, v1;
	v21 =	vld [tilespmem:s19+$0xFFFFFFF0];
	v11 =	vadd.f32 v11, v23;
	v12 =	vadd.f32 v12, v25  }
0xcd: {  	v14 =	vadd.f32 v14, v27;
	v27 =	vld [tilespmem:s19+$0x50];
	v29 =	vmul.f32 $2.000000030e-01, v9;
	(erf) = vpow2.f32 v6  }
0xce: {  	v25 =	vld [tilespmem:s19+$0xFFFFFF80];
	v31 =	vmul.f32 $2.000000030e-01, v10;
	v35 =	vmul.f32 $2.000000030e-01, v11  }
0xcf: {  	v20 =	vperm.xlane v20, v1;
	v18 =	vadd.f32 v18, v36;
	v56 =	vmul.f32 $2.000000030e-01, v12;
	v13 =	vld [tilespmem:s23+$0x0]  }
0xd0: {  	v22 =	vld [tilespmem:s19+$0x0];
	v9 =	vmax.f32 v9, v29;
	v10 =	vmax.f32 v10, v31;
	v11 =	vmax.f32 v11, v35  }
0xd1: {  	v12 =	vmax.f32 v12, v56;
	v7 =	vperm.xlane v7, v1;
	v15 =	vadd.f32 v15, v21;
	v21 =	vld [tilespmem:s19+$0x60]  }
0xd2: {  	v19 =	vadd.f32 v19, v27;
	v27 =	vmul.f32 $2.000000030e-01, v18;
	v9 =	vmul.f32 $1.442695020e+00, v9;
	v6 =	vld [tilespmem:s23+$0x30]  }
0xd3: {  	s2 =	simm.s32 $0x1;
	v10 =	vmul.f32 $1.442695020e+00, v10;
	v11 =	vmul.f32 $1.442695020e+00, v11;
	v7 =	vadd.f32 v7, v24  }
0xd4: {  	s2 =	simm.s32 @!p1 $0x0;
	v8 =	vadd.f32 v8, v25;
	v12 =	vmul.f32 $1.442695020e+00, v12;
	v24 =	vld [tilespmem:s19+$0x20];
	v13 =	vperm.xlane v13, v1  }
0xd5: {  	s25 =	sshll.u32 s2, $0xB;
	v16 =	vadd.f32 v16, v30;
	v29 =	vld [tilespmem:s19+$0x30];
	v58 =	vmul.f32 $2.000000030e-01, v19;
	v31 =	vmul.f32 $2.000000030e-01, v7  }
0xd6: {  	s21 =	sshll.u32 s21, $0xC;
	s20 =	sadd.s32 $0x8C80, s25;
	v20 =	vadd.f32 v20, v21;
	v21 =	vmul.f32 $2.000000030e-01, v8;
	v13 =	vadd.f32 v13, v22;
	v26 =	vpop (erf)  }
0xd7: {  	s21 =	sor.u32 $0x4D00, s21;
	v22 =	vmul.f32 $2.000000030e-01, v14;
	v7 =	vmax.f32 v7, v31;
	v6 =	vperm.xlane v6, v1;
	[tilespmem:s20+$0x70] =	vst v26  }
0xd8: {  	v61 =	vmul.f32 $2.000000030e-01, v20;
	v8 =	vmax.f32 v8, v21;
	v7 =	vmul.f32 $1.442695020e+00, v7;
	v28 =	vld [tilespmem:s21+$0xE0]  }
0xd9: {  	v17 =	vadd.f32 v17, v24;
	v30 =	vmul.f32 $2.000000030e-01, v13;
	v8 =	vmul.f32 $1.442695020e+00, v8  }
0xda: {  	v14 =	vmax.f32 v14, v22;
	v6 =	vadd.f32 v6, v29;
	v29 =	vmul.f32 $2.000000030e-01, v16  }
0xdb: {  	v57 =	vmul.f32 $2.000000030e-01, v17;
	v14 =	vmul.f32 $1.442695020e+00, v14  }
0xdc: {  	(erf) = vpow2.f32 v8;
	v8 =	vmax.f32 v13, v30;
	v32 =	vperm.xlane v26, v63  }
0xdd: {  	v25 =	vmul.f32 $2.000000030e-01, v6;
	v34 =	vperm.xlane v26, v48;
	v33 =	vshll.u32 v28, $0x10  }
0xde: {  	s2 =	sshll.u32 s2, $0xD;
	(erf) = vpow2.f32 v9;
	v28 =	vand.u32 $0xFFFF0000, v28;
	v32 =	vmul.f32 v33, v32  }
0xdf: {  	s2 =	sor.u32 $0x9E00, s2;
	v9 =	vmax.f32 v16, v29;
	v8 =	vmul.f32 $1.442695020e+00, v8;
	v28 =	vmul.f32 v28, v34  }
0xe0: {  	(erf) = vpow2.f32 v10;
	v10 =	vmax.f32 v17, v57;
	v9 =	vmul.f32 $1.442695020e+00, v9;
	v5 =	vld [tilespmem:$0x1FFC0];
	[tilespmem:s2+$0x1C0] =	vst v32  }
0xe1: {  	(erf) = vpow2.f32 v11;
	v6 =	vmax.f32 v6, v25;
	v10 =	vmul.f32 $1.442695020e+00, v10;
	[tilespmem:s2+$0x1D0] =	vst v28  }
0xe2: {  	v11 =	vmax.f32 v19, v58;
	(erf) = vpow2.f32 v7;
	v6 =	vmul.f32 $1.442695020e+00, v6;
	v24 =	vld [tilespmem:s21+$0xF0]  }
0xe3: {  	v7 =	vmax.f32 v18, v27;
	v11 =	vmul.f32 $1.442695020e+00, v11;
	v28 =	vmul.f32 $2.000000030e-01, v15;
	v60 =	vld [tilespmem:$0x1FFD0]  }
0xe4: {  	(erf) = vpow2.f32 v12;
	v7 =	vmul.f32 $1.442695020e+00, v7  }
0xe5: {  	v12 =	vmax.f32 v20, v61;
	(erf) = vpow2.f32 v14;
	v15 =	vmax.f32 v15, v28  }
0xe6: {  	v12 =	vmul.f32 $1.442695020e+00, v12;
	v19 =	vpop (erf);
	v13 =	vmul.f32 $1.442695020e+00, v15  }
0xe7: {  	v23 =	vperm.xlane v26, v5;
	v2 =	vperm.xlane v19, v48  }
0xe8: {  	(erf) = vpow2.f32 v13;
	v26 =	vperm.xlane v26, v60;
	v13 =	vshll.u32 v24, $0x10  }
0xe9: {  	(erf) = vpow2.f32 v8;
	v1 =	vmul.f32 v13, v23  }
0xea: {  	v59 =	vand.u32 $0xFFFF0000, v24;
	(erf) = vpow2.f32 v9;
	v9 =	vperm.xlane v19, v63  }
0xeb: {  	v26 =	vmul.f32 v59, v26;
	(erf) = vpow2.f32 v10;
	v10 =	vpop (erf)  }
0xec: {  	(erf) = vpow2.f32 v6;
	v16 =	vperm.xlane v10, v63  }
0xed: {  	[tilespmem:s20+$0xFFFFFF80] =	vst v19;
	v25 =	vpop (erf);
	v3 =	vperm.xlane v10, v48;
	(erf) = vpow2.f32 v7  }
0xee: {  	v6 =	vld [tilespmem:s21+$0xFFFFFF00];
	v24 =	vpop (erf);
	v4 =	vperm.xlane v25, v63;
	v27 =	vperm.xlane v25, v48  }
0xef: {  	[tilespmem:s20+$0xFFFFFF90] =	vst v10;
	(erf) = vpow2.f32 v11;
	v28 =	vperm.xlane v24, v63  }
0xf0: {  	[tilespmem:s2+$0x1E0] =	vst v1;
	v7 =	vld [tilespmem:s21+$0xFFFFFF20];
	v20 =	vpop (erf);
	v29 =	vperm.xlane v24, v48;
	(erf) = vpow2.f32 v12  }
0xf1: {  	[tilespmem:s20+$0xFFFFFFA0] =	vst v25;
	v11 =	vpop (erf);
	v30 =	vperm.xlane v20, v63;
	v32 =	vperm.xlane v20, v48  }
0xf2: {  	[tilespmem:s2+$0x1F0] =	vst v26;
	v31 =	vld [tilespmem:s21+$0xFFFFFF40];
	v12 =	vpop (erf);
	v33 =	vperm.xlane v11, v63;
	v35 =	vperm.xlane v11, v48  }
0xf3: {  	[tilespmem:s20+$0xFFFFFFB0] =	vst v24;
	v62 =	vshll.u32 v6, $0x10;
	v21 =	vpop (erf);
	v36 =	vperm.xlane v12, v63;
	v39 =	vperm.xlane v12, v48  }
0xf4: {  	v37 =	vld [tilespmem:s21+$0xFFFFFF60];
	[tilespmem:s20+$0xFFFFFFC0] =	vst v20;
	v38 =	vand.u32 $0xFFFF0000, v6;
	v40 =	vperm.xlane v21, v63;
	v42 =	vperm.xlane v21, v48  }
0xf5: {  	[tilespmem:s20+$0xFFFFFFD0] =	vst v11;
	v23 =	vpop (erf);
	v41 =	vshll.u32 v7, $0x10;
	v34 =	vmul.f32 v62, v9;
	v2 =	vmul.f32 v38, v2  }
0xf6: {  	v26 =	vld [tilespmem:s21+$0xFFFFFF80];
	[tilespmem:s20+$0xFFFFFFE0] =	vst v12;
	v44 =	vand.u32 $0xFFFF0000, v7;
	v43 =	vperm.xlane v23, v63;
	v45 =	vperm.xlane v23, v48  }
0xf7: {  	[tilespmem:s20+$0xFFFFFFF0] =	vst v21;
	v13 =	vpop (erf);
	v47 =	vshll.u32 v31, $0x10;
	v16 =	vmul.f32 v41, v16;
	v3 =	vmul.f32 v44, v3  }
0xf8: {  	v50 =	vld [tilespmem:s21+$0xFFFFFFA0];
	v31 =	vand.u32 $0xFFFF0000, v31;
	[tilespmem:s20+$0x0] =	vst v23;
	v0 =	vperm.xlane v13, v63;
	v6 =	vperm.xlane v13, v48  }
0xf9: {  	v18 =	vpop (erf);
	v53 =	vshll.u32 v37, $0x10;
	[tilespmem:s20+$0x10] =	vst v13;
	v4 =	vmul.f32 v47, v4;
	v27 =	vmul.f32 v31, v27  }
0xfa: {  	v56 =	vld [tilespmem:s21+$0xFFFFFFC0];
	v37 =	vand.u32 $0xFFFF0000, v37;
	[tilespmem:s2+$0xFFFFFE00] =	vst v34;
	v49 =	vperm.xlane v18, v63;
	v51 =	vperm.xlane v18, v48  }
0xfb: {  	[tilespmem:s2+$0xFFFFFE10] =	vst v2;
	v8 =	vpop (erf);
	v59 =	vshll.u32 v26, $0x10;
	v28 =	vmul.f32 v53, v28;
	v29 =	vmul.f32 v37, v29  }
0xfc: {  	v61 =	vld [tilespmem:s21+$0xFFFFFFE0];
	[tilespmem:s20+$0x20] =	vst v18;
	v26 =	vand.u32 $0xFFFF0000, v26;
	v52 =	vperm.xlane v8, v63;
	v54 =	vperm.xlane v8, v48  }
0xfd: {  	[tilespmem:s2+$0xFFFFFE40] =	vst v16;
	v7 =	vpop (erf);
	v41 =	vshll.u32 v50, $0x10;
	v30 =	vmul.f32 v59, v30;
	v26 =	vmul.f32 v26, v32  }
0xfe: {  	v38 =	vld [tilespmem:s21+$0x0];
	[tilespmem:s2+$0xFFFFFE50] =	vst v3;
	v50 =	vand.u32 $0xFFFF0000, v50;
	v55 =	vperm.xlane v7, v63;
	v57 =	vperm.xlane v7, v48  }
0xff: {  	[tilespmem:s20+$0x30] =	vst v8;
	v17 =	vpop (erf);
	v53 =	vshll.u32 v56, $0x10;
	v33 =	vmul.f32 v41, v33;
	v35 =	vmul.f32 v50, v35  }
0x100: {  	v44 =	vld [tilespmem:s21+$0x20];
	[tilespmem:s2+$0xFFFFFE90] =	vst v27;
	v1 =	vand.u32 $0xFFFF0000, v56;
	v58 =	vperm.xlane v17, v63;
	v46 =	vperm.xlane v17, v48  }
0x101: {  	[tilespmem:s20+$0x40] =	vst v7;
	v9 =	vpop (erf);
	v34 =	vshll.u32 v61, $0x10;
	v36 =	vmul.f32 v53, v36;
	v39 =	vmul.f32 v1, v39  }
0x102: {  	[tilespmem:s20+$0x50] =	vst v17;
	v61 =	vand.u32 $0xFFFF0000, v61;
	v47 =	vperm.xlane v9, v63;
	v48 =	vperm.xlane v9, v48  }
0x103: {  	v31 =	vld [tilespmem:s21+$0x40];
	v41 =	vshll.u32 v38, $0x10;
	v34 =	vmul.f32 v34, v40;
	v27 =	vmul.f32 v61, v42;
	[tilespmem:s2+$0xFFFFFF40] =	vst v33  }
0x104: {  	v38 =	vand.u32 $0xFFFF0000, v38;
	[tilespmem:s2+$0xFFFFFF50] =	vst v35;
	v33 =	vperm.xlane v21, v5;
	v35 =	vperm.xlane v21, v60  }
0x105: {  	v37 =	vld [tilespmem:s21+$0x60];
	[tilespmem:s2+$0xFFFFFF00] =	vst v30;
	v50 =	vshll.u32 v44, $0x10;
	v41 =	vmul.f32 v41, v43;
	v38 =	vmul.f32 v38, v45  }
0x106: {  	v56 =	vld [tilespmem:s21+$0x80];
	v44 =	vand.u32 $0xFFFF0000, v44;
	[tilespmem:s2+$0xFFFFFF90] =	vst v39;
	v39 =	vperm.xlane v12, v60;
	v45 =	vmul.f32 v50, v0  }
0x107: {  	v53 =	vld [tilespmem:s21+$0xFFFFFF10];
	[tilespmem:s2+$0xFFFFFF10] =	vst v26;
	v1 =	vmul.f32 v44, v6;
	v50 =	vperm.xlane v10, v5  }
0x108: {  	v62 =	vld [tilespmem:s21+$0xA0];
	v16 =	vshll.u32 v31, $0x10;
	[tilespmem:s2+$0xFFFFFFD0] =	vst v27;
	v44 =	vperm.xlane v20, v60;
	v27 =	vperm.xlane v23, v5  }
0x109: {  	[tilespmem:s20+$0x60] =	vst v9;
	v40 =	vld [tilespmem:s21+$0xFFFFFF30];
	v31 =	vand.u32 $0xFFFF0000, v31;
	v23 =	vperm.xlane v23, v60;
	v0 =	vmul.f32 v16, v49  }
0x10a: {  	v30 =	vld [tilespmem:s21+$0xFFFFFF90];
	v3 =	vshll.u32 v37, $0x10;
	v6 =	vmul.f32 v31, v51;
	v49 =	vperm.xlane v24, v5;
	[tilespmem:s2+$0x0] =	vst v41  }
0x10b: {  	v2 =	vld [tilespmem:s21+$0xC0];
	v37 =	vand.u32 $0xFFFF0000, v37;
	[tilespmem:s2+$0x10] =	vst v38;
	v41 =	vperm.xlane v11, v5;
	v38 =	vperm.xlane v12, v5  }
0x10c: {  	[tilespmem:s2+$0xFFFFFE80] =	vst v4;
	v4 =	vshll.u32 v56, $0x10;
	v56 =	vand.u32 $0xFFFF0000, v56;
	v15 =	vshll.u32 v53, $0x10  }
0x10d: {  	v14 =	vand.u32 $0xFFFF0000, v53;
	v53 =	vperm.xlane v10, v60;
	v42 =	vshll.u32 v62, $0x10  }
0x10e: {  	[tilespmem:s2+$0xFFFFFEC0] =	vst v28;
	v43 =	vld [tilespmem:s21+$0xFFFFFF50];
	v32 =	vand.u32 $0xFFFF0000, v62;
	v62 =	vmul.f32 v37, v54;
	v22 =	vmul.f32 v4, v55  }
0x10f: {  	[tilespmem:s2+$0xFFFFFED0] =	vst v29;
	v16 =	vshll.u32 v40, $0x10;
	v59 =	vmul.f32 v56, v57;
	v56 =	vperm.xlane v19, v5  }
0x110: {  	v29 =	vld [tilespmem:s21+$0xFFFFFF70];
	[tilespmem:s2+$0xFFFFFFC0] =	vst v34;
	v34 =	vshll.u32 v30, $0x10;
	v54 =	vperm.xlane v25, v60;
	v28 =	vshll.u32 v2, $0x10  }
0x111: {  	v61 =	vand.u32 $0xFFFF0000, v2;
	v2 =	vmul.f32 v3, v52;
	v55 =	vmul.f32 v42, v58  }
0x112: {  	v31 =	vld [tilespmem:s21+$0xFFFFFFB0];
	v3 =	vand.u32 $0xFFFF0000, v40;
	v57 =	vmul.f32 v32, v46;
	v58 =	vperm.xlane v19, v60  }
0x113: {  	[tilespmem:s2+$0xFFFFFF80] =	vst v36;
	v10 =	vld [tilespmem:s21+$0xFFFFFFF0];
	v4 =	vshll.u32 v43, $0x10;
	v46 =	vperm.xlane v20, v5;
	v42 =	vperm.xlane v11, v60  }
0x114: {  	[tilespmem:s2+$0x40] =	vst v45;
	v26 =	vand.u32 $0xFFFF0000, v43;
	v19 =	vld [tilespmem:s21+$0xFFFFFFD0];
	v20 =	vperm.xlane v13, v5;
	v51 =	vmul.f32 v28, v47  }
0x115: {  	[tilespmem:s2+$0x50] =	vst v1;
	v32 =	vshll.u32 v29, $0x10;
	v52 =	vmul.f32 v61, v48;
	v47 =	vperm.xlane v24, v60;
	v24 =	vld [tilespmem:s21+$0x10]  }
0x116: {  	[tilespmem:s2+$0x80] =	vst v0;
	v1 =	vmovc v60;
	v28 =	vand.u32 $0xFFFF0000, v29;
	v48 =	vperm.xlane v25, v5;
	v29 =	vand.u32 $0xFFFF0000, v30  }
0x117: {  	[tilespmem:s2+$0x90] =	vst v6;
	v21 =	vperm.xlane v13, v1;
	v30 =	vshll.u32 v31, $0x10;
	v31 =	vand.u32 $0xFFFF0000, v31  }
0x118: {  	s26 =	sshll.u32 s0, $0xB;
	v11 =	vld [tilespmem:s21+$0x30];
	[tilespmem:s2+$0xD0] =	vst v62;
	v40 =	vshll.u32 v10, $0x10;
	v43 =	vand.u32 $0xFFFF0000, v10;
	v10 =	vperm.xlane v8, v5  }
0x119: {  	s22 =	sadd.s32 $0x8C00, s26;
	s26 =	sadd.s32 $0x100, s23;
	v60 =	vld [tilespmem:s21+$0x50];
	[tilespmem:s2+$0xC0] =	vst v2;
	v36 =	vshll.u32 v19, $0x10;
	v37 =	vand.u32 $0xFFFF0000, v19;
	v19 =	vperm.xlane v18, v5  }
0x11a: {  	s24 =	smov.u32 s21;
	s25 =	simm.s32 $0x0;
	s23 =	smov.u32 s2;
	v13 =	vmovc v5;
	[tilespmem:s2+$0x100] =	vst v22;
	v25 =	vld [tilespmem:s21+$0x70];
	v18 =	vperm.xlane v18, v1;
	v45 =	vshll.u32 v24, $0x10;
	v24 =	vand.u32 $0xFFFF0000, v24  }
.LBB2_3:
0x11b: {  	v1 =	vld [tilespmem:$0x1FFD0];
	_ =	sdelay $0x4  }
0x11c: {  	v12 =	vperm.xlane v8, v1;
	v1 =	vld [tilespmem:$0x1FFD0]  }
0x11d: {  	v2 =	vld [tilespmem:$0x1FFD0];
	_ =	sdelay $0x2  }
0x11e: {  	v61 =	vshll.u32 v11, $0x10  }
0x11f: {  	v6 =	vld [tilespmem:$0x1FFD0];
	v5 =	vand.u32 $0xFFFF0000, v11;
	v8 =	vperm.xlane v7, v13;
	v11 =	vperm.xlane v7, v1  }
0x120: {  	v7 =	vperm.xlane v17, v13;
	v13 =	vperm.xlane v17, v2;
	v2 =	vld [tilespmem:$0x1FFC0];
	_ =	sdelay $0x3  }
0x121: {  	v0 =	vld [tilespmem:s26+$0x70]  }
0x122: {  	v2 =	vperm.xlane v9, v2;
	v9 =	vperm.xlane v9, v6;
	v6 =	vld [tilespmem:$0x1FFE0]  }
0x123: {  	s19 =	sadd.s32 $0x100, s19  }
0x124: {  	[tilespmem:s2+$0x140] =	vst v55;
	v55 =	vld [tilespmem:s19+$0x70]  }
0x125: {  	[tilespmem:s2+$0x150] =	vst v57;
	v57 =	vld [tilespmem:s26+$0xFFFFFF90]  }
0x126: {  	v62 =	vld [tilespmem:s26+$0xFFFFFFA0]  }
0x127: {  	v56 =	vmul.f32 v15, v56;
	[tilespmem:s2+$0x190] =	vst v52;
	v52 =	vld [tilespmem:s26+$0xFFFFFFC0];
	v0 =	vperm.xlane v0, v6  }
0x128: {  	v26 =	vmul.f32 v26, v54;
	v54 =	vld [tilespmem:s26+$0x10];
	[tilespmem:s2+$0x110] =	vst v59;
	v17 =	vmul.f32 v3, v53  }
0x129: {  	v58 =	vmul.f32 v14, v58;
	v59 =	vld [tilespmem:s26+$0xFFFFFF80];
	[tilespmem:s2+$0xFFFFFE20] =	vst v56;
	v0 =	vadd.f32 v0, v55  }
0x12a: {  	v56 =	vld [tilespmem:s26+$0xFFFFFFD0];
	[tilespmem:s2+$0xFFFFFE70] =	vst v17;
	v17 =	vmul.f32 v32, v49  }
0x12b: {  	[tilespmem:s2+$0xFFFFFE30] =	vst v58;
	v58 =	vld [tilespmem:s26+$0xFFFFFFE0];
	v32 =	vperm.xlane v62, v6;
	v62 =	vmul.f32 $2.000000030e-01, v0  }
0x12c: {  	[tilespmem:s2+$0xFFFFFEB0] =	vst v26;
	v26 =	vmul.f32 v28, v47;
	v15 =	vshll.u32 v25, $0x10;
	v14 =	vand.u32 $0xFFFF0000, v25;
	v25 =	vld [tilespmem:s26+$0xFFFFFFB0]  }
0x12d: {  	[tilespmem:s2+$0x180] =	vst v51;
	v50 =	vmul.f32 v16, v50;
	v22 =	vmul.f32 v4, v48;
	v3 =	vld [tilespmem:$0x1FFF0];
	v0 =	vmax.f32 v0, v62  }
0x12e: {  	[tilespmem:s2+$0xFFFFFEF0] =	vst v26;
	v1 =	vshll.u32 v60, $0x10;
	v16 =	vperm.xlane v59, v6;
	v59 =	vld [tilespmem:s26+$0xFFFFFFF0];
	v0 =	vmul.f32 $1.442695020e+00, v0  }
0x12f: {  	v19 =	vmul.f32 v1, v19;
	v1 =	vld [tilespmem:$0x1FFC0];
	[tilespmem:s2+$0xFFFFFEE0] =	vst v17;
	v17 =	vmul.f32 v34, v46  }
0x130: {  	[tilespmem:s2+$0xFFFFFEA0] =	vst v22;
	v47 =	vld [tilespmem:s19+$0xFFFFFFB0];
	(erf) = vpow2.f32 v0  }
0x131: {  	[tilespmem:s2+$0xFFFFFF20] =	vst v17;
	v17 =	vmul.f32 v29, v44;
	v22 =	vperm.xlane v25, v6;
	v25 =	vld [tilespmem:s26+$0x0]  }
0x132: {  	v31 =	vmul.f32 v31, v42;
	[tilespmem:s2+$0xFFFFFE60] =	vst v50;
	v34 =	vperm.xlane v56, v6;
	v56 =	vld [tilespmem:s26+$0x30]  }
0x133: {  	[tilespmem:s2+$0xFFFFFF30] =	vst v17;
	v17 =	vmul.f32 v30, v41;
	v29 =	vperm.xlane v59, v6;
	v59 =	vld [tilespmem:s19+$0xFFFFFF90]  }
0x134: {  	[tilespmem:s2+$0xFFFFFF70] =	vst v31;
	v31 =	vmul.f32 v37, v39;
	v62 =	vld [tilespmem:s19+$0xFFFFFFA0]  }
0x135: {  	v48 =	vperm.xlane v57, v6;
	v57 =	vld [tilespmem:s26+$0x40];
	[tilespmem:s2+$0xFFFFFF60] =	vst v17;
	v17 =	vmul.f32 v36, v38  }
0x136: {  	[tilespmem:s2+$0xFFFFFFB0] =	vst v31;
	v31 =	vmul.f32 v43, v35;
	v55 =	vld [tilespmem:s26+$0x20]  }
0x137: {  	v26 =	vperm.xlane v58, v6;
	v58 =	vld [tilespmem:s26+$0x60];
	[tilespmem:s2+$0xFFFFFFA0] =	vst v17;
	v17 =	vmul.f32 v40, v33  }
0x138: {  	v23 =	vmul.f32 v24, v23;
	[tilespmem:s2+$0xFFFFFFF0] =	vst v31;
	v50 =	vld [tilespmem:s19+$0xFFFFFFD0]  }
0x139: {  	s20 =	sadd.s32 $0x100, s20;
	v51 =	vld [tilespmem:s19+$0xFFFFFFE0];
	[tilespmem:s2+$0xFFFFFFE0] =	vst v17;
	v17 =	vmul.f32 v45, v27;
	v27 =	vadd.f32 v48, v59;
	v24 =	vadd.f32 v32, v62;
	v32 =	vpop (erf)  }
0x13a: {  	s21 =	sadd.s32 $0x200, s21;
	v28 =	vperm.xlane v52, v6;
	v31 =	vld [tilespmem:s19+$0xFFFFFFF0];
	[tilespmem:s20+$0x70] =	vst v32  }
0x13b: {  	v22 =	vadd.f32 v22, v47;
	[tilespmem:s2+$0x20] =	vst v17;
	v46 =	vperm.xlane v55, v6;
	v52 =	vmul.f32 $2.000000030e-01, v27;
	v55 =	vld [tilespmem:s21+$0xE0]  }
0x13c: {  	v20 =	vmul.f32 v61, v20;
	v21 =	vmul.f32 v5, v21;
	v60 =	vand.u32 $0xFFFF0000, v60;
	v53 =	vld [tilespmem:s19+$0x0]  }
0x13d: {  	v18 =	vmul.f32 v60, v18;
	[tilespmem:s2+$0x30] =	vst v23;
	v48 =	vld [tilespmem:s19+$0xFFFFFF80];
	v23 =	vmax.f32 v27, v52;
	v27 =	vmul.f32 $2.000000030e-01, v22  }
0x13e: {  	v38 =	vperm.xlane v56, v6;
	v39 =	vperm.xlane v57, v6;
	v56 =	vld [tilespmem:s19+$0x10]  }
0x13f: {  	v40 =	vperm.xlane v58, v6;
	v57 =	vld [tilespmem:s19+$0x20];
	[tilespmem:s2+$0x70] =	vst v21;
	v21 =	vmax.f32 v22, v27;
	v58 =	vperm.xlane v32, v63  }
0x140: {  	[tilespmem:s2+$0x60] =	vst v20;
	v27 =	vadd.f32 v29, v31;
	v29 =	vld [tilespmem:s19+$0x30];
	v61 =	vperm.xlane v32, v3;
	v60 =	vshll.u32 v55, $0x10  }
0x141: {  	[tilespmem:s2+$0xA0] =	vst v19;
	v31 =	vld [tilespmem:s19+$0x40];
	v33 =	vand.u32 $0xFFFF0000, v55;
	v37 =	vmul.f32 v60, v58  }
0x142: {  	v30 =	vperm.xlane v54, v6;
	[tilespmem:s2+$0xB0] =	vst v18;
	s2 =	sadd.s32 $0x400, s2;
	v16 =	vadd.f32 v16, v48;
	v33 =	vmul.f32 v33, v61  }
0x143: {  	v34 =	vadd.f32 v34, v50;
	v26 =	vadd.f32 v26, v51;
	v0 =	vperm.xlane v25, v6;
	[tilespmem:s2+$0x1C0] =	vst v37  }
0x144: {  	v36 =	vadd.f32 v46, v57;
	v57 =	vmul.f32 $2.000000030e-01, v16;
	v17 =	vperm.xlane v32, v1;
	v1 =	vld [tilespmem:$0x1FFD0];
	[tilespmem:s2+$0x1D0] =	vst v33  }
0x145: {  	v19 =	vmul.f32 $2.000000030e-01, v26;
	v0 =	vadd.f32 v0, v53;
	v29 =	vadd.f32 v38, v29;
	v53 =	vld [tilespmem:s21+$0xF0]  }
0x146: {  	v18 =	vmul.f32 $2.000000030e-01, v27;
	v16 =	vmax.f32 v16, v57;
	v31 =	vadd.f32 v39, v31  }
0x147: {  	v19 =	vmax.f32 v26, v19;
	v16 =	vmul.f32 $1.442695020e+00, v16;
	v26 =	vmul.f32 $2.000000030e-01, v29  }
0x148: {  	v50 =	vld [tilespmem:s24+$0x90];
	v54 =	vmul.f32 $2.000000030e-01, v24;
	v18 =	vmax.f32 v27, v18;
	v27 =	vmul.f32 $2.000000030e-01, v31  }
0x149: {  	(erf) = vpow2.f32 v16;
	v26 =	vmax.f32 v29, v26;
	v29 =	vperm.xlane v32, v1  }
0x14a: {  	v27 =	vmax.f32 v31, v27;
	v31 =	vand.u32 $0xFFFF0000, v53  }
0x14b: {  	v20 =	vmax.f32 v24, v54;
	v54 =	vld [tilespmem:s24+$0xD0];
	v29 =	vmul.f32 v31, v29  }
0x14c: {  	v10 =	vmul.f32 v15, v10;
	v25 =	vld [tilespmem:s26+$0x50];
	v23 =	vmul.f32 $1.442695020e+00, v23  }
0x14d: {  	v49 =	vld [tilespmem:s19+$0xFFFFFFC0];
	[tilespmem:s2+$0x1F0] =	vst v29;
	v29 =	vand.u32 $0xFFFF0000, v50  }
0x14e: {  	v59 =	vld [tilespmem:s19+$0x50];
	[tilespmem:s23+$0xE0] =	vst v10;
	(erf) = vpow2.f32 v23;
	v10 =	vmul.f32 v29, v11  }
0x14f: {  	v62 =	vld [tilespmem:s19+$0x60]  }
0x150: {  	v52 =	vld [tilespmem:s24+$0xB0];
	v60 =	vshll.u32 v54, $0x10  }
0x151: {  	v25 =	vperm.xlane v25, v6;
	v6 =	vmul.f32 v60, v2  }
0x152: {  	v12 =	vmul.f32 v14, v12;
	v28 =	vadd.f32 v28, v49;
	v51 =	vmul.f32 $2.000000030e-01, v36;
	[tilespmem:s23+$0x130] =	vst v10;
	v10 =	vpop (erf)  }
0x153: {  	v19 =	vmul.f32 $1.442695020e+00, v19;
	[tilespmem:s23+$0x1A0] =	vst v6;
	v1 =	vperm.xlane v10, v3  }
0x154: {  	v49 =	vmul.f32 $2.000000030e-01, v0;
	v24 =	vmul.f32 $2.000000030e-01, v28;
	[tilespmem:s20+$0xFFFFFF80] =	vst v10  }
0x155: {  	v25 =	vadd.f32 v25, v59;
	v35 =	vadd.f32 v40, v62;
	v59 =	vshll.u32 v52, $0x10;
	v6 =	vld [tilespmem:s21+$0xFFFFFF00];
	[tilespmem:$0x1FEF0] =	vst v1  }
0x156: {  	v20 =	vmul.f32 $1.442695020e+00, v20;
	v7 =	vmul.f32 v59, v7;
	v40 =	vld [tilespmem:$0x1FEF0]  }
0x157: {  	v30 =	vadd.f32 v30, v56;
	v22 =	vmul.f32 $2.000000030e-01, v34;
	v56 =	vmul.f32 $2.000000030e-01, v35;
	v11 =	vpop (erf)  }
0x158: {  	[tilespmem:s23+$0x160] =	vst v7;
	(erf) = vpow2.f32 v20;
	v1 =	vperm.xlane v11, v63  }
0x159: {  	v0 =	vmax.f32 v0, v49;
	v24 =	vmax.f32 v28, v24;
	v28 =	vmul.f32 $2.000000030e-01, v30;
	[tilespmem:s20+$0xFFFFFF90] =	vst v11  }
0x15a: {  	v21 =	vmul.f32 $1.442695020e+00, v21;
	v58 =	vmax.f32 v35, v56;
	v7 =	vld [tilespmem:s21+$0xFFFFFF20];
	[tilespmem:$0x1FF00] =	vst v1;
	v35 =	vand.u32 $0xFFFF0000, v6  }
0x15b: {  	v0 =	vmul.f32 $1.442695020e+00, v0;
	v22 =	vmax.f32 v34, v22;
	v35 =	vmul.f32 v35, v40;
	v40 =	vld [tilespmem:$0x1FF00]  }
0x15c: {  	v24 =	vmul.f32 $1.442695020e+00, v24;
	v28 =	vmax.f32 v30, v28;
	v22 =	vmul.f32 $1.442695020e+00, v22  }
0x15d: {  	v30 =	vmax.f32 v36, v51;
	v28 =	vmul.f32 $1.442695020e+00, v28;
	v1 =	vperm.xlane v11, v3  }
0x15e: {  	v30 =	vmul.f32 $1.442695020e+00, v30;
	v18 =	vmul.f32 $1.442695020e+00, v18  }
0x15f: {  	v55 =	vmul.f32 $2.000000030e-01, v25;
	(erf) = vpow2.f32 v21;
	[tilespmem:$0x1FF10] =	vst v1;
	v39 =	vshll.u32 v7, $0x10  }
0x160: {  	(erf) = vpow2.f32 v24;
	v39 =	vmul.f32 v39, v40;
	v40 =	vld [tilespmem:$0x1FF10]  }
0x161: {  	[tilespmem:s23+$0xF0] =	vst v12;
	(erf) = vpow2.f32 v22;
	v48 =	vperm.xlane v10, v63;
	v12 =	vpop (erf)  }
0x162: {  	(erf) = vpow2.f32 v19;
	v1 =	vperm.xlane v12, v63;
	v36 =	vshll.u32 v6, $0x10  }
0x163: {  	v61 =	vand.u32 $0xFFFF0000, v54;
	(erf) = vpow2.f32 v18;
	[tilespmem:s20+$0xFFFFFFA0] =	vst v12;
	v36 =	vmul.f32 v36, v48  }
0x164: {  	(erf) = vpow2.f32 v0;
	v0 =	vmul.f32 v61, v9;
	v9 =	vld [tilespmem:s21+$0xFFFFFF40];
	v43 =	vand.u32 $0xFFFF0000, v7;
	[tilespmem:$0x1FF20] =	vst v1  }
0x165: {  	v26 =	vmul.f32 $1.442695020e+00, v26;
	v31 =	vshll.u32 v50, $0x10;
	[tilespmem:s2+$0xFFFFFE00] =	vst v36;
	v36 =	vmul.f32 v43, v40;
	v40 =	vld [tilespmem:$0x1FF20]  }
0x166: {  	v27 =	vmul.f32 $1.442695020e+00, v27;
	v25 =	vmax.f32 v25, v55;
	v8 =	vmul.f32 v31, v8  }
0x167: {  	v25 =	vmul.f32 $1.442695020e+00, v25;
	v62 =	vshll.u32 v53, $0x10;
	v1 =	vperm.xlane v12, v3  }
0x168: {  	v33 =	vand.u32 $0xFFFF0000, v52;
	v16 =	vmul.f32 v62, v17;
	[tilespmem:s23+$0x120] =	vst v8;
	(erf) = vpow2.f32 v28  }
0x169: {  	v8 =	vmul.f32 v33, v13;
	(erf) = vpow2.f32 v30;
	v47 =	vshll.u32 v9, $0x10;
	[tilespmem:$0x1FF30] =	vst v1  }
0x16a: {  	[tilespmem:s2+$0x1E0] =	vst v16;
	(erf) = vpow2.f32 v26;
	v43 =	vmul.f32 v47, v40;
	v47 =	vld [tilespmem:$0x1FF30]  }
0x16b: {  	v32 =	vmul.f32 $1.442695020e+00, v58;
	[tilespmem:s23+$0x170] =	vst v8;
	v13 =	vpop (erf);
	(erf) = vpow2.f32 v27  }
0x16c: {  	[tilespmem:s20+$0xFFFFFFB0] =	vst v13;
	v18 =	vpop (erf);
	(erf) = vpow2.f32 v25;
	v1 =	vperm.xlane v13, v63  }
0x16d: {  	[tilespmem:s20+$0xFFFFFFC0] =	vst v18;
	v19 =	vpop (erf);
	(erf) = vpow2.f32 v32  }
0x16e: {  	v27 =	vld [tilespmem:s21+$0xFFFFFF60];
	v20 =	vpop (erf);
	v51 =	vand.u32 $0xFFFF0000, v9;
	[tilespmem:$0x1FF40] =	vst v1  }
0x16f: {  	v21 =	vpop (erf);
	[tilespmem:s2+$0xFFFFFE10] =	vst v35;
	v35 =	vmul.f32 v51, v47;
	v51 =	vld [tilespmem:$0x1FF40]  }
0x170: {  	[tilespmem:s20+$0xFFFFFFD0] =	vst v19;
	v23 =	vpop (erf)  }
0x171: {  	v30 =	vld [tilespmem:s21+$0xFFFFFF80];
	[tilespmem:s20+$0xFFFFFFE0] =	vst v20;
	v24 =	vpop (erf);
	v1 =	vperm.xlane v13, v3  }
0x172: {  	v34 =	vld [tilespmem:s21+$0xFFFFFFA0];
	[tilespmem:s20+$0xFFFFFFF0] =	vst v21;
	v25 =	vpop (erf)  }
0x173: {  	v38 =	vld [tilespmem:s21+$0xFFFFFFC0];
	v55 =	vshll.u32 v27, $0x10;
	v8 =	vpop (erf);
	[tilespmem:$0x1FF50] =	vst v1  }
0x174: {  	[tilespmem:s20+$0x0] =	vst v23;
	v7 =	vpop (erf);
	v47 =	vmul.f32 v55, v51;
	v55 =	vld [tilespmem:$0x1FF50]  }
0x175: {  	v44 =	vperm.xlane v20, v3;
	v45 =	vperm.xlane v21, v63;
	v42 =	vld [tilespmem:s21+$0xFFFFFFE0];
	[tilespmem:s20+$0x10] =	vst v24;
	v17 =	vpop (erf)  }
0x176: {  	v22 =	vperm.xlane v21, v3;
	v46 =	vld [tilespmem:s21+$0x0];
	[tilespmem:s20+$0x20] =	vst v25;
	v9 =	vpop (erf);
	v1 =	vperm.xlane v18, v63  }
0x177: {  	v52 =	vperm.xlane v23, v3;
	v53 =	vperm.xlane v24, v63;
	v54 =	vld [tilespmem:s21+$0x40];
	[tilespmem:s20+$0x60] =	vst v9  }
0x178: {  	v56 =	vperm.xlane v24, v3;
	v27 =	vand.u32 $0xFFFF0000, v27;
	v5 =	vld [tilespmem:s21+$0xC0];
	[tilespmem:$0x1FF60] =	vst v1;
	v1 =	vperm.xlane v18, v3  }
0x179: {  	v57 =	vperm.xlane v25, v63;
	v62 =	vshll.u32 v30, $0x10;
	[tilespmem:s20+$0x50] =	vst v17;
	v27 =	vmul.f32 v27, v55;
	v55 =	vld [tilespmem:$0x1FF60]  }
0x17a: {  	v16 =	vand.u32 $0xFFFF0000, v34;
	v28 =	vperm.xlane v17, v3;
	v2 =	vld [tilespmem:s21+$0xA0];
	[tilespmem:$0x1FF70] =	vst v1;
	v1 =	vperm.xlane v19, v63  }
0x17b: {  	v6 =	vshll.u32 v42, $0x10;
	v31 =	vperm.xlane v9, v3;
	[tilespmem:s23+$0x1B0] =	vst v0;
	v0 =	vshll.u32 v34, $0x10  }
0x17c: {  	v34 =	vshll.u32 v38, $0x10;
	v38 =	vand.u32 $0xFFFF0000, v38;
	[tilespmem:$0x1FF80] =	vst v1;
	v1 =	vperm.xlane v19, v3  }
0x17d: {  	v50 =	vld [tilespmem:s21+$0x20];
	[tilespmem:s2+$0xFFFFFE40] =	vst v39;
	v4 =	vshll.u32 v54, $0x10;
	v48 =	vshll.u32 v5, $0x10;
	v5 =	vand.u32 $0xFFFF0000, v5  }
0x17e: {  	[tilespmem:$0x1FF90] =	vst v1;
	v1 =	vshll.u32 v46, $0x10;
	v46 =	vand.u32 $0xFFFF0000, v46;
	v39 =	vmul.f32 v62, v55;
	v62 =	vld [tilespmem:$0x1FF70]  }
0x17f: {  	v15 =	vshll.u32 v2, $0x10;
	[tilespmem:s2+$0xFFFFFED0] =	vst v27;
	v27 =	vmul.f32 v46, v52;
	v52 =	vmul.f32 v5, v31;
	v5 =	vld [tilespmem:$0x1FFD0]  }
0x180: {  	v2 =	vand.u32 $0xFFFF0000, v2;
	v40 =	vld [tilespmem:$0x1FF80];
	[tilespmem:s2+$0xFFFFFE90] =	vst v35;
	v35 =	vmul.f32 v38, v44;
	v38 =	vmul.f32 v6, v45  }
0x181: {  	v45 =	vmul.f32 v4, v57;
	v57 =	vmul.f32 v2, v28;
	v2 =	vld [tilespmem:$0x1FFC0]  }
0x182: {  	v59 =	vperm.xlane v25, v3;
	v30 =	vand.u32 $0xFFFF0000, v30;
	v33 =	vperm.xlane v8, v3;
	v51 =	vld [tilespmem:s21+$0xFFFFFF10]  }
0x183: {  	v26 =	vperm.xlane v7, v3;
	v3 =	vshll.u32 v50, $0x10;
	v30 =	vmul.f32 v30, v62;
	v62 =	vld [tilespmem:$0x1FF90]  }
0x184: {  	[tilespmem:s2+$0xFFFFFE80] =	vst v43;
	v43 =	vmul.f32 v3, v53;
	v53 =	vperm.xlane v11, v5;
	v5 =	vld [tilespmem:$0x1FFC0]  }
0x185: {  	v41 =	vperm.xlane v20, v63;
	v49 =	vperm.xlane v23, v63;
	v42 =	vand.u32 $0xFFFF0000, v42  }
0x186: {  	[tilespmem:s20+$0x30] =	vst v8;
	v29 =	vperm.xlane v9, v63;
	v42 =	vmul.f32 v42, v22;
	v50 =	vand.u32 $0xFFFF0000, v50  }
0x187: {  	v58 =	vld [tilespmem:s21+$0x60];
	v0 =	vmul.f32 v0, v40;
	[tilespmem:s2+$0xFFFFFF00] =	vst v39;
	v39 =	vmul.f32 v50, v56  }
0x188: {  	v22 =	vshll.u32 v51, $0x10;
	v56 =	vperm.xlane v10, v2;
	v2 =	vld [tilespmem:$0x1FFD0];
	v40 =	vmul.f32 v16, v62  }
0x189: {  	[tilespmem:s20+$0x40] =	vst v7;
	v62 =	vand.u32 $0xFFFF0000, v51;
	v51 =	vmul.f32 v48, v29;
	v48 =	vperm.xlane v12, v5;
	v5 =	vld [tilespmem:$0x1FFD0]  }
0x18a: {  	v60 =	vperm.xlane v8, v63;
	v61 =	vld [tilespmem:s21+$0x80];
	v34 =	vmul.f32 v34, v41  }
0x18b: {  	v37 =	vperm.xlane v7, v63;
	v32 =	vperm.xlane v17, v63;
	v41 =	vld [tilespmem:s21+$0xFFFFFF50];
	[tilespmem:s2+$0xFFFFFEC0] =	vst v47  }
0x18c: {  	v63 =	vshll.u32 v58, $0x10;
	v58 =	vand.u32 $0xFFFF0000, v58;
	[tilespmem:s2+$0xFFFFFF80] =	vst v34;
	v1 =	vmul.f32 v1, v49;
	v44 =	vld [tilespmem:s21+$0xFFFFFF70]  }
0x18d: {  	v54 =	vand.u32 $0xFFFF0000, v54;
	[tilespmem:s2+$0xFFFFFF40] =	vst v0;
	v0 =	vmul.f32 v58, v33;
	v58 =	vperm.xlane v10, v2;
	v2 =	vld [tilespmem:$0x1FFC0]  }
0x18e: {  	[tilespmem:s2+$0xFFFFFE50] =	vst v36;
	v6 =	vmul.f32 v54, v59;
	v54 =	vperm.xlane v12, v5;
	v12 =	vld [tilespmem:$0x1FFD0]  }
0x18f: {  	[tilespmem:s2+$0x0] =	vst v1;
	v5 =	vld [tilespmem:$0x1FFC0]  }
0x190: {  	[tilespmem:s2+$0x10] =	vst v27;
	v55 =	vld [tilespmem:s21+$0xFFFFFF30]  }
0x191: {  	v14 =	vshll.u32 v61, $0x10;
	v1 =	vld [tilespmem:s21+$0x10];
	[tilespmem:s2+$0xFFFFFF10] =	vst v30  }
0x192: {  	v61 =	vand.u32 $0xFFFF0000, v61;
	v63 =	vmul.f32 v63, v60;
	v14 =	vmul.f32 v14, v37;
	[tilespmem:s2+$0xFFFFFF90] =	vst v35;
	v30 =	vld [tilespmem:s21+$0xFFFFFF90]  }
0x193: {  	[tilespmem:s2+$0xFFFFFFD0] =	vst v42;
	v59 =	vmul.f32 v61, v26;
	v4 =	vshll.u32 v41, $0x10;
	v50 =	vperm.xlane v11, v2;
	v2 =	vld [tilespmem:s21+$0xFFFFFFD0]  }
0x194: {  	v26 =	vand.u32 $0xFFFF0000, v41;
	[tilespmem:s2+$0xFFFFFF50] =	vst v40;
	v49 =	vperm.xlane v13, v5;
	v47 =	vperm.xlane v13, v12;
	v13 =	vld [tilespmem:$0x1FFC0]  }
0x195: {  	[tilespmem:s2+$0xFFFFFFC0] =	vst v38;
	v3 =	vand.u32 $0xFFFF0000, v55;
	v16 =	vshll.u32 v55, $0x10;
	v55 =	vmul.f32 v15, v32;
	v15 =	vld [tilespmem:s21+$0xFFFFFFB0]  }
0x196: {  	[tilespmem:s2+$0x80] =	vst v45;
	v28 =	vand.u32 $0xFFFF0000, v44;
	v45 =	vshll.u32 v1, $0x10;
	v32 =	vshll.u32 v44, $0x10  }
0x197: {  	v34 =	vshll.u32 v30, $0x10;
	v29 =	vand.u32 $0xFFFF0000, v30;
	v5 =	vld [tilespmem:s21+$0xFFFFFFF0];
	v44 =	vperm.xlane v18, v12  }
0x198: {  	s25 =	sadd.s32 $0x10, s25;
	[tilespmem:s2+$0x50] =	vst v39;
	v36 =	vshll.u32 v2, $0x10;
	v42 =	vperm.xlane v19, v12;
	v39 =	vperm.xlane v20, v12  }
0x199: {  	p2 =	slt.u32 s25, $0x70;
	[tilespmem:s2+$0xC0] =	vst v63;
	v37 =	vand.u32 $0xFFFF0000, v2;
	v35 =	vperm.xlane v21, v12;
	v46 =	vperm.xlane v18, v13  }
.Ltmp0:
0x19a: {  	[tilespmem:s2+$0x100] =	vst v14;
	v30 =	vshll.u32 v15, $0x10;
	v41 =	vperm.xlane v19, v13;
	v38 =	vperm.xlane v20, v13;
	(pc) =	sbr.rel @p2 .LBB2_3-.Ltmp0, $4  }
0x19b: {  	v63 =	vld [tilespmem:$0x1FFB0];
	[tilespmem:s2+$0x90] =	vst v6;
	v31 =	vand.u32 $0xFFFF0000, v15;
	v33 =	vperm.xlane v21, v13;
	v27 =	vperm.xlane v23, v13  }
0x19c: {  	[tilespmem:s2+$0x40] =	vst v43;
	v60 =	vld [tilespmem:s21+$0x50];
	v40 =	vshll.u32 v5, $0x10;
	v23 =	vperm.xlane v23, v12;
	v20 =	vperm.xlane v24, v13  }
0x19d: {  	[tilespmem:s2+$0xD0] =	vst v0;
	v11 =	vld [tilespmem:s21+$0x30];
	v43 =	vand.u32 $0xFFFF0000, v5;
	v21 =	vperm.xlane v24, v12;
	v19 =	vperm.xlane v25, v13  }
0x19e: {  	s26 =	sadd.s32 $0x100, s26;
	s24 =	smov.u32 s21;
	s23 =	smov.u32 s2;
	v14 =	vmovc v62;
	v15 =	vmovc v22;
	v24 =	vand.u32 $0xFFFF0000, v1;
	v18 =	vperm.xlane v25, v12;
	v25 =	vld [tilespmem:s21+$0x70];
	v10 =	vperm.xlane v8, v13  }
0x19f: {  	[tilespmem:s2+$0x110] =	vst v59  }
0x1a0: {  	[tilespmem:s2+$0x140] =	vst v55  }
0x1a1: {  	[tilespmem:s2+$0x150] =	vst v57  }
0x1a2: {  	v0 =	vmul.f32 v15, v56;
	[tilespmem:s2+$0x180] =	vst v51  }
0x1a3: {  	v1 =	vmul.f32 v14, v58;
	[tilespmem:s2+$0x190] =	vst v52  }
0x1a4: {  	v2 =	vmul.f32 v26, v54;
	[tilespmem:s2+$0xFFFFFE20] =	vst v0  }
0x1a5: {  	v0 =	vmul.f32 v16, v50;
	[tilespmem:s2+$0xFFFFFE30] =	vst v1  }
0x1a6: {  	v1 =	vmul.f32 v3, v53;
	[tilespmem:s2+$0xFFFFFEB0] =	vst v2  }
0x1a7: {  	[tilespmem:s2+$0xFFFFFE60] =	vst v0;
	v0 =	vmul.f32 v4, v48  }
0x1a8: {  	[tilespmem:s2+$0xFFFFFE70] =	vst v1;
	v1 =	vmul.f32 v32, v49  }
0x1a9: {  	[tilespmem:s2+$0xFFFFFEA0] =	vst v0;
	v0 =	vmul.f32 v28, v47  }
0x1aa: {  	[tilespmem:s2+$0xFFFFFEE0] =	vst v1;
	v1 =	vmul.f32 v34, v46  }
0x1ab: {  	[tilespmem:s2+$0xFFFFFEF0] =	vst v0;
	v0 =	vmul.f32 v29, v44  }
0x1ac: {  	[tilespmem:s2+$0xFFFFFF20] =	vst v1;
	v1 =	vmul.f32 v30, v41  }
0x1ad: {  	[tilespmem:s2+$0xFFFFFF30] =	vst v0;
	v0 =	vmul.f32 v31, v42  }
0x1ae: {  	[tilespmem:s2+$0xFFFFFF60] =	vst v1;
	v1 =	vmul.f32 v36, v38  }
0x1af: {  	[tilespmem:s2+$0xFFFFFF70] =	vst v0;
	v0 =	vmul.f32 v37, v39  }
0x1b0: {  	[tilespmem:s2+$0xFFFFFFA0] =	vst v1;
	v1 =	vmul.f32 v40, v33  }
0x1b1: {  	[tilespmem:s2+$0xFFFFFFB0] =	vst v0;
	v0 =	vmul.f32 v43, v35  }
0x1b2: {  	v2 =	vshll.u32 v11, $0x10;
	[tilespmem:s2+$0xFFFFFFE0] =	vst v1;
	v1 =	vmul.f32 v45, v27  }
0x1b3: {  	v2 =	vmul.f32 v2, v20;
	[tilespmem:s2+$0xFFFFFFF0] =	vst v0  }
0x1b4: {  	v3 =	vand.u32 $0xFFFF0000, v11;
	v0 =	vmul.f32 v24, v23;
	[tilespmem:s2+$0x20] =	vst v1;
	v1 =	vld [tilespmem:s24+$0x90]  }
0x1b5: {  	v54 =	vshll.u32 v60, $0x10;
	v3 =	vmul.f32 v3, v21;
	[tilespmem:s2+$0x60] =	vst v2  }
0x1b6: {  	v4 =	vmul.f32 v54, v19;
	v2 =	vld [tilespmem:s24+$0xB0];
	[tilespmem:s2+$0x30] =	vst v0;
	v0 =	vand.u32 $0xFFFF0000, v60  }
0x1b7: {  	v5 =	vperm.xlane v8, v12;
	v6 =	vshll.u32 v25, $0x10;
	[tilespmem:s2+$0x70] =	vst v3;
	v0 =	vmul.f32 v0, v18  }
0x1b8: {  	v56 =	vld [tilespmem:s24+$0xD0];
	v55 =	vand.u32 $0xFFFF0000, v25;
	v6 =	vmul.f32 v6, v10;
	v3 =	vperm.xlane v7, v13;
	[tilespmem:s2+$0xA0] =	vst v4  }
0x1b9: {  	v57 =	vperm.xlane v7, v12;
	v5 =	vmul.f32 v55, v5;
	[tilespmem:s2+$0xB0] =	vst v0;
	v0 =	vshll.u32 v1, $0x10  }
0x1ba: {  	v58 =	vperm.xlane v17, v13;
	[tilespmem:s23+$0xE0] =	vst v6;
	v1 =	vand.u32 $0xFFFF0000, v1;
	v0 =	vmul.f32 v0, v3  }
0x1bb: {  	[tilespmem:s23+$0xF0] =	vst v5;
	v59 =	vshll.u32 v2, $0x10;
	v3 =	vperm.xlane v17, v12;
	v1 =	vmul.f32 v1, v57  }
0x1bc: {  	v2 =	vand.u32 $0xFFFF0000, v2;
	v60 =	vperm.xlane v9, v13;
	[tilespmem:s23+$0x120] =	vst v0;
	v0 =	vmul.f32 v59, v58  }
0x1bd: {  	v61 =	vperm.xlane v9, v12;
	v62 =	vshll.u32 v56, $0x10;
	[tilespmem:s23+$0x130] =	vst v1;
	v1 =	vmul.f32 v2, v3  }
0x1be: {  	s26 =	sshll.u32 s18, $0x7;
	s18 =	sadd.s32 $0x1, s18;
	v2 =	vand.u32 $0xFFFF0000, v56;
	[tilespmem:s23+$0x160] =	vst v0;
	v0 =	vmul.f32 v62, v60  }
0x1bf: {  	s19 =	sshll.u32 s0, $0xD;
	p2 =	sne.s32 s18, $0x9D;
	[tilespmem:s23+$0x170] =	vst v1;
	v1 =	vmul.f32 v2, v61  }
.Ltmp1:
0x1c0: {  	s20 =	sadd.s32 $0xD, s0;
	s2 =	sand.u32 $0x380, s26;
	[tilespmem:s23+$0x1A0] =	vst v0;
	(pc) =	sbr.rel @p2 .LBB2_2-.Ltmp1, $4  }
0x1c1: {  	s0 =	sadd.s32 @!p0 $0xF, s0;
	s19 =	sor.u32 $0x9C00, s19;
	s2 =	sor.u32 $0x400, s2;
	[tilespmem:s23+$0x1B0] =	vst v1  }
0x1c2: {  	[spmem:s3] =	stream.indirect.scatter.add.f32 [tilespmem:s19], [sflag:s20], $0x40, s2, s30, $0xb8;
	[tilespmem:$0x1A180] =	vst v63  }
0x1c3: {  	p1 =	por !p1, !p1;
	s31 =	sadd.s32 $0x1, s31;
	s19 =	simm.s32 @!p0 $0x80;
	v48 =	vld [tilespmem:$0x1FFF0]  }
0x1c4: {  	v1 =	vld [tilespmem:$0x1FFE0];
	[spmem:s4] =	stream.indirect.scatter.add.f32 @!p0 [tilespmem:s22], [sflag:s0], $0x10, s2, s19, $0xb8  }
0x1c5: {  	_ =	swait.ge [sflag:s16], $0x2000  }
0x1c6: {  	[sflag:s16] =	ssyncset.done $0x0  }
0x1c7: {  	s0 =	simm.s32 @p0 $0xD;
	[sflag:s16] =	ssyncadd.s32 $0xFFFFE000  }
0x1c8: {  	_ =	swait.ge @p0 [sflag:s0], $0x2000  }
0x1c9: {  	[sflag:s0] =	ssyncset.done @p0 $0x0  }
0x1ca: {  	[sflag:s0] =	ssyncadd.s32 @p0 $0xFFFFE000;
	s0 =	simm.s32 @!p0 $0x10  }
0x1cb: {  	_ =	swait.ge @!p0 [sflag:s0], $0x800  }
0x1cc: {  	[sflag:s0] =	ssyncset.done @!p0 $0x0  }
0x1cd: {  	[sflag:s0] =	ssyncadd.s32 @!p0 $0xFFFFF800;
	s0 =	simm.s32 @!p0 $0xD  }
0x1ce: {  	_ =	swait.ge @!p0 [sflag:s0], $0x2000  }
0x1cf: {  	[sflag:s0] =	ssyncset.done @!p0 $0x0  }
0x1d0: {  	[sflag:s0] =	ssyncadd.s32 @!p0 $0xFFFFE000;
	s0 =	simm.s32 @!p0 $0xF  }
0x1d1: {  	_ =	swait.ge @!p0 [sflag:s0], $0x800  }
0x1d2: {  	[sflag:s0] =	ssyncset.done @!p0 $0x0  }
0x1d3: {  	[sflag:s0] =	ssyncadd.s32 @!p0 $0xFFFFF800  }
0x1d4: {  	[bflag:$0x0] =	sbarrier.arrive $0xFFFF  }
0x1d5: {  	s26 =	rddreg [dreg:$0x10]  }
0x1d6: {  	[hbm:s26], [sflag:s14] =	dma.local [spmem:s17], $0x13C0  }
0x1d7: {  	_ =	swait.ge [sflag:s28], $0x13C0  }
0x1d8: {  	[sflag:s28] =	ssyncset.done $0x0  }
0x1d9: {  	s0 =	sshrl.u32 @!p0 s15, $0x3;
	s2 =	rddreg [dreg:$0x11];
	[sflag:s28] =	ssyncadd.s32 $0xFFFFEC40  }
0x1da: {  	[hbm:s2], [sflag:s14] =	dma.local @!p0 [spmem:s0], $0x4F0  }
0x1db: {  	s0 =	simm.s32 @!p0 $0x11  }
0x1dc: {  	_ =	swait.ge @!p0 [sflag:s0], $0x4F0  }
0x1dd: {  	s29 =	sadd.s32 $0x1, s29;
	s31 =	rddreg [dreg:$0x12]  }
0x1de: {  	p1 =	sne.s32 s29, s31  }
.Ltmp2:
0x1df: {  	_ = 	snop;
	(pc) =	sbr.rel @p1 .LBB2_1-.Ltmp2, $3  }
0x1e0: {  	_ =	sdelay $0x1  }
0x1e1: {  	[sflag:s0] =	ssyncset.done @!p0 $0x0  }
0x1e2: {  	[sflag:s0] =	ssyncadd.s32 @!p0 $0xFFFFFB10  }
0x1e3: {  	_ =	sfence.sel $0x180000  }
0x1e4: {  	[bflag:$0x0] =	sbarrier.arrive $0xFFFF  }
0x1e5: {  	_ =	strace $0x9000004A  }
0x1e6: {  	s0 =	stileid.u32;
	[bflag:$0x2] =	sbarrier.arrive $0xFFFF  }
0x1e7: {  	p0 =	sne.s32 s0, $0x0;
	s0 =	rddreg [dreg:$0x4]  }
0x1e8: {  	s0 =	sadd.s32 @!p0 $0x100000, s0  }
0x1e9: {  	[sflag:s0] =	ssyncadd.tile.s32 @!p0 $0x1;
	_ =	shalt  }
.Lfunc_end2:
_tile_overlayer_lowered:
.L_overlay_start_2:
0x1ea: {  	(tag) =	ssettag $0x2  }
0x1eb: {  	s0 =	rddreg [dreg:$0x0];
	s2 =	stileid.u32  }
0x1ec: {  	s1 =	rddreg [dreg:$0x1];
	p0 =	sne.s32 s2, $0x0  }
0x1ed: {  	s3 =	rddreg [dreg:$0x2];
	[bflag:$0x3] =	sbarrier.arrive $0xFFFF;
	s2 =	simm.s32 @!p0 $0x1C11  }
0x1ee: {  	[timem:s3], [sflag:s2] =	dma.local @!p0 [hbm:s0], s1  }
0x1ef: {  	s0 =	simm.s32 @!p0 $0x11  }
0x1f0: {  	_ =	swait.ge @!p0 [sflag:s0], s1  }
0x1f1: {  	s1 =	ssub.s32 @!p0 $0x0, s1;
	[sflag:s0] =	ssyncset.done @!p0 $0x0  }
0x1f2: {  	[sflag:s0] =	ssyncadd.s32 @!p0 s1  }
0x1f3: {  	[bflag:$0x3] =	sbarrier.arrive $0xFFFF  }
0x1f4: {  	_ =	shalt  }

// kernel: kernel.7.cloned.1.call-start
scs
__scs_entry_jumppad:
0x0: {  	(pc) =	sbr.rel $0x88, $3  }
0x1: {  	(tag) =	ssettag $0x0;
	lr =	simm.s32 $0x1  }
0x2: {  	[smem:$0x3F97] =	sst lr;
	_ =	strace $0xD0000000  }
0x3: {  	_ = 	snop  }
0x4: {  	_ = 	snop  }
0x5: {  	_ = 	snop  }
0x6: {  	_ = 	snop  }
0x7: {  	_ = 	snop  }
__scs_overlays_trampoline_lowered:
0x8: {  	[smem:$0x3FA6] =	sst s0  }
0x9: {  	[smem:$0x3FA7] =	sst s1  }
0xa: {  	[smem:$0x3FA8] =	sst s2  }
0xb: {  	[smem:$0x3FA9] =	sst s3  }
0xc: {  	[smem:$0x3FAA] =	sst s4  }
0xd: {  	[smem:$0x3FAB] =	sst s5  }
0xe: {  	[smem:$0x3FAC] =	sst s6  }
0xf: {  	[smem:$0x3FAD] =	sst s7  }
0x10: {  	[smem:$0x3FAE] =	sst s8  }
0x11: {  	[smem:$0x3FAF] =	sst s9;
	s0 =	simm.s32 @!p0 $0x0  }
0x12: {  	s1 =	sld [smem:$0x3F95];
	s0 =	simm.s32 @p0 $0x1  }
0x13: {  	[smem:$0x3FB0] =	sst s0;
	s0 =	simm.s32 @!p1 $0x0  }
0x14: {  	s2 =	sld [smem:$0x3F94];
	s0 =	simm.s32 @p1 $0x1  }
0x15: {  	[smem:$0x3FB1] =	sst s0;
	s0 =	simm.s32 @!p2 $0x0  }
0x16: {  	s3 =	sld [smem:$0x3FDB];
	s0 =	simm.s32 @p2 $0x1  }
0x17: {  	s4 =	simm.s32 $0x1BF5;
	[smem:$0x3FB3] =	sst s0  }
0x18: {  	s0 =	sld [smem:$0x3F96];
	_ =	swait.ge [sflag:s4], $0x0  }
0x19: {  	s7 =	sld [smem:$0x3F97]  }
0x1a: {  	s8 =	sadd.s32 $0xFFFFE003, lr  }
0x1b: {  	s9 =	sadd.s32 $0xFFFFFEF7, lr;
	s5 =	simm.s32 $0xFFFFFFFF;
	p2 =	slt.u32 s8, $0xFFFFF086  }
0x1c: {  	p1 =	slt.u32 s9, $0xF7A;
	s5 =	simm.s32 @!p2 $0x0  }
0x1d: {  	s5 =	simm.s32 @p1 $0x1;
	p0 =	seq.s32 s7, s2  }
0x1e: {  	s7 =	smul.u32 @!p0 $0xF7A, s2;
	p2 =	seq.s32 @!p0 s5, $0x0  }
0x1f: {  	s9 =	smul.u32 $0xF7A, s1;
	s8 =	simm.s32 @!p0 $0x1BF5;
	p2 =	por !p2, p0  }
0x20: {  	[sflag:s8] =	ssyncset.s32 @!p0 $0xFFFFF086;
	s6 =	sadd.s32 @!p0 s3, s7;
	s7 =	simm.s32 @!p0 $0x108  }
0x21: {  	s3 =	sadd.s32 s3, s9;
	s6 =	sadd.s32 @!p0 $0x88, s6;
	s7 =	simm.s32 @p2 $0x1082  }
0x22: {  	[simem:s7], [sflag:s8] =	dma.local @!p0 [hbm:s6], $0xF7A  }
0x23: {  	s9 =	sor.u32 $0xD0000000, s2;
	s6 =	simm.s32 $0x108;
	_ =	swait.ge @!p0 [sflag:s8], $0x0  }
0x24: {  	s3 =	sadd.s32 $0x88, s3;
	s6 =	simm.s32 @!p1 $0x1082;
	[sflag:s4] =	ssyncset.s32 $0xFFFFF086  }
0x25: {  	[simem:s6], [sflag:s4] =	dma.local [hbm:s3], $0xF7A  }
0x26: {  	[smem:$0x3F97] =	sst s1;
	(tag) =	ssettag s2;
	_ =	strace s9  }
0x27: {  	s1 =	sld [smem:$0x3FA7]  }
0x28: {  	s2 =	sld [smem:$0x3FA8]  }
0x29: {  	s4 =	sld [smem:$0x3FAA]  }
0x2a: {  	p0 =	seq.s32 s5, $0x0;
	s5 =	sld [smem:$0x3FAB]  }
0x2b: {  	s6 =	sld [smem:$0x3FAC]  }
0x2c: {  	s7 =	sld [smem:$0x3FAD]  }
0x2d: {  	s3 =	simm.s32 $0x108;
	s8 =	sld [smem:$0x3FAE]  }
0x2e: {  	s3 =	simm.s32 @!p0 $0x1082;
	s9 =	sld [smem:$0x3FAF]  }
0x2f: {  	lr =	sadd.s32 s0, s3;
	s0 =	sld [smem:$0x3FA6]  }
0x30: {  	s3 =	sld [smem:$0x3FA9]  }
0x31: {  	[smem:$0x3FB2] =	sst s10  }
0x32: {  	s10 =	sld [smem:$0x3FB0];
	_ =	sdelay $0x3  }
0x33: {  	p0 =	seq.s32 s10, $0x1;
	s10 =	sld [smem:$0x3FB2];
	_ =	sdelay $0x3  }
0x34: {  	[smem:$0x3FB2] =	sst s10  }
0x35: {  	s10 =	sld [smem:$0x3FB1];
	_ =	sdelay $0x3  }
0x36: {  	p1 =	seq.s32 s10, $0x1;
	s10 =	sld [smem:$0x3FB2];
	_ =	sdelay $0x3  }
0x37: {  	[smem:$0x3FB2] =	sst s10  }
0x38: {  	s10 =	sld [smem:$0x3FB3]  }
0x39: {  	_ = 	snop;
	(pc) =	sbr.ind lr, $3  }
0x3a: {  	_ = 	snop  }
0x3b: {  	_ = 	snop  }
0x3c: {  	p2 =	seq.s32 s10, $0x1;
	s10 =	sld [smem:$0x3FB2]  }
0x3d: {  	_ =	shalt  }
0x3e: {  	_ =	shalt  }
0x3f: {  	_ =	shalt  }
0x40: {  	_ =	shalt  }
0x41: {  	_ =	shalt  }
0x42: {  	_ =	shalt  }
0x43: {  	_ =	shalt  }
0x44: {  	_ =	shalt  }
0x45: {  	_ =	shalt  }
0x46: {  	_ =	shalt  }
0x47: {  	_ =	shalt  }
0x48: {  	_ =	shalt  }
0x49: {  	_ =	shalt  }
0x4a: {  	_ =	shalt  }
0x4b: {  	_ =	shalt  }
0x4c: {  	_ =	shalt  }
0x4d: {  	_ =	shalt  }
0x4e: {  	_ =	shalt  }
0x4f: {  	_ =	shalt  }
0x50: {  	_ =	shalt  }
0x51: {  	_ =	shalt  }
0x52: {  	_ =	shalt  }
0x53: {  	_ =	shalt  }
0x54: {  	_ =	shalt  }
0x55: {  	_ =	shalt  }
0x56: {  	_ =	shalt  }
0x57: {  	_ =	shalt  }
0x58: {  	_ =	shalt  }
0x59: {  	_ =	shalt  }
0x5a: {  	_ =	shalt  }
0x5b: {  	_ =	shalt  }
0x5c: {  	_ =	shalt  }
0x5d: {  	_ =	shalt  }
0x5e: {  	_ =	shalt  }
0x5f: {  	_ =	shalt  }
0x60: {  	_ =	shalt  }
0x61: {  	_ =	shalt  }
0x62: {  	_ =	shalt  }
0x63: {  	_ =	shalt  }
0x64: {  	_ =	shalt  }
0x65: {  	_ =	shalt  }
0x66: {  	_ =	shalt  }
0x67: {  	_ =	shalt  }
0x68: {  	_ =	shalt  }
0x69: {  	_ =	shalt  }
0x6a: {  	_ =	shalt  }
0x6b: {  	_ =	shalt  }
0x6c: {  	_ =	shalt  }
0x6d: {  	_ =	shalt  }
0x6e: {  	_ =	shalt  }
0x6f: {  	_ =	shalt  }
0x70: {  	_ =	shalt  }
0x71: {  	_ =	shalt  }
0x72: {  	_ =	shalt  }
0x73: {  	_ =	shalt  }
0x74: {  	_ =	shalt  }
0x75: {  	_ =	shalt  }
0x76: {  	_ =	shalt  }
0x77: {  	_ =	shalt  }
0x78: {  	_ =	shalt  }
0x79: {  	_ =	shalt  }
0x7a: {  	_ =	shalt  }
0x7b: {  	_ =	shalt  }
0x7c: {  	_ =	shalt  }
0x7d: {  	_ =	shalt  }
0x7e: {  	_ =	shalt  }
0x7f: {  	_ =	shalt  }
0x80: {  	_ =	shalt  }
0x81: {  	_ =	shalt  }
0x82: {  	_ =	shalt  }
0x83: {  	_ =	shalt  }
0x84: {  	_ =	shalt  }
0x85: {  	_ =	shalt  }
0x86: {  	_ =	shalt  }
0x87: {  	_ =	shalt  }
.Lfunc_end0:
.L_simem_size_0:
called_computation_lowered:
.L_overlay_start_0:
0x88: {  	s2 =	sld [smem:$0x3FD9]  }
0x89: {  	s3 =	sld [smem:$0x3FFE];
	_ =	sdelay $0x1  }
0x8a: {  	s1 =	srdreg.scid  }
0x8b: {  	s0 =	sand.u32 $0x1, s1  }
0x8c: {  	s17 =	sshll.u32 s0, $0xA;
	s2 =	sadd.s32 s3, s2  }
0x8d: {  	s2 =	sadd.s32 s2, s17  }
0x8e: {  	[smem:$0x3FBE] =	sst s2  }
0x8f: {  	_ = 	snop  }
0x90: {  	s2 =	sld [smem:$0x3FD0];
	(tm) =	ssettm $0x1  }
0x91: {  	s18 =	sld [smem:$0x3FFB];
	_ =	sdelay $0x3  }
0x92: {  	_ =	strace s18  }
0x93: {  	s3 =	sld [smem:$0x3FFC];
	_ =	sdelay $0x3  }
0x94: {  	_ =	strace s3  }
0x95: {  	s3 =	sld [smem:$0x3FFD];
	_ =	sdelay $0x3  }
0x96: {  	_ =	strace s3  }
0x97: {  	_ =	strace $0x8FFFFFFF  }
0x98: {  	s19 =	sld [smem:$0x3FDB];
	_ =	sdelay $0x1  }
0x99: {  	s4 =	simm.s32 $_scs_section_size  }
0x9a: {  	s5 =	simm.s32 $_size__tile_overlayer_lowered;
	s6 =	simm.s32 $_tile_overlayer_lowered  }
0x9b: {  	s22 =	simm.s32 $0x1BFF;
	s21 =	sshll.u32 s6, $0x1;
	s3 =	sadd.s32 s4, s19  }
0x9c: {  	s7 =	simm.s32 $0x0;
	s20 =	sshll.u32 s5, $0x1;
	s5 =	sadd.s32 s21, s3  }
0x9d: {  	[timem:s7], [sflag:s22] =	dma.local [hbm:s5], s20  }
0x9e: {  	_ =	swait.ge [sflag:s22], s20  }
0x9f: {  	s4 =	ssub.s32 $0x0, s20;
	[sflag:s22] =	ssyncset.done $0x0  }
0xa0: {  	[sflag:s22] =	ssyncadd.s32 s4;
	_ =	sdelay $0x1  }
0xa1: {  	s23 =	simm.s32 $0x1B8B  }
0xa2: {  	_ =	swait.ge [sflag:s23], $0x1  }
0xa3: {  	[sflag:s23] =	ssyncset.done $0x0  }
0xa4: {  	s25 =	simm.s32 $0x1B8E;
	s24 =	sld [smem:$0x3FFE];
	[sflag:s23] =	ssyncadd.s32 $0xFFFFFFFF  }
0xa5: {  	s26 =	simm.s32 $execute0_lowered;
	[smem:$0x3FD2] =	sst s25  }
0xa6: {  	s5 =	sshll.u32 s26, $0x1;
	_ =	strace $0x80000046;
	[dreg:$0x1] =	wrdreg $0xFFFFFFFF  }
0xa7: {  	s28 =	simm.s32 $_size_execute0_lowered;
	s3 =	sadd.s32 s3, s5;
	[dreg:$0x0] =	wrdreg $0x0  }
0xa8: {  	s5 =	sshll.u32 s28, $0x1;
	[dreg:$0x2] =	wrdreg s3  }
0xa9: {  	[dreg:$0x3] =	wrdreg s5  }
0xaa: {  	[dreg:$0x4] =	wrdreg $0xC0  }
0xab: {  	_ =	task [dreg:s7], $0x5FFFF  }
0xac: {  	[dreg:$0x1] =	wrdreg $0xFFFFFFFF  }
0xad: {  	[dreg:$0x0] =	wrdreg $0x60  }
0xae: {  	[dreg:$0x2] =	wrdreg s24  }
0xaf: {  	[dreg:$0x3] =	wrdreg s2  }
0xb0: {  	[dreg:$0x4] =	wrdreg $0xDC000  }
0xb1: {  	[dreg:$0x5] =	wrdreg $0x17A000  }
0xb2: {  	[dreg:$0x6] =	wrdreg $0x9  }
0xb3: {  	_ =	task.clear_ibuf [dreg:s7], $0x7FFFF;
	_ =	strace $0x90000046  }
0xb4: {  	s29 =	simm.s32 $0x9;
	_ =	strace $0x80000048  }
0xb5: {  	_ =	swait.ge [sflag:s29], $0x1  }
0xb6: {  	[sflag:s29] =	ssyncadd.s32 $0xFFFFFFFF  }
0xb7: {  	_ =	strace $0x90000048  }
0xb8: {  	_ =	sfence  }
0xb9: {  	s30 =	sld [smem:$0x0];
	_ =	sdelay $0x2  }
0xba: {  	s31 =	sshll.u32 s1, $0xD;
	s1 =	sshrl.u32 s1, $0x2  }
0xbb: {  	s3 =	sand.u32 $0x4000, s31;
	s1 =	sadd.s32 s1, s30  }
0xbc: {  	s0 =	sor.u32 s3, s0;
	s1 =	sshll.u32 s1, $0x11  }
0xbd: {  	s0 =	sor.u32 s1, s0  }
0xbe: {  	s0 =	sadd.s32 $0x8F2B, s0  }
0xbf: {  	[sflag:s0] =	ssyncadd.remote.s32 $0x1  }
0xc0: {  	_ =	sfence.sel $0xFFFF  }
0xc1: {  	[dreg:$0x0] =	wrdreg $0xFFFFFFFF;
	(pc) =	sbr.abs _section_cstart, $3  }
0xc2: {  	[dreg:$0x1] =	wrdreg $0xFFFFFFFF  }
0xc3: {  	_ =	task.clear_ibuf [dreg:s7], $0x2FFFF;
	_ =	strace $0x9FFFFFFF  }
0xc4: {  	(tm) =	ssettm $0x7FFFFFFF  }
0xc5: {  	_ =	shalt  }
tec
execute0_lowered:
.L_overlay_start_1:
0x0: {  	(tag) =	ssettag $0x1  }
0x1: {  	s0 =	rddreg [dreg:$0x0]  }
0x2: {  	s1 =	rddreg [dreg:$0x1]  }
0x3: {  	s3 =	rddreg [dreg:$0x2]  }
0x4: {  	s4 =	rddreg [dreg:$0x3]  }
0x5: {  	s2 =	srdreg.scid;
	s15 =	stileid.u32;
	s5 =	simm.s32 $0x0  }
0x6: {  	s28 =	simm.s32 $0x11;
	s30 =	simm.s32 $0x80;
	s29 =	simm.s32 $0x0  }
0x7: {  	s6 =	sand.u32 $0x1, s2;
	s23 =	smul.u32 $0x9E00, s15;
	[smem:$0x7FF] =	sst s5  }
0x8: {  	s7 =	sadd.s32 $0x29600, s0;
	s8 =	sadd.s32 $0x38400, s0;
	s9 =	sadd.s32 $0x2E600, s0  }
0x9: {  	s11 =	smul.u32 $0x2780, s15;
	s12 =	sadd.s32 $0x42800, s0;
	s24 =	sadd.s32 $0x42200, s0  }
0xa: {  	s26 =	sshll.u32 s15, $0x6;
	_ =	strace $0x80000047;
	[dreg:$0x5] =	wrdreg s12  }
0xb: {  	s10 =	smul.u32 $0x9E000, s6;
	[dreg:$0x6] =	wrdreg s24;
	s13 =	ssub.s32 $0x2, s6  }
0xc: {  	s12 =	smul.u32 $0x4E80, s15;
	s24 =	sshll.u32 s6, $0x2;
	s25 =	sshrl.u32 s11, $0x3  }
0xd: {  	s14 =	sshrl.u32 s13, $0x1;
	s2 =	sadd.s32 s23, s3;
	s15 =	sadd.s32 s11, s4  }
0xe: {  	s10 =	sadd.s32 s23, s10;
	s13 =	ssub.s32 s13, s14;
	[dreg:$0x7] =	wrdreg s2  }
0xf: {  	s14 =	sor.u32 $0x1C11, s26;
	s31 =	sshrl.u32 s12, $0x3;
	s26 =	sor.u32 $0x1, s24  }
0x10: {  	s10 =	sshrl.u32 s10, $0x3;
	s16 =	sadd.s32 s8, s31;
	s17 =	sadd.s32 s9, s31  }
0x11: {  	s18 =	sadd.s32 $0x10, s31;
	s19 =	sadd.s32 $0x20, s31;
	[dreg:$0x8] =	wrdreg s16  }
0x12: {  	s2 =	sadd.s32 $0x30, s31;
	s23 =	smax.u32 s13, $0x1;
	[dreg:$0x9] =	wrdreg s17  }
0x13: {  	s31 =	sor.u32 $0x2, s24;
	s16 =	sadd.s32 s8, s18;
	[dreg:$0x12] =	wrdreg s23  }
0x14: {  	v5 =	vlaneseq.u32;
	v1 =	vmov s24;
	s10 =	sadd.s32 s10, s0;
	s11 =	sadd.s32 s9, s18;
	[dreg:$0xa] =	wrdreg s16  }
0x15: {  	v63 =	vbroadcast v1, $0x0;
	v1 =	vor.u32 $0x8, v5;
	v2 =	vmov s26;
	s0 =	sadd.s32 s25, s0;
	s20 =	sadd.s32 s8, s19;
	[dreg:$0xb] =	wrdreg s11  }
0x16: {  	[tilespmem:$0x1FFE0] =	vst v1;
	s21 =	sadd.s32 s8, s2;
	s25 =	smul.u32 $0x2780, s6;
	v48 =	vbroadcast v2, $0x0;
	[dreg:$0xc] =	wrdreg s20  }
0x17: {  	s2 =	sadd.s32 s9, s2;
	s17 =	sshllo.u32 s6, $0x2;
	v3 =	vmov s31;
	[tilespmem:$0x1FFB0] =	vst v63;
	[dreg:$0xe] =	wrdreg s21  }
0x18: {  	p0 =	sne.s32 s6, $0x0;
	s11 =	sadd.s32 s9, s19;
	[dreg:$0xf] =	wrdreg s2;
	v4 =	vmov s17;
	v13 =	vbroadcast v3, $0x0;
	v0 =	vmov s25;
	[tilespmem:$0x1FFF0] =	vst v48  }
0x19: {  	s13 =	simm.s32 $0x3;
	s22 =	sadd.s32 $0x48C00, s10;
	[dreg:$0xd] =	wrdreg s11;
	v12 =	vbroadcast v4, $0x0;
	[tilespmem:$0x1FFA0] =	vst v0  }
0x1a: {  	s0 =	sadd.s32 $0x43C00, s0;
	s10 =	simm.s32 $0x1;
	[dreg:$0x10] =	wrdreg s22;
	[tilespmem:$0x1FFC0] =	vst v13  }
0x1b: {  	s16 =	simm.s32 $0xE;
	[dreg:$0x11] =	wrdreg s0;
	s11 =	simm.s32 $0x2;
	[tilespmem:$0x1FFD0] =	vst v12  }
.LBB2_1:
0x1c: {  	s0 =	rddreg [dreg:$0x7]  }
0x1d: {  	s25 =	rddreg [dreg:$0x5];
	s17 =	sshrl.u32 s0, $0x3  }
0x1e: {  	[spmem:s17], [sflag:s14] =	dma.local [hbm:s25], $0x13C0  }
0x1f: {  	_ =	swait.ge [sflag:s28], $0x13C0  }
0x20: {  	[sflag:s28] =	ssyncset.done $0x0  }
0x21: {  	s26 =	sshrl.u32 s15, $0x3;
	s2 =	rddreg [dreg:$0x6];
	[sflag:s28] =	ssyncadd.s32 $0xFFFFEC40  }
0x22: {  	[spmem:s26], [sflag:s14] =	dma.local [hbm:s2], $0x4F0  }
0x23: {  	_ =	swait.ge [sflag:s28], $0x4F0  }
0x24: {  	[sflag:s28] =	ssyncset.done $0x0  }
0x25: {  	[sflag:s28] =	ssyncadd.s32 $0xFFFFFB10  }
0x26: {  	[bflag:$0x0] =	sbarrier.arrive $0xFFFF  }
0x27: {  	s18 =	rddreg [dreg:$0x8]  }
0x28: {  	[tilespmem:s5], [sflag:$0x1] =	stream.linear.gather [hbm4b:s18+s5], $0x80, $0x38;
	[tilespmem:$0x1A180] =	vst v63  }
0x29: {  	s2 =	simm.s32 $0x400;
	s19 =	rddreg [dreg:$0x9]  }
0x2a: {  	[tilespmem:s2], [sflag:$0x1] =	stream.linear.gather [hbm4b:s19+s5], $0x80, $0x38;
	[tilespmem:$0x1A180] =	vst v63  }
0x2b: {  	s20 =	rddreg [dreg:$0xa]  }
0x2c: {  	[tilespmem:s30], [sflag:$0x2] =	stream.linear.gather [hbm4b:s20+s5], $0x80, $0x38;
	[tilespmem:$0x1A180] =	vst v63  }
0x2d: {  	s21 =	rddreg [dreg:$0xb];
	s18 =	simm.s32 $0x480  }
0x2e: {  	[tilespmem:s18], [sflag:$0x2] =	stream.linear.gather [hbm4b:s21+s5], $0x80, $0x38;
	[tilespmem:$0x1A180] =	vst v63  }
0x2f: {  	s22 =	rddreg [dreg:$0xc];
	s19 =	simm.s32 $0x100  }
0x30: {  	[tilespmem:s19], [sflag:$0x3] =	stream.linear.gather [hbm4b:s22+s5], $0x80, $0x38;
	[tilespmem:$0x1A180] =	vst v63  }
0x31: {  	s23 =	rddreg [dreg:$0xd];
	s20 =	simm.s32 $0x500  }
0x32: {  	[tilespmem:s20], [sflag:$0x3] =	stream.linear.gather [hbm4b:s23+s5], $0x80, $0x38;
	[tilespmem:$0x1A180] =	vst v63  }
0x33: {  	s24 =	rddreg [dreg:$0xe];
	s21 =	simm.s32 $0x180  }
0x34: {  	[tilespmem:s21], [sflag:$0x4] =	stream.linear.gather [hbm4b:s24+s5], $0x80, $0x38;
	[tilespmem:$0x1A180] =	vst v63  }
0x35: {  	s26 =	simm.s32 $0x580;
	s25 =	rddreg [dreg:$0xf]  }
0x36: {  	[tilespmem:s26], [sflag:$0x4] =	stream.linear.gather [hbm4b:s25+s5], $0x80, $0x38;
	[tilespmem:$0x1A180] =	vst v63  }
0x37: {  	_ =	swait.ge [sflag:s10], $0x80  }
0x38: {  	[sflag:s10] =	ssyncset.done $0x0  }
0x39: {  	[sflag:s10] =	ssyncadd.s32 $0xFFFFFF80  }
0x3a: {  	_ =	swait.ge [sflag:s10], $0x80  }
0x3b: {  	[sflag:s10] =	ssyncset.done $0x0  }
0x3c: {  	v0 =	vld [tilespmem:$0x1FFA0];
	[sflag:s10] =	ssyncadd.s32 $0xFFFFFF80  }
0x3d: {  	v6 =	vld [tilespmem:$0x0]  }
0x3e: {  	v7 =	vld [tilespmem:$0x10]  }
0x3f: {  	v8 =	vld [tilespmem:$0x20]  }
0x40: {  	v9 =	vld [tilespmem:$0x30]  }
0x41: {  	v10 =	vld [tilespmem:$0x40]  }
0x42: {  	v11 =	vld [tilespmem:$0x50];
	v6 =	vadd.s32 v0, v6  }
0x43: {  	v24 =	vld [tilespmem:$0x60];
	v23 =	vadd.s32 v0, v7;
	[tilespmem:$0x800] =	vst v6  }
0x44: {  	v26 =	vld [tilespmem:$0x70];
	v25 =	vadd.s32 v0, v8;
	[tilespmem:$0x810] =	vst v23  }
0x45: {  	v27 =	vadd.s32 v0, v9;
	[tilespmem:$0x820] =	vst v25  }
0x46: {  	v28 =	vadd.s32 v0, v10;
	[tilespmem:$0x830] =	vst v27  }
0x47: {  	v29 =	vadd.s32 v0, v11;
	[tilespmem:$0x840] =	vst v28  }
0x48: {  	v30 =	vadd.s32 v0, v24;
	[tilespmem:$0x850] =	vst v29  }
0x49: {  	v31 =	vadd.s32 v0, v26;
	[tilespmem:$0x860] =	vst v30  }
0x4a: {  	s22 =	simm.s32 $0xC00;
	[tilespmem:$0x870] =	vst v31  }
0x4b: {  	[tilespmem:s22], [sflag:$0x9] =	stream.indirect.gather [hbm4b:s7+s30], $0x10, s5, s30, $0xb8;
	[tilespmem:$0x1A180] =	vst v63  }
0x4c: {  	s23 =	simm.s32 $0x2C00  }
0x4d: {  	[tilespmem:s23], [sflag:$0x9] =	stream.indirect.gather [hbm4b:s7+s30], $0x10, s2, s30, $0xb8;
	[tilespmem:$0x1A180] =	vst v63  }
0x4e: {  	s24 =	simm.s32 $0x800;
	s25 =	simm.s32 $0x4C00  }
0x4f: {  	[tilespmem:s25], [sflag:$0x9] =	stream.indirect.gather [hbm4b:s1+s30], $0x20, s24, s30, $0xb8;
	[tilespmem:$0x1A180] =	vst v63  }
0x50: {  	_ =	swait.ge [sflag:s11], $0x80  }
0x51: {  	[sflag:s11] =	ssyncset.done $0x0  }
0x52: {  	[sflag:s11] =	ssyncadd.s32 $0xFFFFFF80  }
0x53: {  	_ =	swait.ge [sflag:s11], $0x80  }
0x54: {  	[sflag:s11] =	ssyncset.done $0x0  }
0x55: {  	[sflag:s11] =	ssyncadd.s32 $0xFFFFFF80  }
0x56: {  	v32 =	vld [tilespmem:$0x80]  }
0x57: {  	v33 =	vld [tilespmem:$0x90]  }
0x58: {  	v34 =	vld [tilespmem:$0xA0]  }
0x59: {  	v35 =	vld [tilespmem:$0xB0]  }
0x5a: {  	v36 =	vld [tilespmem:$0xC0]  }
0x5b: {  	v37 =	vld [tilespmem:$0xD0];
	v6 =	vadd.s32 v0, v32  }
0x5c: {  	v39 =	vld [tilespmem:$0xE0];
	v38 =	vadd.s32 v0, v33;
	[tilespmem:$0x880] =	vst v6  }
0x5d: {  	v41 =	vld [tilespmem:$0xF0];
	v40 =	vadd.s32 v0, v34;
	[tilespmem:$0x890] =	vst v38  }
0x5e: {  	v42 =	vadd.s32 v0, v35;
	[tilespmem:$0x8A0] =	vst v40  }
0x5f: {  	v43 =	vadd.s32 v0, v36;
	[tilespmem:$0x8B0] =	vst v42  }
0x60: {  	v44 =	vadd.s32 v0, v37;
	[tilespmem:$0x8C0] =	vst v43  }
0x61: {  	v45 =	vadd.s32 v0, v39;
	[tilespmem:$0x8D0] =	vst v44  }
0x62: {  	v46 =	vadd.s32 v0, v41;
	[tilespmem:$0x8E0] =	vst v45  }
0x63: {  	s26 =	simm.s32 $0x1400;
	[tilespmem:$0x8F0] =	vst v46  }
0x64: {  	[tilespmem:s26], [sflag:$0xA] =	stream.indirect.gather [hbm4b:s7+s30], $0x10, s30, s30, $0xb8;
	[tilespmem:$0x1A180] =	vst v63  }
0x65: {  	s2 =	simm.s32 $0x3400  }
0x66: {  	[tilespmem:s2], [sflag:$0xA] =	stream.indirect.gather [hbm4b:s7+s30], $0x10, s18, s30, $0xb8;
	[tilespmem:$0x1A180] =	vst v63  }
0x67: {  	s21 =	simm.s32 $0x880;
	s22 =	simm.s32 $0x5C00  }
0x68: {  	[tilespmem:s22], [sflag:$0xA] =	stream.indirect.gather [hbm4b:s1+s30], $0x20, s21, s30, $0xb8;
	[tilespmem:$0x1A180] =	vst v63  }
0x69: {  	_ =	swait.ge [sflag:s13], $0x80  }
0x6a: {  	[sflag:s13] =	ssyncset.done $0x0  }
0x6b: {  	[sflag:s13] =	ssyncadd.s32 $0xFFFFFF80  }
0x6c: {  	_ =	swait.ge [sflag:s13], $0x80  }
0x6d: {  	[sflag:s13] =	ssyncset.done $0x0  }
0x6e: {  	[sflag:s13] =	ssyncadd.s32 $0xFFFFFF80  }
0x6f: {  	v47 =	vld [tilespmem:$0x100]  }
0x70: {  	v49 =	vld [tilespmem:$0x110]  }
0x71: {  	v50 =	vld [tilespmem:$0x120]  }
0x72: {  	v51 =	vld [tilespmem:$0x130]  }
0x73: {  	v52 =	vld [tilespmem:$0x140]  }
0x74: {  	v53 =	vld [tilespmem:$0x150];
	v6 =	vadd.s32 v0, v47  }
0x75: {  	v55 =	vld [tilespmem:$0x160];
	v54 =	vadd.s32 v0, v49;
	[tilespmem:$0x900] =	vst v6  }
0x76: {  	v57 =	vld [tilespmem:$0x170];
	v56 =	vadd.s32 v0, v50;
	[tilespmem:$0x910] =	vst v54  }
0x77: {  	v58 =	vadd.s32 v0, v51;
	[tilespmem:$0x920] =	vst v56  }
0x78: {  	v59 =	vadd.s32 v0, v52;
	[tilespmem:$0x930] =	vst v58  }
0x79: {  	v60 =	vadd.s32 v0, v53;
	[tilespmem:$0x940] =	vst v59  }
0x7a: {  	v61 =	vadd.s32 v0, v55;
	[tilespmem:$0x950] =	vst v60  }
0x7b: {  	v62 =	vadd.s32 v0, v57;
	[tilespmem:$0x960] =	vst v61  }
0x7c: {  	s23 =	simm.s32 $0x1C00;
	[tilespmem:$0x970] =	vst v62  }
0x7d: {  	[tilespmem:s23], [sflag:$0xB] =	stream.indirect.gather [hbm4b:s7+s30], $0x10, s19, s30, $0xb8;
	[tilespmem:$0x1A180] =	vst v63  }
0x7e: {  	p1 =	por $0x0, $0x0;
	s31 =	simm.s32 $0x0;
	s24 =	simm.s32 $0x3C00  }
0x7f: {  	[tilespmem:s24], [sflag:$0xB] =	stream.indirect.gather [hbm4b:s7+s30], $0x10, s20, s30, $0xb8;
	[tilespmem:$0x1A180] =	vst v63  }
0x80: {  	s25 =	simm.s32 $0x900;
	s26 =	simm.s32 $0x6C00;
	s18 =	simm.s32 $0x0  }
0x81: {  	[tilespmem:s26], [sflag:$0xB] =	stream.indirect.gather [hbm4b:s1+s30], $0x20, s25, s30, $0xb8;
	[tilespmem:$0x1A180] =	vst v63  }
.LBB2_2:
0x82: {  	s0 =	sand.u32 $0x1, s18;
	p2 =	slt.u32 s18, $0x2  }
0x83: {  	s2 =	sadd.s32 @!p2 $0xD, s0  }
0x84: {  	p3 =	sne.s32 @!p2 s6, $0x0;
	_ =	swait.ge @!p2 [sflag:s2], $0x2000  }
0x85: {  	p3 =	por p3, p2;
	[sflag:s2] =	ssyncset.done @!p2 $0x0  }
0x86: {  	[sflag:s2] =	ssyncadd.s32 @!p2 $0xFFFFE000;
	s2 =	sadd.s32 @!p3 $0xF, s0  }
0x87: {  	p4 =	sgt.u32 @!p2 s18, $0x98;
	_ =	swait.ge @!p3 [sflag:s2], $0x800  }
0x88: {  	p2 =	por p2, !p4;
	[sflag:s2] =	ssyncset.done @!p3 $0x0  }
0x89: {  	[sflag:s2] =	ssyncadd.s32 @!p3 $0xFFFFF800;
	s2 =	sadd.s32 @p2 $0x4, s18  }
0x8a: {  	s19 =	sshll.u32 @p2 s2, $0x7  }
0x8b: {  	s19 =	sadd.s32 @p2 s12, s19  }
0x8c: {  	s2 =	sand.u32 @p2 $0x7, s2;
	s19 =	sshrl.u32 @p2 s19, $0x3  }
0x8d: {  	s20 =	sadd.s32 @p2 $0x1, s2;
	s2 =	sshll.u32 @p2 s2, $0x7;
	s21 =	sadd.s32 @p2 s8, s19  }
0x8e: {  	[tilespmem:s2], [sflag:s20] =	stream.linear.gather @p2 [hbm4b:s21+s5], $0x80, $0x38;
	[tilespmem:$0x1A180] =	vst v63  }
0x8f: {  	s25 =	sand.u32 $0x3, s18;
	s19 =	sadd.s32 @p2 s9, s19;
	s2 =	sor.u32 @p2 $0x400, s2  }
0x90: {  	[tilespmem:s2], [sflag:s20] =	stream.linear.gather @p2 [hbm4b:s19+s5], $0x80, $0x38;
	[tilespmem:$0x1A180] =	vst v63  }
0x91: {  	s2 =	sadd.s32 $0x9, s25  }
0x92: {  	_ =	swait.ge [sflag:s2], $0x800  }
0x93: {  	[sflag:s2] =	ssyncset.done $0x0  }
0x94: {  	[sflag:s2] =	ssyncadd.s32 $0xFFFFF800  }
0x95: {  	_ =	swait.ge [sflag:s2], $0x800  }
0x96: {  	[sflag:s2] =	ssyncset.done $0x0  }
0x97: {  	p2 =	sgt.u32 s18, $0x99;
	[sflag:s2] =	ssyncadd.s32 $0xFFFFF800  }
0x98: {  	s19 =	sadd.s32 @!p2 $0x3, s18;
	_ =	swait.ge [sflag:s2], $0x1000  }
0x99: {  	s20 =	sand.u32 @!p2 $0x7, s19;
	[sflag:s2] =	ssyncset.done $0x0  }
0x9a: {  	[sflag:s2] =	ssyncadd.s32 $0xFFFFF000;
	s2 =	sadd.s32 @!p2 $0x1, s20  }
0x9b: {  	_ =	swait.ge @!p2 [sflag:s2], $0x80  }
0x9c: {  	[sflag:s2] =	ssyncset.done @!p2 $0x0  }
0x9d: {  	[sflag:s2] =	ssyncadd.s32 @!p2 $0xFFFFFF80  }
0x9e: {  	_ =	swait.ge @!p2 [sflag:s2], $0x80  }
0x9f: {  	[sflag:s2] =	ssyncset.done @!p2 $0x0  }
0xa0: {  	s20 =	sshll.u32 @!p2 s20, $0x7;
	v0 =	vld [tilespmem:$0x1FFA0];
	[sflag:s2] =	ssyncadd.s32 @!p2 $0xFFFFFF80  }
0xa1: {  	v6 =	vld @!p2 [tilespmem:s20+$0x0]  }
0xa2: {  	v7 =	vld @!p2 [tilespmem:s20+$0x10]  }
0xa3: {  	v8 =	vld @!p2 [tilespmem:s20+$0x20]  }
0xa4: {  	v9 =	vld @!p2 [tilespmem:s20+$0x30]  }
0xa5: {  	v10 =	vld @!p2 [tilespmem:s20+$0x40]  }
0xa6: {  	v11 =	vld @!p2 [tilespmem:s20+$0x50];
	v6 =	vadd.s32 @!p2 v0, v6  }
0xa7: {  	[tilespmem:s20+$0x800] =	vst @!p2 v6;
	v6 =	vadd.s32 @!p2 v0, v7;
	v7 =	vld @!p2 [tilespmem:s20+$0x60]  }
0xa8: {  	[tilespmem:s20+$0x810] =	vst @!p2 v6;
	v6 =	vadd.s32 @!p2 v0, v8;
	v8 =	vld @!p2 [tilespmem:s20+$0x70]  }
0xa9: {  	[tilespmem:s20+$0x820] =	vst @!p2 v6;
	v6 =	vadd.s32 @!p2 v0, v9  }
0xaa: {  	[tilespmem:s20+$0x830] =	vst @!p2 v6;
	v6 =	vadd.s32 @!p2 v0, v10  }
0xab: {  	[tilespmem:s20+$0x840] =	vst @!p2 v6;
	v6 =	vadd.s32 @!p2 v0, v11  }
0xac: {  	s2 =	sand.u32 @!p2 $0x3, s19;
	[tilespmem:s20+$0x850] =	vst @!p2 v6;
	v6 =	vadd.s32 @!p2 v0, v7  }
0xad: {  	s19 =	sshll.u32 @!p2 s2, $0xB;
	[tilespmem:s20+$0x860] =	vst @!p2 v6;
	v6 =	vadd.s32 @!p2 v0, v8  }
0xae: {  	s24 =	simm.s32 @!p2 $0x80;
	s22 =	sadd.s32 @!p2 $0x9, s2;
	s21 =	sadd.s32 @!p2 $0xC00, s19;
	[tilespmem:s20+$0x870] =	vst @!p2 v6  }
0xaf: {  	[tilespmem:s21], [sflag:s22] =	stream.indirect.gather @!p2 [hbm4b:s7+s24], $0x10, s20, s24, $0xb8;
	[tilespmem:$0x1A180] =	vst v63  }
0xb0: {  	s23 =	sor.u32 @!p2 $0x400, s20;
	s21 =	sand.u32 $0x3, s31  }
0xb1: {  	s2 =	sshll.u32 @!p2 s2, $0xC;
	s19 =	sadd.s32 @!p2 $0x2C00, s19;
	s26 =	sshll.u32 s21, $0xB  }
0xb2: {  	[tilespmem:s19], [sflag:s22] =	stream.indirect.gather @!p2 [hbm4b:s7+s24], $0x10, s23, s24, $0xb8;
	[tilespmem:$0x1A180] =	vst v63  }
0xb3: {  	s2 =	sor.u32 @!p2 $0x4C00, s2;
	s20 =	sor.u32 @!p2 $0x800, s20;
	s23 =	sadd.s32 $0x2C80, s26  }
0xb4: {  	[tilespmem:s2], [sflag:s22] =	stream.indirect.gather @!p2 [hbm4b:s1+s24], $0x20, s20, s24, $0xb8;
	[tilespmem:$0x1A180] =	vst v63  }
0xb5: {  	s19 =	sadd.s32 $0xC80, s26;
	v6 =	vld [tilespmem:s23+$0x70]  }
0xb6: {  	v7 =	vld [tilespmem:s19+$0x70]  }
0xb7: {  	v8 =	vld [tilespmem:s23+$0xFFFFFF80]  }
0xb8: {  	v9 =	vld [tilespmem:s23+$0xFFFFFF90]  }
0xb9: {  	v10 =	vld [tilespmem:s23+$0xFFFFFFA0]  }
0xba: {  	v11 =	vld [tilespmem:s23+$0xFFFFFFB0]  }
0xbb: {  	v12 =	vld [tilespmem:s23+$0xFFFFFFD0]  }
0xbc: {  	v14 =	vld [tilespmem:s23+$0xFFFFFFE0]  }
0xbd: {  	v15 =	vld [tilespmem:s23+$0xFFFFFFF0]  }
0xbe: {  	v16 =	vld [tilespmem:s23+$0x10]  }
0xbf: {  	v17 =	vld [tilespmem:s23+$0x20]  }
0xc0: {  	v18 =	vld [tilespmem:s23+$0x40]  }
0xc1: {  	v19 =	vld [tilespmem:s23+$0x50]  }
0xc2: {  	v20 =	vld [tilespmem:s23+$0x60]  }
0xc3: {  	v21 =	vld [tilespmem:s19+$0xFFFFFF90]  }
0xc4: {  	v22 =	vld [tilespmem:s19+$0xFFFFFFA0];
	v6 =	vperm.xlane v6, v1  }
0xc5: {  	v23 =	vld [tilespmem:s19+$0xFFFFFFB0];
	v8 =	vperm.xlane v8, v1  }
0xc6: {  	v24 =	vld [tilespmem:s19+$0xFFFFFFC0];
	v9 =	vperm.xlane v9, v1;
	v10 =	vperm.xlane v10, v1;
	v6 =	vadd.f32 v6, v7  }
0xc7: {  	v25 =	vld [tilespmem:s19+$0xFFFFFFD0];
	v11 =	vperm.xlane v11, v1;
	v12 =	vperm.xlane v12, v1  }
0xc8: {  	v27 =	vld [tilespmem:s19+$0xFFFFFFE0];
	v14 =	vperm.xlane v14, v1;
	v13 =	vmul.f32 $2.000000030e-01, v6  }
0xc9: {  	v30 =	vld [tilespmem:s19+$0x10];
	v15 =	vperm.xlane v15, v1;
	v16 =	vperm.xlane v16, v1  }
0xca: {  	v36 =	vld [tilespmem:s19+$0x40];
	v17 =	vperm.xlane v17, v1;
	v18 =	vperm.xlane v18, v1;
	v6 =	vmax.f32 v6, v13  }
0xcb: {  	v7 =	vld [tilespmem:s23+$0xFFFFFFC0];
	v9 =	vadd.f32 v9, v21;
	v10 =	vadd.f32 v10, v22;
	v6 =	vmul.f32 $1.442695020e+00, v6  }
0xcc: {  	v19 =	vperm.xlane v19, v1;
	v21 =	vld [tilespmem:s19+$0xFFFFFFF0];
	v11 =	vadd.f32 v11, v23;
	v12 =	vadd.f32 v12, v25  }
0xcd: {  	v14 =	vadd.f32 v14, v27;
	v27 =	vld [tilespmem:s19+$0x50];
	v29 =	vmul.f32 $2.000000030e-01, v9;
	(erf) = vpow2.f32 v6  }
0xce: {  	v25 =	vld [tilespmem:s19+$0xFFFFFF80];
	v31 =	vmul.f32 $2.000000030e-01, v10;
	v35 =	vmul.f32 $2.000000030e-01, v11  }
0xcf: {  	v20 =	vperm.xlane v20, v1;
	v18 =	vadd.f32 v18, v36;
	v56 =	vmul.f32 $2.000000030e-01, v12;
	v13 =	vld [tilespmem:s23+$0x0]  }
0xd0: {  	v22 =	vld [tilespmem:s19+$0x0];
	v9 =	vmax.f32 v9, v29;
	v10 =	vmax.f32 v10, v31;
	v11 =	vmax.f32 v11, v35  }
0xd1: {  	v12 =	vmax.f32 v12, v56;
	v7 =	vperm.xlane v7, v1;
	v15 =	vadd.f32 v15, v21;
	v21 =	vld [tilespmem:s19+$0x60]  }
0xd2: {  	v19 =	vadd.f32 v19, v27;
	v27 =	vmul.f32 $2.000000030e-01, v18;
	v9 =	vmul.f32 $1.442695020e+00, v9;
	v6 =	vld [tilespmem:s23+$0x30]  }
0xd3: {  	s2 =	simm.s32 $0x1;
	v10 =	vmul.f32 $1.442695020e+00, v10;
	v11 =	vmul.f32 $1.442695020e+00, v11;
	v7 =	vadd.f32 v7, v24  }
0xd4: {  	s2 =	simm.s32 @!p1 $0x0;
	v8 =	vadd.f32 v8, v25;
	v12 =	vmul.f32 $1.442695020e+00, v12;
	v24 =	vld [tilespmem:s19+$0x20];
	v13 =	vperm.xlane v13, v1  }
0xd5: {  	s25 =	sshll.u32 s2, $0xB;
	v16 =	vadd.f32 v16, v30;
	v29 =	vld [tilespmem:s19+$0x30];
	v58 =	vmul.f32 $2.000000030e-01, v19;
	v31 =	vmul.f32 $2.000000030e-01, v7  }
0xd6: {  	s21 =	sshll.u32 s21, $0xC;
	s20 =	sadd.s32 $0x8C80, s25;
	v20 =	vadd.f32 v20, v21;
	v21 =	vmul.f32 $2.000000030e-01, v8;
	v13 =	vadd.f32 v13, v22;
	v26 =	vpop (erf)  }
0xd7: {  	s21 =	sor.u32 $0x4D00, s21;
	v22 =	vmul.f32 $2.000000030e-01, v14;
	v7 =	vmax.f32 v7, v31;
	v6 =	vperm.xlane v6, v1;
	[tilespmem:s20+$0x70] =	vst v26  }
0xd8: {  	v61 =	vmul.f32 $2.000000030e-01, v20;
	v8 =	vmax.f32 v8, v21;
	v7 =	vmul.f32 $1.442695020e+00, v7;
	v28 =	vld [tilespmem:s21+$0xE0]  }
0xd9: {  	v17 =	vadd.f32 v17, v24;
	v30 =	vmul.f32 $2.000000030e-01, v13;
	v8 =	vmul.f32 $1.442695020e+00, v8  }
0xda: {  	v14 =	vmax.f32 v14, v22;
	v6 =	vadd.f32 v6, v29;
	v29 =	vmul.f32 $2.000000030e-01, v16  }
0xdb: {  	v57 =	vmul.f32 $2.000000030e-01, v17;
	v14 =	vmul.f32 $1.442695020e+00, v14  }
0xdc: {  	(erf) = vpow2.f32 v8;
	v8 =	vmax.f32 v13, v30;
	v32 =	vperm.xlane v26, v63  }
0xdd: {  	v25 =	vmul.f32 $2.000000030e-01, v6;
	v34 =	vperm.xlane v26, v48;
	v33 =	vshll.u32 v28, $0x10  }
0xde: {  	s2 =	sshll.u32 s2, $0xD;
	(erf) = vpow2.f32 v9;
	v28 =	vand.u32 $0xFFFF0000, v28;
	v32 =	vmul.f32 v33, v32  }
0xdf: {  	s2 =	sor.u32 $0x9E00, s2;
	v9 =	vmax.f32 v16, v29;
	v8 =	vmul.f32 $1.442695020e+00, v8;
	v28 =	vmul.f32 v28, v34  }
0xe0: {  	(erf) = vpow2.f32 v10;
	v10 =	vmax.f32 v17, v57;
	v9 =	vmul.f32 $1.442695020e+00, v9;
	v5 =	vld [tilespmem:$0x1FFC0];
	[tilespmem:s2+$0x1C0] =	vst v32  }
0xe1: {  	(erf) = vpow2.f32 v11;
	v6 =	vmax.f32 v6, v25;
	v10 =	vmul.f32 $1.442695020e+00, v10;
	[tilespmem:s2+$0x1D0] =	vst v28  }
0xe2: {  	v11 =	vmax.f32 v19, v58;
	(erf) = vpow2.f32 v7;
	v6 =	vmul.f32 $1.442695020e+00, v6;
	v24 =	vld [tilespmem:s21+$0xF0]  }
0xe3: {  	v7 =	vmax.f32 v18, v27;
	v11 =	vmul.f32 $1.442695020e+00, v11;
	v28 =	vmul.f32 $2.000000030e-01, v15;
	v60 =	vld [tilespmem:$0x1FFD0]  }
0xe4: {  	(erf) = vpow2.f32 v12;
	v7 =	vmul.f32 $1.442695020e+00, v7  }
0xe5: {  	v12 =	vmax.f32 v20, v61;
	(erf) = vpow2.f32 v14;
	v15 =	vmax.f32 v15, v28  }
0xe6: {  	v12 =	vmul.f32 $1.442695020e+00, v12;
	v19 =	vpop (erf);
	v13 =	vmul.f32 $1.442695020e+00, v15  }
0xe7: {  	v23 =	vperm.xlane v26, v5;
	v2 =	vperm.xlane v19, v48  }
0xe8: {  	(erf) = vpow2.f32 v13;
	v26 =	vperm.xlane v26, v60;
	v13 =	vshll.u32 v24, $0x10  }
0xe9: {  	(erf) = vpow2.f32 v8;
	v1 =	vmul.f32 v13, v23  }
0xea: {  	v59 =	vand.u32 $0xFFFF0000, v24;
	(erf) = vpow2.f32 v9;
	v9 =	vperm.xlane v19, v63  }
0xeb: {  	v26 =	vmul.f32 v59, v26;
	(erf) = vpow2.f32 v10;
	v10 =	vpop (erf)  }
0xec: {  	(erf) = vpow2.f32 v6;
	v16 =	vperm.xlane v10, v63  }
0xed: {  	[tilespmem:s20+$0xFFFFFF80] =	vst v19;
	v25 =	vpop (erf);
	v3 =	vperm.xlane v10, v48;
	(erf) = vpow2.f32 v7  }
0xee: {  	v6 =	vld [tilespmem:s21+$0xFFFFFF00];
	v24 =	vpop (erf);
	v4 =	vperm.xlane v25, v63;
	v27 =	vperm.xlane v25, v48  }
0xef: {  	[tilespmem:s20+$0xFFFFFF90] =	vst v10;
	(erf) = vpow2.f32 v11;
	v28 =	vperm.xlane v24, v63  }
0xf0: {  	[tilespmem:s2+$0x1E0] =	vst v1;
	v7 =	vld [tilespmem:s21+$0xFFFFFF20];
	v20 =	vpop (erf);
	v29 =	vperm.xlane v24, v48;
	(erf) = vpow2.f32 v12  }
0xf1: {  	[tilespmem:s20+$0xFFFFFFA0] =	vst v25;
	v11 =	vpop (erf);
	v30 =	vperm.xlane v20, v63;
	v32 =	vperm.xlane v20, v48  }
0xf2: {  	[tilespmem:s2+$0x1F0] =	vst v26;
	v31 =	vld [tilespmem:s21+$0xFFFFFF40];
	v12 =	vpop (erf);
	v33 =	vperm.xlane v11, v63;
	v35 =	vperm.xlane v11, v48  }
0xf3: {  	[tilespmem:s20+$0xFFFFFFB0] =	vst v24;
	v62 =	vshll.u32 v6, $0x10;
	v21 =	vpop (erf);
	v36 =	vperm.xlane v12, v63;
	v39 =	vperm.xlane v12, v48  }
0xf4: {  	v37 =	vld [tilespmem:s21+$0xFFFFFF60];
	[tilespmem:s20+$0xFFFFFFC0] =	vst v20;
	v38 =	vand.u32 $0xFFFF0000, v6;
	v40 =	vperm.xlane v21, v63;
	v42 =	vperm.xlane v21, v48  }
0xf5: {  	[tilespmem:s20+$0xFFFFFFD0] =	vst v11;
	v23 =	vpop (erf);
	v41 =	vshll.u32 v7, $0x10;
	v34 =	vmul.f32 v62, v9;
	v2 =	vmul.f32 v38, v2  }
0xf6: {  	v26 =	vld [tilespmem:s21+$0xFFFFFF80];
	[tilespmem:s20+$0xFFFFFFE0] =	vst v12;
	v44 =	vand.u32 $0xFFFF0000, v7;
	v43 =	vperm.xlane v23, v63;
	v45 =	vperm.xlane v23, v48  }
0xf7: {  	[tilespmem:s20+$0xFFFFFFF0] =	vst v21;
	v13 =	vpop (erf);
	v47 =	vshll.u32 v31, $0x10;
	v16 =	vmul.f32 v41, v16;
	v3 =	vmul.f32 v44, v3  }
0xf8: {  	v50 =	vld [tilespmem:s21+$0xFFFFFFA0];
	v31 =	vand.u32 $0xFFFF0000, v31;
	[tilespmem:s20+$0x0] =	vst v23;
	v0 =	vperm.xlane v13, v63;
	v6 =	vperm.xlane v13, v48  }
0xf9: {  	v18 =	vpop (erf);
	v53 =	vshll.u32 v37, $0x10;
	[tilespmem:s20+$0x10] =	vst v13;
	v4 =	vmul.f32 v47, v4;
	v27 =	vmul.f32 v31, v27  }
0xfa: {  	v56 =	vld [tilespmem:s21+$0xFFFFFFC0];
	v37 =	vand.u32 $0xFFFF0000, v37;
	[tilespmem:s2+$0xFFFFFE00] =	vst v34;
	v49 =	vperm.xlane v18, v63;
	v51 =	vperm.xlane v18, v48  }
0xfb: {  	[tilespmem:s2+$0xFFFFFE10] =	vst v2;
	v8 =	vpop (erf);
	v59 =	vshll.u32 v26, $0x10;
	v28 =	vmul.f32 v53, v28;
	v29 =	vmul.f32 v37, v29  }
0xfc: {  	v61 =	vld [tilespmem:s21+$0xFFFFFFE0];
	[tilespmem:s20+$0x20] =	vst v18;
	v26 =	vand.u32 $0xFFFF0000, v26;
	v52 =	vperm.xlane v8, v63;
	v54 =	vperm.xlane v8, v48  }
0xfd: {  	[tilespmem:s2+$0xFFFFFE40] =	vst v16;
	v7 =	vpop (erf);
	v41 =	vshll.u32 v50, $0x10;
	v30 =	vmul.f32 v59, v30;
	v26 =	vmul.f32 v26, v32  }
0xfe: {  	v38 =	vld [tilespmem:s21+$0x0];
	[tilespmem:s2+$0xFFFFFE50] =	vst v3;
	v50 =	vand.u32 $0xFFFF0000, v50;
	v55 =	vperm.xlane v7, v63;
	v57 =	vperm.xlane v7, v48  }
0xff: {  	[tilespmem:s20+$0x30] =	vst v8;
	v17 =	vpop (erf);
	v53 =	vshll.u32 v56, $0x10;
	v33 =	vmul.f32 v41, v33;
	v35 =	vmul.f32 v50, v35  }
0x100: {  	v44 =	vld [tilespmem:s21+$0x20];
	[tilespmem:s2+$0xFFFFFE90] =	vst v27;
	v1 =	vand.u32 $0xFFFF0000, v56;
	v58 =	vperm.xlane v17, v63;
	v46 =	vperm.xlane v17, v48  }
0x101: {  	[tilespmem:s20+$0x40] =	vst v7;
	v9 =	vpop (erf);
	v34 =	vshll.u32 v61, $0x10;
	v36 =	vmul.f32 v53, v36;
	v39 =	vmul.f32 v1, v39  }
0x102: {  	[tilespmem:s20+$0x50] =	vst v17;
	v61 =	vand.u32 $0xFFFF0000, v61;
	v47 =	vperm.xlane v9, v63;
	v48 =	vperm.xlane v9, v48  }
0x103: {  	v31 =	vld [tilespmem:s21+$0x40];
	v41 =	vshll.u32 v38, $0x10;
	v34 =	vmul.f32 v34, v40;
	v27 =	vmul.f32 v61, v42;
	[tilespmem:s2+$0xFFFFFF40] =	vst v33  }
0x104: {  	v38 =	vand.u32 $0xFFFF0000, v38;
	[tilespmem:s2+$0xFFFFFF50] =	vst v35;
	v33 =	vperm.xlane v21, v5;
	v35 =	vperm.xlane v21, v60  }
0x105: {  	v37 =	vld [tilespmem:s21+$0x60];
	[tilespmem:s2+$0xFFFFFF00] =	vst v30;
	v50 =	vshll.u32 v44, $0x10;
	v41 =	vmul.f32 v41, v43;
	v38 =	vmul.f32 v38, v45  }
0x106: {  	v56 =	vld [tilespmem:s21+$0x80];
	v44 =	vand.u32 $0xFFFF0000, v44;
	[tilespmem:s2+$0xFFFFFF90] =	vst v39;
	v39 =	vperm.xlane v12, v60;
	v45 =	vmul.f32 v50, v0  }
0x107: {  	v53 =	vld [tilespmem:s21+$0xFFFFFF10];
	[tilespmem:s2+$0xFFFFFF10] =	vst v26;
	v1 =	vmul.f32 v44, v6;
	v50 =	vperm.xlane v10, v5  }
0x108: {  	v62 =	vld [tilespmem:s21+$0xA0];
	v16 =	vshll.u32 v31, $0x10;
	[tilespmem:s2+$0xFFFFFFD0] =	vst v27;
	v44 =	vperm.xlane v20, v60;
	v27 =	vperm.xlane v23, v5  }
0x109: {  	[tilespmem:s20+$0x60] =	vst v9;
	v40 =	vld [tilespmem:s21+$0xFFFFFF30];
	v31 =	vand.u32 $0xFFFF0000, v31;
	v23 =	vperm.xlane v23, v60;
	v0 =	vmul.f32 v16, v49  }
0x10a: {  	v30 =	vld [tilespmem:s21+$0xFFFFFF90];
	v3 =	vshll.u32 v37, $0x10;
	v6 =	vmul.f32 v31, v51;
	v49 =	vperm.xlane v24, v5;
	[tilespmem:s2+$0x0] =	vst v41  }
0x10b: {  	v2 =	vld [tilespmem:s21+$0xC0];
	v37 =	vand.u32 $0xFFFF0000, v37;
	[tilespmem:s2+$0x10] =	vst v38;
	v41 =	vperm.xlane v11, v5;
	v38 =	vperm.xlane v12, v5  }
0x10c: {  	[tilespmem:s2+$0xFFFFFE80] =	vst v4;
	v4 =	vshll.u32 v56, $0x10;
	v56 =	vand.u32 $0xFFFF0000, v56;
	v15 =	vshll.u32 v53, $0x10  }
0x10d: {  	v14 =	vand.u32 $0xFFFF0000, v53;
	v53 =	vperm.xlane v10, v60;
	v42 =	vshll.u32 v62, $0x10  }
0x10e: {  	[tilespmem:s2+$0xFFFFFEC0] =	vst v28;
	v43 =	vld [tilespmem:s21+$0xFFFFFF50];
	v32 =	vand.u32 $0xFFFF0000, v62;
	v62 =	vmul.f32 v37, v54;
	v22 =	vmul.f32 v4, v55  }
0x10f: {  	[tilespmem:s2+$0xFFFFFED0] =	vst v29;
	v16 =	vshll.u32 v40, $0x10;
	v59 =	vmul.f32 v56, v57;
	v56 =	vperm.xlane v19, v5  }
0x110: {  	v29 =	vld [tilespmem:s21+$0xFFFFFF70];
	[tilespmem:s2+$0xFFFFFFC0] =	vst v34;
	v34 =	vshll.u32 v30, $0x10;
	v54 =	vperm.xlane v25, v60;
	v28 =	vshll.u32 v2, $0x10  }
0x111: {  	v61 =	vand.u32 $0xFFFF0000, v2;
	v2 =	vmul.f32 v3, v52;
	v55 =	vmul.f32 v42, v58  }
0x112: {  	v31 =	vld [tilespmem:s21+$0xFFFFFFB0];
	v3 =	vand.u32 $0xFFFF0000, v40;
	v57 =	vmul.f32 v32, v46;
	v58 =	vperm.xlane v19, v60  }
0x113: {  	[tilespmem:s2+$0xFFFFFF80] =	vst v36;
	v10 =	vld [tilespmem:s21+$0xFFFFFFF0];
	v4 =	vshll.u32 v43, $0x10;
	v46 =	vperm.xlane v20, v5;
	v42 =	vperm.xlane v11, v60  }
0x114: {  	[tilespmem:s2+$0x40] =	vst v45;
	v26 =	vand.u32 $0xFFFF0000, v43;
	v19 =	vld [tilespmem:s21+$0xFFFFFFD0];
	v20 =	vperm.xlane v13, v5;
	v51 =	vmul.f32 v28, v47  }
0x115: {  	[tilespmem:s2+$0x50] =	vst v1;
	v32 =	vshll.u32 v29, $0x10;
	v52 =	vmul.f32 v61, v48;
	v47 =	vperm.xlane v24, v60;
	v24 =	vld [tilespmem:s21+$0x10]  }
0x116: {  	[tilespmem:s2+$0x80] =	vst v0;
	v1 =	vmovc v60;
	v28 =	vand.u32 $0xFFFF0000, v29;
	v48 =	vperm.xlane v25, v5;
	v29 =	vand.u32 $0xFFFF0000, v30  }
0x117: {  	[tilespmem:s2+$0x90] =	vst v6;
	v21 =	vperm.xlane v13, v1;
	v30 =	vshll.u32 v31, $0x10;
	v31 =	vand.u32 $0xFFFF0000, v31  }
0x118: {  	s26 =	sshll.u32 s0, $0xB;
	v11 =	vld [tilespmem:s21+$0x30];
	[tilespmem:s2+$0xD0] =	vst v62;
	v40 =	vshll.u32 v10, $0x10;
	v43 =	vand.u32 $0xFFFF0000, v10;
	v10 =	vperm.xlane v8, v5  }
0x119: {  	s22 =	sadd.s32 $0x8C00, s26;
	s26 =	sadd.s32 $0x100, s23;
	v60 =	vld [tilespmem:s21+$0x50];
	[tilespmem:s2+$0xC0] =	vst v2;
	v36 =	vshll.u32 v19, $0x10;
	v37 =	vand.u32 $0xFFFF0000, v19;
	v19 =	vperm.xlane v18, v5  }
0x11a: {  	s24 =	smov.u32 s21;
	s25 =	simm.s32 $0x0;
	s23 =	smov.u32 s2;
	v13 =	vmovc v5;
	[tilespmem:s2+$0x100] =	vst v22;
	v25 =	vld [tilespmem:s21+$0x70];
	v18 =	vperm.xlane v18, v1;
	v45 =	vshll.u32 v24, $0x10;
	v24 =	vand.u32 $0xFFFF0000, v24  }
.LBB2_3:
0x11b: {  	v1 =	vld [tilespmem:$0x1FFD0];
	_ =	sdelay $0x4  }
0x11c: {  	v12 =	vperm.xlane v8, v1;
	v1 =	vld [tilespmem:$0x1FFD0]  }
0x11d: {  	v2 =	vld [tilespmem:$0x1FFD0];
	_ =	sdelay $0x2  }
0x11e: {  	v61 =	vshll.u32 v11, $0x10  }
0x11f: {  	v6 =	vld [tilespmem:$0x1FFD0];
	v5 =	vand.u32 $0xFFFF0000, v11;
	v8 =	vperm.xlane v7, v13;
	v11 =	vperm.xlane v7, v1  }
0x120: {  	v7 =	vperm.xlane v17, v13;
	v13 =	vperm.xlane v17, v2;
	v2 =	vld [tilespmem:$0x1FFC0];
	_ =	sdelay $0x3  }
0x121: {  	v0 =	vld [tilespmem:s26+$0x70]  }
0x122: {  	v2 =	vperm.xlane v9, v2;
	v9 =	vperm.xlane v9, v6;
	v6 =	vld [tilespmem:$0x1FFE0]  }
0x123: {  	s19 =	sadd.s32 $0x100, s19  }
0x124: {  	[tilespmem:s2+$0x140] =	vst v55;
	v55 =	vld [tilespmem:s19+$0x70]  }
0x125: {  	[tilespmem:s2+$0x150] =	vst v57;
	v57 =	vld [tilespmem:s26+$0xFFFFFF90]  }
0x126: {  	v62 =	vld [tilespmem:s26+$0xFFFFFFA0]  }
0x127: {  	v56 =	vmul.f32 v15, v56;
	[tilespmem:s2+$0x190] =	vst v52;
	v52 =	vld [tilespmem:s26+$0xFFFFFFC0];
	v0 =	vperm.xlane v0, v6  }
0x128: {  	v26 =	vmul.f32 v26, v54;
	v54 =	vld [tilespmem:s26+$0x10];
	[tilespmem:s2+$0x110] =	vst v59;
	v17 =	vmul.f32 v3, v53  }
0x129: {  	v58 =	vmul.f32 v14, v58;
	v59 =	vld [tilespmem:s26+$0xFFFFFF80];
	[tilespmem:s2+$0xFFFFFE20] =	vst v56;
	v0 =	vadd.f32 v0, v55  }
0x12a: {  	v56 =	vld [tilespmem:s26+$0xFFFFFFD0];
	[tilespmem:s2+$0xFFFFFE70] =	vst v17;
	v17 =	vmul.f32 v32, v49  }
0x12b: {  	[tilespmem:s2+$0xFFFFFE30] =	vst v58;
	v58 =	vld [tilespmem:s26+$0xFFFFFFE0];
	v32 =	vperm.xlane v62, v6;
	v62 =	vmul.f32 $2.000000030e-01, v0  }
0x12c: {  	[tilespmem:s2+$0xFFFFFEB0] =	vst v26;
	v26 =	vmul.f32 v28, v47;
	v15 =	vshll.u32 v25, $0x10;
	v14 =	vand.u32 $0xFFFF0000, v25;
	v25 =	vld [tilespmem:s26+$0xFFFFFFB0]  }
0x12d: {  	[tilespmem:s2+$0x180] =	vst v51;
	v50 =	vmul.f32 v16, v50;
	v22 =	vmul.f32 v4, v48;
	v3 =	vld [tilespmem:$0x1FFF0];
	v0 =	vmax.f32 v0, v62  }
0x12e: {  	[tilespmem:s2+$0xFFFFFEF0] =	vst v26;
	v1 =	vshll.u32 v60, $0x10;
	v16 =	vperm.xlane v59, v6;
	v59 =	vld [tilespmem:s26+$0xFFFFFFF0];
	v0 =	vmul.f32 $1.442695020e+00, v0  }
0x12f: {  	v19 =	vmul.f32 v1, v19;
	v1 =	vld [tilespmem:$0x1FFC0];
	[tilespmem:s2+$0xFFFFFEE0] =	vst v17;
	v17 =	vmul.f32 v34, v46  }
0x130: {  	[tilespmem:s2+$0xFFFFFEA0] =	vst v22;
	v47 =	vld [tilespmem:s19+$0xFFFFFFB0];
	(erf) = vpow2.f32 v0  }
0x131: {  	[tilespmem:s2+$0xFFFFFF20] =	vst v17;
	v17 =	vmul.f32 v29, v44;
	v22 =	vperm.xlane v25, v6;
	v25 =	vld [tilespmem:s26+$0x0]  }
0x132: {  	v31 =	vmul.f32 v31, v42;
	[tilespmem:s2+$0xFFFFFE60] =	vst v50;
	v34 =	vperm.xlane v56, v6;
	v56 =	vld [tilespmem:s26+$0x30]  }
0x133: {  	[tilespmem:s2+$0xFFFFFF30] =	vst v17;
	v17 =	vmul.f32 v30, v41;
	v29 =	vperm.xlane v59, v6;
	v59 =	vld [tilespmem:s19+$0xFFFFFF90]  }
0x134: {  	[tilespmem:s2+$0xFFFFFF70] =	vst v31;
	v31 =	vmul.f32 v37, v39;
	v62 =	vld [tilespmem:s19+$0xFFFFFFA0]  }
0x135: {  	v48 =	vperm.xlane v57, v6;
	v57 =	vld [tilespmem:s26+$0x40];
	[tilespmem:s2+$0xFFFFFF60] =	vst v17;
	v17 =	vmul.f32 v36, v38  }
0x136: {  	[tilespmem:s2+$0xFFFFFFB0] =	vst v31;
	v31 =	vmul.f32 v43, v35;
	v55 =	vld [tilespmem:s26+$0x20]  }
0x137: {  	v26 =	vperm.xlane v58, v6;
	v58 =	vld [tilespmem:s26+$0x60];
	[tilespmem:s2+$0xFFFFFFA0] =	vst v17;
	v17 =	vmul.f32 v40, v33  }
0x138: {  	v23 =	vmul.f32 v24, v23;
	[tilespmem:s2+$0xFFFFFFF0] =	vst v31;
	v50 =	vld [tilespmem:s19+$0xFFFFFFD0]  }
0x139: {  	s20 =	sadd.s32 $0x100, s20;
	v51 =	vld [tilespmem:s19+$0xFFFFFFE0];
	[tilespmem:s2+$0xFFFFFFE0] =	vst v17;
	v17 =	vmul.f32 v45, v27;
	v27 =	vadd.f32 v48, v59;
	v24 =	vadd.f32 v32, v62;
	v32 =	vpop (erf)  }
0x13a: {  	s21 =	sadd.s32 $0x200, s21;
	v28 =	vperm.xlane v52, v6;
	v31 =	vld [tilespmem:s19+$0xFFFFFFF0];
	[tilespmem:s20+$0x70] =	vst v32  }
0x13b: {  	v22 =	vadd.f32 v22, v47;
	[tilespmem:s2+$0x20] =	vst v17;
	v46 =	vperm.xlane v55, v6;
	v52 =	vmul.f32 $2.000000030e-01, v27;
	v55 =	vld [tilespmem:s21+$0xE0]  }
0x13c: {  	v20 =	vmul.f32 v61, v20;
	v21 =	vmul.f32 v5, v21;
	v60 =	vand.u32 $0xFFFF0000, v60;
	v53 =	vld [tilespmem:s19+$0x0]  }
0x13d: {  	v18 =	vmul.f32 v60, v18;
	[tilespmem:s2+$0x30] =	vst v23;
	v48 =	vld [tilespmem:s19+$0xFFFFFF80];
	v23 =	vmax.f32 v27, v52;
	v27 =	vmul.f32 $2.000000030e-01, v22  }
0x13e: {  	v38 =	vperm.xlane v56, v6;
	v39 =	vperm.xlane v57, v6;
	v56 =	vld [tilespmem:s19+$0x10]  }
0x13f: {  	v40 =	vperm.xlane v58, v6;
	v57 =	vld [tilespmem:s19+$0x20];
	[tilespmem:s2+$0x70] =	vst v21;
	v21 =	vmax.f32 v22, v27;
	v58 =	vperm.xlane v32, v63  }
0x140: {  	[tilespmem:s2+$0x60] =	vst v20;
	v27 =	vadd.f32 v29, v31;
	v29 =	vld [tilespmem:s19+$0x30];
	v61 =	vperm.xlane v32, v3;
	v60 =	vshll.u32 v55, $0x10  }
0x141: {  	[tilespmem:s2+$0xA0] =	vst v19;
	v31 =	vld [tilespmem:s19+$0x40];
	v33 =	vand.u32 $0xFFFF0000, v55;
	v37 =	vmul.f32 v60, v58  }
0x142: {  	v30 =	vperm.xlane v54, v6;
	[tilespmem:s2+$0xB0] =	vst v18;
	s2 =	sadd.s32 $0x400, s2;
	v16 =	vadd.f32 v16, v48;
	v33 =	vmul.f32 v33, v61  }
0x143: {  	v34 =	vadd.f32 v34, v50;
	v26 =	vadd.f32 v26, v51;
	v0 =	vperm.xlane v25, v6;
	[tilespmem:s2+$0x1C0] =	vst v37  }
0x144: {  	v36 =	vadd.f32 v46, v57;
	v57 =	vmul.f32 $2.000000030e-01, v16;
	v17 =	vperm.xlane v32, v1;
	v1 =	vld [tilespmem:$0x1FFD0];
	[tilespmem:s2+$0x1D0] =	vst v33  }
0x145: {  	v19 =	vmul.f32 $2.000000030e-01, v26;
	v0 =	vadd.f32 v0, v53;
	v29 =	vadd.f32 v38, v29;
	v53 =	vld [tilespmem:s21+$0xF0]  }
0x146: {  	v18 =	vmul.f32 $2.000000030e-01, v27;
	v16 =	vmax.f32 v16, v57;
	v31 =	vadd.f32 v39, v31  }
0x147: {  	v19 =	vmax.f32 v26, v19;
	v16 =	vmul.f32 $1.442695020e+00, v16;
	v26 =	vmul.f32 $2.000000030e-01, v29  }
0x148: {  	v50 =	vld [tilespmem:s24+$0x90];
	v54 =	vmul.f32 $2.000000030e-01, v24;
	v18 =	vmax.f32 v27, v18;
	v27 =	vmul.f32 $2.000000030e-01, v31  }
0x149: {  	(erf) = vpow2.f32 v16;
	v26 =	vmax.f32 v29, v26;
	v29 =	vperm.xlane v32, v1  }
0x14a: {  	v27 =	vmax.f32 v31, v27;
	v31 =	vand.u32 $0xFFFF0000, v53  }
0x14b: {  	v20 =	vmax.f32 v24, v54;
	v54 =	vld [tilespmem:s24+$0xD0];
	v29 =	vmul.f32 v31, v29  }
0x14c: {  	v10 =	vmul.f32 v15, v10;
	v25 =	vld [tilespmem:s26+$0x50];
	v23 =	vmul.f32 $1.442695020e+00, v23  }
0x14d: {  	v49 =	vld [tilespmem:s19+$0xFFFFFFC0];
	[tilespmem:s2+$0x1F0] =	vst v29;
	v29 =	vand.u32 $0xFFFF0000, v50  }
0x14e: {  	v59 =	vld [tilespmem:s19+$0x50];
	[tilespmem:s23+$0xE0] =	vst v10;
	(erf) = vpow2.f32 v23;
	v10 =	vmul.f32 v29, v11  }
0x14f: {  	v62 =	vld [tilespmem:s19+$0x60]  }
0x150: {  	v52 =	vld [tilespmem:s24+$0xB0];
	v60 =	vshll.u32 v54, $0x10  }
0x151: {  	v25 =	vperm.xlane v25, v6;
	v6 =	vmul.f32 v60, v2  }
0x152: {  	v12 =	vmul.f32 v14, v12;
	v28 =	vadd.f32 v28, v49;
	v51 =	vmul.f32 $2.000000030e-01, v36;
	[tilespmem:s23+$0x130] =	vst v10;
	v10 =	vpop (erf)  }
0x153: {  	v19 =	vmul.f32 $1.442695020e+00, v19;
	[tilespmem:s23+$0x1A0] =	vst v6;
	v1 =	vperm.xlane v10, v3  }
0x154: {  	v49 =	vmul.f32 $2.000000030e-01, v0;
	v24 =	vmul.f32 $2.000000030e-01, v28;
	[tilespmem:s20+$0xFFFFFF80] =	vst v10  }
0x155: {  	v25 =	vadd.f32 v25, v59;
	v35 =	vadd.f32 v40, v62;
	v59 =	vshll.u32 v52, $0x10;
	v6 =	vld [tilespmem:s21+$0xFFFFFF00];
	[tilespmem:$0x1FEF0] =	vst v1  }
0x156: {  	v20 =	vmul.f32 $1.442695020e+00, v20;
	v7 =	vmul.f32 v59, v7;
	v40 =	vld [tilespmem:$0x1FEF0]  }
0x157: {  	v30 =	vadd.f32 v30, v56;
	v22 =	vmul.f32 $2.000000030e-01, v34;
	v56 =	vmul.f32 $2.000000030e-01, v35;
	v11 =	vpop (erf)  }
0x158: {  	[tilespmem:s23+$0x160] =	vst v7;
	(erf) = vpow2.f32 v20;
	v1 =	vperm.xlane v11, v63  }
0x159: {  	v0 =	vmax.f32 v0, v49;
	v24 =	vmax.f32 v28, v24;
	v28 =	vmul.f32 $2.000000030e-01, v30;
	[tilespmem:s20+$0xFFFFFF90] =	vst v11  }
0x15a: {  	v21 =	vmul.f32 $1.442695020e+00, v21;
	v58 =	vmax.f32 v35, v56;
	v7 =	vld [tilespmem:s21+$0xFFFFFF20];
	[tilespmem:$0x1FF00] =	vst v1;
	v35 =	vand.u32 $0xFFFF0000, v6  }
0x15b: {  	v0 =	vmul.f32 $1.442695020e+00, v0;
	v22 =	vmax.f32 v34, v22;
	v35 =	vmul.f32 v35, v40;
	v40 =	vld [tilespmem:$0x1FF00]  }
0x15c: {  	v24 =	vmul.f32 $1.442695020e+00, v24;
	v28 =	vmax.f32 v30, v28;
	v22 =	vmul.f32 $1.442695020e+00, v22  }
0x15d: {  	v30 =	vmax.f32 v36, v51;
	v28 =	vmul.f32 $1.442695020e+00, v28;
	v1 =	vperm.xlane v11, v3  }
0x15e: {  	v30 =	vmul.f32 $1.442695020e+00, v30;
	v18 =	vmul.f32 $1.442695020e+00, v18  }
0x15f: {  	v55 =	vmul.f32 $2.000000030e-01, v25;
	(erf) = vpow2.f32 v21;
	[tilespmem:$0x1FF10] =	vst v1;
	v39 =	vshll.u32 v7, $0x10  }
0x160: {  	(erf) = vpow2.f32 v24;
	v39 =	vmul.f32 v39, v40;
	v40 =	vld [tilespmem:$0x1FF10]  }
0x161: {  	[tilespmem:s23+$0xF0] =	vst v12;
	(erf) = vpow2.f32 v22;
	v48 =	vperm.xlane v10, v63;
	v12 =	vpop (erf)  }
0x162: {  	(erf) = vpow2.f32 v19;
	v1 =	vperm.xlane v12, v63;
	v36 =	vshll.u32 v6, $0x10  }
0x163: {  	v61 =	vand.u32 $0xFFFF0000, v54;
	(erf) = vpow2.f32 v18;
	[tilespmem:s20+$0xFFFFFFA0] =	vst v12;
	v36 =	vmul.f32 v36, v48  }
0x164: {  	(erf) = vpow2.f32 v0;
	v0 =	vmul.f32 v61, v9;
	v9 =	vld [tilespmem:s21+$0xFFFFFF40];
	v43 =	vand.u32 $0xFFFF0000, v7;
	[tilespmem:$0x1FF20] =	vst v1  }
0x165: {  	v26 =	vmul.f32 $1.442695020e+00, v26;
	v31 =	vshll.u32 v50, $0x10;
	[tilespmem:s2+$0xFFFFFE00] =	vst v36;
	v36 =	vmul.f32 v43, v40;
	v40 =	vld [tilespmem:$0x1FF20]  }
0x166: {  	v27 =	vmul.f32 $1.442695020e+00, v27;
	v25 =	vmax.f32 v25, v55;
	v8 =	vmul.f32 v31, v8  }
0x167: {  	v25 =	vmul.f32 $1.442695020e+00, v25;
	v62 =	vshll.u32 v53, $0x10;
	v1 =	vperm.xlane v12, v3  }
0x168: {  	v33 =	vand.u32 $0xFFFF0000, v52;
	v16 =	vmul.f32 v62, v17;
	[tilespmem:s23+$0x120] =	vst v8;
	(erf) = vpow2.f32 v28  }
0x169: {  	v8 =	vmul.f32 v33, v13;
	(erf) = vpow2.f32 v30;
	v47 =	vshll.u32 v9, $0x10;
	[tilespmem:$0x1FF30] =	vst v1  }
0x16a: {  	[tilespmem:s2+$0x1E0] =	vst v16;
	(erf) = vpow2.f32 v26;
	v43 =	vmul.f32 v47, v40;
	v47 =	vld [tilespmem:$0x1FF30]  }
0x16b: {  	v32 =	vmul.f32 $1.442695020e+00, v58;
	[tilespmem:s23+$0x170] =	vst v8;
	v13 =	vpop (erf);
	(erf) = vpow2.f32 v27  }
0x16c: {  	[tilespmem:s20+$0xFFFFFFB0] =	vst v13;
	v18 =	vpop (erf);
	(erf) = vpow2.f32 v25;
	v1 =	vperm.xlane v13, v63  }
0x16d: {  	[tilespmem:s20+$0xFFFFFFC0] =	vst v18;
	v19 =	vpop (erf);
	(erf) = vpow2.f32 v32  }
0x16e: {  	v27 =	vld [tilespmem:s21+$0xFFFFFF60];
	v20 =	vpop (erf);
	v51 =	vand.u32 $0xFFFF0000, v9;
	[tilespmem:$0x1FF40] =	vst v1  }
0x16f: {  	v21 =	vpop (erf);
	[tilespmem:s2+$0xFFFFFE10] =	vst v35;
	v35 =	vmul.f32 v51, v47;
	v51 =	vld [tilespmem:$0x1FF40]  }
0x170: {  	[tilespmem:s20+$0xFFFFFFD0] =	vst v19;
	v23 =	vpop (erf)  }
0x171: {  	v30 =	vld [tilespmem:s21+$0xFFFFFF80];
	[tilespmem:s20+$0xFFFFFFE0] =	vst v20;
	v24 =	vpop (erf);
	v1 =	vperm.xlane v13, v3  }
0x172: {  	v34 =	vld [tilespmem:s21+$0xFFFFFFA0];
	[tilespmem:s20+$0xFFFFFFF0] =	vst v21;
	v25 =	vpop (erf)  }
0x173: {  	v38 =	vld [tilespmem:s21+$0xFFFFFFC0];
	v55 =	vshll.u32 v27, $0x10;
	v8 =	vpop (erf);
	[tilespmem:$0x1FF50] =	vst v1  }
0x174: {  	[tilespmem:s20+$0x0] =	vst v23;
	v7 =	vpop (erf);
	v47 =	vmul.f32 v55, v51;
	v55 =	vld [tilespmem:$0x1FF50]  }
0x175: {  	v44 =	vperm.xlane v20, v3;
	v45 =	vperm.xlane v21, v63;
	v42 =	vld [tilespmem:s21+$0xFFFFFFE0];
	[tilespmem:s20+$0x10] =	vst v24;
	v17 =	vpop (erf)  }
0x176: {  	v22 =	vperm.xlane v21, v3;
	v46 =	vld [tilespmem:s21+$0x0];
	[tilespmem:s20+$0x20] =	vst v25;
	v9 =	vpop (erf);
	v1 =	vperm.xlane v18, v63  }
0x177: {  	v52 =	vperm.xlane v23, v3;
	v53 =	vperm.xlane v24, v63;
	v54 =	vld [tilespmem:s21+$0x40];
	[tilespmem:s20+$0x60] =	vst v9  }
0x178: {  	v56 =	vperm.xlane v24, v3;
	v27 =	vand.u32 $0xFFFF0000, v27;
	v5 =	vld [tilespmem:s21+$0xC0];
	[tilespmem:$0x1FF60] =	vst v1;
	v1 =	vperm.xlane v18, v3  }
0x179: {  	v57 =	vperm.xlane v25, v63;
	v62 =	vshll.u32 v30, $0x10;
	[tilespmem:s20+$0x50] =	vst v17;
	v27 =	vmul.f32 v27, v55;
	v55 =	vld [tilespmem:$0x1FF60]  }
0x17a: {  	v16 =	vand.u32 $0xFFFF0000, v34;
	v28 =	vperm.xlane v17, v3;
	v2 =	vld [tilespmem:s21+$0xA0];
	[tilespmem:$0x1FF70] =	vst v1;
	v1 =	vperm.xlane v19, v63  }
0x17b: {  	v6 =	vshll.u32 v42, $0x10;
	v31 =	vperm.xlane v9, v3;
	[tilespmem:s23+$0x1B0] =	vst v0;
	v0 =	vshll.u32 v34, $0x10  }
0x17c: {  	v34 =	vshll.u32 v38, $0x10;
	v38 =	vand.u32 $0xFFFF0000, v38;
	[tilespmem:$0x1FF80] =	vst v1;
	v1 =	vperm.xlane v19, v3  }
0x17d: {  	v50 =	vld [tilespmem:s21+$0x20];
	[tilespmem:s2+$0xFFFFFE40] =	vst v39;
	v4 =	vshll.u32 v54, $0x10;
	v48 =	vshll.u32 v5, $0x10;
	v5 =	vand.u32 $0xFFFF0000, v5  }
0x17e: {  	[tilespmem:$0x1FF90] =	vst v1;
	v1 =	vshll.u32 v46, $0x10;
	v46 =	vand.u32 $0xFFFF0000, v46;
	v39 =	vmul.f32 v62, v55;
	v62 =	vld [tilespmem:$0x1FF70]  }
0x17f: {  	v15 =	vshll.u32 v2, $0x10;
	[tilespmem:s2+$0xFFFFFED0] =	vst v27;
	v27 =	vmul.f32 v46, v52;
	v52 =	vmul.f32 v5, v31;
	v5 =	vld [tilespmem:$0x1FFD0]  }
0x180: {  	v2 =	vand.u32 $0xFFFF0000, v2;
	v40 =	vld [tilespmem:$0x1FF80];
	[tilespmem:s2+$0xFFFFFE90] =	vst v35;
	v35 =	vmul.f32 v38, v44;
	v38 =	vmul.f32 v6, v45  }
0x181: {  	v45 =	vmul.f32 v4, v57;
	v57 =	vmul.f32 v2, v28;
	v2 =	vld [tilespmem:$0x1FFC0]  }
0x182: {  	v59 =	vperm.xlane v25, v3;
	v30 =	vand.u32 $0xFFFF0000, v30;
	v33 =	vperm.xlane v8, v3;
	v51 =	vld [tilespmem:s21+$0xFFFFFF10]  }
0x183: {  	v26 =	vperm.xlane v7, v3;
	v3 =	vshll.u32 v50, $0x10;
	v30 =	vmul.f32 v30, v62;
	v62 =	vld [tilespmem:$0x1FF90]  }
0x184: {  	[tilespmem:s2+$0xFFFFFE80] =	vst v43;
	v43 =	vmul.f32 v3, v53;
	v53 =	vperm.xlane v11, v5;
	v5 =	vld [tilespmem:$0x1FFC0]  }
0x185: {  	v41 =	vperm.xlane v20, v63;
	v49 =	vperm.xlane v23, v63;
	v42 =	vand.u32 $0xFFFF0000, v42  }
0x186: {  	[tilespmem:s20+$0x30] =	vst v8;
	v29 =	vperm.xlane v9, v63;
	v42 =	vmul.f32 v42, v22;
	v50 =	vand.u32 $0xFFFF0000, v50  }
0x187: {  	v58 =	vld [tilespmem:s21+$0x60];
	v0 =	vmul.f32 v0, v40;
	[tilespmem:s2+$0xFFFFFF00] =	vst v39;
	v39 =	vmul.f32 v50, v56  }
0x188: {  	v22 =	vshll.u32 v51, $0x10;
	v56 =	vperm.xlane v10, v2;
	v2 =	vld [tilespmem:$0x1FFD0];
	v40 =	vmul.f32 v16, v62  }
0x189: {  	[tilespmem:s20+$0x40] =	vst v7;
	v62 =	vand.u32 $0xFFFF0000, v51;
	v51 =	vmul.f32 v48, v29;
	v48 =	vperm.xlane v12, v5;
	v5 =	vld [tilespmem:$0x1FFD0]  }
0x18a: {  	v60 =	vperm.xlane v8, v63;
	v61 =	vld [tilespmem:s21+$0x80];
	v34 =	vmul.f32 v34, v41  }
0x18b: {  	v37 =	vperm.xlane v7, v63;
	v32 =	vperm.xlane v17, v63;
	v41 =	vld [tilespmem:s21+$0xFFFFFF50];
	[tilespmem:s2+$0xFFFFFEC0] =	vst v47  }
0x18c: {  	v63 =	vshll.u32 v58, $0x10;
	v58 =	vand.u32 $0xFFFF0000, v58;
	[tilespmem:s2+$0xFFFFFF80] =	vst v34;
	v1 =	vmul.f32 v1, v49;
	v44 =	vld [tilespmem:s21+$0xFFFFFF70]  }
0x18d: {  	v54 =	vand.u32 $0xFFFF0000, v54;
	[tilespmem:s2+$0xFFFFFF40] =	vst v0;
	v0 =	vmul.f32 v58, v33;
	v58 =	vperm.xlane v10, v2;
	v2 =	vld [tilespmem:$0x1FFC0]  }
0x18e: {  	[tilespmem:s2+$0xFFFFFE50] =	vst v36;
	v6 =	vmul.f32 v54, v59;
	v54 =	vperm.xlane v12, v5;
	v12 =	vld [tilespmem:$0x1FFD0]  }
0x18f: {  	[tilespmem:s2+$0x0] =	vst v1;
	v5 =	vld [tilespmem:$0x1FFC0]  }
0x190: {  	[tilespmem:s2+$0x10] =	vst v27;
	v55 =	vld [tilespmem:s21+$0xFFFFFF30]  }
0x191: {  	v14 =	vshll.u32 v61, $0x10;
	v1 =	vld [tilespmem:s21+$0x10];
	[tilespmem:s2+$0xFFFFFF10] =	vst v30  }
0x192: {  	v61 =	vand.u32 $0xFFFF0000, v61;
	v63 =	vmul.f32 v63, v60;
	v14 =	vmul.f32 v14, v37;
	[tilespmem:s2+$0xFFFFFF90] =	vst v35;
	v30 =	vld [tilespmem:s21+$0xFFFFFF90]  }
0x193: {  	[tilespmem:s2+$0xFFFFFFD0] =	vst v42;
	v59 =	vmul.f32 v61, v26;
	v4 =	vshll.u32 v41, $0x10;
	v50 =	vperm.xlane v11, v2;
	v2 =	vld [tilespmem:s21+$0xFFFFFFD0]  }
0x194: {  	v26 =	vand.u32 $0xFFFF0000, v41;
	[tilespmem:s2+$0xFFFFFF50] =	vst v40;
	v49 =	vperm.xlane v13, v5;
	v47 =	vperm.xlane v13, v12;
	v13 =	vld [tilespmem:$0x1FFC0]  }
0x195: {  	[tilespmem:s2+$0xFFFFFFC0] =	vst v38;
	v3 =	vand.u32 $0xFFFF0000, v55;
	v16 =	vshll.u32 v55, $0x10;
	v55 =	vmul.f32 v15, v32;
	v15 =	vld [tilespmem:s21+$0xFFFFFFB0]  }
0x196: {  	[tilespmem:s2+$0x80] =	vst v45;
	v28 =	vand.u32 $0xFFFF0000, v44;
	v45 =	vshll.u32 v1, $0x10;
	v32 =	vshll.u32 v44, $0x10  }
0x197: {  	v34 =	vshll.u32 v30, $0x10;
	v29 =	vand.u32 $0xFFFF0000, v30;
	v5 =	vld [tilespmem:s21+$0xFFFFFFF0];
	v44 =	vperm.xlane v18, v12  }
0x198: {  	s25 =	sadd.s32 $0x10, s25;
	[tilespmem:s2+$0x50] =	vst v39;
	v36 =	vshll.u32 v2, $0x10;
	v42 =	vperm.xlane v19, v12;
	v39 =	vperm.xlane v20, v12  }
0x199: {  	p2 =	slt.u32 s25, $0x70;
	[tilespmem:s2+$0xC0] =	vst v63;
	v37 =	vand.u32 $0xFFFF0000, v2;
	v35 =	vperm.xlane v21, v12;
	v46 =	vperm.xlane v18, v13  }
.Ltmp0:
0x19a: {  	[tilespmem:s2+$0x100] =	vst v14;
	v30 =	vshll.u32 v15, $0x10;
	v41 =	vperm.xlane v19, v13;
	v38 =	vperm.xlane v20, v13;
	(pc) =	sbr.rel @p2 .LBB2_3-.Ltmp0, $4  }
0x19b: {  	v63 =	vld [tilespmem:$0x1FFB0];
	[tilespmem:s2+$0x90] =	vst v6;
	v31 =	vand.u32 $0xFFFF0000, v15;
	v33 =	vperm.xlane v21, v13;
	v27 =	vperm.xlane v23, v13  }
0x19c: {  	[tilespmem:s2+$0x40] =	vst v43;
	v60 =	vld [tilespmem:s21+$0x50];
	v40 =	vshll.u32 v5, $0x10;
	v23 =	vperm.xlane v23, v12;
	v20 =	vperm.xlane v24, v13  }
0x19d: {  	[tilespmem:s2+$0xD0] =	vst v0;
	v11 =	vld [tilespmem:s21+$0x30];
	v43 =	vand.u32 $0xFFFF0000, v5;
	v21 =	vperm.xlane v24, v12;
	v19 =	vperm.xlane v25, v13  }
0x19e: {  	s26 =	sadd.s32 $0x100, s26;
	s24 =	smov.u32 s21;
	s23 =	smov.u32 s2;
	v14 =	vmovc v62;
	v15 =	vmovc v22;
	v24 =	vand.u32 $0xFFFF0000, v1;
	v18 =	vperm.xlane v25, v12;
	v25 =	vld [tilespmem:s21+$0x70];
	v10 =	vperm.xlane v8, v13  }
0x19f: {  	[tilespmem:s2+$0x110] =	vst v59  }
0x1a0: {  	[tilespmem:s2+$0x140] =	vst v55  }
0x1a1: {  	[tilespmem:s2+$0x150] =	vst v57  }
0x1a2: {  	v0 =	vmul.f32 v15, v56;
	[tilespmem:s2+$0x180] =	vst v51  }
0x1a3: {  	v1 =	vmul.f32 v14, v58;
	[tilespmem:s2+$0x190] =	vst v52  }
0x1a4: {  	v2 =	vmul.f32 v26, v54;
	[tilespmem:s2+$0xFFFFFE20] =	vst v0  }
0x1a5: {  	v0 =	vmul.f32 v16, v50;
	[tilespmem:s2+$0xFFFFFE30] =	vst v1  }
0x1a6: {  	v1 =	vmul.f32 v3, v53;
	[tilespmem:s2+$0xFFFFFEB0] =	vst v2  }
0x1a7: {  	[tilespmem:s2+$0xFFFFFE60] =	vst v0;
	v0 =	vmul.f32 v4, v48  }
0x1a8: {  	[tilespmem:s2+$0xFFFFFE70] =	vst v1;
	v1 =	vmul.f32 v32, v49  }
0x1a9: {  	[tilespmem:s2+$0xFFFFFEA0] =	vst v0;
	v0 =	vmul.f32 v28, v47  }
0x1aa: {  	[tilespmem:s2+$0xFFFFFEE0] =	vst v1;
	v1 =	vmul.f32 v34, v46  }
0x1ab: {  	[tilespmem:s2+$0xFFFFFEF0] =	vst v0;
	v0 =	vmul.f32 v29, v44  }
0x1ac: {  	[tilespmem:s2+$0xFFFFFF20] =	vst v1;
	v1 =	vmul.f32 v30, v41  }
0x1ad: {  	[tilespmem:s2+$0xFFFFFF30] =	vst v0;
	v0 =	vmul.f32 v31, v42  }
0x1ae: {  	[tilespmem:s2+$0xFFFFFF60] =	vst v1;
	v1 =	vmul.f32 v36, v38  }
0x1af: {  	[tilespmem:s2+$0xFFFFFF70] =	vst v0;
	v0 =	vmul.f32 v37, v39  }
0x1b0: {  	[tilespmem:s2+$0xFFFFFFA0] =	vst v1;
	v1 =	vmul.f32 v40, v33  }
0x1b1: {  	[tilespmem:s2+$0xFFFFFFB0] =	vst v0;
	v0 =	vmul.f32 v43, v35  }
0x1b2: {  	v2 =	vshll.u32 v11, $0x10;
	[tilespmem:s2+$0xFFFFFFE0] =	vst v1;
	v1 =	vmul.f32 v45, v27  }
0x1b3: {  	v2 =	vmul.f32 v2, v20;
	[tilespmem:s2+$0xFFFFFFF0] =	vst v0  }
0x1b4: {  	v3 =	vand.u32 $0xFFFF0000, v11;
	v0 =	vmul.f32 v24, v23;
	[tilespmem:s2+$0x20] =	vst v1;
	v1 =	vld [tilespmem:s24+$0x90]  }
0x1b5: {  	v54 =	vshll.u32 v60, $0x10;
	v3 =	vmul.f32 v3, v21;
	[tilespmem:s2+$0x60] =	vst v2  }
0x1b6: {  	v4 =	vmul.f32 v54, v19;
	v2 =	vld [tilespmem:s24+$0xB0];
	[tilespmem:s2+$0x30] =	vst v0;
	v0 =	vand.u32 $0xFFFF0000, v60  }
0x1b7: {  	v5 =	vperm.xlane v8, v12;
	v6 =	vshll.u32 v25, $0x10;
	[tilespmem:s2+$0x70] =	vst v3;
	v0 =	vmul.f32 v0, v18  }
0x1b8: {  	v56 =	vld [tilespmem:s24+$0xD0];
	v55 =	vand.u32 $0xFFFF0000, v25;
	v6 =	vmul.f32 v6, v10;
	v3 =	vperm.xlane v7, v13;
	[tilespmem:s2+$0xA0] =	vst v4  }
0x1b9: {  	v57 =	vperm.xlane v7, v12;
	v5 =	vmul.f32 v55, v5;
	[tilespmem:s2+$0xB0] =	vst v0;
	v0 =	vshll.u32 v1, $0x10  }
0x1ba: {  	v58 =	vperm.xlane v17, v13;
	[tilespmem:s23+$0xE0] =	vst v6;
	v1 =	vand.u32 $0xFFFF0000, v1;
	v0 =	vmul.f32 v0, v3  }
0x1bb: {  	[tilespmem:s23+$0xF0] =	vst v5;
	v59 =	vshll.u32 v2, $0x10;
	v3 =	vperm.xlane v17, v12;
	v1 =	vmul.f32 v1, v57  }
0x1bc: {  	v2 =	vand.u32 $0xFFFF0000, v2;
	v60 =	vperm.xlane v9, v13;
	[tilespmem:s23+$0x120] =	vst v0;
	v0 =	vmul.f32 v59, v58  }
0x1bd: {  	v61 =	vperm.xlane v9, v12;
	v62 =	vshll.u32 v56, $0x10;
	[tilespmem:s23+$0x130] =	vst v1;
	v1 =	vmul.f32 v2, v3  }
0x1be: {  	s26 =	sshll.u32 s18, $0x7;
	s18 =	sadd.s32 $0x1, s18;
	v2 =	vand.u32 $0xFFFF0000, v56;
	[tilespmem:s23+$0x160] =	vst v0;
	v0 =	vmul.f32 v62, v60  }
0x1bf: {  	s19 =	sshll.u32 s0, $0xD;
	p2 =	sne.s32 s18, $0x9D;
	[tilespmem:s23+$0x170] =	vst v1;
	v1 =	vmul.f32 v2, v61  }
.Ltmp1:
0x1c0: {  	s20 =	sadd.s32 $0xD, s0;
	s2 =	sand.u32 $0x380, s26;
	[tilespmem:s23+$0x1A0] =	vst v0;
	(pc) =	sbr.rel @p2 .LBB2_2-.Ltmp1, $4  }
0x1c1: {  	s0 =	sadd.s32 @!p0 $0xF, s0;
	s19 =	sor.u32 $0x9C00, s19;
	s2 =	sor.u32 $0x400, s2;
	[tilespmem:s23+$0x1B0] =	vst v1  }
0x1c2: {  	[spmem:s3] =	stream.indirect.scatter.add.f32 [tilespmem:s19], [sflag:s20], $0x40, s2, s30, $0xb8;
	[tilespmem:$0x1A180] =	vst v63  }
0x1c3: {  	p1 =	por !p1, !p1;
	s31 =	sadd.s32 $0x1, s31;
	s19 =	simm.s32 @!p0 $0x80;
	v48 =	vld [tilespmem:$0x1FFF0]  }
0x1c4: {  	v1 =	vld [tilespmem:$0x1FFE0];
	[spmem:s4] =	stream.indirect.scatter.add.f32 @!p0 [tilespmem:s22], [sflag:s0], $0x10, s2, s19, $0xb8  }
0x1c5: {  	_ =	swait.ge [sflag:s16], $0x2000  }
0x1c6: {  	[sflag:s16] =	ssyncset.done $0x0  }
0x1c7: {  	s0 =	simm.s32 @p0 $0xD;
	[sflag:s16] =	ssyncadd.s32 $0xFFFFE000  }
0x1c8: {  	_ =	swait.ge @p0 [sflag:s0], $0x2000  }
0x1c9: {  	[sflag:s0] =	ssyncset.done @p0 $0x0  }
0x1ca: {  	[sflag:s0] =	ssyncadd.s32 @p0 $0xFFFFE000;
	s0 =	simm.s32 @!p0 $0x10  }
0x1cb: {  	_ =	swait.ge @!p0 [sflag:s0], $0x800  }
0x1cc: {  	[sflag:s0] =	ssyncset.done @!p0 $0x0  }
0x1cd: {  	[sflag:s0] =	ssyncadd.s32 @!p0 $0xFFFFF800;
	s0 =	simm.s32 @!p0 $0xD  }
0x1ce: {  	_ =	swait.ge @!p0 [sflag:s0], $0x2000  }
0x1cf: {  	[sflag:s0] =	ssyncset.done @!p0 $0x0  }
0x1d0: {  	[sflag:s0] =	ssyncadd.s32 @!p0 $0xFFFFE000;
	s0 =	simm.s32 @!p0 $0xF  }
0x1d1: {  	_ =	swait.ge @!p0 [sflag:s0], $0x800  }
0x1d2: {  	[sflag:s0] =	ssyncset.done @!p0 $0x0  }
0x1d3: {  	[sflag:s0] =	ssyncadd.s32 @!p0 $0xFFFFF800  }
0x1d4: {  	[bflag:$0x0] =	sbarrier.arrive $0xFFFF  }
0x1d5: {  	s26 =	rddreg [dreg:$0x10]  }
0x1d6: {  	[hbm:s26], [sflag:s14] =	dma.local [spmem:s17], $0x13C0  }
0x1d7: {  	_ =	swait.ge [sflag:s28], $0x13C0  }
0x1d8: {  	[sflag:s28] =	ssyncset.done $0x0  }
0x1d9: {  	s0 =	sshrl.u32 @!p0 s15, $0x3;
	s2 =	rddreg [dreg:$0x11];
	[sflag:s28] =	ssyncadd.s32 $0xFFFFEC40  }
0x1da: {  	[hbm:s2], [sflag:s14] =	dma.local @!p0 [spmem:s0], $0x4F0  }
0x1db: {  	s0 =	simm.s32 @!p0 $0x11  }
0x1dc: {  	_ =	swait.ge @!p0 [sflag:s0], $0x4F0  }
0x1dd: {  	s29 =	sadd.s32 $0x1, s29;
	s31 =	rddreg [dreg:$0x12]  }
0x1de: {  	p1 =	sne.s32 s29, s31  }
.Ltmp2:
0x1df: {  	_ = 	snop;
	(pc) =	sbr.rel @p1 .LBB2_1-.Ltmp2, $3  }
0x1e0: {  	_ =	sdelay $0x1  }
0x1e1: {  	[sflag:s0] =	ssyncset.done @!p0 $0x0  }
0x1e2: {  	[sflag:s0] =	ssyncadd.s32 @!p0 $0xFFFFFB10  }
0x1e3: {  	_ =	sfence.sel $0x180000  }
0x1e4: {  	[bflag:$0x0] =	sbarrier.arrive $0xFFFF  }
0x1e5: {  	_ =	strace $0x90000047  }
0x1e6: {  	s0 =	stileid.u32;
	[bflag:$0x2] =	sbarrier.arrive $0xFFFF  }
0x1e7: {  	p0 =	sne.s32 s0, $0x0;
	s0 =	rddreg [dreg:$0x4]  }
0x1e8: {  	s0 =	sadd.s32 @!p0 $0x100000, s0  }
0x1e9: {  	[sflag:s0] =	ssyncadd.tile.s32 @!p0 $0x1;
	_ =	shalt  }
.Lfunc_end2:
_tile_overlayer_lowered:
.L_overlay_start_2:
0x1ea: {  	(tag) =	ssettag $0x2  }
0x1eb: {  	s0 =	rddreg [dreg:$0x0];
	s2 =	stileid.u32  }
0x1ec: {  	s1 =	rddreg [dreg:$0x1];
	p0 =	sne.s32 s2, $0x0  }
0x1ed: {  	s3 =	rddreg [dreg:$0x2];
	[bflag:$0x3] =	sbarrier.arrive $0xFFFF;
	s2 =	simm.s32 @!p0 $0x1C11  }
0x1ee: {  	[timem:s3], [sflag:s2] =	dma.local @!p0 [hbm:s0], s1  }
0x1ef: {  	s0 =	simm.s32 @!p0 $0x11  }
0x1f0: {  	_ =	swait.ge @!p0 [sflag:s0], s1  }
0x1f1: {  	s1 =	ssub.s32 @!p0 $0x0, s1;
	[sflag:s0] =	ssyncset.done @!p0 $0x0  }
0x1f2: {  	[sflag:s0] =	ssyncadd.s32 @!p0 s1  }
0x1f3: {  	[bflag:$0x3] =	sbarrier.arrive $0xFFFF  }
0x1f4: {  	_ =	shalt  }

</sc_bundles>
